<compile_context>
chip_gen: v7x
topology: tpu7x:2x2x1
jax: 0.10.2.dev20260603
libtpu: 0.0.44.dev20260713+nightly
codegen_flags: <defaults>
</compile_context>

<pallas_src>
import functools

import jax
import jax.numpy as jnp
from jax import lax
from jax.experimental import pallas as pl
from jax.experimental.pallas import tpu as pltpu
from jax.experimental.pallas import tpu_sc as plsc


def _silu(v):
    return v * jax.nn.sigmoid(v)


def _ln(v, w, b):
    m = v.mean(-1, keepdims=True)
    var = ((v - m) ** 2).mean(-1, keepdims=True)
    return (v - m) * jax.lax.rsqrt(var + 1e-5) * w + b


def _inproj_body(x_ref, w_ref, lnw_ref, lnb_ref, o_ref):
    xn = _ln(x_ref[...], lnw_ref[...], lnb_ref[...])
    o_ref[...] = jnp.dot(xn, w_ref[...], preferred_element_type=jnp.float32)


def _conv_body(xin_ref, convw_ref, convb_ref, xpw_ref, dtw_ref, dtb_ref,
               xs_ref, dt_ref, bp_ref, cp_ref, carry_ref):
    nb = pl.program_id(0)

    @pl.when(nb == 0)
    def _():
        carry_ref[...] = jnp.zeros_like(carry_ref)

    xin = xin_ref[...]
    ln = xin.shape[0]
    dc = convw_ref.shape[0]
    ext = jnp.concatenate([carry_ref[...], xin], axis=0)
    acc = jnp.broadcast_to(convb_ref[...], xin.shape)
    for k in range(dc):
        acc = acc + convw_ref[k, :][None, :] * ext[8 + k - (dc - 1): 8 + k - (dc - 1) + ln, :]
    xs = _silu(acc)
    xs_ref[...] = xs
    carry_ref[...] = xin[ln - 8: ln, :]
    xp = jnp.dot(xs, xpw_ref[...], preferred_element_type=jnp.float32)
    r = dtw_ref.shape[0]
    s = bp_ref.shape[1]
    bp_ref[...] = xp[:, r: r + s]
    cp_ref[...] = xp[:, r + s: r + 2 * s]
    dt_ref[...] = jax.nn.softplus(
        jnp.dot(xp[:, :r], dtw_ref[...], preferred_element_type=jnp.float32)
        + dtb_ref[...])


def _scan_body(xs_ref, dt_ref, bp_ref, cp_ref, alogt_ref, dp_ref, y_ref,
               h_ref, da_ref, dbx_ref):
    g = pl.program_id(0)

    @pl.when(g == 0)
    def _():
        h_ref[...] = jnp.zeros_like(h_ref)

    a_neg = -jnp.exp(alogt_ref[...])
    dp = dp_ref[...]
    lc = xs_ref.shape[0]
    u = 64
    outer_dn = (((0,), (0,)), ((), ()))
    contr_dn = (((1,), (0,)), ((), ()))

    def body(k, h):
        j0 = pl.multiple_of(k * u, u)
        dt_c = dt_ref[pl.ds(j0, u), :]
        xs_c = xs_ref[pl.ds(j0, u), :]
        bp_c = bp_ref[pl.ds(j0, u), :]
        cp_c = cp_ref[pl.ds(j0, u), :]
        dtx_c = dt_c * xs_c
        for j in range(u):
            da_ref[j] = jnp.exp(dt_c[j:j + 1, :] * a_neg)
            dbx_ref[j] = jax.lax.dot_general(
                bp_c[j:j + 1, :], dtx_c[j:j + 1, :], outer_dn,
                preferred_element_type=jnp.float32)
        rows = []
        for j in range(u):
            h = da_ref[j] * h + dbx_ref[j]
            rows.append(jax.lax.dot_general(cp_c[j:j + 1, :], h, contr_dn,
                                            preferred_element_type=jnp.float32))
        y_ref[pl.ds(j0, u), :] = jnp.concatenate(rows, axis=0) + dp * xs_c
        return h

    h_ref[...] = jax.lax.fori_loop(0, lc // u, body, h_ref[...])


def _post_body(ys_ref, z_ref, opw_ref, x_ref, ln2w_ref, ln2b_ref, rw_ref,
               h_ref, hn_ref, comb_ref, ints_ref, w12_ref):
    y = ys_ref[...] * _silu(z_ref[...])
    h = x_ref[...] + jnp.dot(y, opw_ref[...], preferred_element_type=jnp.float32)
    h_ref[...] = h
    hn = _ln(h, ln2w_ref[...], ln2b_ref[...])
    hn_ref[...] = hn
    logits = jnp.dot(hn, rw_ref[...], preferred_element_type=jnp.float32)
    p = jax.nn.softmax(logits, axis=-1)
    col = jax.lax.broadcasted_iota(jnp.int32, p.shape, 1)
    i1 = jnp.argmax(p, axis=-1, keepdims=True)
    m1 = jnp.max(p, axis=-1, keepdims=True)
    pm = jnp.where(col == i1, -jnp.inf, p)
    i2 = jnp.argmax(pm, axis=-1, keepdims=True)
    m2 = jnp.max(pm, axis=-1, keepdims=True)
    tot = m1 + m2
    comb_ref[...] = jnp.where(col == i1, m1 / tot,
                              jnp.where(col == i2, m2 / tot, 0.0))
    ints_ref[...] = jnp.concatenate([i1, i2], axis=1).astype(jnp.int32)
    w12_ref[...] = jnp.concatenate([m1 / tot, m2 / tot], axis=1)


_RBLK = 128


def _route_body(comb_ref, ints_ref, dest_ref, w_ref, beq_ref):
    n, e = comb_ref.shape
    nbk = n // _RBLK
    f32 = jnp.float32
    m = (comb_ref[...] != 0.0).astype(f32)
    ri = lax.broadcasted_iota(jnp.int32, (_RBLK, _RBLK), 0)
    ci = lax.broadcasted_iota(jnp.int32, (_RBLK, _RBLK), 1)
    sl = (ci < ri).astype(f32)
    ones_row = jnp.ones((1, _RBLK), f32)
    l16 = (lax.broadcasted_iota(jnp.int32, (nbk, nbk), 1)
           <= lax.broadcasted_iota(jnp.int32, (nbk, nbk), 0)).astype(f32)
    su8 = (lax.broadcasted_iota(jnp.int32, (e, e), 0)
           < lax.broadcasted_iota(jnp.int32, (e, e), 1)).astype(f32)
    dnum = (((1,), (0,)), ((), ()))
    ranks = []
    cnts = []
    for b in range(nbk):
        mb = m[b * _RBLK:(b + 1) * _RBLK, :]
        ranks.append(lax.dot_general(sl, mb, dnum, preferred_element_type=f32))
        cnts.append(lax.dot_general(ones_row, mb, dnum, preferred_element_type=f32))
    pbc = jnp.concatenate(cnts, axis=0)
    p_incl = lax.dot_general(l16, pbc, dnum, preferred_element_type=f32)
    tot = p_incl[nbk - 1:nbk, :]
    ti = tot.astype(jnp.int32)
    ptf = (((ti + (_RBLK - 1)) >> 7) << 7).astype(f32)
    pbase = lax.dot_general(ptf, su8, dnum, preferred_element_type=f32)
    bot = pbase + p_incl - pbc
    col8 = lax.broadcasted_iota(jnp.int32, (_RBLK, e), 1)
    for b in range(nbk):
        dest_b = ranks[b] + bot[b:b + 1, :]
        cb = comb_ref[b * _RBLK:(b + 1) * _RBLK, :]
        i1 = ints_ref[b * _RBLK:(b + 1) * _RBLK, 0:1]
        i2 = ints_ref[b * _RBLK:(b + 1) * _RBLK, 1:2]
        lo = b * _RBLK
        hi = (b + 1) * _RBLK
        for idx, (dlo, dhi) in ((i1, (lo, hi)), (i2, (n + lo, n + hi))):
            sel = col8 == idx
            dest_ref[dlo:dhi, :] = jnp.sum(
                jnp.where(sel, dest_b, 0.0), axis=1, keepdims=True).astype(jnp.int32)
            w_ref[dlo:dhi, :] = jnp.sum(
                jnp.where(sel, cb, 0.0), axis=1, keepdims=True)
    qlo = lax.broadcasted_iota(jnp.int32, beq_ref.shape, 0).astype(f32) * _RBLK
    ecol = lax.broadcasted_iota(jnp.int32, beq_ref.shape, 1).astype(f32)
    inseg = (qlo >= pbase) & (qlo < pbase + ptf)
    be_col = jnp.sum(jnp.where(inseg, ecol, 0.0), axis=1, keepdims=True)
    beq_ref[...] = jnp.broadcast_to(be_col, beq_ref.shape).astype(jnp.int32)


def _gmm_body(be_ref, xr_ref, wg_ref, wu_ref, wd_ref, o_ref):
    xb = xr_ref[...].astype(jnp.bfloat16)
    dn = (((1,), (1,)), ((), ()))
    wg = wg_ref[0].astype(jnp.bfloat16)
    wu = wu_ref[0].astype(jnp.bfloat16)
    wd = wd_ref[0].astype(jnp.bfloat16)
    g = lax.dot_general(xb, wg, dn, preferred_element_type=jnp.float32)
    u = lax.dot_general(xb, wu, dn, preferred_element_type=jnp.float32)
    act = (_silu(g) * u).astype(jnp.bfloat16)
    o_ref[...] = lax.dot_general(act, wd, dn, preferred_element_type=jnp.float32)


def _combine_body(eo_ref, h_ref, d1_ref, d2_ref, w1_ref, w2_ref, o_ref):
    p = eo_ref.shape[0]
    bn = h_ref.shape[0]
    piota = lax.broadcasted_iota(jnp.int32, (bn, p), 1)
    sel = (jnp.where(piota == d1_ref[...], w1_ref[...], 0.0)
           + jnp.where(piota == d2_ref[...], w2_ref[...], 0.0))
    o_ref[...] = h_ref[...] + jnp.dot(sel, eo_ref[...],
                                      preferred_element_type=jnp.float32)


def kernel(x, ln1_w, ln1_b, ln2_w, ln2_b, in_proj_w, conv_w, conv_b, x_proj_w,
           dt_proj_w, dt_proj_b, A_log, Dp, out_proj_w, router_w, w_gate, w_up, w_down):
    b, t, d = x.shape
    di = conv_w.shape[0]
    r = dt_proj_w.shape[1]
    s = A_log.shape[1]
    e = router_w.shape[0]
    h_dim = w_gate.shape[1]
    n = b * t
    f32 = jnp.float32
    xf = x.reshape(n, d)

    ln = 256
    cb = 768
    n_nb = n // ln

    xz = pl.pallas_call(
        _inproj_body,
        grid=(n_nb, (2 * di) // cb),
        in_specs=[
            pl.BlockSpec((ln, d), lambda i, j: (i, 0)),
            pl.BlockSpec((d, cb), lambda i, j: (0, j)),
            pl.BlockSpec((1, d), lambda i, j: (0, 0)),
            pl.BlockSpec((1, d), lambda i, j: (0, 0)),
        ],
        out_specs=pl.BlockSpec((ln, cb), lambda i, j: (i, j)),
        out_shape=jax.ShapeDtypeStruct((n, 2 * di), f32),
    )(xf, in_proj_w.T, ln1_w.reshape(1, d), ln1_b.reshape(1, d))

    xs, dt, bp, cp = pl.pallas_call(
        _conv_body,
        grid=(n_nb,),
        in_specs=[
            pl.BlockSpec((ln, di), lambda i: (i, 0)),
            pl.BlockSpec((conv_w.shape[1], di), lambda i: (0, 0)),
            pl.BlockSpec((1, di), lambda i: (0, 0)),
            pl.BlockSpec((di, r + 2 * s), lambda i: (0, 0)),
            pl.BlockSpec((r, di), lambda i: (0, 0)),
            pl.BlockSpec((1, di), lambda i: (0, 0)),
        ],
        out_specs=[
            pl.BlockSpec((ln, di), lambda i: (i, 0)),
            pl.BlockSpec((ln, di), lambda i: (i, 0)),
            pl.BlockSpec((ln, s), lambda i: (i, 0)),
            pl.BlockSpec((ln, s), lambda i: (i, 0)),
        ],
        out_shape=[
            jax.ShapeDtypeStruct((n, di), f32),
            jax.ShapeDtypeStruct((n, di), f32),
            jax.ShapeDtypeStruct((n, s), f32),
            jax.ShapeDtypeStruct((n, s), f32),
        ],
        scratch_shapes=[pltpu.VMEM((8, di), f32)],
    )(xz, conv_w.T, conv_b.reshape(1, di), x_proj_w.T, dt_proj_w.T,
      dt_proj_b.reshape(1, di))

    lc = 256
    ys = pl.pallas_call(
        _scan_body,
        grid=(n // lc,),
        in_specs=[
            pl.BlockSpec((lc, di), lambda i: (i, 0)),
            pl.BlockSpec((lc, di), lambda i: (i, 0)),
            pl.BlockSpec((lc, s), lambda i: (i, 0)),
            pl.BlockSpec((lc, s), lambda i: (i, 0)),
            pl.BlockSpec((s, di), lambda i: (0, 0)),
            pl.BlockSpec((1, di), lambda i: (0, 0)),
        ],
        out_specs=pl.BlockSpec((lc, di), lambda i: (i, 0)),
        out_shape=jax.ShapeDtypeStruct((n, di), f32),
        scratch_shapes=[pltpu.VMEM((s, di), f32),
                        pltpu.VMEM((64, s, di), f32),
                        pltpu.VMEM((64, s, di), f32)],
    )(xs, dt, bp, cp, A_log.T, Dp.reshape(1, di))

    h, hn, comb, ints12, w12 = pl.pallas_call(
        _post_body,
        grid=(n_nb,),
        in_specs=[
            pl.BlockSpec((ln, di), lambda i: (i, 0)),
            pl.BlockSpec((ln, di), lambda i: (i, 1)),
            pl.BlockSpec((di, d), lambda i: (0, 0)),
            pl.BlockSpec((ln, d), lambda i: (i, 0)),
            pl.BlockSpec((1, d), lambda i: (0, 0)),
            pl.BlockSpec((1, d), lambda i: (0, 0)),
            pl.BlockSpec((d, e), lambda i: (0, 0)),
        ],
        out_specs=[
            pl.BlockSpec((ln, d), lambda i: (i, 0)),
            pl.BlockSpec((ln, d), lambda i: (i, 0)),
            pl.BlockSpec((ln, e), lambda i: (i, 0)),
            pl.BlockSpec((ln, 2), lambda i: (i, 0)),
            pl.BlockSpec((ln, 2), lambda i: (i, 0)),
        ],
        out_shape=[
            jax.ShapeDtypeStruct((n, d), f32),
            jax.ShapeDtypeStruct((n, d), f32),
            jax.ShapeDtypeStruct((n, e), f32),
            jax.ShapeDtypeStruct((n, 2), jnp.int32),
            jax.ShapeDtypeStruct((n, 2), f32),
        ],
    )(ys, xz, out_proj_w.T, xf, ln2_w.reshape(1, d), ln2_b.reshape(1, d),
      router_w.T)

    p_max = 2 * n + e * _RBLK
    nq = p_max // _RBLK
    destf, wf, beq = pl.pallas_call(
        _route_body,
        grid=(1,),
        in_specs=[
            pl.BlockSpec((n, e), lambda i: (0, 0)),
            pl.BlockSpec((n, 2), lambda i: (0, 0)),
        ],
        out_specs=[
            pl.BlockSpec((2 * n, 1), lambda i: (0, 0)),
            pl.BlockSpec((2 * n, 1), lambda i: (0, 0)),
            pl.BlockSpec((_RBLK, e), lambda i: (0, 0)),
        ],
        out_shape=[
            jax.ShapeDtypeStruct((2 * n, 1), jnp.int32),
            jax.ShapeDtypeStruct((2 * n, 1), f32),
            jax.ShapeDtypeStruct((_RBLK, e), jnp.int32),
        ],
    )(comb, ints12)
    be = beq[:nq, 0]
    dflat = destf.reshape(2 * n)

    nw = 32
    mesh = plsc.VectorSubcoreMesh(core_axis_name="c", subcore_axis_name="s")
    a_per_w = (2 * n) // nw

    @functools.partial(
        pl.kernel, mesh=mesh,
        out_type=jax.ShapeDtypeStruct((p_max, d), f32),
        scratch_types=[
            pltpu.VMEM((a_per_w,), jnp.int32),
            pltpu.VMEM((a_per_w, d), f32),
            pltpu.SemaphoreType.DMA,
        ],
    )
    def _sc_disperse(dflat_hbm, hn_hbm, out_hbm, idx_v, rows_v, sem):
        wid = lax.axis_index("s") * 2 + lax.axis_index("c")
        pltpu.sync_copy(dflat_hbm.at[pl.ds(wid * a_per_w, a_per_w)], idx_v)
        tok0 = (wid % 16) * a_per_w
        pltpu.sync_copy(hn_hbm.at[pl.ds(tok0, a_per_w)], rows_v)
        pltpu.async_copy(rows_v, out_hbm.at[idx_v], sem).wait()

    xs_sorted = _sc_disperse(dflat, hn)

    eo_sorted = pl.pallas_call(
        _gmm_body,
        grid_spec=pltpu.PrefetchScalarGridSpec(
            num_scalar_prefetch=1,
            grid=(nq,),
            in_specs=[
                pl.BlockSpec((_RBLK, d), lambda q, be_r: (q, 0)),
                pl.BlockSpec((1, h_dim, d), lambda q, be_r: (be_r[q], 0, 0)),
                pl.BlockSpec((1, h_dim, d), lambda q, be_r: (be_r[q], 0, 0)),
                pl.BlockSpec((1, d, h_dim), lambda q, be_r: (be_r[q], 0, 0)),
            ],
            out_specs=pl.BlockSpec((_RBLK, d), lambda q, be_r: (q, 0)),
        ),
        out_shape=jax.ShapeDtypeStruct((p_max, d), f32),
    )(be, xs_sorted, w_gate, w_up, w_down)

    nb16 = n // _RBLK
    out = pl.pallas_call(
        _combine_body,
        grid=(nb16,),
        in_specs=[
            pl.BlockSpec((p_max, d), lambda i: (0, 0)),
            pl.BlockSpec((_RBLK, d), lambda i: (i, 0)),
            pl.BlockSpec((_RBLK, 1), lambda i: (i, 0)),
            pl.BlockSpec((_RBLK, 1), lambda i, _o=nb16: (i + _o, 0)),
            pl.BlockSpec((_RBLK, 1), lambda i: (i, 0)),
            pl.BlockSpec((_RBLK, 1), lambda i, _o=nb16: (i + _o, 0)),
        ],
        out_specs=pl.BlockSpec((_RBLK, d), lambda i: (i, 0)),
        out_shape=jax.ShapeDtypeStruct((n, d), f32),
    )(eo_sorted, h, destf, destf, wf, wf)

    return out.reshape(b, t, d)

# --- scband reference (transcript-rebuilt; emitter-appended) ---
"""Pipeline reference for scband-jamba-block-15461882265905 (READ-ONLY COPY).

The authoritative reference and input builder live on the scoring server;
editing this copy changes nothing except your own understanding.
"""

import math
import jax, jax.numpy as jnp
import numpy as np

DIM = 768
D_STATE = 16
D_CONV = 4
EXPAND = 2
D_INNER = DIM * EXPAND
DT_RANK = math.ceil(DIM / 16)
E = 8
TOP_K = 2
HID = DIM * 2
B = 1
T = 2048


def setup_inputs(seed: int = 0) -> dict:
    key = jax.random.key(seed)
    ks = [jax.random.fold_in(key, i) for i in range(20)]
    x = jax.random.normal(ks[0], (B, T, DIM), jnp.float32)
    ln1_w = jnp.ones((DIM,), jnp.float32)
    ln1_b = jnp.zeros((DIM,), jnp.float32)
    ln2_w = jnp.ones((DIM,), jnp.float32)
    ln2_b = jnp.zeros((DIM,), jnp.float32)
    in_proj_w = jax.random.normal(ks[1], (2 * D_INNER, DIM), jnp.float32) * 0.02
    conv_w = jax.random.normal(ks[2], (D_INNER, D_CONV), jnp.float32) * 0.1
    conv_b = jnp.zeros((D_INNER,), jnp.float32)
    x_proj_w = jax.random.normal(ks[3], (DT_RANK + 2 * D_STATE, D_INNER), jnp.float32) * 0.02
    dt_proj_w = jax.random.normal(ks[4], (D_INNER, DT_RANK), jnp.float32) * 0.02
    dt_init = jnp.exp(jax.random.uniform(ks[5], (D_INNER,)) * (math.log(0.1) - math.log(0.001)) + math.log(0.001))
    dt_proj_b = dt_init + jnp.log(-jnp.expm1(-dt_init))
    A_log = jnp.log(jnp.arange(1, D_STATE + 1, dtype=jnp.float32))[None, :] * jnp.ones((D_INNER, 1), jnp.float32)
    Dp = jnp.ones((D_INNER,), jnp.float32)
    out_proj_w = jax.random.normal(ks[6], (DIM, D_INNER), jnp.float32) * 0.02
    router_w = jax.random.normal(ks[7], (E, DIM), jnp.float32) * 0.02
    w_gate = jax.random.normal(ks[8], (E, HID, DIM), jnp.float32) * 0.02
    w_up = jax.random.normal(ks[9], (E, HID, DIM), jnp.float32) * 0.02
    w_down = jax.random.normal(ks[10], (E, DIM, HID), jnp.float32) * 0.02
    return {"x": x, "ln1_w": ln1_w, "ln1_b": ln1_b, "ln2_w": ln2_w, "ln2_b": ln2_b,
            "in_proj_w": in_proj_w, "conv_w": conv_w, "conv_b": conv_b,
            "x_proj_w": x_proj_w, "dt_proj_w": dt_proj_w, "dt_proj_b": dt_proj_b,
            "A_log": A_log, "Dp": Dp, "out_proj_w": out_proj_w,
            "router_w": router_w, "w_gate": w_gate, "w_up": w_up, "w_down": w_down}


def _silu(v):
    return v * jax.nn.sigmoid(v)


def _layernorm(v, w, b):
    m = v.mean(-1, keepdims=True)
    var = ((v - m) ** 2).mean(-1, keepdims=True)
    return (v - m) / jnp.sqrt(var + 1e-5) * w + b


def _mamba(x, in_proj_w, conv_w, conv_b, x_proj_w, dt_proj_w, dt_proj_b, A_log, Dp, out_proj_w):
    Bsz, Tlen, _ = x.shape
    xz = x @ in_proj_w.T
    x_in, z = xz[..., :D_INNER], xz[..., D_INNER:]
    xc = jnp.transpose(x_in, (0, 2, 1))
    pad = jnp.zeros((Bsz, D_INNER, D_CONV - 1), x.dtype)
    xcat = jnp.concatenate([pad, xc], axis=2)
    conv_out = conv_b[None, :, None]
    for k in range(D_CONV):
        conv_out = conv_out + conv_w[:, k][None, :, None] * xcat[:, :, k:k + Tlen]
    xs = _silu(jnp.transpose(conv_out, (0, 2, 1)))
    xp = xs @ x_proj_w.T
    dt_raw = xp[..., :DT_RANK]
    Bp = xp[..., DT_RANK:DT_RANK + D_STATE]
    Cp = xp[..., DT_RANK + D_STATE:]
    dt = jax.nn.softplus(dt_raw @ dt_proj_w.T + dt_proj_b)
    A = -jnp.exp(A_log)

    def step(h, inp):
        dt_t, B_t, C_t, x_t = inp
        dA = jnp.exp(dt_t[..., None] * A[None])
        dB = dt_t[..., None] * B_t[:, None, :]
        h = dA * h + dB * x_t[..., None]
        y = (h * C_t[:, None, :]).sum(-1) + Dp * x_t
        return h, y

    h0 = jnp.zeros((Bsz, D_INNER, D_STATE), x.dtype)
    seq = (jnp.transpose(dt, (1, 0, 2)), jnp.transpose(Bp, (1, 0, 2)),
           jnp.transpose(Cp, (1, 0, 2)), jnp.transpose(xs, (1, 0, 2)))
    _, ys = jax.lax.scan(step, h0, seq)
    y = jnp.transpose(ys, (1, 0, 2))
    y = y * _silu(z)
    return y @ out_proj_w.T


def _moe(x, router_w, w_gate, w_up, w_down):
    Bsz, Tlen, D = x.shape
    xf = x.reshape(-1, D)
    logits = xf @ router_w.T
    probs = jax.nn.softmax(logits, axis=-1)
    tw, ti = jax.lax.top_k(probs, TOP_K)
    tw = tw / tw.sum(-1, keepdims=True)
    N = xf.shape[0]
    combine = jnp.zeros((N, E), xf.dtype).at[jnp.arange(N)[:, None], ti].add(tw)
    gate = jnp.einsum('nd,ehd->neh', xf, w_gate)
    up = jnp.einsum('nd,ehd->neh', xf, w_up)
    act = _silu(gate) * up
    eo = jnp.einsum('neh,edh->ned', act, w_down)
    out = (combine[:, :, None] * eo).sum(1)
    return out.reshape(Bsz, Tlen, D)


def reference(x, ln1_w, ln1_b, ln2_w, ln2_b, in_proj_w, conv_w, conv_b, x_proj_w,
              dt_proj_w, dt_proj_b, A_log, Dp, out_proj_w, router_w, w_gate, w_up, w_down):
    h = x + _mamba(_layernorm(x, ln1_w, ln1_b), in_proj_w, conv_w, conv_b, x_proj_w,
                   dt_proj_w, dt_proj_b, A_log, Dp, out_proj_w)
    out = h + _moe(_layernorm(h, ln2_w, ln2_b), router_w, w_gate, w_up, w_down)
    return out

if __name__ == "__main__":
    import jax
    _d = setup_inputs()
    print(jax.jit(kernel)(*tuple(_d.values())))

</pallas_src>

<mosaic_0001>
#map = affine_map<(d0, d1) -> (0)>
#map1 = affine_map<(d0, d1) -> (0, 0)>
module attributes {stable_mosaic.version = 14 : i64} {
  func.func @_sc_disperse(%arg0: i32, %arg1: i32, %arg2: memref<4096xi32, #tpu.memory_space<hbm>>, %arg3: memref<2048x768xf32, #tpu.memory_space<hbm>>, %arg4: memref<5120x768xf32, #tpu.memory_space<hbm>>, %arg5: memref<128xi32, #tpu.memory_space<vmem>>, %arg6: memref<128x768xf32, #tpu.memory_space<vmem>>, %arg7: memref<!tpu.dma_semaphore, #tpu.memory_space<semaphore_mem>>) attributes {dimension_semantics = [#tpu.dimension_semantics<core_parallel>, #tpu.dimension_semantics<subcore_parallel>], iteration_bounds = array<i64: 2, 16>, scalar_prefetch = 0 : i64, scratch_operands = 3 : i64, tpu.core_type = #tpu.core_type<sc_vector_subcore>, window_params = [{transform_indices = #map}, {transform_indices = #map1}, {transform_indices = #map1}]} {
    %mul3A = arith.constant 2 : i32
    %mul3A_0 = arith.muli %arg1, %mul3A : i32
    %add3A = arith.addi %mul3A_0, %arg0 : i32
    %mul3A_1 = arith.constant 128 : i32
    %mul3A_2 = arith.muli %add3A, %mul3A_1 : i32
    "tpu.region"() ({
      %run_scoped3A = tpu.sem_alloc : memref<!tpu.dma_semaphore, #tpu.memory_space<semaphore_mem>>
      %dma_start3A_18 = tpu.memref_slice %arg2[%mul3A_2] : memref<4096xi32, #tpu.memory_space<hbm>> -> memref<128xi32, #tpu.memory_space<hbm>>
      %dma_start3A_19 = tpu.memref_slice %arg2[%mul3A_2] : memref<4096xi32, #tpu.memory_space<hbm>> -> memref<128xi32, #tpu.memory_space<hbm>>
      tpu.enqueue_dma source(%dma_start3A_19 : memref<128xi32, #tpu.memory_space<hbm>>) target(%arg5 : memref<128xi32, #tpu.memory_space<vmem>>) target_semaphore(%run_scoped3A : memref<!tpu.dma_semaphore, #tpu.memory_space<semaphore_mem>>)
      %dma_wait3A_20 = tpu.memref_slice %arg2[%mul3A_2] : memref<4096xi32, #tpu.memory_space<hbm>> -> memref<128xi32, #tpu.memory_space<hbm>>
      %dma_wait3A_21 = tpu.memref_slice %arg2[%mul3A_2] : memref<4096xi32, #tpu.memory_space<hbm>> -> memref<128xi32, #tpu.memory_space<hbm>>
      tpu.wait_dma2 semaphore(%run_scoped3A : memref<!tpu.dma_semaphore, #tpu.memory_space<semaphore_mem>>) src(%dma_wait3A_21 : memref<128xi32, #tpu.memory_space<hbm>>) dst(%arg5 : memref<128xi32, #tpu.memory_space<vmem>>)
      tpu.yield
    }) : () -> ()
    %jit3A = arith.constant 16 : i32
    %eq3A = arith.constant 0 : i32
    %eq3A_3 = arith.cmpi eq, %jit3A, %eq3A : i32
    %jit3A_4 = arith.constant 1 : i32
    %select_n3A = arith.select %eq3A_3, %jit3A_4, %jit3A : i32
    %rem3A = arith.remsi %add3A, %select_n3A : i32
    %ne3A = arith.constant 0 : i32
    %ne3A_5 = arith.cmpi ne, %rem3A, %ne3A : i32
    %lt3A = arith.constant 0 : i32
    %lt3A_6 = arith.cmpi slt, %rem3A, %lt3A : i32
    %lt3A_7 = arith.constant 0 : i32
    %lt3A_8 = arith.cmpi slt, %select_n3A, %lt3A_7 : i32
    %ne3A_9 = arith.xori %lt3A_6, %lt3A_8 : i1
    %and3A = arith.andi %ne3A_9, %ne3A_5 : i1
    %add3A_10 = arith.addi %rem3A, %select_n3A : i32
    %select_n3A_11 = arith.select %and3A, %add3A_10, %rem3A : i32
    %mul3A_12 = arith.constant 128 : i32
    %mul3A_13 = arith.muli %select_n3A_11, %mul3A_12 : i32
    "tpu.region"() ({
      %run_scoped3A = tpu.sem_alloc : memref<!tpu.dma_semaphore, #tpu.memory_space<semaphore_mem>>
      %dma_start3A_18 = arith.constant 0 : i32
      %dma_start3A_19 = tpu.memref_slice %arg3[%mul3A_13, %dma_start3A_18] : memref<2048x768xf32, #tpu.memory_space<hbm>> -> memref<128x768xf32, #tpu.memory_space<hbm>>
      %dma_start3A_20 = arith.constant 0 : i32
      %dma_start3A_21 = tpu.memref_slice %arg3[%mul3A_13, %dma_start3A_20] : memref<2048x768xf32, #tpu.memory_space<hbm>> -> memref<128x768xf32, #tpu.memory_space<hbm>>
      tpu.enqueue_dma source(%dma_start3A_21 : memref<128x768xf32, #tpu.memory_space<hbm>>) target(%arg6 : memref<128x768xf32, #tpu.memory_space<vmem>>) target_semaphore(%run_scoped3A : memref<!tpu.dma_semaphore, #tpu.memory_space<semaphore_mem>>)
      %dma_wait3A_22 = arith.constant 0 : i32
      %dma_wait3A_23 = tpu.memref_slice %arg3[%mul3A_13, %dma_wait3A_22] : memref<2048x768xf32, #tpu.memory_space<hbm>> -> memref<128x768xf32, #tpu.memory_space<hbm>>
      %dma_wait3A_24 = arith.constant 0 : i32
      %dma_wait3A_25 = tpu.memref_slice %arg3[%mul3A_13, %dma_wait3A_24] : memref<2048x768xf32, #tpu.memory_space<hbm>> -> memref<128x768xf32, #tpu.memory_space<hbm>>
      tpu.wait_dma2 semaphore(%run_scoped3A : memref<!tpu.dma_semaphore, #tpu.memory_space<semaphore_mem>>) src(%dma_wait3A_25 : memref<128x768xf32, #tpu.memory_space<hbm>>) dst(%arg6 : memref<128x768xf32, #tpu.memory_space<vmem>>)
      tpu.yield
    }) : () -> ()
    %dma_start3A = arith.constant 0 : i32
    %dma_start3A_14 = arith.constant 0 : i32
    %dma_start3A_15 = tpu.memref_slice %arg4[%dma_start3A, %dma_start3A_14] : memref<5120x768xf32, #tpu.memory_space<hbm>> -> memref<5120x768xf32, #tpu.memory_space<hbm>>
    tpu.enqueue_indirect_dma source(%arg6 : memref<128x768xf32, #tpu.memory_space<vmem>>) target(%dma_start3A_15 : memref<5120x768xf32, #tpu.memory_space<hbm>>) offsets(%arg5 : memref<128xi32, #tpu.memory_space<vmem>>) semaphore(%arg7 : memref<!tpu.dma_semaphore, #tpu.memory_space<semaphore_mem>>)
    %dma_wait3A = arith.constant 0 : i32
    %dma_wait3A_16 = arith.constant 0 : i32
    %dma_wait3A_17 = tpu.memref_slice %arg4[%dma_wait3A, %dma_wait3A_16] : memref<5120x768xf32, #tpu.memory_space<hbm>> -> memref<5120x768xf32, #tpu.memory_space<hbm>>
    tpu.wait_indirect_dma semaphore(%arg7 : memref<!tpu.dma_semaphore, #tpu.memory_space<semaphore_mem>>) src(%arg6 : memref<128x768xf32, #tpu.memory_space<vmem>>) dst(%dma_wait3A_17 : memref<5120x768xf32, #tpu.memory_space<hbm>>)
    return
  }
}

module attributes {stable_mosaic.version = 14 : i64} {
  func.func @_inproj_body(%arg0: i32, %arg1: i32, %arg2: memref<256x768xf32, #tpu.memory_space<vmem>>, %arg3: memref<768x768xf32, #tpu.memory_space<vmem>>, %arg4: memref<1x768xf32, #tpu.memory_space<vmem>>, %arg5: memref<1x768xf32, #tpu.memory_space<vmem>>, %arg6: memref<256x768xf32, #tpu.memory_space<vmem>>) attributes {dimension_semantics = [#tpu.dimension_semantics<arbitrary>, #tpu.dimension_semantics<arbitrary>], iteration_bounds = array<i64: 8, 4>, scalar_prefetch = 0 : i64, scratch_operands = 0 : i64, tpu.core_type = #tpu.core_type<tc>, window_params = [{transform_indices = @transform_0, window_bounds = array<i64: 256, 768>}, {transform_indices = @transform_1, window_bounds = array<i64: 768, 768>}, {pipeline_mode = #tpu.pipeline_mode<synchronous>, transform_indices = @transform_2, window_bounds = array<i64: 1, 768>}, {pipeline_mode = #tpu.pipeline_mode<synchronous>, transform_indices = @transform_3, window_bounds = array<i64: 1, 768>}, {transform_indices = @transform_4, window_bounds = array<i64: 256, 768>}]} {
    %get3A = arith.constant 0 : index
    %get3A_0 = arith.constant 0 : index
    %get3A_1 = vector.load %arg2[%get3A, %get3A_0] : memref<256x768xf32, #tpu.memory_space<vmem>>, vector<256x768xf32>
    %get3A_2 = arith.constant 0 : index
    %get3A_3 = arith.constant 0 : index
    %get3A_4 = vector.load %arg4[%get3A_2, %get3A_3] : memref<1x768xf32, #tpu.memory_space<vmem>>, vector<1x768xf32>
    %get3A_5 = arith.constant 0 : index
    %get3A_6 = arith.constant 0 : index
    %get3A_7 = vector.load %arg5[%get3A_5, %get3A_6] : memref<1x768xf32, #tpu.memory_space<vmem>>, vector<1x768xf32>
    %reduce_sum3A = arith.constant dense<0.000000e+00> : vector<256xf32>
    %reduce_sum3A_8 = vector.multi_reduction <add>, %get3A_1, %reduce_sum3A [1] : vector<256x768xf32> to vector<256xf32>
    %broadcast_in_dim3A = vector.shape_cast %reduce_sum3A_8 : vector<256xf32> to vector<256x1xf32>
    %div3A = arith.constant 7.680000e+02 : f32
    %div3A_9 = vector.broadcast %div3A : f32 to vector<256x1xf32>
    %div3A_10 = arith.divf %broadcast_in_dim3A, %div3A_9 : vector<256x1xf32>
    %sub3A = vector.broadcast %div3A_10 : vector<256x1xf32> to vector<256x768xf32>
    %sub3A_11 = arith.subf %get3A_1, %sub3A : vector<256x768xf32>
    %integer_pow3A = arith.mulf %sub3A_11, %sub3A_11 : vector<256x768xf32>
    %reduce_sum3A_12 = arith.constant dense<0.000000e+00> : vector<256xf32>
    %reduce_sum3A_13 = vector.multi_reduction <add>, %integer_pow3A, %reduce_sum3A_12 [1] : vector<256x768xf32> to vector<256xf32>
    %broadcast_in_dim3A_14 = vector.shape_cast %reduce_sum3A_13 : vector<256xf32> to vector<256x1xf32>
    %div3A_15 = arith.constant 7.680000e+02 : f32
    %div3A_16 = vector.broadcast %div3A_15 : f32 to vector<256x1xf32>
    %div3A_17 = arith.divf %broadcast_in_dim3A_14, %div3A_16 : vector<256x1xf32>
    %sub3A_18 = vector.broadcast %div3A_10 : vector<256x1xf32> to vector<256x768xf32>
    %sub3A_19 = arith.subf %get3A_1, %sub3A_18 : vector<256x768xf32>
    %add3A = arith.constant 9.99999974E-6 : f32
    %add3A_20 = vector.broadcast %add3A : f32 to vector<256x1xf32>
    %add3A_21 = arith.addf %div3A_17, %add3A_20 : vector<256x1xf32>
    %rsqrt3A = math.rsqrt %add3A_21 : vector<256x1xf32>
    %mul3A = vector.broadcast %rsqrt3A : vector<256x1xf32> to vector<256x768xf32>
    %mul3A_22 = arith.mulf %sub3A_19, %mul3A : vector<256x768xf32>
    %mul3A_23 = vector.broadcast %get3A_4 : vector<1x768xf32> to vector<256x768xf32>
    %mul3A_24 = arith.mulf %mul3A_22, %mul3A_23 : vector<256x768xf32>
    %add3A_25 = vector.broadcast %get3A_7 : vector<1x768xf32> to vector<256x768xf32>
    %add3A_26 = arith.addf %mul3A_24, %add3A_25 : vector<256x768xf32>
    %get3A_27 = arith.constant 0 : index
    %get3A_28 = arith.constant 0 : index
    %get3A_29 = vector.load %arg3[%get3A_27, %get3A_28] : memref<768x768xf32, #tpu.memory_space<vmem>>, vector<768x768xf32>
    %dot_general3A = arith.constant dense<0.000000e+00> : vector<256x768xf32>
    %dot_general3A_30 = tpu.matmul %add3A_26, %get3A_29, %dot_general3A {dimension_numbers = #tpu.dot_dimension_numbers<[1], [0], [0], [1], [0, 0, 1, 1], [], []>, transpose_lhs_hint = false} : vector<256x768xf32>, vector<768x768xf32>, vector<256x768xf32> -> vector<256x768xf32>
    %swap3A = arith.constant 0 : index
    %swap3A_31 = arith.constant 0 : index
    %swap3A_32 = vector.load %arg6[%swap3A, %swap3A_31] : memref<256x768xf32, #tpu.memory_space<vmem>>, vector<256x768xf32>
    tpu.vector_store %arg6[%swap3A, %swap3A_31], %dot_general3A_30 {strides = array<i32>} : memref<256x768xf32, #tpu.memory_space<vmem>>, vector<256x768xf32>,
    return
  }
  func.func @transform_0(%arg0: i32, %arg1: i32) -> (i32, i32) {
    %c0_i32 = arith.constant 0 : i32
    %c0_i32_0 = arith.constant 0 : i32
    return %arg0, %c0_i32 : i32, i32
  }
  func.func @transform_1(%arg0: i32, %arg1: i32) -> (i32, i32) {
    %c0_i32 = arith.constant 0 : i32
    %c0_i32_0 = arith.constant 0 : i32
    return %c0_i32, %arg1 : i32, i32
  }
  func.func @transform_2(%arg0: i32, %arg1: i32) -> (i32, i32) {
    %c0_i32 = arith.constant 0 : i32
    %c0_i32_0 = arith.constant 0 : i32
    %c0_i32_1 = arith.constant 0 : i32
    return %c0_i32, %c0_i32_0 : i32, i32
  }
  func.func @transform_3(%arg0: i32, %arg1: i32) -> (i32, i32) {
    %c0_i32 = arith.constant 0 : i32
    %c0_i32_0 = arith.constant 0 : i32
    %c0_i32_1 = arith.constant 0 : i32
    return %c0_i32, %c0_i32_0 : i32, i32
  }
  func.func @transform_4(%arg0: i32, %arg1: i32) -> (i32, i32) {
    %c0_i32 = arith.constant 0 : i32
    return %arg0, %arg1 : i32, i32
  }
}

module attributes {stable_mosaic.version = 14 : i64} {
  func.func @_conv_body(%arg0: i32, %arg1: memref<256x1536xf32, #tpu.memory_space<vmem>>, %arg2: memref<4x1536xf32, #tpu.memory_space<vmem>>, %arg3: memref<1x1536xf32, #tpu.memory_space<vmem>>, %arg4: memref<1536x80xf32, #tpu.memory_space<vmem>>, %arg5: memref<48x1536xf32, #tpu.memory_space<vmem>>, %arg6: memref<1x1536xf32, #tpu.memory_space<vmem>>, %arg7: memref<256x1536xf32, #tpu.memory_space<vmem>>, %arg8: memref<256x1536xf32, #tpu.memory_space<vmem>>, %arg9: memref<256x16xf32, #tpu.memory_space<vmem>>, %arg10: memref<256x16xf32, #tpu.memory_space<vmem>>, %arg11: memref<8x1536xf32, #tpu.memory_space<vmem>>) attributes {dimension_semantics = [#tpu.dimension_semantics<arbitrary>], iteration_bounds = array<i64: 8>, scalar_prefetch = 0 : i64, scratch_operands = 1 : i64, tpu.core_type = #tpu.core_type<tc>, window_params = [{transform_indices = @transform_0, window_bounds = array<i64: 256, 1536>}, {pipeline_mode = #tpu.pipeline_mode<synchronous>, transform_indices = @transform_1, window_bounds = array<i64: 4, 1536>}, {pipeline_mode = #tpu.pipeline_mode<synchronous>, transform_indices = @transform_2, window_bounds = array<i64: 1, 1536>}, {pipeline_mode = #tpu.pipeline_mode<synchronous>, transform_indices = @transform_3, window_bounds = array<i64: 1536, 80>}, {pipeline_mode = #tpu.pipeline_mode<synchronous>, transform_indices = @transform_4, window_bounds = array<i64: 48, 1536>}, {pipeline_mode = #tpu.pipeline_mode<synchronous>, transform_indices = @transform_5, window_bounds = array<i64: 1, 1536>}, {transform_indices = @transform_6, window_bounds = array<i64: 256, 1536>}, {transform_indices = @transform_7, window_bounds = array<i64: 256, 1536>}, {transform_indices = @transform_8, window_bounds = array<i64: 256, 16>}, {transform_indices = @transform_9, window_bounds = array<i64: 256, 16>}]} {
    %eq3A = arith.constant 0 : i32
    %eq3A_0 = arith.cmpi eq, %arg0, %eq3A : i32
    %convert_element_type3A = arith.extui %eq3A_0 : i1 to i32
    %cond3A = arith.constant 0 : i32
    %cond3A_1 = arith.cmpi ne, %convert_element_type3A, %cond3A : i32
    scf.if %cond3A_1 {
      %broadcast_in_dim3A_89 = arith.constant 0.000000e+00 : f32
      %broadcast_in_dim3A_90 = vector.broadcast %broadcast_in_dim3A_89 : f32 to vector<8x1536xf32>
      %swap3A_91 = arith.constant 0 : index
      %swap3A_92 = arith.constant 0 : index
      %swap3A_93 = vector.load %arg11[%swap3A_91, %swap3A_92] : memref<8x1536xf32, #tpu.memory_space<vmem>>, vector<8x1536xf32>
      tpu.vector_store %arg11[%swap3A_91, %swap3A_92], %broadcast_in_dim3A_90 {strides = array<i32>} : memref<8x1536xf32, #tpu.memory_space<vmem>>, vector<8x1536xf32>,
    } else {
    }
    %get3A = arith.constant 0 : index
    %get3A_2 = arith.constant 0 : index
    %get3A_3 = vector.load %arg1[%get3A, %get3A_2] : memref<256x1536xf32, #tpu.memory_space<vmem>>, vector<256x1536xf32>
    %get3A_4 = arith.constant 0 : index
    %get3A_5 = arith.constant 0 : index
    %get3A_6 = vector.load %arg11[%get3A_4, %get3A_5] : memref<8x1536xf32, #tpu.memory_space<vmem>>, vector<8x1536xf32>
    %concatenate3A = tpu.concatenate %get3A_6, %get3A_3 in 0 : vector<8x1536xf32>, vector<256x1536xf32> -> vector<264x1536xf32>
    %get3A_7 = arith.constant 0 : index
    %get3A_8 = arith.constant 0 : index
    %get3A_9 = vector.load %arg3[%get3A_7, %get3A_8] : memref<1x1536xf32, #tpu.memory_space<vmem>>, vector<1x1536xf32>
    %broadcast_in_dim3A = vector.shape_cast %get3A_9 : vector<1x1536xf32> to vector<1x1536xf32>
    %broadcast_in_dim3A_10 = vector.broadcast %broadcast_in_dim3A : vector<1x1536xf32> to vector<256x1536xf32>
    %get3A_11 = arith.constant 0 : index
    %get3A_12 = arith.constant 0 : index
    %get3A_13 = vector.load %arg2[%get3A_11, %get3A_12] : memref<4x1536xf32, #tpu.memory_space<vmem>>, vector<1x1536xf32>
    %get3A_14 = vector.shape_cast %get3A_13 : vector<1x1536xf32> to vector<1536xf32>
    %broadcast_in_dim3A_15 = vector.shape_cast %get3A_14 : vector<1536xf32> to vector<1x1536xf32>
    %slice3A = vector.extract_strided_slice %concatenate3A {offsets = [5, 0], sizes = [256, 1536], strides = [1, 1]} : vector<264x1536xf32> to vector<256x1536xf32>
    %mul3A = vector.broadcast %broadcast_in_dim3A_15 : vector<1x1536xf32> to vector<256x1536xf32>
    %mul3A_16 = arith.mulf %mul3A, %slice3A : vector<256x1536xf32>
    %add3A = arith.addf %broadcast_in_dim3A_10, %mul3A_16 : vector<256x1536xf32>
    %get3A_17 = arith.constant 1 : index
    %get3A_18 = arith.constant 0 : index
    %get3A_19 = vector.load %arg2[%get3A_17, %get3A_18] : memref<4x1536xf32, #tpu.memory_space<vmem>>, vector<1x1536xf32>
    %get3A_20 = vector.shape_cast %get3A_19 : vector<1x1536xf32> to vector<1536xf32>
    %broadcast_in_dim3A_21 = vector.shape_cast %get3A_20 : vector<1536xf32> to vector<1x1536xf32>
    %slice3A_22 = vector.extract_strided_slice %concatenate3A {offsets = [6, 0], sizes = [256, 1536], strides = [1, 1]} : vector<264x1536xf32> to vector<256x1536xf32>
    %mul3A_23 = vector.broadcast %broadcast_in_dim3A_21 : vector<1x1536xf32> to vector<256x1536xf32>
    %mul3A_24 = arith.mulf %mul3A_23, %slice3A_22 : vector<256x1536xf32>
    %add3A_25 = arith.addf %add3A, %mul3A_24 : vector<256x1536xf32>
    %get3A_26 = arith.constant 2 : index
    %get3A_27 = arith.constant 0 : index
    %get3A_28 = vector.load %arg2[%get3A_26, %get3A_27] : memref<4x1536xf32, #tpu.memory_space<vmem>>, vector<1x1536xf32>
    %get3A_29 = vector.shape_cast %get3A_28 : vector<1x1536xf32> to vector<1536xf32>
    %broadcast_in_dim3A_30 = vector.shape_cast %get3A_29 : vector<1536xf32> to vector<1x1536xf32>
    %slice3A_31 = vector.extract_strided_slice %concatenate3A {offsets = [7, 0], sizes = [256, 1536], strides = [1, 1]} : vector<264x1536xf32> to vector<256x1536xf32>
    %mul3A_32 = vector.broadcast %broadcast_in_dim3A_30 : vector<1x1536xf32> to vector<256x1536xf32>
    %mul3A_33 = arith.mulf %mul3A_32, %slice3A_31 : vector<256x1536xf32>
    %add3A_34 = arith.addf %add3A_25, %mul3A_33 : vector<256x1536xf32>
    %get3A_35 = arith.constant 3 : index
    %get3A_36 = arith.constant 0 : index
    %get3A_37 = vector.load %arg2[%get3A_35, %get3A_36] : memref<4x1536xf32, #tpu.memory_space<vmem>>, vector<1x1536xf32>
    %get3A_38 = vector.shape_cast %get3A_37 : vector<1x1536xf32> to vector<1536xf32>
    %broadcast_in_dim3A_39 = vector.shape_cast %get3A_38 : vector<1536xf32> to vector<1x1536xf32>
    %slice3A_40 = vector.extract_strided_slice %concatenate3A {offsets = [8, 0], sizes = [256, 1536], strides = [1, 1]} : vector<264x1536xf32> to vector<256x1536xf32>
    %mul3A_41 = vector.broadcast %broadcast_in_dim3A_39 : vector<1x1536xf32> to vector<256x1536xf32>
    %mul3A_42 = arith.mulf %mul3A_41, %slice3A_40 : vector<256x1536xf32>
    %add3A_43 = arith.addf %add3A_34, %mul3A_42 : vector<256x1536xf32>
    %logistic3A = arith.negf %add3A_43 : vector<256x1536xf32>
    %logistic3A_44 = math.exp %logistic3A : vector<256x1536xf32>
    %logistic3A_45 = arith.constant 1.000000e+00 : f32
    %logistic3A_46 = vector.broadcast %logistic3A_45 : f32 to vector<256x1536xf32>
    %logistic3A_47 = arith.addf %logistic3A_46, %logistic3A_44 : vector<256x1536xf32>
    %logistic3A_48 = arith.divf %logistic3A_46, %logistic3A_47 : vector<256x1536xf32>
    %mul3A_49 = arith.mulf %add3A_43, %logistic3A_48 : vector<256x1536xf32>
    %swap3A = arith.constant 0 : index
    %swap3A_50 = arith.constant 0 : index
    %swap3A_51 = vector.load %arg7[%swap3A, %swap3A_50] : memref<256x1536xf32, #tpu.memory_space<vmem>>, vector<256x1536xf32>
    tpu.vector_store %arg7[%swap3A, %swap3A_50], %mul3A_49 {strides = array<i32>} : memref<256x1536xf32, #tpu.memory_space<vmem>>, vector<256x1536xf32>,
    %slice3A_52 = vector.extract_strided_slice %get3A_3 {offsets = [248, 0], sizes = [8, 1536], strides = [1, 1]} : vector<256x1536xf32> to vector<8x1536xf32>
    %swap3A_53 = arith.constant 0 : index
    %swap3A_54 = arith.constant 0 : index
    %swap3A_55 = vector.load %arg11[%swap3A_53, %swap3A_54] : memref<8x1536xf32, #tpu.memory_space<vmem>>, vector<8x1536xf32>
    tpu.vector_store %arg11[%swap3A_53, %swap3A_54], %slice3A_52 {strides = array<i32>} : memref<8x1536xf32, #tpu.memory_space<vmem>>, vector<8x1536xf32>,
    %get3A_56 = arith.constant 0 : index
    %get3A_57 = arith.constant 0 : index
    %get3A_58 = vector.load %arg4[%get3A_56, %get3A_57] : memref<1536x80xf32, #tpu.memory_space<vmem>>, vector<1536x80xf32>
    %dot_general3A = arith.constant dense<0.000000e+00> : vector<256x80xf32>
    %dot_general3A_59 = tpu.matmul %mul3A_49, %get3A_58, %dot_general3A {dimension_numbers = #tpu.dot_dimension_numbers<[1], [0], [0], [1], [0, 0, 1, 1], [], []>, transpose_lhs_hint = false} : vector<256x1536xf32>, vector<1536x80xf32>, vector<256x80xf32> -> vector<256x80xf32>
    %slice3A_60 = vector.extract_strided_slice %dot_general3A_59 {offsets = [0, 48], sizes = [256, 16], strides = [1, 1]} : vector<256x80xf32> to vector<256x16xf32>
    %swap3A_61 = arith.constant 0 : index
    %swap3A_62 = arith.constant 0 : index
    %swap3A_63 = vector.load %arg9[%swap3A_61, %swap3A_62] : memref<256x16xf32, #tpu.memory_space<vmem>>, vector<256x16xf32>
    tpu.vector_store %arg9[%swap3A_61, %swap3A_62], %slice3A_60 {strides = array<i32>} : memref<256x16xf32, #tpu.memory_space<vmem>>, vector<256x16xf32>,
    %slice3A_64 = vector.extract_strided_slice %dot_general3A_59 {offsets = [0, 64], sizes = [256, 16], strides = [1, 1]} : vector<256x80xf32> to vector<256x16xf32>
    %swap3A_65 = arith.constant 0 : index
    %swap3A_66 = arith.constant 0 : index
    %swap3A_67 = vector.load %arg10[%swap3A_65, %swap3A_66] : memref<256x16xf32, #tpu.memory_space<vmem>>, vector<256x16xf32>
    tpu.vector_store %arg10[%swap3A_65, %swap3A_66], %slice3A_64 {strides = array<i32>} : memref<256x16xf32, #tpu.memory_space<vmem>>, vector<256x16xf32>,
    %slice3A_68 = vector.extract_strided_slice %dot_general3A_59 {offsets = [0, 0], sizes = [256, 48], strides = [1, 1]} : vector<256x80xf32> to vector<256x48xf32>
    %get3A_69 = arith.constant 0 : index
    %get3A_70 = arith.constant 0 : index
    %get3A_71 = vector.load %arg5[%get3A_69, %get3A_70] : memref<48x1536xf32, #tpu.memory_space<vmem>>, vector<48x1536xf32>
    %dot_general3A_72 = arith.constant dense<0.000000e+00> : vector<256x1536xf32>
    %dot_general3A_73 = tpu.matmul %slice3A_68, %get3A_71, %dot_general3A_72 {dimension_numbers = #tpu.dot_dimension_numbers<[1], [0], [0], [1], [0, 0, 1, 1], [], []>, transpose_lhs_hint = false} : vector<256x48xf32>, vector<48x1536xf32>, vector<256x1536xf32> -> vector<256x1536xf32>
    %get3A_74 = arith.constant 0 : index
    %get3A_75 = arith.constant 0 : index
    %get3A_76 = vector.load %arg6[%get3A_74, %get3A_75] : memref<1x1536xf32, #tpu.memory_space<vmem>>, vector<1x1536xf32>
    %add3A_77 = vector.broadcast %get3A_76 : vector<1x1536xf32> to vector<256x1536xf32>
    %add3A_78 = arith.addf %dot_general3A_73, %add3A_77 : vector<256x1536xf32>
    %custom_jvp_call3A = arith.constant 0.000000e+00 : f32
    %max3A = vector.broadcast %custom_jvp_call3A : f32 to vector<256x1536xf32>
    %max3A_79 = arith.maximumf %add3A_78, %max3A : vector<256x1536xf32>
    %sub3A = vector.broadcast %custom_jvp_call3A : f32 to vector<256x1536xf32>
    %sub3A_80 = arith.subf %add3A_78, %sub3A : vector<256x1536xf32>
    %ne3A = arith.cmpf one, %sub3A_80, %sub3A_80 : vector<256x1536xf32>
    %add3A_81 = vector.broadcast %custom_jvp_call3A : f32 to vector<256x1536xf32>
    %add3A_82 = arith.addf %add3A_78, %add3A_81 : vector<256x1536xf32>
    %abs3A = math.absf %sub3A_80 : vector<256x1536xf32>
    %neg3A = arith.constant 0.000000e+00 : f32
    %neg3A_83 = vector.broadcast %neg3A : f32 to vector<256x1536xf32>
    %neg3A_84 = arith.subf %neg3A_83, %abs3A : vector<256x1536xf32>
    %exp3A = math.exp %neg3A_84 : vector<256x1536xf32>
    %log1p3A = math.log1p %exp3A : vector<256x1536xf32>
    %add3A_85 = arith.addf %max3A_79, %log1p3A : vector<256x1536xf32>
    %select_n3A = arith.select %ne3A, %add3A_82, %add3A_85 : vector<256x1536xi1>, vector<256x1536xf32>
    %swap3A_86 = arith.constant 0 : index
    %swap3A_87 = arith.constant 0 : index
    %swap3A_88 = vector.load %arg8[%swap3A_86, %swap3A_87] : memref<256x1536xf32, #tpu.memory_space<vmem>>, vector<256x1536xf32>
    tpu.vector_store %arg8[%swap3A_86, %swap3A_87], %select_n3A {strides = array<i32>} : memref<256x1536xf32, #tpu.memory_space<vmem>>, vector<256x1536xf32>,
    return
  }
  func.func @transform_0(%arg0: i32) -> (i32, i32) {
    %c0_i32 = arith.constant 0 : i32
    %c0_i32_0 = arith.constant 0 : i32
    return %arg0, %c0_i32 : i32, i32
  }
  func.func @transform_1(%arg0: i32) -> (i32, i32) {
    %c0_i32 = arith.constant 0 : i32
    %c0_i32_0 = arith.constant 0 : i32
    %c0_i32_1 = arith.constant 0 : i32
    return %c0_i32, %c0_i32_0 : i32, i32
  }
  func.func @transform_2(%arg0: i32) -> (i32, i32) {
    %c0_i32 = arith.constant 0 : i32
    %c0_i32_0 = arith.constant 0 : i32
    %c0_i32_1 = arith.constant 0 : i32
    return %c0_i32, %c0_i32_0 : i32, i32
  }
  func.func @transform_3(%arg0: i32) -> (i32, i32) {
    %c0_i32 = arith.constant 0 : i32
    %c0_i32_0 = arith.constant 0 : i32
    %c0_i32_1 = arith.constant 0 : i32
    return %c0_i32, %c0_i32_0 : i32, i32
  }
  func.func @transform_4(%arg0: i32) -> (i32, i32) {
    %c0_i32 = arith.constant 0 : i32
    %c0_i32_0 = arith.constant 0 : i32
    %c0_i32_1 = arith.constant 0 : i32
    return %c0_i32, %c0_i32_0 : i32, i32
  }
  func.func @transform_5(%arg0: i32) -> (i32, i32) {
    %c0_i32 = arith.constant 0 : i32
    %c0_i32_0 = arith.constant 0 : i32
    %c0_i32_1 = arith.constant 0 : i32
    return %c0_i32, %c0_i32_0 : i32, i32
  }
  func.func @transform_6(%arg0: i32) -> (i32, i32) {
    %c0_i32 = arith.constant 0 : i32
    %c0_i32_0 = arith.constant 0 : i32
    return %arg0, %c0_i32 : i32, i32
  }
  func.func @transform_7(%arg0: i32) -> (i32, i32) {
    %c0_i32 = arith.constant 0 : i32
    %c0_i32_0 = arith.constant 0 : i32
    return %arg0, %c0_i32 : i32, i32
  }
  func.func @transform_8(%arg0: i32) -> (i32, i32) {
    %c0_i32 = arith.constant 0 : i32
    %c0_i32_0 = arith.constant 0 : i32
    return %arg0, %c0_i32 : i32, i32
  }
  func.func @transform_9(%arg0: i32) -> (i32, i32) {
    %c0_i32 = arith.constant 0 : i32
    %c0_i32_0 = arith.constant 0 : i32
    return %arg0, %c0_i32 : i32, i32
  }
}

module attributes {stable_mosaic.version = 14 : i64} {
  func.func @_scan_body(%arg0: i32, %arg1: memref<256x1536xf32, #tpu.memory_space<vmem>>, %arg2: memref<256x1536xf32, #tpu.memory_space<vmem>>, %arg3: memref<256x16xf32, #tpu.memory_space<vmem>>, %arg4: memref<256x16xf32, #tpu.memory_space<vmem>>, %arg5: memref<16x1536xf32, #tpu.memory_space<vmem>>, %arg6: memref<1x1536xf32, #tpu.memory_space<vmem>>, %arg7: memref<256x1536xf32, #tpu.memory_space<vmem>>, %arg8: memref<16x1536xf32, #tpu.memory_space<vmem>>, %arg9: memref<64x16x1536xf32, #tpu.memory_space<vmem>>, %arg10: memref<64x16x1536xf32, #tpu.memory_space<vmem>>) attributes {dimension_semantics = [#tpu.dimension_semantics<arbitrary>], iteration_bounds = array<i64: 8>, scalar_prefetch = 0 : i64, scratch_operands = 3 : i64, tpu.core_type = #tpu.core_type<tc>, window_params = [{transform_indices = @transform_0, window_bounds = array<i64: 256, 1536>}, {transform_indices = @transform_1, window_bounds = array<i64: 256, 1536>}, {transform_indices = @transform_2, window_bounds = array<i64: 256, 16>}, {transform_indices = @transform_3, window_bounds = array<i64: 256, 16>}, {pipeline_mode = #tpu.pipeline_mode<synchronous>, transform_indices = @transform_4, window_bounds = array<i64: 16, 1536>}, {pipeline_mode = #tpu.pipeline_mode<synchronous>, transform_indices = @transform_5, window_bounds = array<i64: 1, 1536>}, {transform_indices = @transform_6, window_bounds = array<i64: 256, 1536>}]} {
    %eq3A = arith.constant 0 : i32
    %eq3A_0 = arith.cmpi eq, %arg0, %eq3A : i32
    %convert_element_type3A = arith.extui %eq3A_0 : i1 to i32
    %cond3A = arith.constant 0 : i32
    %cond3A_1 = arith.cmpi ne, %convert_element_type3A, %cond3A : i32
    scf.if %cond3A_1 {
      %broadcast_in_dim3A = arith.constant 0.000000e+00 : f32
      %broadcast_in_dim3A_19 = vector.broadcast %broadcast_in_dim3A : f32 to vector<16x1536xf32>
      %swap3A_20 = arith.constant 0 : index
      %swap3A_21 = arith.constant 0 : index
      %swap3A_22 = vector.load %arg8[%swap3A_20, %swap3A_21] : memref<16x1536xf32, #tpu.memory_space<vmem>>, vector<16x1536xf32>
      tpu.vector_store %arg8[%swap3A_20, %swap3A_21], %broadcast_in_dim3A_19 {strides = array<i32>} : memref<16x1536xf32, #tpu.memory_space<vmem>>, vector<16x1536xf32>,
    } else {
    }
    %get3A = arith.constant 0 : index
    %get3A_2 = arith.constant 0 : index
    %get3A_3 = vector.load %arg5[%get3A, %get3A_2] : memref<16x1536xf32, #tpu.memory_space<vmem>>, vector<16x1536xf32>
    %exp3A = math.exp %get3A_3 : vector<16x1536xf32>
    %neg3A = arith.constant 0.000000e+00 : f32
    %neg3A_4 = vector.broadcast %neg3A : f32 to vector<16x1536xf32>
    %neg3A_5 = arith.subf %neg3A_4, %exp3A : vector<16x1536xf32>
    %get3A_6 = arith.constant 0 : index
    %get3A_7 = arith.constant 0 : index
    %get3A_8 = vector.load %arg6[%get3A_6, %get3A_7] : memref<1x1536xf32, #tpu.memory_space<vmem>>, vector<1x1536xf32>
    %get3A_9 = arith.constant 0 : index
    %get3A_10 = arith.constant 0 : index
    %get3A_11 = vector.load %arg8[%get3A_9, %get3A_10] : memref<16x1536xf32, #tpu.memory_space<vmem>>, vector<16x1536xf32>
    %scan3A = arith.constant 0 : i32
    %scan3A_12 = arith.constant 4 : i32
    %scan3A_13 = arith.addi %scan3A, %scan3A_12 : i32
    %scan3A_14 = arith.constant 1 : i32
    %scan3A_15 = scf.for %scan3A_19 = %scan3A to %scan3A_13 step %scan3A_14 iter_args(%scan3A_20 = %get3A_11) -> (vector<16x1536xf32>)  : i32 {
      %mul3A = arith.constant 64 : i32
      %mul3A_21 = arith.muli %scan3A_19, %mul3A : i32
      %multiple_of3A = tpu.assume_multiple %mul3A_21, 64 : i32
      %get3A_22 = arith.index_cast %multiple_of3A : i32 to index
      %get3A_23 = arith.constant 0 : index
      %get3A_24 = vector.load %arg2[%get3A_22, %get3A_23] : memref<256x1536xf32, #tpu.memory_space<vmem>>, vector<64x1536xf32>
      %get3A_25 = arith.index_cast %multiple_of3A : i32 to index
      %get3A_26 = arith.constant 0 : index
      %get3A_27 = vector.load %arg1[%get3A_25, %get3A_26] : memref<256x1536xf32, #tpu.memory_space<vmem>>, vector<64x1536xf32>
      %get3A_28 = arith.index_cast %multiple_of3A : i32 to index
      %get3A_29 = arith.constant 0 : index
      %get3A_30 = vector.load %arg3[%get3A_28, %get3A_29] : memref<256x16xf32, #tpu.memory_space<vmem>>, vector<64x16xf32>
      %get3A_31 = arith.index_cast %multiple_of3A : i32 to index
      %get3A_32 = arith.constant 0 : index
      %get3A_33 = vector.load %arg4[%get3A_31, %get3A_32] : memref<256x16xf32, #tpu.memory_space<vmem>>, vector<64x16xf32>
      %mul3A_34 = arith.mulf %get3A_24, %get3A_27 : vector<64x1536xf32>
      %slice3A = vector.extract_strided_slice %get3A_24 {offsets = [0, 0], sizes = [1, 1536], strides = [1, 1]} : vector<64x1536xf32> to vector<1x1536xf32>
      %mul3A_35 = vector.broadcast %slice3A : vector<1x1536xf32> to vector<16x1536xf32>
      %mul3A_36 = arith.mulf %mul3A_35, %neg3A_5 : vector<16x1536xf32>
      %exp3A_37 = math.exp %mul3A_36 : vector<16x1536xf32>
      %swap3A_38 = arith.constant 0 : index
      %swap3A_39 = arith.constant 0 : index
      %swap3A_40 = arith.constant 0 : index
      %swap3A_41 = vector.load %arg9[%swap3A_38, %swap3A_39, %swap3A_40] : memref<64x16x1536xf32, #tpu.memory_space<vmem>>, vector<1x16x1536xf32>
      %swap3A_42 = vector.shape_cast %swap3A_41 : vector<1x16x1536xf32> to vector<16x1536xf32>
      %swap3A_43 = vector.shape_cast %exp3A_37 : vector<16x1536xf32> to vector<1x16x1536xf32>
      tpu.vector_store %arg9[%swap3A_38, %swap3A_39, %swap3A_40], %swap3A_43 {strides = array<i32>} : memref<64x16x1536xf32, #tpu.memory_space<vmem>>, vector<1x16x1536xf32>,
      %slice3A_44 = vector.extract_strided_slice %get3A_30 {offsets = [0, 0], sizes = [1, 16], strides = [1, 1]} : vector<64x16xf32> to vector<1x16xf32>
      %slice3A_45 = vector.extract_strided_slice %mul3A_34 {offsets = [0, 0], sizes = [1, 1536], strides = [1, 1]} : vector<64x1536xf32> to vector<1x1536xf32>
      %dot_general3A = arith.constant dense<0.000000e+00> : vector<16x1536xf32>
      %dot_general3A_46 = tpu.matmul %slice3A_44, %slice3A_45, %dot_general3A {dimension_numbers = #tpu.dot_dimension_numbers<[0], [0], [1], [1], [0, 1, 1, 1], [], []>, transpose_lhs_hint = false} : vector<1x16xf32>, vector<1x1536xf32>, vector<16x1536xf32> -> vector<16x1536xf32>
      %swap3A_47 = arith.constant 0 : index
      %swap3A_48 = arith.constant 0 : index
      %swap3A_49 = arith.constant 0 : index
      %swap3A_50 = vector.load %arg10[%swap3A_47, %swap3A_48, %swap3A_49] : memref<64x16x1536xf32, #tpu.memory_space<vmem>>, vector<1x16x1536xf32>
      %swap3A_51 = vector.shape_cast %swap3A_50 : vector<1x16x1536xf32> to vector<16x1536xf32>
      %swap3A_52 = vector.shape_cast %dot_general3A_46 : vector<16x1536xf32> to vector<1x16x1536xf32>
      tpu.vector_store %arg10[%swap3A_47, %swap3A_48, %swap3A_49], %swap3A_52 {strides = array<i32>} : memref<64x16x1536xf32, #tpu.memory_space<vmem>>, vector<1x16x1536xf32>,
      %slice3A_53 = vector.extract_strided_slice %get3A_24 {offsets = [1, 0], sizes = [1, 1536], strides = [1, 1]} : vector<64x1536xf32> to vector<1x1536xf32>
      %mul3A_54 = vector.broadcast %slice3A_53 : vector<1x1536xf32> to vector<16x1536xf32>
      %mul3A_55 = arith.mulf %mul3A_54, %neg3A_5 : vector<16x1536xf32>
      %exp3A_56 = math.exp %mul3A_55 : vector<16x1536xf32>
      %swap3A_57 = arith.constant 1 : index
      %swap3A_58 = arith.constant 0 : index
      %swap3A_59 = arith.constant 0 : index
      %swap3A_60 = vector.load %arg9[%swap3A_57, %swap3A_58, %swap3A_59] : memref<64x16x1536xf32, #tpu.memory_space<vmem>>, vector<1x16x1536xf32>
      %swap3A_61 = vector.shape_cast %swap3A_60 : vector<1x16x1536xf32> to vector<16x1536xf32>
      %swap3A_62 = vector.shape_cast %exp3A_56 : vector<16x1536xf32> to vector<1x16x1536xf32>
      tpu.vector_store %arg9[%swap3A_57, %swap3A_58, %swap3A_59], %swap3A_62 {strides = array<i32>} : memref<64x16x1536xf32, #tpu.memory_space<vmem>>, vector<1x16x1536xf32>,
      %slice3A_63 = vector.extract_strided_slice %get3A_30 {offsets = [1, 0], sizes = [1, 16], strides = [1, 1]} : vector<64x16xf32> to vector<1x16xf32>
      %slice3A_64 = vector.extract_strided_slice %mul3A_34 {offsets = [1, 0], sizes = [1, 1536], strides = [1, 1]} : vector<64x1536xf32> to vector<1x1536xf32>
      %dot_general3A_65 = arith.constant dense<0.000000e+00> : vector<16x1536xf32>
      %dot_general3A_66 = tpu.matmul %slice3A_63, %slice3A_64, %dot_general3A_65 {dimension_numbers = #tpu.dot_dimension_numbers<[0], [0], [1], [1], [0, 1, 1, 1], [], []>, transpose_lhs_hint = false} : vector<1x16xf32>, vector<1x1536xf32>, vector<16x1536xf32> -> vector<16x1536xf32>
      %swap3A_67 = arith.constant 1 : index
      %swap3A_68 = arith.constant 0 : index
      %swap3A_69 = arith.constant 0 : index
      %swap3A_70 = vector.load %arg10[%swap3A_67, %swap3A_68, %swap3A_69] : memref<64x16x1536xf32, #tpu.memory_space<vmem>>, vector<1x16x1536xf32>
      %swap3A_71 = vector.shape_cast %swap3A_70 : vector<1x16x1536xf32> to vector<16x1536xf32>
      %swap3A_72 = vector.shape_cast %dot_general3A_66 : vector<16x1536xf32> to vector<1x16x1536xf32>
      tpu.vector_store %arg10[%swap3A_67, %swap3A_68, %swap3A_69], %swap3A_72 {strides = array<i32>} : memref<64x16x1536xf32, #tpu.memory_space<vmem>>, vector<1x16x1536xf32>,
      %slice3A_73 = vector.extract_strided_slice %get3A_24 {offsets = [2, 0], sizes = [1, 1536], strides = [1, 1]} : vector<64x1536xf32> to vector<1x1536xf32>
      %mul3A_74 = vector.broadcast %slice3A_73 : vector<1x1536xf32> to vector<16x1536xf32>
      %mul3A_75 = arith.mulf %mul3A_74, %neg3A_5 : vector<16x1536xf32>
      %exp3A_76 = math.exp %mul3A_75 : vector<16x1536xf32>
      %swap3A_77 = arith.constant 2 : index
      %swap3A_78 = arith.constant 0 : index
      %swap3A_79 = arith.constant 0 : index
      %swap3A_80 = vector.load %arg9[%swap3A_77, %swap3A_78, %swap3A_79] : memref<64x16x1536xf32, #tpu.memory_space<vmem>>, vector<1x16x1536xf32>
      %swap3A_81 = vector.shape_cast %swap3A_80 : vector<1x16x1536xf32> to vector<16x1536xf32>
      %swap3A_82 = vector.shape_cast %exp3A_76 : vector<16x1536xf32> to vector<1x16x1536xf32>
      tpu.vector_store %arg9[%swap3A_77, %swap3A_78, %swap3A_79], %swap3A_82 {strides = array<i32>} : memref<64x16x1536xf32, #tpu.memory_space<vmem>>, vector<1x16x1536xf32>,
      %slice3A_83 = vector.extract_strided_slice %get3A_30 {offsets = [2, 0], sizes = [1, 16], strides = [1, 1]} : vector<64x16xf32> to vector<1x16xf32>
      %slice3A_84 = vector.extract_strided_slice %mul3A_34 {offsets = [2, 0], sizes = [1, 1536], strides = [1, 1]} : vector<64x1536xf32> to vector<1x1536xf32>
      %dot_general3A_85 = arith.constant dense<0.000000e+00> : vector<16x1536xf32>
      %dot_general3A_86 = tpu.matmul %slice3A_83, %slice3A_84, %dot_general3A_85 {dimension_numbers = #tpu.dot_dimension_numbers<[0], [0], [1], [1], [0, 1, 1, 1], [], []>, transpose_lhs_hint = false} : vector<1x16xf32>, vector<1x1536xf32>, vector<16x1536xf32> -> vector<16x1536xf32>
      %swap3A_87 = arith.constant 2 : index
      %swap3A_88 = arith.constant 0 : index
      %swap3A_89 = arith.constant 0 : index
      %swap3A_90 = vector.load %arg10[%swap3A_87, %swap3A_88, %swap3A_89] : memref<64x16x1536xf32, #tpu.memory_space<vmem>>, vector<1x16x1536xf32>
      %swap3A_91 = vector.shape_cast %swap3A_90 : vector<1x16x1536xf32> to vector<16x1536xf32>
      %swap3A_92 = vector.shape_cast %dot_general3A_86 : vector<16x1536xf32> to vector<1x16x1536xf32>
      tpu.vector_store %arg10[%swap3A_87, %swap3A_88, %swap3A_89], %swap3A_92 {strides = array<i32>} : memref<64x16x1536xf32, #tpu.memory_space<vmem>>, vector<1x16x1536xf32>,
      %slice3A_93 = vector.extract_strided_slice %get3A_24 {offsets = [3, 0], sizes = [1, 1536], strides = [1, 1]} : vector<64x1536xf32> to vector<1x1536xf32>
      %mul3A_94 = vector.broadcast %slice3A_93 : vector<1x1536xf32> to vector<16x1536xf32>
      %mul3A_95 = arith.mulf %mul3A_94, %neg3A_5 : vector<16x1536xf32>
      %exp3A_96 = math.exp %mul3A_95 : vector<16x1536xf32>
      %swap3A_97 = arith.constant 3 : index
      %swap3A_98 = arith.constant 0 : index
      %swap3A_99 = arith.constant 0 : index
      %swap3A_100 = vector.load %arg9[%swap3A_97, %swap3A_98, %swap3A_99] : memref<64x16x1536xf32, #tpu.memory_space<vmem>>, vector<1x16x1536xf32>
      %swap3A_101 = vector.shape_cast %swap3A_100 : vector<1x16x1536xf32> to vector<16x1536xf32>
      %swap3A_102 = vector.shape_cast %exp3A_96 : vector<16x1536xf32> to vector<1x16x1536xf32>
      tpu.vector_store %arg9[%swap3A_97, %swap3A_98, %swap3A_99], %swap3A_102 {strides = array<i32>} : memref<64x16x1536xf32, #tpu.memory_space<vmem>>, vector<1x16x1536xf32>,
      %slice3A_103 = vector.extract_strided_slice %get3A_30 {offsets = [3, 0], sizes = [1, 16], strides = [1, 1]} : vector<64x16xf32> to vector<1x16xf32>
      %slice3A_104 = vector.extract_strided_slice %mul3A_34 {offsets = [3, 0], sizes = [1, 1536], strides = [1, 1]} : vector<64x1536xf32> to vector<1x1536xf32>
      %dot_general3A_105 = arith.constant dense<0.000000e+00> : vector<16x1536xf32>
      %dot_general3A_106 = tpu.matmul %slice3A_103, %slice3A_104, %dot_general3A_105 {dimension_numbers = #tpu.dot_dimension_numbers<[0], [0], [1], [1], [0, 1, 1, 1], [], []>, transpose_lhs_hint = false} : vector<1x16xf32>, vector<1x1536xf32>, vector<16x1536xf32> -> vector<16x1536xf32>
      %swap3A_107 = arith.constant 3 : index
      %swap3A_108 = arith.constant 0 : index
      %swap3A_109 = arith.constant 0 : index
      %swap3A_110 = vector.load %arg10[%swap3A_107, %swap3A_108, %swap3A_109] : memref<64x16x1536xf32, #tpu.memory_space<vmem>>, vector<1x16x1536xf32>
      %swap3A_111 = vector.shape_cast %swap3A_110 : vector<1x16x1536xf32> to vector<16x1536xf32>
      %swap3A_112 = vector.shape_cast %dot_general3A_106 : vector<16x1536xf32> to vector<1x16x1536xf32>
      tpu.vector_store %arg10[%swap3A_107, %swap3A_108, %swap3A_109], %swap3A_112 {strides = array<i32>} : memref<64x16x1536xf32, #tpu.memory_space<vmem>>, vector<1x16x1536xf32>,
      %slice3A_113 = vector.extract_strided_slice %get3A_24 {offsets = [4, 0], sizes = [1, 1536], strides = [1, 1]} : vector<64x1536xf32> to vector<1x1536xf32>
      %mul3A_114 = vector.broadcast %slice3A_113 : vector<1x1536xf32> to vector<16x1536xf32>
      %mul3A_115 = arith.mulf %mul3A_114, %neg3A_5 : vector<16x1536xf32>
      %exp3A_116 = math.exp %mul3A_115 : vector<16x1536xf32>
      %swap3A_117 = arith.constant 4 : index
      %swap3A_118 = arith.constant 0 : index
      %swap3A_119 = arith.constant 0 : index
      %swap3A_120 = vector.load %arg9[%swap3A_117, %swap3A_118, %swap3A_119] : memref<64x16x1536xf32, #tpu.memory_space<vmem>>, vector<1x16x1536xf32>
      %swap3A_121 = vector.shape_cast %swap3A_120 : vector<1x16x1536xf32> to vector<16x1536xf32>
      %swap3A_122 = vector.shape_cast %exp3A_116 : vector<16x1536xf32> to vector<1x16x1536xf32>
      tpu.vector_store %arg9[%swap3A_117, %swap3A_118, %swap3A_119], %swap3A_122 {strides = array<i32>} : memref<64x16x1536xf32, #tpu.memory_space<vmem>>, vector<1x16x1536xf32>,
      %slice3A_123 = vector.extract_strided_slice %get3A_30 {offsets = [4, 0], sizes = [1, 16], strides = [1, 1]} : vector<64x16xf32> to vector<1x16xf32>
      %slice3A_124 = vector.extract_strided_slice %mul3A_34 {offsets = [4, 0], sizes = [1, 1536], strides = [1, 1]} : vector<64x1536xf32> to vector<1x1536xf32>
      %dot_general3A_125 = arith.constant dense<0.000000e+00> : vector<16x1536xf32>
      %dot_general3A_126 = tpu.matmul %slice3A_123, %slice3A_124, %dot_general3A_125 {dimension_numbers = #tpu.dot_dimension_numbers<[0], [0], [1], [1], [0, 1, 1, 1], [], []>, transpose_lhs_hint = false} : vector<1x16xf32>, vector<1x1536xf32>, vector<16x1536xf32> -> vector<16x1536xf32>
      %swap3A_127 = arith.constant 4 : index
      %swap3A_128 = arith.constant 0 : index
      %swap3A_129 = arith.constant 0 : index
      %swap3A_130 = vector.load %arg10[%swap3A_127, %swap3A_128, %swap3A_129] : memref<64x16x1536xf32, #tpu.memory_space<vmem>>, vector<1x16x1536xf32>
      %swap3A_131 = vector.shape_cast %swap3A_130 : vector<1x16x1536xf32> to vector<16x1536xf32>
      %swap3A_132 = vector.shape_cast %dot_general3A_126 : vector<16x1536xf32> to vector<1x16x1536xf32>
      tpu.vector_store %arg10[%swap3A_127, %swap3A_128, %swap3A_129], %swap3A_132 {strides = array<i32>} : memref<64x16x1536xf32, #tpu.memory_space<vmem>>, vector<1x16x1536xf32>,
      %slice3A_133 = vector.extract_strided_slice %get3A_24 {offsets = [5, 0], sizes = [1, 1536], strides = [1, 1]} : vector<64x1536xf32> to vector<1x1536xf32>
      %mul3A_134 = vector.broadcast %slice3A_133 : vector<1x1536xf32> to vector<16x1536xf32>
      %mul3A_135 = arith.mulf %mul3A_134, %neg3A_5 : vector<16x1536xf32>
      %exp3A_136 = math.exp %mul3A_135 : vector<16x1536xf32>
      %swap3A_137 = arith.constant 5 : index
      %swap3A_138 = arith.constant 0 : index
      %swap3A_139 = arith.constant 0 : index
      %swap3A_140 = vector.load %arg9[%swap3A_137, %swap3A_138, %swap3A_139] : memref<64x16x1536xf32, #tpu.memory_space<vmem>>, vector<1x16x1536xf32>
      %swap3A_141 = vector.shape_cast %swap3A_140 : vector<1x16x1536xf32> to vector<16x1536xf32>
      %swap3A_142 = vector.shape_cast %exp3A_136 : vector<16x1536xf32> to vector<1x16x1536xf32>
      tpu.vector_store %arg9[%swap3A_137, %swap3A_138, %swap3A_139], %swap3A_142 {strides = array<i32>} : memref<64x16x1536xf32, #tpu.memory_space<vmem>>, vector<1x16x1536xf32>,
      %slice3A_143 = vector.extract_strided_slice %get3A_30 {offsets = [5, 0], sizes = [1, 16], strides = [1, 1]} : vector<64x16xf32> to vector<1x16xf32>
      %slice3A_144 = vector.extract_strided_slice %mul3A_34 {offsets = [5, 0], sizes = [1, 1536], strides = [1, 1]} : vector<64x1536xf32> to vector<1x1536xf32>
      %dot_general3A_145 = arith.constant dense<0.000000e+00> : vector<16x1536xf32>
      %dot_general3A_146 = tpu.matmul %slice3A_143, %slice3A_144, %dot_general3A_145 {dimension_numbers = #tpu.dot_dimension_numbers<[0], [0], [1], [1], [0, 1, 1, 1], [], []>, transpose_lhs_hint = false} : vector<1x16xf32>, vector<1x1536xf32>, vector<16x1536xf32> -> vector<16x1536xf32>
      %swap3A_147 = arith.constant 5 : index
      %swap3A_148 = arith.constant 0 : index
      %swap3A_149 = arith.constant 0 : index
      %swap3A_150 = vector.load %arg10[%swap3A_147, %swap3A_148, %swap3A_149] : memref<64x16x1536xf32, #tpu.memory_space<vmem>>, vector<1x16x1536xf32>
      %swap3A_151 = vector.shape_cast %swap3A_150 : vector<1x16x1536xf32> to vector<16x1536xf32>
      %swap3A_152 = vector.shape_cast %dot_general3A_146 : vector<16x1536xf32> to vector<1x16x1536xf32>
      tpu.vector_store %arg10[%swap3A_147, %swap3A_148, %swap3A_149], %swap3A_152 {strides = array<i32>} : memref<64x16x1536xf32, #tpu.memory_space<vmem>>, vector<1x16x1536xf32>,
      %slice3A_153 = vector.extract_strided_slice %get3A_24 {offsets = [6, 0], sizes = [1, 1536], strides = [1, 1]} : vector<64x1536xf32> to vector<1x1536xf32>
      %mul3A_154 = vector.broadcast %slice3A_153 : vector<1x1536xf32> to vector<16x1536xf32>
      %mul3A_155 = arith.mulf %mul3A_154, %neg3A_5 : vector<16x1536xf32>
      %exp3A_156 = math.exp %mul3A_155 : vector<16x1536xf32>
      %swap3A_157 = arith.constant 6 : index
      %swap3A_158 = arith.constant 0 : index
      %swap3A_159 = arith.constant 0 : index
      %swap3A_160 = vector.load %arg9[%swap3A_157, %swap3A_158, %swap3A_159] : memref<64x16x1536xf32, #tpu.memory_space<vmem>>, vector<1x16x1536xf32>
      %swap3A_161 = vector.shape_cast %swap3A_160 : vector<1x16x1536xf32> to vector<16x1536xf32>
      %swap3A_162 = vector.shape_cast %exp3A_156 : vector<16x1536xf32> to vector<1x16x1536xf32>
      tpu.vector_store %arg9[%swap3A_157, %swap3A_158, %swap3A_159], %swap3A_162 {strides = array<i32>} : memref<64x16x1536xf32, #tpu.memory_space<vmem>>, vector<1x16x1536xf32>,
      %slice3A_163 = vector.extract_strided_slice %get3A_30 {offsets = [6, 0], sizes = [1, 16], strides = [1, 1]} : vector<64x16xf32> to vector<1x16xf32>
      %slice3A_164 = vector.extract_strided_slice %mul3A_34 {offsets = [6, 0], sizes = [1, 1536], strides = [1, 1]} : vector<64x1536xf32> to vector<1x1536xf32>
      %dot_general3A_165 = arith.constant dense<0.000000e+00> : vector<16x1536xf32>
      %dot_general3A_166 = tpu.matmul %slice3A_163, %slice3A_164, %dot_general3A_165 {dimension_numbers = #tpu.dot_dimension_numbers<[0], [0], [1], [1], [0, 1, 1, 1], [], []>, transpose_lhs_hint = false} : vector<1x16xf32>, vector<1x1536xf32>, vector<16x1536xf32> -> vector<16x1536xf32>
      %swap3A_167 = arith.constant 6 : index
      %swap3A_168 = arith.constant 0 : index
      %swap3A_169 = arith.constant 0 : index
      %swap3A_170 = vector.load %arg10[%swap3A_167, %swap3A_168, %swap3A_169] : memref<64x16x1536xf32, #tpu.memory_space<vmem>>, vector<1x16x1536xf32>
      %swap3A_171 = vector.shape_cast %swap3A_170 : vector<1x16x1536xf32> to vector<16x1536xf32>
      %swap3A_172 = vector.shape_cast %dot_general3A_166 : vector<16x1536xf32> to vector<1x16x1536xf32>
      tpu.vector_store %arg10[%swap3A_167, %swap3A_168, %swap3A_169], %swap3A_172 {strides = array<i32>} : memref<64x16x1536xf32, #tpu.memory_space<vmem>>, vector<1x16x1536xf32>,
      %slice3A_173 = vector.extract_strided_slice %get3A_24 {offsets = [7, 0], sizes = [1, 1536], strides = [1, 1]} : vector<64x1536xf32> to vector<1x1536xf32>
      %mul3A_174 = vector.broadcast %slice3A_173 : vector<1x1536xf32> to vector<16x1536xf32>
      %mul3A_175 = arith.mulf %mul3A_174, %neg3A_5 : vector<16x1536xf32>
      %exp3A_176 = math.exp %mul3A_175 : vector<16x1536xf32>
      %swap3A_177 = arith.constant 7 : index
      %swap3A_178 = arith.constant 0 : index
      %swap3A_179 = arith.constant 0 : index
      %swap3A_180 = vector.load %arg9[%swap3A_177, %swap3A_178, %swap3A_179] : memref<64x16x1536xf32, #tpu.memory_space<vmem>>, vector<1x16x1536xf32>
      %swap3A_181 = vector.shape_cast %swap3A_180 : vector<1x16x1536xf32> to vector<16x1536xf32>
      %swap3A_182 = vector.shape_cast %exp3A_176 : vector<16x1536xf32> to vector<1x16x1536xf32>
      tpu.vector_store %arg9[%swap3A_177, %swap3A_178, %swap3A_179], %swap3A_182 {strides = array<i32>} : memref<64x16x1536xf32, #tpu.memory_space<vmem>>, vector<1x16x1536xf32>,
      %slice3A_183 = vector.extract_strided_slice %get3A_30 {offsets = [7, 0], sizes = [1, 16], strides = [1, 1]} : vector<64x16xf32> to vector<1x16xf32>
      %slice3A_184 = vector.extract_strided_slice %mul3A_34 {offsets = [7, 0], sizes = [1, 1536], strides = [1, 1]} : vector<64x1536xf32> to vector<1x1536xf32>
      %dot_general3A_185 = arith.constant dense<0.000000e+00> : vector<16x1536xf32>
      %dot_general3A_186 = tpu.matmul %slice3A_183, %slice3A_184, %dot_general3A_185 {dimension_numbers = #tpu.dot_dimension_numbers<[0], [0], [1], [1], [0, 1, 1, 1], [], []>, transpose_lhs_hint = false} : vector<1x16xf32>, vector<1x1536xf32>, vector<16x1536xf32> -> vector<16x1536xf32>
      %swap3A_187 = arith.constant 7 : index
      %swap3A_188 = arith.constant 0 : index
      %swap3A_189 = arith.constant 0 : index
      %swap3A_190 = vector.load %arg10[%swap3A_187, %swap3A_188, %swap3A_189] : memref<64x16x1536xf32, #tpu.memory_space<vmem>>, vector<1x16x1536xf32>
      %swap3A_191 = vector.shape_cast %swap3A_190 : vector<1x16x1536xf32> to vector<16x1536xf32>
      %swap3A_192 = vector.shape_cast %dot_general3A_186 : vector<16x1536xf32> to vector<1x16x1536xf32>
      tpu.vector_store %arg10[%swap3A_187, %swap3A_188, %swap3A_189], %swap3A_192 {strides = array<i32>} : memref<64x16x1536xf32, #tpu.memory_space<vmem>>, vector<1x16x1536xf32>,
      %slice3A_193 = vector.extract_strided_slice %get3A_24 {offsets = [8, 0], sizes = [1, 1536], strides = [1, 1]} : vector<64x1536xf32> to vector<1x1536xf32>
      %mul3A_194 = vector.broadcast %slice3A_193 : vector<1x1536xf32> to vector<16x1536xf32>
      %mul3A_195 = arith.mulf %mul3A_194, %neg3A_5 : vector<16x1536xf32>
      %exp3A_196 = math.exp %mul3A_195 : vector<16x1536xf32>
      %swap3A_197 = arith.constant 8 : index
      %swap3A_198 = arith.constant 0 : index
      %swap3A_199 = arith.constant 0 : index
      %swap3A_200 = vector.load %arg9[%swap3A_197, %swap3A_198, %swap3A_199] : memref<64x16x1536xf32, #tpu.memory_space<vmem>>, vector<1x16x1536xf32>
      %swap3A_201 = vector.shape_cast %swap3A_200 : vector<1x16x1536xf32> to vector<16x1536xf32>
      %swap3A_202 = vector.shape_cast %exp3A_196 : vector<16x1536xf32> to vector<1x16x1536xf32>
      tpu.vector_store %arg9[%swap3A_197, %swap3A_198, %swap3A_199], %swap3A_202 {strides = array<i32>} : memref<64x16x1536xf32, #tpu.memory_space<vmem>>, vector<1x16x1536xf32>,
      %slice3A_203 = vector.extract_strided_slice %get3A_30 {offsets = [8, 0], sizes = [1, 16], strides = [1, 1]} : vector<64x16xf32> to vector<1x16xf32>
      %slice3A_204 = vector.extract_strided_slice %mul3A_34 {offsets = [8, 0], sizes = [1, 1536], strides = [1, 1]} : vector<64x1536xf32> to vector<1x1536xf32>
      %dot_general3A_205 = arith.constant dense<0.000000e+00> : vector<16x1536xf32>
      %dot_general3A_206 = tpu.matmul %slice3A_203, %slice3A_204, %dot_general3A_205 {dimension_numbers = #tpu.dot_dimension_numbers<[0], [0], [1], [1], [0, 1, 1, 1], [], []>, transpose_lhs_hint = false} : vector<1x16xf32>, vector<1x1536xf32>, vector<16x1536xf32> -> vector<16x1536xf32>
      %swap3A_207 = arith.constant 8 : index
      %swap3A_208 = arith.constant 0 : index
      %swap3A_209 = arith.constant 0 : index
      %swap3A_210 = vector.load %arg10[%swap3A_207, %swap3A_208, %swap3A_209] : memref<64x16x1536xf32, #tpu.memory_space<vmem>>, vector<1x16x1536xf32>
      %swap3A_211 = vector.shape_cast %swap3A_210 : vector<1x16x1536xf32> to vector<16x1536xf32>
      %swap3A_212 = vector.shape_cast %dot_general3A_206 : vector<16x1536xf32> to vector<1x16x1536xf32>
      tpu.vector_store %arg10[%swap3A_207, %swap3A_208, %swap3A_209], %swap3A_212 {strides = array<i32>} : memref<64x16x1536xf32, #tpu.memory_space<vmem>>, vector<1x16x1536xf32>,
      %slice3A_213 = vector.extract_strided_slice %get3A_24 {offsets = [9, 0], sizes = [1, 1536], strides = [1, 1]} : vector<64x1536xf32> to vector<1x1536xf32>
      %mul3A_214 = vector.broadcast %slice3A_213 : vector<1x1536xf32> to vector<16x1536xf32>
      %mul3A_215 = arith.mulf %mul3A_214, %neg3A_5 : vector<16x1536xf32>
      %exp3A_216 = math.exp %mul3A_215 : vector<16x1536xf32>
      %swap3A_217 = arith.constant 9 : index
      %swap3A_218 = arith.constant 0 : index
      %swap3A_219 = arith.constant 0 : index
      %swap3A_220 = vector.load %arg9[%swap3A_217, %swap3A_218, %swap3A_219] : memref<64x16x1536xf32, #tpu.memory_space<vmem>>, vector<1x16x1536xf32>
      %swap3A_221 = vector.shape_cast %swap3A_220 : vector<1x16x1536xf32> to vector<16x1536xf32>
      %swap3A_222 = vector.shape_cast %exp3A_216 : vector<16x1536xf32> to vector<1x16x1536xf32>
      tpu.vector_store %arg9[%swap3A_217, %swap3A_218, %swap3A_219], %swap3A_222 {strides = array<i32>} : memref<64x16x1536xf32, #tpu.memory_space<vmem>>, vector<1x16x1536xf32>,
      %slice3A_223 = vector.extract_strided_slice %get3A_30 {offsets = [9, 0], sizes = [1, 16], strides = [1, 1]} : vector<64x16xf32> to vector<1x16xf32>
      %slice3A_224 = vector.extract_strided_slice %mul3A_34 {offsets = [9, 0], sizes = [1, 1536], strides = [1, 1]} : vector<64x1536xf32> to vector<1x1536xf32>
      %dot_general3A_225 = arith.constant dense<0.000000e+00> : vector<16x1536xf32>
      %dot_general3A_226 = tpu.matmul %slice3A_223, %slice3A_224, %dot_general3A_225 {dimension_numbers = #tpu.dot_dimension_numbers<[0], [0], [1], [1], [0, 1, 1, 1], [], []>, transpose_lhs_hint = false} : vector<1x16xf32>, vector<1x1536xf32>, vector<16x1536xf32> -> vector<16x1536xf32>
      %swap3A_227 = arith.constant 9 : index
      %swap3A_228 = arith.constant 0 : index
      %swap3A_229 = arith.constant 0 : index
      %swap3A_230 = vector.load %arg10[%swap3A_227, %swap3A_228, %swap3A_229] : memref<64x16x1536xf32, #tpu.memory_space<vmem>>, vector<1x16x1536xf32>
      %swap3A_231 = vector.shape_cast %swap3A_230 : vector<1x16x1536xf32> to vector<16x1536xf32>
      %swap3A_232 = vector.shape_cast %dot_general3A_226 : vector<16x1536xf32> to vector<1x16x1536xf32>
      tpu.vector_store %arg10[%swap3A_227, %swap3A_228, %swap3A_229], %swap3A_232 {strides = array<i32>} : memref<64x16x1536xf32, #tpu.memory_space<vmem>>, vector<1x16x1536xf32>,
      %slice3A_233 = vector.extract_strided_slice %get3A_24 {offsets = [10, 0], sizes = [1, 1536], strides = [1, 1]} : vector<64x1536xf32> to vector<1x1536xf32>
      %mul3A_234 = vector.broadcast %slice3A_233 : vector<1x1536xf32> to vector<16x1536xf32>
      %mul3A_235 = arith.mulf %mul3A_234, %neg3A_5 : vector<16x1536xf32>
      %exp3A_236 = math.exp %mul3A_235 : vector<16x1536xf32>
      %swap3A_237 = arith.constant 10 : index
      %swap3A_238 = arith.constant 0 : index
      %swap3A_239 = arith.constant 0 : index
      %swap3A_240 = vector.load %arg9[%swap3A_237, %swap3A_238, %swap3A_239] : memref<64x16x1536xf32, #tpu.memory_space<vmem>>, vector<1x16x1536xf32>
      %swap3A_241 = vector.shape_cast %swap3A_240 : vector<1x16x1536xf32> to vector<16x1536xf32>
      %swap3A_242 = vector.shape_cast %exp3A_236 : vector<16x1536xf32> to vector<1x16x1536xf32>
      tpu.vector_store %arg9[%swap3A_237, %swap3A_238, %swap3A_239], %swap3A_242 {strides = array<i32>} : memref<64x16x1536xf32, #tpu.memory_space<vmem>>, vector<1x16x1536xf32>,
      %slice3A_243 = vector.extract_strided_slice %get3A_30 {offsets = [10, 0], sizes = [1, 16], strides = [1, 1]} : vector<64x16xf32> to vector<1x16xf32>
      %slice3A_244 = vector.extract_strided_slice %mul3A_34 {offsets = [10, 0], sizes = [1, 1536], strides = [1, 1]} : vector<64x1536xf32> to vector<1x1536xf32>
      %dot_general3A_245 = arith.constant dense<0.000000e+00> : vector<16x1536xf32>
      %dot_general3A_246 = tpu.matmul %slice3A_243, %slice3A_244, %dot_general3A_245 {dimension_numbers = #tpu.dot_dimension_numbers<[0], [0], [1], [1], [0, 1, 1, 1], [], []>, transpose_lhs_hint = false} : vector<1x16xf32>, vector<1x1536xf32>, vector<16x1536xf32> -> vector<16x1536xf32>
      %swap3A_247 = arith.constant 10 : index
      %swap3A_248 = arith.constant 0 : index
      %swap3A_249 = arith.constant 0 : index
      %swap3A_250 = vector.load %arg10[%swap3A_247, %swap3A_248, %swap3A_249] : memref<64x16x1536xf32, #tpu.memory_space<vmem>>, vector<1x16x1536xf32>
      %swap3A_251 = vector.shape_cast %swap3A_250 : vector<1x16x1536xf32> to vector<16x1536xf32>
      %swap3A_252 = vector.shape_cast %dot_general3A_246 : vector<16x1536xf32> to vector<1x16x1536xf32>
      tpu.vector_store %arg10[%swap3A_247, %swap3A_248, %swap3A_249], %swap3A_252 {strides = array<i32>} : memref<64x16x1536xf32, #tpu.memory_space<vmem>>, vector<1x16x1536xf32>,
      %slice3A_253 = vector.extract_strided_slice %get3A_24 {offsets = [11, 0], sizes = [1, 1536], strides = [1, 1]} : vector<64x1536xf32> to vector<1x1536xf32>
      %mul3A_254 = vector.broadcast %slice3A_253 : vector<1x1536xf32> to vector<16x1536xf32>
      %mul3A_255 = arith.mulf %mul3A_254, %neg3A_5 : vector<16x1536xf32>
      %exp3A_256 = math.exp %mul3A_255 : vector<16x1536xf32>
      %swap3A_257 = arith.constant 11 : index
      %swap3A_258 = arith.constant 0 : index
      %swap3A_259 = arith.constant 0 : index
      %swap3A_260 = vector.load %arg9[%swap3A_257, %swap3A_258, %swap3A_259] : memref<64x16x1536xf32, #tpu.memory_space<vmem>>, vector<1x16x1536xf32>
      %swap3A_261 = vector.shape_cast %swap3A_260 : vector<1x16x1536xf32> to vector<16x1536xf32>
      %swap3A_262 = vector.shape_cast %exp3A_256 : vector<16x1536xf32> to vector<1x16x1536xf32>
      tpu.vector_store %arg9[%swap3A_257, %swap3A_258, %swap3A_259], %swap3A_262 {strides = array<i32>} : memref<64x16x1536xf32, #tpu.memory_space<vmem>>, vector<1x16x1536xf32>,
      %slice3A_263 = vector.extract_strided_slice %get3A_30 {offsets = [11, 0], sizes = [1, 16], strides = [1, 1]} : vector<64x16xf32> to vector<1x16xf32>
      %slice3A_264 = vector.extract_strided_slice %mul3A_34 {offsets = [11, 0], sizes = [1, 1536], strides = [1, 1]} : vector<64x1536xf32> to vector<1x1536xf32>
      %dot_general3A_265 = arith.constant dense<0.000000e+00> : vector<16x1536xf32>
      %dot_general3A_266 = tpu.matmul %slice3A_263, %slice3A_264, %dot_general3A_265 {dimension_numbers = #tpu.dot_dimension_numbers<[0], [0], [1], [1], [0, 1, 1, 1], [], []>, transpose_lhs_hint = false} : vector<1x16xf32>, vector<1x1536xf32>, vector<16x1536xf32> -> vector<16x1536xf32>
      %swap3A_267 = arith.constant 11 : index
      %swap3A_268 = arith.constant 0 : index
      %swap3A_269 = arith.constant 0 : index
      %swap3A_270 = vector.load %arg10[%swap3A_267, %swap3A_268, %swap3A_269] : memref<64x16x1536xf32, #tpu.memory_space<vmem>>, vector<1x16x1536xf32>
      %swap3A_271 = vector.shape_cast %swap3A_270 : vector<1x16x1536xf32> to vector<16x1536xf32>
      %swap3A_272 = vector.shape_cast %dot_general3A_266 : vector<16x1536xf32> to vector<1x16x1536xf32>
      tpu.vector_store %arg10[%swap3A_267, %swap3A_268, %swap3A_269], %swap3A_272 {strides = array<i32>} : memref<64x16x1536xf32, #tpu.memory_space<vmem>>, vector<1x16x1536xf32>,
      %slice3A_273 = vector.extract_strided_slice %get3A_24 {offsets = [12, 0], sizes = [1, 1536], strides = [1, 1]} : vector<64x1536xf32> to vector<1x1536xf32>
      %mul3A_274 = vector.broadcast %slice3A_273 : vector<1x1536xf32> to vector<16x1536xf32>
      %mul3A_275 = arith.mulf %mul3A_274, %neg3A_5 : vector<16x1536xf32>
      %exp3A_276 = math.exp %mul3A_275 : vector<16x1536xf32>
      %swap3A_277 = arith.constant 12 : index
      %swap3A_278 = arith.constant 0 : index
      %swap3A_279 = arith.constant 0 : index
      %swap3A_280 = vector.load %arg9[%swap3A_277, %swap3A_278, %swap3A_279] : memref<64x16x1536xf32, #tpu.memory_space<vmem>>, vector<1x16x1536xf32>
      %swap3A_281 = vector.shape_cast %swap3A_280 : vector<1x16x1536xf32> to vector<16x1536xf32>
      %swap3A_282 = vector.shape_cast %exp3A_276 : vector<16x1536xf32> to vector<1x16x1536xf32>
      tpu.vector_store %arg9[%swap3A_277, %swap3A_278, %swap3A_279], %swap3A_282 {strides = array<i32>} : memref<64x16x1536xf32, #tpu.memory_space<vmem>>, vector<1x16x1536xf32>,
      %slice3A_283 = vector.extract_strided_slice %get3A_30 {offsets = [12, 0], sizes = [1, 16], strides = [1, 1]} : vector<64x16xf32> to vector<1x16xf32>
      %slice3A_284 = vector.extract_strided_slice %mul3A_34 {offsets = [12, 0], sizes = [1, 1536], strides = [1, 1]} : vector<64x1536xf32> to vector<1x1536xf32>
      %dot_general3A_285 = arith.constant dense<0.000000e+00> : vector<16x1536xf32>
      %dot_general3A_286 = tpu.matmul %slice3A_283, %slice3A_284, %dot_general3A_285 {dimension_numbers = #tpu.dot_dimension_numbers<[0], [0], [1], [1], [0, 1, 1, 1], [], []>, transpose_lhs_hint = false} : vector<1x16xf32>, vector<1x1536xf32>, vector<16x1536xf32> -> vector<16x1536xf32>
      %swap3A_287 = arith.constant 12 : index
      %swap3A_288 = arith.constant 0 : index
      %swap3A_289 = arith.constant 0 : index
      %swap3A_290 = vector.load %arg10[%swap3A_287, %swap3A_288, %swap3A_289] : memref<64x16x1536xf32, #tpu.memory_space<vmem>>, vector<1x16x1536xf32>
      %swap3A_291 = vector.shape_cast %swap3A_290 : vector<1x16x1536xf32> to vector<16x1536xf32>
      %swap3A_292 = vector.shape_cast %dot_general3A_286 : vector<16x1536xf32> to vector<1x16x1536xf32>
      tpu.vector_store %arg10[%swap3A_287, %swap3A_288, %swap3A_289], %swap3A_292 {strides = array<i32>} : memref<64x16x1536xf32, #tpu.memory_space<vmem>>, vector<1x16x1536xf32>,
      %slice3A_293 = vector.extract_strided_slice %get3A_24 {offsets = [13, 0], sizes = [1, 1536], strides = [1, 1]} : vector<64x1536xf32> to vector<1x1536xf32>
      %mul3A_294 = vector.broadcast %slice3A_293 : vector<1x1536xf32> to vector<16x1536xf32>
      %mul3A_295 = arith.mulf %mul3A_294, %neg3A_5 : vector<16x1536xf32>
      %exp3A_296 = math.exp %mul3A_295 : vector<16x1536xf32>
      %swap3A_297 = arith.constant 13 : index
      %swap3A_298 = arith.constant 0 : index
      %swap3A_299 = arith.constant 0 : index
      %swap3A_300 = vector.load %arg9[%swap3A_297, %swap3A_298, %swap3A_299] : memref<64x16x1536xf32, #tpu.memory_space<vmem>>, vector<1x16x1536xf32>
      %swap3A_301 = vector.shape_cast %swap3A_300 : vector<1x16x1536xf32> to vector<16x1536xf32>
      %swap3A_302 = vector.shape_cast %exp3A_296 : vector<16x1536xf32> to vector<1x16x1536xf32>
      tpu.vector_store %arg9[%swap3A_297, %swap3A_298, %swap3A_299], %swap3A_302 {strides = array<i32>} : memref<64x16x1536xf32, #tpu.memory_space<vmem>>, vector<1x16x1536xf32>,
      %slice3A_303 = vector.extract_strided_slice %get3A_30 {offsets = [13, 0], sizes = [1, 16], strides = [1, 1]} : vector<64x16xf32> to vector<1x16xf32>
      %slice3A_304 = vector.extract_strided_slice %mul3A_34 {offsets = [13, 0], sizes = [1, 1536], strides = [1, 1]} : vector<64x1536xf32> to vector<1x1536xf32>
      %dot_general3A_305 = arith.constant dense<0.000000e+00> : vector<16x1536xf32>
      %dot_general3A_306 = tpu.matmul %slice3A_303, %slice3A_304, %dot_general3A_305 {dimension_numbers = #tpu.dot_dimension_numbers<[0], [0], [1], [1], [0, 1, 1, 1], [], []>, transpose_lhs_hint = false} : vector<1x16xf32>, vector<1x1536xf32>, vector<16x1536xf32> -> vector<16x1536xf32>
      %swap3A_307 = arith.constant 13 : index
      %swap3A_308 = arith.constant 0 : index
      %swap3A_309 = arith.constant 0 : index
      %swap3A_310 = vector.load %arg10[%swap3A_307, %swap3A_308, %swap3A_309] : memref<64x16x1536xf32, #tpu.memory_space<vmem>>, vector<1x16x1536xf32>
      %swap3A_311 = vector.shape_cast %swap3A_310 : vector<1x16x1536xf32> to vector<16x1536xf32>
      %swap3A_312 = vector.shape_cast %dot_general3A_306 : vector<16x1536xf32> to vector<1x16x1536xf32>
      tpu.vector_store %arg10[%swap3A_307, %swap3A_308, %swap3A_309], %swap3A_312 {strides = array<i32>} : memref<64x16x1536xf32, #tpu.memory_space<vmem>>, vector<1x16x1536xf32>,
      %slice3A_313 = vector.extract_strided_slice %get3A_24 {offsets = [14, 0], sizes = [1, 1536], strides = [1, 1]} : vector<64x1536xf32> to vector<1x1536xf32>
      %mul3A_314 = vector.broadcast %slice3A_313 : vector<1x1536xf32> to vector<16x1536xf32>
      %mul3A_315 = arith.mulf %mul3A_314, %neg3A_5 : vector<16x1536xf32>
      %exp3A_316 = math.exp %mul3A_315 : vector<16x1536xf32>
      %swap3A_317 = arith.constant 14 : index
      %swap3A_318 = arith.constant 0 : index
      %swap3A_319 = arith.constant 0 : index
      %swap3A_320 = vector.load %arg9[%swap3A_317, %swap3A_318, %swap3A_319] : memref<64x16x1536xf32, #tpu.memory_space<vmem>>, vector<1x16x1536xf32>
      %swap3A_321 = vector.shape_cast %swap3A_320 : vector<1x16x1536xf32> to vector<16x1536xf32>
      %swap3A_322 = vector.shape_cast %exp3A_316 : vector<16x1536xf32> to vector<1x16x1536xf32>
      tpu.vector_store %arg9[%swap3A_317, %swap3A_318, %swap3A_319], %swap3A_322 {strides = array<i32>} : memref<64x16x1536xf32, #tpu.memory_space<vmem>>, vector<1x16x1536xf32>,
      %slice3A_323 = vector.extract_strided_slice %get3A_30 {offsets = [14, 0], sizes = [1, 16], strides = [1, 1]} : vector<64x16xf32> to vector<1x16xf32>
      %slice3A_324 = vector.extract_strided_slice %mul3A_34 {offsets = [14, 0], sizes = [1, 1536], strides = [1, 1]} : vector<64x1536xf32> to vector<1x1536xf32>
      %dot_general3A_325 = arith.constant dense<0.000000e+00> : vector<16x1536xf32>
      %dot_general3A_326 = tpu.matmul %slice3A_323, %slice3A_324, %dot_general3A_325 {dimension_numbers = #tpu.dot_dimension_numbers<[0], [0], [1], [1], [0, 1, 1, 1], [], []>, transpose_lhs_hint = false} : vector<1x16xf32>, vector<1x1536xf32>, vector<16x1536xf32> -> vector<16x1536xf32>
      %swap3A_327 = arith.constant 14 : index
      %swap3A_328 = arith.constant 0 : index
      %swap3A_329 = arith.constant 0 : index
      %swap3A_330 = vector.load %arg10[%swap3A_327, %swap3A_328, %swap3A_329] : memref<64x16x1536xf32, #tpu.memory_space<vmem>>, vector<1x16x1536xf32>
      %swap3A_331 = vector.shape_cast %swap3A_330 : vector<1x16x1536xf32> to vector<16x1536xf32>
      %swap3A_332 = vector.shape_cast %dot_general3A_326 : vector<16x1536xf32> to vector<1x16x1536xf32>
      tpu.vector_store %arg10[%swap3A_327, %swap3A_328, %swap3A_329], %swap3A_332 {strides = array<i32>} : memref<64x16x1536xf32, #tpu.memory_space<vmem>>, vector<1x16x1536xf32>,
      %slice3A_333 = vector.extract_strided_slice %get3A_24 {offsets = [15, 0], sizes = [1, 1536], strides = [1, 1]} : vector<64x1536xf32> to vector<1x1536xf32>
      %mul3A_334 = vector.broadcast %slice3A_333 : vector<1x1536xf32> to vector<16x1536xf32>
      %mul3A_335 = arith.mulf %mul3A_334, %neg3A_5 : vector<16x1536xf32>
      %exp3A_336 = math.exp %mul3A_335 : vector<16x1536xf32>
      %swap3A_337 = arith.constant 15 : index
      %swap3A_338 = arith.constant 0 : index
      %swap3A_339 = arith.constant 0 : index
      %swap3A_340 = vector.load %arg9[%swap3A_337, %swap3A_338, %swap3A_339] : memref<64x16x1536xf32, #tpu.memory_space<vmem>>, vector<1x16x1536xf32>
      %swap3A_341 = vector.shape_cast %swap3A_340 : vector<1x16x1536xf32> to vector<16x1536xf32>
      %swap3A_342 = vector.shape_cast %exp3A_336 : vector<16x1536xf32> to vector<1x16x1536xf32>
      tpu.vector_store %arg9[%swap3A_337, %swap3A_338, %swap3A_339], %swap3A_342 {strides = array<i32>} : memref<64x16x1536xf32, #tpu.memory_space<vmem>>, vector<1x16x1536xf32>,
      %slice3A_343 = vector.extract_strided_slice %get3A_30 {offsets = [15, 0], sizes = [1, 16], strides = [1, 1]} : vector<64x16xf32> to vector<1x16xf32>
      %slice3A_344 = vector.extract_strided_slice %mul3A_34 {offsets = [15, 0], sizes = [1, 1536], strides = [1, 1]} : vector<64x1536xf32> to vector<1x1536xf32>
      %dot_general3A_345 = arith.constant dense<0.000000e+00> : vector<16x1536xf32>
      %dot_general3A_346 = tpu.matmul %slice3A_343, %slice3A_344, %dot_general3A_345 {dimension_numbers = #tpu.dot_dimension_numbers<[0], [0], [1], [1], [0, 1, 1, 1], [], []>, transpose_lhs_hint = false} : vector<1x16xf32>, vector<1x1536xf32>, vector<16x1536xf32> -> vector<16x1536xf32>
      %swap3A_347 = arith.constant 15 : index
      %swap3A_348 = arith.constant 0 : index
      %swap3A_349 = arith.constant 0 : index
      %swap3A_350 = vector.load %arg10[%swap3A_347, %swap3A_348, %swap3A_349] : memref<64x16x1536xf32, #tpu.memory_space<vmem>>, vector<1x16x1536xf32>
      %swap3A_351 = vector.shape_cast %swap3A_350 : vector<1x16x1536xf32> to vector<16x1536xf32>
      %swap3A_352 = vector.shape_cast %dot_general3A_346 : vector<16x1536xf32> to vector<1x16x1536xf32>
      tpu.vector_store %arg10[%swap3A_347, %swap3A_348, %swap3A_349], %swap3A_352 {strides = array<i32>} : memref<64x16x1536xf32, #tpu.memory_space<vmem>>, vector<1x16x1536xf32>,
      %slice3A_353 = vector.extract_strided_slice %get3A_24 {offsets = [16, 0], sizes = [1, 1536], strides = [1, 1]} : vector<64x1536xf32> to vector<1x1536xf32>
      %mul3A_354 = vector.broadcast %slice3A_353 : vector<1x1536xf32> to vector<16x1536xf32>
      %mul3A_355 = arith.mulf %mul3A_354, %neg3A_5 : vector<16x1536xf32>
      %exp3A_356 = math.exp %mul3A_355 : vector<16x1536xf32>
      %swap3A_357 = arith.constant 16 : index
      %swap3A_358 = arith.constant 0 : index
      %swap3A_359 = arith.constant 0 : index
      %swap3A_360 = vector.load %arg9[%swap3A_357, %swap3A_358, %swap3A_359] : memref<64x16x1536xf32, #tpu.memory_space<vmem>>, vector<1x16x1536xf32>
      %swap3A_361 = vector.shape_cast %swap3A_360 : vector<1x16x1536xf32> to vector<16x1536xf32>
      %swap3A_362 = vector.shape_cast %exp3A_356 : vector<16x1536xf32> to vector<1x16x1536xf32>
      tpu.vector_store %arg9[%swap3A_357, %swap3A_358, %swap3A_359], %swap3A_362 {strides = array<i32>} : memref<64x16x1536xf32, #tpu.memory_space<vmem>>, vector<1x16x1536xf32>,
      %slice3A_363 = vector.extract_strided_slice %get3A_30 {offsets = [16, 0], sizes = [1, 16], strides = [1, 1]} : vector<64x16xf32> to vector<1x16xf32>
      %slice3A_364 = vector.extract_strided_slice %mul3A_34 {offsets = [16, 0], sizes = [1, 1536], strides = [1, 1]} : vector<64x1536xf32> to vector<1x1536xf32>
      %dot_general3A_365 = arith.constant dense<0.000000e+00> : vector<16x1536xf32>
      %dot_general3A_366 = tpu.matmul %slice3A_363, %slice3A_364, %dot_general3A_365 {dimension_numbers = #tpu.dot_dimension_numbers<[0], [0], [1], [1], [0, 1, 1, 1], [], []>, transpose_lhs_hint = false} : vector<1x16xf32>, vector<1x1536xf32>, vector<16x1536xf32> -> vector<16x1536xf32>
      %swap3A_367 = arith.constant 16 : index
      %swap3A_368 = arith.constant 0 : index
      %swap3A_369 = arith.constant 0 : index
      %swap3A_370 = vector.load %arg10[%swap3A_367, %swap3A_368, %swap3A_369] : memref<64x16x1536xf32, #tpu.memory_space<vmem>>, vector<1x16x1536xf32>
      %swap3A_371 = vector.shape_cast %swap3A_370 : vector<1x16x1536xf32> to vector<16x1536xf32>
      %swap3A_372 = vector.shape_cast %dot_general3A_366 : vector<16x1536xf32> to vector<1x16x1536xf32>
      tpu.vector_store %arg10[%swap3A_367, %swap3A_368, %swap3A_369], %swap3A_372 {strides = array<i32>} : memref<64x16x1536xf32, #tpu.memory_space<vmem>>, vector<1x16x1536xf32>,
      %slice3A_373 = vector.extract_strided_slice %get3A_24 {offsets = [17, 0], sizes = [1, 1536], strides = [1, 1]} : vector<64x1536xf32> to vector<1x1536xf32>
      %mul3A_374 = vector.broadcast %slice3A_373 : vector<1x1536xf32> to vector<16x1536xf32>
      %mul3A_375 = arith.mulf %mul3A_374, %neg3A_5 : vector<16x1536xf32>
      %exp3A_376 = math.exp %mul3A_375 : vector<16x1536xf32>
      %swap3A_377 = arith.constant 17 : index
      %swap3A_378 = arith.constant 0 : index
      %swap3A_379 = arith.constant 0 : index
      %swap3A_380 = vector.load %arg9[%swap3A_377, %swap3A_378, %swap3A_379] : memref<64x16x1536xf32, #tpu.memory_space<vmem>>, vector<1x16x1536xf32>
      %swap3A_381 = vector.shape_cast %swap3A_380 : vector<1x16x1536xf32> to vector<16x1536xf32>
      %swap3A_382 = vector.shape_cast %exp3A_376 : vector<16x1536xf32> to vector<1x16x1536xf32>
      tpu.vector_store %arg9[%swap3A_377, %swap3A_378, %swap3A_379], %swap3A_382 {strides = array<i32>} : memref<64x16x1536xf32, #tpu.memory_space<vmem>>, vector<1x16x1536xf32>,
      %slice3A_383 = vector.extract_strided_slice %get3A_30 {offsets = [17, 0], sizes = [1, 16], strides = [1, 1]} : vector<64x16xf32> to vector<1x16xf32>
      %slice3A_384 = vector.extract_strided_slice %mul3A_34 {offsets = [17, 0], sizes = [1, 1536], strides = [1, 1]} : vector<64x1536xf32> to vector<1x1536xf32>
      %dot_general3A_385 = arith.constant dense<0.000000e+00> : vector<16x1536xf32>
      %dot_general3A_386 = tpu.matmul %slice3A_383, %slice3A_384, %dot_general3A_385 {dimension_numbers = #tpu.dot_dimension_numbers<[0], [0], [1], [1], [0, 1, 1, 1], [], []>, transpose_lhs_hint = false} : vector<1x16xf32>, vector<1x1536xf32>, vector<16x1536xf32> -> vector<16x1536xf32>
      %swap3A_387 = arith.constant 17 : index
      %swap3A_388 = arith.constant 0 : index
      %swap3A_389 = arith.constant 0 : index
      %swap3A_390 = vector.load %arg10[%swap3A_387, %swap3A_388, %swap3A_389] : memref<64x16x1536xf32, #tpu.memory_space<vmem>>, vector<1x16x1536xf32>
      %swap3A_391 = vector.shape_cast %swap3A_390 : vector<1x16x1536xf32> to vector<16x1536xf32>
      %swap3A_392 = vector.shape_cast %dot_general3A_386 : vector<16x1536xf32> to vector<1x16x1536xf32>
      tpu.vector_store %arg10[%swap3A_387, %swap3A_388, %swap3A_389], %swap3A_392 {strides = array<i32>} : memref<64x16x1536xf32, #tpu.memory_space<vmem>>, vector<1x16x1536xf32>,
      %slice3A_393 = vector.extract_strided_slice %get3A_24 {offsets = [18, 0], sizes = [1, 1536], strides = [1, 1]} : vector<64x1536xf32> to vector<1x1536xf32>
      %mul3A_394 = vector.broadcast %slice3A_393 : vector<1x1536xf32> to vector<16x1536xf32>
      %mul3A_395 = arith.mulf %mul3A_394, %neg3A_5 : vector<16x1536xf32>
      %exp3A_396 = math.exp %mul3A_395 : vector<16x1536xf32>
      %swap3A_397 = arith.constant 18 : index
      %swap3A_398 = arith.constant 0 : index
      %swap3A_399 = arith.constant 0 : index
      %swap3A_400 = vector.load %arg9[%swap3A_397, %swap3A_398, %swap3A_399] : memref<64x16x1536xf32, #tpu.memory_space<vmem>>, vector<1x16x1536xf32>
      %swap3A_401 = vector.shape_cast %swap3A_400 : vector<1x16x1536xf32> to vector<16x1536xf32>
      %swap3A_402 = vector.shape_cast %exp3A_396 : vector<16x1536xf32> to vector<1x16x1536xf32>
      tpu.vector_store %arg9[%swap3A_397, %swap3A_398, %swap3A_399], %swap3A_402 {strides = array<i32>} : memref<64x16x1536xf32, #tpu.memory_space<vmem>>, vector<1x16x1536xf32>,
      %slice3A_403 = vector.extract_strided_slice %get3A_30 {offsets = [18, 0], sizes = [1, 16], strides = [1, 1]} : vector<64x16xf32> to vector<1x16xf32>
      %slice3A_404 = vector.extract_strided_slice %mul3A_34 {offsets = [18, 0], sizes = [1, 1536], strides = [1, 1]} : vector<64x1536xf32> to vector<1x1536xf32>
      %dot_general3A_405 = arith.constant dense<0.000000e+00> : vector<16x1536xf32>
      %dot_general3A_406 = tpu.matmul %slice3A_403, %slice3A_404, %dot_general3A_405 {dimension_numbers = #tpu.dot_dimension_numbers<[0], [0], [1], [1], [0, 1, 1, 1], [], []>, transpose_lhs_hint = false} : vector<1x16xf32>, vector<1x1536xf32>, vector<16x1536xf32> -> vector<16x1536xf32>
      %swap3A_407 = arith.constant 18 : index
      %swap3A_408 = arith.constant 0 : index
      %swap3A_409 = arith.constant 0 : index
      %swap3A_410 = vector.load %arg10[%swap3A_407, %swap3A_408, %swap3A_409] : memref<64x16x1536xf32, #tpu.memory_space<vmem>>, vector<1x16x1536xf32>
      %swap3A_411 = vector.shape_cast %swap3A_410 : vector<1x16x1536xf32> to vector<16x1536xf32>
      %swap3A_412 = vector.shape_cast %dot_general3A_406 : vector<16x1536xf32> to vector<1x16x1536xf32>
      tpu.vector_store %arg10[%swap3A_407, %swap3A_408, %swap3A_409], %swap3A_412 {strides = array<i32>} : memref<64x16x1536xf32, #tpu.memory_space<vmem>>, vector<1x16x1536xf32>,
      %slice3A_413 = vector.extract_strided_slice %get3A_24 {offsets = [19, 0], sizes = [1, 1536], strides = [1, 1]} : vector<64x1536xf32> to vector<1x1536xf32>
      %mul3A_414 = vector.broadcast %slice3A_413 : vector<1x1536xf32> to vector<16x1536xf32>
      %mul3A_415 = arith.mulf %mul3A_414, %neg3A_5 : vector<16x1536xf32>
      %exp3A_416 = math.exp %mul3A_415 : vector<16x1536xf32>
      %swap3A_417 = arith.constant 19 : index
      %swap3A_418 = arith.constant 0 : index
      %swap3A_419 = arith.constant 0 : index
      %swap3A_420 = vector.load %arg9[%swap3A_417, %swap3A_418, %swap3A_419] : memref<64x16x1536xf32, #tpu.memory_space<vmem>>, vector<1x16x1536xf32>
      %swap3A_421 = vector.shape_cast %swap3A_420 : vector<1x16x1536xf32> to vector<16x1536xf32>
      %swap3A_422 = vector.shape_cast %exp3A_416 : vector<16x1536xf32> to vector<1x16x1536xf32>
      tpu.vector_store %arg9[%swap3A_417, %swap3A_418, %swap3A_419], %swap3A_422 {strides = array<i32>} : memref<64x16x1536xf32, #tpu.memory_space<vmem>>, vector<1x16x1536xf32>,
      %slice3A_423 = vector.extract_strided_slice %get3A_30 {offsets = [19, 0], sizes = [1, 16], strides = [1, 1]} : vector<64x16xf32> to vector<1x16xf32>
      %slice3A_424 = vector.extract_strided_slice %mul3A_34 {offsets = [19, 0], sizes = [1, 1536], strides = [1, 1]} : vector<64x1536xf32> to vector<1x1536xf32>
      %dot_general3A_425 = arith.constant dense<0.000000e+00> : vector<16x1536xf32>
      %dot_general3A_426 = tpu.matmul %slice3A_423, %slice3A_424, %dot_general3A_425 {dimension_numbers = #tpu.dot_dimension_numbers<[0], [0], [1], [1], [0, 1, 1, 1], [], []>, transpose_lhs_hint = false} : vector<1x16xf32>, vector<1x1536xf32>, vector<16x1536xf32> -> vector<16x1536xf32>
      %swap3A_427 = arith.constant 19 : index
      %swap3A_428 = arith.constant 0 : index
      %swap3A_429 = arith.constant 0 : index
      %swap3A_430 = vector.load %arg10[%swap3A_427, %swap3A_428, %swap3A_429] : memref<64x16x1536xf32, #tpu.memory_space<vmem>>, vector<1x16x1536xf32>
      %swap3A_431 = vector.shape_cast %swap3A_430 : vector<1x16x1536xf32> to vector<16x1536xf32>
      %swap3A_432 = vector.shape_cast %dot_general3A_426 : vector<16x1536xf32> to vector<1x16x1536xf32>
      tpu.vector_store %arg10[%swap3A_427, %swap3A_428, %swap3A_429], %swap3A_432 {strides = array<i32>} : memref<64x16x1536xf32, #tpu.memory_space<vmem>>, vector<1x16x1536xf32>,
      %slice3A_433 = vector.extract_strided_slice %get3A_24 {offsets = [20, 0], sizes = [1, 1536], strides = [1, 1]} : vector<64x1536xf32> to vector<1x1536xf32>
      %mul3A_434 = vector.broadcast %slice3A_433 : vector<1x1536xf32> to vector<16x1536xf32>
      %mul3A_435 = arith.mulf %mul3A_434, %neg3A_5 : vector<16x1536xf32>
      %exp3A_436 = math.exp %mul3A_435 : vector<16x1536xf32>
      %swap3A_437 = arith.constant 20 : index
      %swap3A_438 = arith.constant 0 : index
      %swap3A_439 = arith.constant 0 : index
      %swap3A_440 = vector.load %arg9[%swap3A_437, %swap3A_438, %swap3A_439] : memref<64x16x1536xf32, #tpu.memory_space<vmem>>, vector<1x16x1536xf32>
      %swap3A_441 = vector.shape_cast %swap3A_440 : vector<1x16x1536xf32> to vector<16x1536xf32>
      %swap3A_442 = vector.shape_cast %exp3A_436 : vector<16x1536xf32> to vector<1x16x1536xf32>
      tpu.vector_store %arg9[%swap3A_437, %swap3A_438, %swap3A_439], %swap3A_442 {strides = array<i32>} : memref<64x16x1536xf32, #tpu.memory_space<vmem>>, vector<1x16x1536xf32>,
      %slice3A_443 = vector.extract_strided_slice %get3A_30 {offsets = [20, 0], sizes = [1, 16], strides = [1, 1]} : vector<64x16xf32> to vector<1x16xf32>
      %slice3A_444 = vector.extract_strided_slice %mul3A_34 {offsets = [20, 0], sizes = [1, 1536], strides = [1, 1]} : vector<64x1536xf32> to vector<1x1536xf32>
      %dot_general3A_445 = arith.constant dense<0.000000e+00> : vector<16x1536xf32>
      %dot_general3A_446 = tpu.matmul %slice3A_443, %slice3A_444, %dot_general3A_445 {dimension_numbers = #tpu.dot_dimension_numbers<[0], [0], [1], [1], [0, 1, 1, 1], [], []>, transpose_lhs_hint = false} : vector<1x16xf32>, vector<1x1536xf32>, vector<16x1536xf32> -> vector<16x1536xf32>
      %swap3A_447 = arith.constant 20 : index
      %swap3A_448 = arith.constant 0 : index
      %swap3A_449 = arith.constant 0 : index
      %swap3A_450 = vector.load %arg10[%swap3A_447, %swap3A_448, %swap3A_449] : memref<64x16x1536xf32, #tpu.memory_space<vmem>>, vector<1x16x1536xf32>
      %swap3A_451 = vector.shape_cast %swap3A_450 : vector<1x16x1536xf32> to vector<16x1536xf32>
      %swap3A_452 = vector.shape_cast %dot_general3A_446 : vector<16x1536xf32> to vector<1x16x1536xf32>
      tpu.vector_store %arg10[%swap3A_447, %swap3A_448, %swap3A_449], %swap3A_452 {strides = array<i32>} : memref<64x16x1536xf32, #tpu.memory_space<vmem>>, vector<1x16x1536xf32>,
      %slice3A_453 = vector.extract_strided_slice %get3A_24 {offsets = [21, 0], sizes = [1, 1536], strides = [1, 1]} : vector<64x1536xf32> to vector<1x1536xf32>
      %mul3A_454 = vector.broadcast %slice3A_453 : vector<1x1536xf32> to vector<16x1536xf32>
      %mul3A_455 = arith.mulf %mul3A_454, %neg3A_5 : vector<16x1536xf32>
      %exp3A_456 = math.exp %mul3A_455 : vector<16x1536xf32>
      %swap3A_457 = arith.constant 21 : index
      %swap3A_458 = arith.constant 0 : index
      %swap3A_459 = arith.constant 0 : index
      %swap3A_460 = vector.load %arg9[%swap3A_457, %swap3A_458, %swap3A_459] : memref<64x16x1536xf32, #tpu.memory_space<vmem>>, vector<1x16x1536xf32>
      %swap3A_461 = vector.shape_cast %swap3A_460 : vector<1x16x1536xf32> to vector<16x1536xf32>
      %swap3A_462 = vector.shape_cast %exp3A_456 : vector<16x1536xf32> to vector<1x16x1536xf32>
      tpu.vector_store %arg9[%swap3A_457, %swap3A_458, %swap3A_459], %swap3A_462 {strides = array<i32>} : memref<64x16x1536xf32, #tpu.memory_space<vmem>>, vector<1x16x1536xf32>,
      %slice3A_463 = vector.extract_strided_slice %get3A_30 {offsets = [21, 0], sizes = [1, 16], strides = [1, 1]} : vector<64x16xf32> to vector<1x16xf32>
      %slice3A_464 = vector.extract_strided_slice %mul3A_34 {offsets = [21, 0], sizes = [1, 1536], strides = [1, 1]} : vector<64x1536xf32> to vector<1x1536xf32>
      %dot_general3A_465 = arith.constant dense<0.000000e+00> : vector<16x1536xf32>
      %dot_general3A_466 = tpu.matmul %slice3A_463, %slice3A_464, %dot_general3A_465 {dimension_numbers = #tpu.dot_dimension_numbers<[0], [0], [1], [1], [0, 1, 1, 1], [], []>, transpose_lhs_hint = false} : vector<1x16xf32>, vector<1x1536xf32>, vector<16x1536xf32> -> vector<16x1536xf32>
      %swap3A_467 = arith.constant 21 : index
      %swap3A_468 = arith.constant 0 : index
      %swap3A_469 = arith.constant 0 : index
      %swap3A_470 = vector.load %arg10[%swap3A_467, %swap3A_468, %swap3A_469] : memref<64x16x1536xf32, #tpu.memory_space<vmem>>, vector<1x16x1536xf32>
      %swap3A_471 = vector.shape_cast %swap3A_470 : vector<1x16x1536xf32> to vector<16x1536xf32>
      %swap3A_472 = vector.shape_cast %dot_general3A_466 : vector<16x1536xf32> to vector<1x16x1536xf32>
      tpu.vector_store %arg10[%swap3A_467, %swap3A_468, %swap3A_469], %swap3A_472 {strides = array<i32>} : memref<64x16x1536xf32, #tpu.memory_space<vmem>>, vector<1x16x1536xf32>,
      %slice3A_473 = vector.extract_strided_slice %get3A_24 {offsets = [22, 0], sizes = [1, 1536], strides = [1, 1]} : vector<64x1536xf32> to vector<1x1536xf32>
      %mul3A_474 = vector.broadcast %slice3A_473 : vector<1x1536xf32> to vector<16x1536xf32>
      %mul3A_475 = arith.mulf %mul3A_474, %neg3A_5 : vector<16x1536xf32>
      %exp3A_476 = math.exp %mul3A_475 : vector<16x1536xf32>
      %swap3A_477 = arith.constant 22 : index
      %swap3A_478 = arith.constant 0 : index
      %swap3A_479 = arith.constant 0 : index
      %swap3A_480 = vector.load %arg9[%swap3A_477, %swap3A_478, %swap3A_479] : memref<64x16x1536xf32, #tpu.memory_space<vmem>>, vector<1x16x1536xf32>
      %swap3A_481 = vector.shape_cast %swap3A_480 : vector<1x16x1536xf32> to vector<16x1536xf32>
      %swap3A_482 = vector.shape_cast %exp3A_476 : vector<16x1536xf32> to vector<1x16x1536xf32>
      tpu.vector_store %arg9[%swap3A_477, %swap3A_478, %swap3A_479], %swap3A_482 {strides = array<i32>} : memref<64x16x1536xf32, #tpu.memory_space<vmem>>, vector<1x16x1536xf32>,
      %slice3A_483 = vector.extract_strided_slice %get3A_30 {offsets = [22, 0], sizes = [1, 16], strides = [1, 1]} : vector<64x16xf32> to vector<1x16xf32>
      %slice3A_484 = vector.extract_strided_slice %mul3A_34 {offsets = [22, 0], sizes = [1, 1536], strides = [1, 1]} : vector<64x1536xf32> to vector<1x1536xf32>
      %dot_general3A_485 = arith.constant dense<0.000000e+00> : vector<16x1536xf32>
      %dot_general3A_486 = tpu.matmul %slice3A_483, %slice3A_484, %dot_general3A_485 {dimension_numbers = #tpu.dot_dimension_numbers<[0], [0], [1], [1], [0, 1, 1, 1], [], []>, transpose_lhs_hint = false} : vector<1x16xf32>, vector<1x1536xf32>, vector<16x1536xf32> -> vector<16x1536xf32>
      %swap3A_487 = arith.constant 22 : index
      %swap3A_488 = arith.constant 0 : index
      %swap3A_489 = arith.constant 0 : index
      %swap3A_490 = vector.load %arg10[%swap3A_487, %swap3A_488, %swap3A_489] : memref<64x16x1536xf32, #tpu.memory_space<vmem>>, vector<1x16x1536xf32>
      %swap3A_491 = vector.shape_cast %swap3A_490 : vector<1x16x1536xf32> to vector<16x1536xf32>
      %swap3A_492 = vector.shape_cast %dot_general3A_486 : vector<16x1536xf32> to vector<1x16x1536xf32>
      tpu.vector_store %arg10[%swap3A_487, %swap3A_488, %swap3A_489], %swap3A_492 {strides = array<i32>} : memref<64x16x1536xf32, #tpu.memory_space<vmem>>, vector<1x16x1536xf32>,
      %slice3A_493 = vector.extract_strided_slice %get3A_24 {offsets = [23, 0], sizes = [1, 1536], strides = [1, 1]} : vector<64x1536xf32> to vector<1x1536xf32>
      %mul3A_494 = vector.broadcast %slice3A_493 : vector<1x1536xf32> to vector<16x1536xf32>
      %mul3A_495 = arith.mulf %mul3A_494, %neg3A_5 : vector<16x1536xf32>
      %exp3A_496 = math.exp %mul3A_495 : vector<16x1536xf32>
      %swap3A_497 = arith.constant 23 : index
      %swap3A_498 = arith.constant 0 : index
      %swap3A_499 = arith.constant 0 : index
      %swap3A_500 = vector.load %arg9[%swap3A_497, %swap3A_498, %swap3A_499] : memref<64x16x1536xf32, #tpu.memory_space<vmem>>, vector<1x16x1536xf32>
      %swap3A_501 = vector.shape_cast %swap3A_500 : vector<1x16x1536xf32> to vector<16x1536xf32>
      %swap3A_502 = vector.shape_cast %exp3A_496 : vector<16x1536xf32> to vector<1x16x1536xf32>
      tpu.vector_store %arg9[%swap3A_497, %swap3A_498, %swap3A_499], %swap3A_502 {strides = array<i32>} : memref<64x16x1536xf32, #tpu.memory_space<vmem>>, vector<1x16x1536xf32>,
      %slice3A_503 = vector.extract_strided_slice %get3A_30 {offsets = [23, 0], sizes = [1, 16], strides = [1, 1]} : vector<64x16xf32> to vector<1x16xf32>
      %slice3A_504 = vector.extract_strided_slice %mul3A_34 {offsets = [23, 0], sizes = [1, 1536], strides = [1, 1]} : vector<64x1536xf32> to vector<1x1536xf32>
      %dot_general3A_505 = arith.constant dense<0.000000e+00> : vector<16x1536xf32>
      %dot_general3A_506 = tpu.matmul %slice3A_503, %slice3A_504, %dot_general3A_505 {dimension_numbers = #tpu.dot_dimension_numbers<[0], [0], [1], [1], [0, 1, 1, 1], [], []>, transpose_lhs_hint = false} : vector<1x16xf32>, vector<1x1536xf32>, vector<16x1536xf32> -> vector<16x1536xf32>
      %swap3A_507 = arith.constant 23 : index
      %swap3A_508 = arith.constant 0 : index
      %swap3A_509 = arith.constant 0 : index
      %swap3A_510 = vector.load %arg10[%swap3A_507, %swap3A_508, %swap3A_509] : memref<64x16x1536xf32, #tpu.memory_space<vmem>>, vector<1x16x1536xf32>
      %swap3A_511 = vector.shape_cast %swap3A_510 : vector<1x16x1536xf32> to vector<16x1536xf32>
      %swap3A_512 = vector.shape_cast %dot_general3A_506 : vector<16x1536xf32> to vector<1x16x1536xf32>
      tpu.vector_store %arg10[%swap3A_507, %swap3A_508, %swap3A_509], %swap3A_512 {strides = array<i32>} : memref<64x16x1536xf32, #tpu.memory_space<vmem>>, vector<1x16x1536xf32>,
      %slice3A_513 = vector.extract_strided_slice %get3A_24 {offsets = [24, 0], sizes = [1, 1536], strides = [1, 1]} : vector<64x1536xf32> to vector<1x1536xf32>
      %mul3A_514 = vector.broadcast %slice3A_513 : vector<1x1536xf32> to vector<16x1536xf32>
      %mul3A_515 = arith.mulf %mul3A_514, %neg3A_5 : vector<16x1536xf32>
      %exp3A_516 = math.exp %mul3A_515 : vector<16x1536xf32>
      %swap3A_517 = arith.constant 24 : index
      %swap3A_518 = arith.constant 0 : index
      %swap3A_519 = arith.constant 0 : index
      %swap3A_520 = vector.load %arg9[%swap3A_517, %swap3A_518, %swap3A_519] : memref<64x16x1536xf32, #tpu.memory_space<vmem>>, vector<1x16x1536xf32>
      %swap3A_521 = vector.shape_cast %swap3A_520 : vector<1x16x1536xf32> to vector<16x1536xf32>
      %swap3A_522 = vector.shape_cast %exp3A_516 : vector<16x1536xf32> to vector<1x16x1536xf32>
      tpu.vector_store %arg9[%swap3A_517, %swap3A_518, %swap3A_519], %swap3A_522 {strides = array<i32>} : memref<64x16x1536xf32, #tpu.memory_space<vmem>>, vector<1x16x1536xf32>,
      %slice3A_523 = vector.extract_strided_slice %get3A_30 {offsets = [24, 0], sizes = [1, 16], strides = [1, 1]} : vector<64x16xf32> to vector<1x16xf32>
      %slice3A_524 = vector.extract_strided_slice %mul3A_34 {offsets = [24, 0], sizes = [1, 1536], strides = [1, 1]} : vector<64x1536xf32> to vector<1x1536xf32>
      %dot_general3A_525 = arith.constant dense<0.000000e+00> : vector<16x1536xf32>
      %dot_general3A_526 = tpu.matmul %slice3A_523, %slice3A_524, %dot_general3A_525 {dimension_numbers = #tpu.dot_dimension_numbers<[0], [0], [1], [1], [0, 1, 1, 1], [], []>, transpose_lhs_hint = false} : vector<1x16xf32>, vector<1x1536xf32>, vector<16x1536xf32> -> vector<16x1536xf32>
      %swap3A_527 = arith.constant 24 : index
      %swap3A_528 = arith.constant 0 : index
      %swap3A_529 = arith.constant 0 : index
      %swap3A_530 = vector.load %arg10[%swap3A_527, %swap3A_528, %swap3A_529] : memref<64x16x1536xf32, #tpu.memory_space<vmem>>, vector<1x16x1536xf32>
      %swap3A_531 = vector.shape_cast %swap3A_530 : vector<1x16x1536xf32> to vector<16x1536xf32>
      %swap3A_532 = vector.shape_cast %dot_general3A_526 : vector<16x1536xf32> to vector<1x16x1536xf32>
      tpu.vector_store %arg10[%swap3A_527, %swap3A_528, %swap3A_529], %swap3A_532 {strides = array<i32>} : memref<64x16x1536xf32, #tpu.memory_space<vmem>>, vector<1x16x1536xf32>,
      %slice3A_533 = vector.extract_strided_slice %get3A_24 {offsets = [25, 0], sizes = [1, 1536], strides = [1, 1]} : vector<64x1536xf32> to vector<1x1536xf32>
      %mul3A_534 = vector.broadcast %slice3A_533 : vector<1x1536xf32> to vector<16x1536xf32>
      %mul3A_535 = arith.mulf %mul3A_534, %neg3A_5 : vector<16x1536xf32>
      %exp3A_536 = math.exp %mul3A_535 : vector<16x1536xf32>
      %swap3A_537 = arith.constant 25 : index
      %swap3A_538 = arith.constant 0 : index
      %swap3A_539 = arith.constant 0 : index
      %swap3A_540 = vector.load %arg9[%swap3A_537, %swap3A_538, %swap3A_539] : memref<64x16x1536xf32, #tpu.memory_space<vmem>>, vector<1x16x1536xf32>
      %swap3A_541 = vector.shape_cast %swap3A_540 : vector<1x16x1536xf32> to vector<16x1536xf32>
      %swap3A_542 = vector.shape_cast %exp3A_536 : vector<16x1536xf32> to vector<1x16x1536xf32>
      tpu.vector_store %arg9[%swap3A_537, %swap3A_538, %swap3A_539], %swap3A_542 {strides = array<i32>} : memref<64x16x1536xf32, #tpu.memory_space<vmem>>, vector<1x16x1536xf32>,
      %slice3A_543 = vector.extract_strided_slice %get3A_30 {offsets = [25, 0], sizes = [1, 16], strides = [1, 1]} : vector<64x16xf32> to vector<1x16xf32>
      %slice3A_544 = vector.extract_strided_slice %mul3A_34 {offsets = [25, 0], sizes = [1, 1536], strides = [1, 1]} : vector<64x1536xf32> to vector<1x1536xf32>
      %dot_general3A_545 = arith.constant dense<0.000000e+00> : vector<16x1536xf32>
      %dot_general3A_546 = tpu.matmul %slice3A_543, %slice3A_544, %dot_general3A_545 {dimension_numbers = #tpu.dot_dimension_numbers<[0], [0], [1], [1], [0, 1, 1, 1], [], []>, transpose_lhs_hint = false} : vector<1x16xf32>, vector<1x1536xf32>, vector<16x1536xf32> -> vector<16x1536xf32>
      %swap3A_547 = arith.constant 25 : index
      %swap3A_548 = arith.constant 0 : index
      %swap3A_549 = arith.constant 0 : index
      %swap3A_550 = vector.load %arg10[%swap3A_547, %swap3A_548, %swap3A_549] : memref<64x16x1536xf32, #tpu.memory_space<vmem>>, vector<1x16x1536xf32>
      %swap3A_551 = vector.shape_cast %swap3A_550 : vector<1x16x1536xf32> to vector<16x1536xf32>
      %swap3A_552 = vector.shape_cast %dot_general3A_546 : vector<16x1536xf32> to vector<1x16x1536xf32>
      tpu.vector_store %arg10[%swap3A_547, %swap3A_548, %swap3A_549], %swap3A_552 {strides = array<i32>} : memref<64x16x1536xf32, #tpu.memory_space<vmem>>, vector<1x16x1536xf32>,
      %slice3A_553 = vector.extract_strided_slice %get3A_24 {offsets = [26, 0], sizes = [1, 1536], strides = [1, 1]} : vector<64x1536xf32> to vector<1x1536xf32>
      %mul3A_554 = vector.broadcast %slice3A_553 : vector<1x1536xf32> to vector<16x1536xf32>
      %mul3A_555 = arith.mulf %mul3A_554, %neg3A_5 : vector<16x1536xf32>
      %exp3A_556 = math.exp %mul3A_555 : vector<16x1536xf32>
      %swap3A_557 = arith.constant 26 : index
      %swap3A_558 = arith.constant 0 : index
      %swap3A_559 = arith.constant 0 : index
      %swap3A_560 = vector.load %arg9[%swap3A_557, %swap3A_558, %swap3A_559] : memref<64x16x1536xf32, #tpu.memory_space<vmem>>, vector<1x16x1536xf32>
      %swap3A_561 = vector.shape_cast %swap3A_560 : vector<1x16x1536xf32> to vector<16x1536xf32>
      %swap3A_562 = vector.shape_cast %exp3A_556 : vector<16x1536xf32> to vector<1x16x1536xf32>
      tpu.vector_store %arg9[%swap3A_557, %swap3A_558, %swap3A_559], %swap3A_562 {strides = array<i32>} : memref<64x16x1536xf32, #tpu.memory_space<vmem>>, vector<1x16x1536xf32>,
      %slice3A_563 = vector.extract_strided_slice %get3A_30 {offsets = [26, 0], sizes = [1, 16], strides = [1, 1]} : vector<64x16xf32> to vector<1x16xf32>
      %slice3A_564 = vector.extract_strided_slice %mul3A_34 {offsets = [26, 0], sizes = [1, 1536], strides = [1, 1]} : vector<64x1536xf32> to vector<1x1536xf32>
      %dot_general3A_565 = arith.constant dense<0.000000e+00> : vector<16x1536xf32>
      %dot_general3A_566 = tpu.matmul %slice3A_563, %slice3A_564, %dot_general3A_565 {dimension_numbers = #tpu.dot_dimension_numbers<[0], [0], [1], [1], [0, 1, 1, 1], [], []>, transpose_lhs_hint = false} : vector<1x16xf32>, vector<1x1536xf32>, vector<16x1536xf32> -> vector<16x1536xf32>
      %swap3A_567 = arith.constant 26 : index
      %swap3A_568 = arith.constant 0 : index
      %swap3A_569 = arith.constant 0 : index
      %swap3A_570 = vector.load %arg10[%swap3A_567, %swap3A_568, %swap3A_569] : memref<64x16x1536xf32, #tpu.memory_space<vmem>>, vector<1x16x1536xf32>
      %swap3A_571 = vector.shape_cast %swap3A_570 : vector<1x16x1536xf32> to vector<16x1536xf32>
      %swap3A_572 = vector.shape_cast %dot_general3A_566 : vector<16x1536xf32> to vector<1x16x1536xf32>
      tpu.vector_store %arg10[%swap3A_567, %swap3A_568, %swap3A_569], %swap3A_572 {strides = array<i32>} : memref<64x16x1536xf32, #tpu.memory_space<vmem>>, vector<1x16x1536xf32>,
      %slice3A_573 = vector.extract_strided_slice %get3A_24 {offsets = [27, 0], sizes = [1, 1536], strides = [1, 1]} : vector<64x1536xf32> to vector<1x1536xf32>
      %mul3A_574 = vector.broadcast %slice3A_573 : vector<1x1536xf32> to vector<16x1536xf32>
      %mul3A_575 = arith.mulf %mul3A_574, %neg3A_5 : vector<16x1536xf32>
      %exp3A_576 = math.exp %mul3A_575 : vector<16x1536xf32>
      %swap3A_577 = arith.constant 27 : index
      %swap3A_578 = arith.constant 0 : index
      %swap3A_579 = arith.constant 0 : index
      %swap3A_580 = vector.load %arg9[%swap3A_577, %swap3A_578, %swap3A_579] : memref<64x16x1536xf32, #tpu.memory_space<vmem>>, vector<1x16x1536xf32>
      %swap3A_581 = vector.shape_cast %swap3A_580 : vector<1x16x1536xf32> to vector<16x1536xf32>
      %swap3A_582 = vector.shape_cast %exp3A_576 : vector<16x1536xf32> to vector<1x16x1536xf32>
      tpu.vector_store %arg9[%swap3A_577, %swap3A_578, %swap3A_579], %swap3A_582 {strides = array<i32>} : memref<64x16x1536xf32, #tpu.memory_space<vmem>>, vector<1x16x1536xf32>,
      %slice3A_583 = vector.extract_strided_slice %get3A_30 {offsets = [27, 0], sizes = [1, 16], strides = [1, 1]} : vector<64x16xf32> to vector<1x16xf32>
      %slice3A_584 = vector.extract_strided_slice %mul3A_34 {offsets = [27, 0], sizes = [1, 1536], strides = [1, 1]} : vector<64x1536xf32> to vector<1x1536xf32>
      %dot_general3A_585 = arith.constant dense<0.000000e+00> : vector<16x1536xf32>
      %dot_general3A_586 = tpu.matmul %slice3A_583, %slice3A_584, %dot_general3A_585 {dimension_numbers = #tpu.dot_dimension_numbers<[0], [0], [1], [1], [0, 1, 1, 1], [], []>, transpose_lhs_hint = false} : vector<1x16xf32>, vector<1x1536xf32>, vector<16x1536xf32> -> vector<16x1536xf32>
      %swap3A_587 = arith.constant 27 : index
      %swap3A_588 = arith.constant 0 : index
      %swap3A_589 = arith.constant 0 : index
      %swap3A_590 = vector.load %arg10[%swap3A_587, %swap3A_588, %swap3A_589] : memref<64x16x1536xf32, #tpu.memory_space<vmem>>, vector<1x16x1536xf32>
      %swap3A_591 = vector.shape_cast %swap3A_590 : vector<1x16x1536xf32> to vector<16x1536xf32>
      %swap3A_592 = vector.shape_cast %dot_general3A_586 : vector<16x1536xf32> to vector<1x16x1536xf32>
      tpu.vector_store %arg10[%swap3A_587, %swap3A_588, %swap3A_589], %swap3A_592 {strides = array<i32>} : memref<64x16x1536xf32, #tpu.memory_space<vmem>>, vector<1x16x1536xf32>,
      %slice3A_593 = vector.extract_strided_slice %get3A_24 {offsets = [28, 0], sizes = [1, 1536], strides = [1, 1]} : vector<64x1536xf32> to vector<1x1536xf32>
      %mul3A_594 = vector.broadcast %slice3A_593 : vector<1x1536xf32> to vector<16x1536xf32>
      %mul3A_595 = arith.mulf %mul3A_594, %neg3A_5 : vector<16x1536xf32>
      %exp3A_596 = math.exp %mul3A_595 : vector<16x1536xf32>
      %swap3A_597 = arith.constant 28 : index
      %swap3A_598 = arith.constant 0 : index
      %swap3A_599 = arith.constant 0 : index
      %swap3A_600 = vector.load %arg9[%swap3A_597, %swap3A_598, %swap3A_599] : memref<64x16x1536xf32, #tpu.memory_space<vmem>>, vector<1x16x1536xf32>
      %swap3A_601 = vector.shape_cast %swap3A_600 : vector<1x16x1536xf32> to vector<16x1536xf32>
      %swap3A_602 = vector.shape_cast %exp3A_596 : vector<16x1536xf32> to vector<1x16x1536xf32>
      tpu.vector_store %arg9[%swap3A_597, %swap3A_598, %swap3A_599], %swap3A_602 {strides = array<i32>} : memref<64x16x1536xf32, #tpu.memory_space<vmem>>, vector<1x16x1536xf32>,
      %slice3A_603 = vector.extract_strided_slice %get3A_30 {offsets = [28, 0], sizes = [1, 16], strides = [1, 1]} : vector<64x16xf32> to vector<1x16xf32>
      %slice3A_604 = vector.extract_strided_slice %mul3A_34 {offsets = [28, 0], sizes = [1, 1536], strides = [1, 1]} : vector<64x1536xf32> to vector<1x1536xf32>
      %dot_general3A_605 = arith.constant dense<0.000000e+00> : vector<16x1536xf32>
      %dot_general3A_606 = tpu.matmul %slice3A_603, %slice3A_604, %dot_general3A_605 {dimension_numbers = #tpu.dot_dimension_numbers<[0], [0], [1], [1], [0, 1, 1, 1], [], []>, transpose_lhs_hint = false} : vector<1x16xf32>, vector<1x1536xf32>, vector<16x1536xf32> -> vector<16x1536xf32>
      %swap3A_607 = arith.constant 28 : index
      %swap3A_608 = arith.constant 0 : index
      %swap3A_609 = arith.constant 0 : index
      %swap3A_610 = vector.load %arg10[%swap3A_607, %swap3A_608, %swap3A_609] : memref<64x16x1536xf32, #tpu.memory_space<vmem>>, vector<1x16x1536xf32>
      %swap3A_611 = vector.shape_cast %swap3A_610 : vector<1x16x1536xf32> to vector<16x1536xf32>
      %swap3A_612 = vector.shape_cast %dot_general3A_606 : vector<16x1536xf32> to vector<1x16x1536xf32>
      tpu.vector_store %arg10[%swap3A_607, %swap3A_608, %swap3A_609], %swap3A_612 {strides = array<i32>} : memref<64x16x1536xf32, #tpu.memory_space<vmem>>, vector<1x16x1536xf32>,
      %slice3A_613 = vector.extract_strided_slice %get3A_24 {offsets = [29, 0], sizes = [1, 1536], strides = [1, 1]} : vector<64x1536xf32> to vector<1x1536xf32>
      %mul3A_614 = vector.broadcast %slice3A_613 : vector<1x1536xf32> to vector<16x1536xf32>
      %mul3A_615 = arith.mulf %mul3A_614, %neg3A_5 : vector<16x1536xf32>
      %exp3A_616 = math.exp %mul3A_615 : vector<16x1536xf32>
      %swap3A_617 = arith.constant 29 : index
      %swap3A_618 = arith.constant 0 : index
      %swap3A_619 = arith.constant 0 : index
      %swap3A_620 = vector.load %arg9[%swap3A_617, %swap3A_618, %swap3A_619] : memref<64x16x1536xf32, #tpu.memory_space<vmem>>, vector<1x16x1536xf32>
      %swap3A_621 = vector.shape_cast %swap3A_620 : vector<1x16x1536xf32> to vector<16x1536xf32>
      %swap3A_622 = vector.shape_cast %exp3A_616 : vector<16x1536xf32> to vector<1x16x1536xf32>
      tpu.vector_store %arg9[%swap3A_617, %swap3A_618, %swap3A_619], %swap3A_622 {strides = array<i32>} : memref<64x16x1536xf32, #tpu.memory_space<vmem>>, vector<1x16x1536xf32>,
      %slice3A_623 = vector.extract_strided_slice %get3A_30 {offsets = [29, 0], sizes = [1, 16], strides = [1, 1]} : vector<64x16xf32> to vector<1x16xf32>
      %slice3A_624 = vector.extract_strided_slice %mul3A_34 {offsets = [29, 0], sizes = [1, 1536], strides = [1, 1]} : vector<64x1536xf32> to vector<1x1536xf32>
      %dot_general3A_625 = arith.constant dense<0.000000e+00> : vector<16x1536xf32>
      %dot_general3A_626 = tpu.matmul %slice3A_623, %slice3A_624, %dot_general3A_625 {dimension_numbers = #tpu.dot_dimension_numbers<[0], [0], [1], [1], [0, 1, 1, 1], [], []>, transpose_lhs_hint = false} : vector<1x16xf32>, vector<1x1536xf32>, vector<16x1536xf32> -> vector<16x1536xf32>
      %swap3A_627 = arith.constant 29 : index
      %swap3A_628 = arith.constant 0 : index
      %swap3A_629 = arith.constant 0 : index
      %swap3A_630 = vector.load %arg10[%swap3A_627, %swap3A_628, %swap3A_629] : memref<64x16x1536xf32, #tpu.memory_space<vmem>>, vector<1x16x1536xf32>
      %swap3A_631 = vector.shape_cast %swap3A_630 : vector<1x16x1536xf32> to vector<16x1536xf32>
      %swap3A_632 = vector.shape_cast %dot_general3A_626 : vector<16x1536xf32> to vector<1x16x1536xf32>
      tpu.vector_store %arg10[%swap3A_627, %swap3A_628, %swap3A_629], %swap3A_632 {strides = array<i32>} : memref<64x16x1536xf32, #tpu.memory_space<vmem>>, vector<1x16x1536xf32>,
      %slice3A_633 = vector.extract_strided_slice %get3A_24 {offsets = [30, 0], sizes = [1, 1536], strides = [1, 1]} : vector<64x1536xf32> to vector<1x1536xf32>
      %mul3A_634 = vector.broadcast %slice3A_633 : vector<1x1536xf32> to vector<16x1536xf32>
      %mul3A_635 = arith.mulf %mul3A_634, %neg3A_5 : vector<16x1536xf32>
      %exp3A_636 = math.exp %mul3A_635 : vector<16x1536xf32>
      %swap3A_637 = arith.constant 30 : index
      %swap3A_638 = arith.constant 0 : index
      %swap3A_639 = arith.constant 0 : index
      %swap3A_640 = vector.load %arg9[%swap3A_637, %swap3A_638, %swap3A_639] : memref<64x16x1536xf32, #tpu.memory_space<vmem>>, vector<1x16x1536xf32>
      %swap3A_641 = vector.shape_cast %swap3A_640 : vector<1x16x1536xf32> to vector<16x1536xf32>
      %swap3A_642 = vector.shape_cast %exp3A_636 : vector<16x1536xf32> to vector<1x16x1536xf32>
      tpu.vector_store %arg9[%swap3A_637, %swap3A_638, %swap3A_639], %swap3A_642 {strides = array<i32>} : memref<64x16x1536xf32, #tpu.memory_space<vmem>>, vector<1x16x1536xf32>,
      %slice3A_643 = vector.extract_strided_slice %get3A_30 {offsets = [30, 0], sizes = [1, 16], strides = [1, 1]} : vector<64x16xf32> to vector<1x16xf32>
      %slice3A_644 = vector.extract_strided_slice %mul3A_34 {offsets = [30, 0], sizes = [1, 1536], strides = [1, 1]} : vector<64x1536xf32> to vector<1x1536xf32>
      %dot_general3A_645 = arith.constant dense<0.000000e+00> : vector<16x1536xf32>
      %dot_general3A_646 = tpu.matmul %slice3A_643, %slice3A_644, %dot_general3A_645 {dimension_numbers = #tpu.dot_dimension_numbers<[0], [0], [1], [1], [0, 1, 1, 1], [], []>, transpose_lhs_hint = false} : vector<1x16xf32>, vector<1x1536xf32>, vector<16x1536xf32> -> vector<16x1536xf32>
      %swap3A_647 = arith.constant 30 : index
      %swap3A_648 = arith.constant 0 : index
      %swap3A_649 = arith.constant 0 : index
      %swap3A_650 = vector.load %arg10[%swap3A_647, %swap3A_648, %swap3A_649] : memref<64x16x1536xf32, #tpu.memory_space<vmem>>, vector<1x16x1536xf32>
      %swap3A_651 = vector.shape_cast %swap3A_650 : vector<1x16x1536xf32> to vector<16x1536xf32>
      %swap3A_652 = vector.shape_cast %dot_general3A_646 : vector<16x1536xf32> to vector<1x16x1536xf32>
      tpu.vector_store %arg10[%swap3A_647, %swap3A_648, %swap3A_649], %swap3A_652 {strides = array<i32>} : memref<64x16x1536xf32, #tpu.memory_space<vmem>>, vector<1x16x1536xf32>,
      %slice3A_653 = vector.extract_strided_slice %get3A_24 {offsets = [31, 0], sizes = [1, 1536], strides = [1, 1]} : vector<64x1536xf32> to vector<1x1536xf32>
      %mul3A_654 = vector.broadcast %slice3A_653 : vector<1x1536xf32> to vector<16x1536xf32>
      %mul3A_655 = arith.mulf %mul3A_654, %neg3A_5 : vector<16x1536xf32>
      %exp3A_656 = math.exp %mul3A_655 : vector<16x1536xf32>
      %swap3A_657 = arith.constant 31 : index
      %swap3A_658 = arith.constant 0 : index
      %swap3A_659 = arith.constant 0 : index
      %swap3A_660 = vector.load %arg9[%swap3A_657, %swap3A_658, %swap3A_659] : memref<64x16x1536xf32, #tpu.memory_space<vmem>>, vector<1x16x1536xf32>
      %swap3A_661 = vector.shape_cast %swap3A_660 : vector<1x16x1536xf32> to vector<16x1536xf32>
      %swap3A_662 = vector.shape_cast %exp3A_656 : vector<16x1536xf32> to vector<1x16x1536xf32>
      tpu.vector_store %arg9[%swap3A_657, %swap3A_658, %swap3A_659], %swap3A_662 {strides = array<i32>} : memref<64x16x1536xf32, #tpu.memory_space<vmem>>, vector<1x16x1536xf32>,
      %slice3A_663 = vector.extract_strided_slice %get3A_30 {offsets = [31, 0], sizes = [1, 16], strides = [1, 1]} : vector<64x16xf32> to vector<1x16xf32>
      %slice3A_664 = vector.extract_strided_slice %mul3A_34 {offsets = [31, 0], sizes = [1, 1536], strides = [1, 1]} : vector<64x1536xf32> to vector<1x1536xf32>
      %dot_general3A_665 = arith.constant dense<0.000000e+00> : vector<16x1536xf32>
      %dot_general3A_666 = tpu.matmul %slice3A_663, %slice3A_664, %dot_general3A_665 {dimension_numbers = #tpu.dot_dimension_numbers<[0], [0], [1], [1], [0, 1, 1, 1], [], []>, transpose_lhs_hint = false} : vector<1x16xf32>, vector<1x1536xf32>, vector<16x1536xf32> -> vector<16x1536xf32>
      %swap3A_667 = arith.constant 31 : index
      %swap3A_668 = arith.constant 0 : index
      %swap3A_669 = arith.constant 0 : index
      %swap3A_670 = vector.load %arg10[%swap3A_667, %swap3A_668, %swap3A_669] : memref<64x16x1536xf32, #tpu.memory_space<vmem>>, vector<1x16x1536xf32>
      %swap3A_671 = vector.shape_cast %swap3A_670 : vector<1x16x1536xf32> to vector<16x1536xf32>
      %swap3A_672 = vector.shape_cast %dot_general3A_666 : vector<16x1536xf32> to vector<1x16x1536xf32>
      tpu.vector_store %arg10[%swap3A_667, %swap3A_668, %swap3A_669], %swap3A_672 {strides = array<i32>} : memref<64x16x1536xf32, #tpu.memory_space<vmem>>, vector<1x16x1536xf32>,
      %slice3A_673 = vector.extract_strided_slice %get3A_24 {offsets = [32, 0], sizes = [1, 1536], strides = [1, 1]} : vector<64x1536xf32> to vector<1x1536xf32>
      %mul3A_674 = vector.broadcast %slice3A_673 : vector<1x1536xf32> to vector<16x1536xf32>
      %mul3A_675 = arith.mulf %mul3A_674, %neg3A_5 : vector<16x1536xf32>
      %exp3A_676 = math.exp %mul3A_675 : vector<16x1536xf32>
      %swap3A_677 = arith.constant 32 : index
      %swap3A_678 = arith.constant 0 : index
      %swap3A_679 = arith.constant 0 : index
      %swap3A_680 = vector.load %arg9[%swap3A_677, %swap3A_678, %swap3A_679] : memref<64x16x1536xf32, #tpu.memory_space<vmem>>, vector<1x16x1536xf32>
      %swap3A_681 = vector.shape_cast %swap3A_680 : vector<1x16x1536xf32> to vector<16x1536xf32>
      %swap3A_682 = vector.shape_cast %exp3A_676 : vector<16x1536xf32> to vector<1x16x1536xf32>
      tpu.vector_store %arg9[%swap3A_677, %swap3A_678, %swap3A_679], %swap3A_682 {strides = array<i32>} : memref<64x16x1536xf32, #tpu.memory_space<vmem>>, vector<1x16x1536xf32>,
      %slice3A_683 = vector.extract_strided_slice %get3A_30 {offsets = [32, 0], sizes = [1, 16], strides = [1, 1]} : vector<64x16xf32> to vector<1x16xf32>
      %slice3A_684 = vector.extract_strided_slice %mul3A_34 {offsets = [32, 0], sizes = [1, 1536], strides = [1, 1]} : vector<64x1536xf32> to vector<1x1536xf32>
      %dot_general3A_685 = arith.constant dense<0.000000e+00> : vector<16x1536xf32>
      %dot_general3A_686 = tpu.matmul %slice3A_683, %slice3A_684, %dot_general3A_685 {dimension_numbers = #tpu.dot_dimension_numbers<[0], [0], [1], [1], [0, 1, 1, 1], [], []>, transpose_lhs_hint = false} : vector<1x16xf32>, vector<1x1536xf32>, vector<16x1536xf32> -> vector<16x1536xf32>
      %swap3A_687 = arith.constant 32 : index
      %swap3A_688 = arith.constant 0 : index
      %swap3A_689 = arith.constant 0 : index
      %swap3A_690 = vector.load %arg10[%swap3A_687, %swap3A_688, %swap3A_689] : memref<64x16x1536xf32, #tpu.memory_space<vmem>>, vector<1x16x1536xf32>
      %swap3A_691 = vector.shape_cast %swap3A_690 : vector<1x16x1536xf32> to vector<16x1536xf32>
      %swap3A_692 = vector.shape_cast %dot_general3A_686 : vector<16x1536xf32> to vector<1x16x1536xf32>
      tpu.vector_store %arg10[%swap3A_687, %swap3A_688, %swap3A_689], %swap3A_692 {strides = array<i32>} : memref<64x16x1536xf32, #tpu.memory_space<vmem>>, vector<1x16x1536xf32>,
      %slice3A_693 = vector.extract_strided_slice %get3A_24 {offsets = [33, 0], sizes = [1, 1536], strides = [1, 1]} : vector<64x1536xf32> to vector<1x1536xf32>
      %mul3A_694 = vector.broadcast %slice3A_693 : vector<1x1536xf32> to vector<16x1536xf32>
      %mul3A_695 = arith.mulf %mul3A_694, %neg3A_5 : vector<16x1536xf32>
      %exp3A_696 = math.exp %mul3A_695 : vector<16x1536xf32>
      %swap3A_697 = arith.constant 33 : index
      %swap3A_698 = arith.constant 0 : index
      %swap3A_699 = arith.constant 0 : index
      %swap3A_700 = vector.load %arg9[%swap3A_697, %swap3A_698, %swap3A_699] : memref<64x16x1536xf32, #tpu.memory_space<vmem>>, vector<1x16x1536xf32>
      %swap3A_701 = vector.shape_cast %swap3A_700 : vector<1x16x1536xf32> to vector<16x1536xf32>
      %swap3A_702 = vector.shape_cast %exp3A_696 : vector<16x1536xf32> to vector<1x16x1536xf32>
      tpu.vector_store %arg9[%swap3A_697, %swap3A_698, %swap3A_699], %swap3A_702 {strides = array<i32>} : memref<64x16x1536xf32, #tpu.memory_space<vmem>>, vector<1x16x1536xf32>,
      %slice3A_703 = vector.extract_strided_slice %get3A_30 {offsets = [33, 0], sizes = [1, 16], strides = [1, 1]} : vector<64x16xf32> to vector<1x16xf32>
      %slice3A_704 = vector.extract_strided_slice %mul3A_34 {offsets = [33, 0], sizes = [1, 1536], strides = [1, 1]} : vector<64x1536xf32> to vector<1x1536xf32>
      %dot_general3A_705 = arith.constant dense<0.000000e+00> : vector<16x1536xf32>
      %dot_general3A_706 = tpu.matmul %slice3A_703, %slice3A_704, %dot_general3A_705 {dimension_numbers = #tpu.dot_dimension_numbers<[0], [0], [1], [1], [0, 1, 1, 1], [], []>, transpose_lhs_hint = false} : vector<1x16xf32>, vector<1x1536xf32>, vector<16x1536xf32> -> vector<16x1536xf32>
      %swap3A_707 = arith.constant 33 : index
      %swap3A_708 = arith.constant 0 : index
      %swap3A_709 = arith.constant 0 : index
      %swap3A_710 = vector.load %arg10[%swap3A_707, %swap3A_708, %swap3A_709] : memref<64x16x1536xf32, #tpu.memory_space<vmem>>, vector<1x16x1536xf32>
      %swap3A_711 = vector.shape_cast %swap3A_710 : vector<1x16x1536xf32> to vector<16x1536xf32>
      %swap3A_712 = vector.shape_cast %dot_general3A_706 : vector<16x1536xf32> to vector<1x16x1536xf32>
      tpu.vector_store %arg10[%swap3A_707, %swap3A_708, %swap3A_709], %swap3A_712 {strides = array<i32>} : memref<64x16x1536xf32, #tpu.memory_space<vmem>>, vector<1x16x1536xf32>,
      %slice3A_713 = vector.extract_strided_slice %get3A_24 {offsets = [34, 0], sizes = [1, 1536], strides = [1, 1]} : vector<64x1536xf32> to vector<1x1536xf32>
      %mul3A_714 = vector.broadcast %slice3A_713 : vector<1x1536xf32> to vector<16x1536xf32>
      %mul3A_715 = arith.mulf %mul3A_714, %neg3A_5 : vector<16x1536xf32>
      %exp3A_716 = math.exp %mul3A_715 : vector<16x1536xf32>
      %swap3A_717 = arith.constant 34 : index
      %swap3A_718 = arith.constant 0 : index
      %swap3A_719 = arith.constant 0 : index
      %swap3A_720 = vector.load %arg9[%swap3A_717, %swap3A_718, %swap3A_719] : memref<64x16x1536xf32, #tpu.memory_space<vmem>>, vector<1x16x1536xf32>
      %swap3A_721 = vector.shape_cast %swap3A_720 : vector<1x16x1536xf32> to vector<16x1536xf32>
      %swap3A_722 = vector.shape_cast %exp3A_716 : vector<16x1536xf32> to vector<1x16x1536xf32>
      tpu.vector_store %arg9[%swap3A_717, %swap3A_718, %swap3A_719], %swap3A_722 {strides = array<i32>} : memref<64x16x1536xf32, #tpu.memory_space<vmem>>, vector<1x16x1536xf32>,
      %slice3A_723 = vector.extract_strided_slice %get3A_30 {offsets = [34, 0], sizes = [1, 16], strides = [1, 1]} : vector<64x16xf32> to vector<1x16xf32>
      %slice3A_724 = vector.extract_strided_slice %mul3A_34 {offsets = [34, 0], sizes = [1, 1536], strides = [1, 1]} : vector<64x1536xf32> to vector<1x1536xf32>
      %dot_general3A_725 = arith.constant dense<0.000000e+00> : vector<16x1536xf32>
      %dot_general3A_726 = tpu.matmul %slice3A_723, %slice3A_724, %dot_general3A_725 {dimension_numbers = #tpu.dot_dimension_numbers<[0], [0], [1], [1], [0, 1, 1, 1], [], []>, transpose_lhs_hint = false} : vector<1x16xf32>, vector<1x1536xf32>, vector<16x1536xf32> -> vector<16x1536xf32>
      %swap3A_727 = arith.constant 34 : index
      %swap3A_728 = arith.constant 0 : index
      %swap3A_729 = arith.constant 0 : index
      %swap3A_730 = vector.load %arg10[%swap3A_727, %swap3A_728, %swap3A_729] : memref<64x16x1536xf32, #tpu.memory_space<vmem>>, vector<1x16x1536xf32>
      %swap3A_731 = vector.shape_cast %swap3A_730 : vector<1x16x1536xf32> to vector<16x1536xf32>
      %swap3A_732 = vector.shape_cast %dot_general3A_726 : vector<16x1536xf32> to vector<1x16x1536xf32>
      tpu.vector_store %arg10[%swap3A_727, %swap3A_728, %swap3A_729], %swap3A_732 {strides = array<i32>} : memref<64x16x1536xf32, #tpu.memory_space<vmem>>, vector<1x16x1536xf32>,
      %slice3A_733 = vector.extract_strided_slice %get3A_24 {offsets = [35, 0], sizes = [1, 1536], strides = [1, 1]} : vector<64x1536xf32> to vector<1x1536xf32>
      %mul3A_734 = vector.broadcast %slice3A_733 : vector<1x1536xf32> to vector<16x1536xf32>
      %mul3A_735 = arith.mulf %mul3A_734, %neg3A_5 : vector<16x1536xf32>
      %exp3A_736 = math.exp %mul3A_735 : vector<16x1536xf32>
      %swap3A_737 = arith.constant 35 : index
      %swap3A_738 = arith.constant 0 : index
      %swap3A_739 = arith.constant 0 : index
      %swap3A_740 = vector.load %arg9[%swap3A_737, %swap3A_738, %swap3A_739] : memref<64x16x1536xf32, #tpu.memory_space<vmem>>, vector<1x16x1536xf32>
      %swap3A_741 = vector.shape_cast %swap3A_740 : vector<1x16x1536xf32> to vector<16x1536xf32>
      %swap3A_742 = vector.shape_cast %exp3A_736 : vector<16x1536xf32> to vector<1x16x1536xf32>
      tpu.vector_store %arg9[%swap3A_737, %swap3A_738, %swap3A_739], %swap3A_742 {strides = array<i32>} : memref<64x16x1536xf32, #tpu.memory_space<vmem>>, vector<1x16x1536xf32>,
      %slice3A_743 = vector.extract_strided_slice %get3A_30 {offsets = [35, 0], sizes = [1, 16], strides = [1, 1]} : vector<64x16xf32> to vector<1x16xf32>
      %slice3A_744 = vector.extract_strided_slice %mul3A_34 {offsets = [35, 0], sizes = [1, 1536], strides = [1, 1]} : vector<64x1536xf32> to vector<1x1536xf32>
      %dot_general3A_745 = arith.constant dense<0.000000e+00> : vector<16x1536xf32>
      %dot_general3A_746 = tpu.matmul %slice3A_743, %slice3A_744, %dot_general3A_745 {dimension_numbers = #tpu.dot_dimension_numbers<[0], [0], [1], [1], [0, 1, 1, 1], [], []>, transpose_lhs_hint = false} : vector<1x16xf32>, vector<1x1536xf32>, vector<16x1536xf32> -> vector<16x1536xf32>
      %swap3A_747 = arith.constant 35 : index
      %swap3A_748 = arith.constant 0 : index
      %swap3A_749 = arith.constant 0 : index
      %swap3A_750 = vector.load %arg10[%swap3A_747, %swap3A_748, %swap3A_749] : memref<64x16x1536xf32, #tpu.memory_space<vmem>>, vector<1x16x1536xf32>
      %swap3A_751 = vector.shape_cast %swap3A_750 : vector<1x16x1536xf32> to vector<16x1536xf32>
      %swap3A_752 = vector.shape_cast %dot_general3A_746 : vector<16x1536xf32> to vector<1x16x1536xf32>
      tpu.vector_store %arg10[%swap3A_747, %swap3A_748, %swap3A_749], %swap3A_752 {strides = array<i32>} : memref<64x16x1536xf32, #tpu.memory_space<vmem>>, vector<1x16x1536xf32>,
      %slice3A_753 = vector.extract_strided_slice %get3A_24 {offsets = [36, 0], sizes = [1, 1536], strides = [1, 1]} : vector<64x1536xf32> to vector<1x1536xf32>
      %mul3A_754 = vector.broadcast %slice3A_753 : vector<1x1536xf32> to vector<16x1536xf32>
      %mul3A_755 = arith.mulf %mul3A_754, %neg3A_5 : vector<16x1536xf32>
      %exp3A_756 = math.exp %mul3A_755 : vector<16x1536xf32>
      %swap3A_757 = arith.constant 36 : index
      %swap3A_758 = arith.constant 0 : index
      %swap3A_759 = arith.constant 0 : index
      %swap3A_760 = vector.load %arg9[%swap3A_757, %swap3A_758, %swap3A_759] : memref<64x16x1536xf32, #tpu.memory_space<vmem>>, vector<1x16x1536xf32>
      %swap3A_761 = vector.shape_cast %swap3A_760 : vector<1x16x1536xf32> to vector<16x1536xf32>
      %swap3A_762 = vector.shape_cast %exp3A_756 : vector<16x1536xf32> to vector<1x16x1536xf32>
      tpu.vector_store %arg9[%swap3A_757, %swap3A_758, %swap3A_759], %swap3A_762 {strides = array<i32>} : memref<64x16x1536xf32, #tpu.memory_space<vmem>>, vector<1x16x1536xf32>,
      %slice3A_763 = vector.extract_strided_slice %get3A_30 {offsets = [36, 0], sizes = [1, 16], strides = [1, 1]} : vector<64x16xf32> to vector<1x16xf32>
      %slice3A_764 = vector.extract_strided_slice %mul3A_34 {offsets = [36, 0], sizes = [1, 1536], strides = [1, 1]} : vector<64x1536xf32> to vector<1x1536xf32>
      %dot_general3A_765 = arith.constant dense<0.000000e+00> : vector<16x1536xf32>
      %dot_general3A_766 = tpu.matmul %slice3A_763, %slice3A_764, %dot_general3A_765 {dimension_numbers = #tpu.dot_dimension_numbers<[0], [0], [1], [1], [0, 1, 1, 1], [], []>, transpose_lhs_hint = false} : vector<1x16xf32>, vector<1x1536xf32>, vector<16x1536xf32> -> vector<16x1536xf32>
      %swap3A_767 = arith.constant 36 : index
      %swap3A_768 = arith.constant 0 : index
      %swap3A_769 = arith.constant 0 : index
      %swap3A_770 = vector.load %arg10[%swap3A_767, %swap3A_768, %swap3A_769] : memref<64x16x1536xf32, #tpu.memory_space<vmem>>, vector<1x16x1536xf32>
      %swap3A_771 = vector.shape_cast %swap3A_770 : vector<1x16x1536xf32> to vector<16x1536xf32>
      %swap3A_772 = vector.shape_cast %dot_general3A_766 : vector<16x1536xf32> to vector<1x16x1536xf32>
      tpu.vector_store %arg10[%swap3A_767, %swap3A_768, %swap3A_769], %swap3A_772 {strides = array<i32>} : memref<64x16x1536xf32, #tpu.memory_space<vmem>>, vector<1x16x1536xf32>,
      %slice3A_773 = vector.extract_strided_slice %get3A_24 {offsets = [37, 0], sizes = [1, 1536], strides = [1, 1]} : vector<64x1536xf32> to vector<1x1536xf32>
      %mul3A_774 = vector.broadcast %slice3A_773 : vector<1x1536xf32> to vector<16x1536xf32>
      %mul3A_775 = arith.mulf %mul3A_774, %neg3A_5 : vector<16x1536xf32>
      %exp3A_776 = math.exp %mul3A_775 : vector<16x1536xf32>
      %swap3A_777 = arith.constant 37 : index
      %swap3A_778 = arith.constant 0 : index
      %swap3A_779 = arith.constant 0 : index
      %swap3A_780 = vector.load %arg9[%swap3A_777, %swap3A_778, %swap3A_779] : memref<64x16x1536xf32, #tpu.memory_space<vmem>>, vector<1x16x1536xf32>
      %swap3A_781 = vector.shape_cast %swap3A_780 : vector<1x16x1536xf32> to vector<16x1536xf32>
      %swap3A_782 = vector.shape_cast %exp3A_776 : vector<16x1536xf32> to vector<1x16x1536xf32>
      tpu.vector_store %arg9[%swap3A_777, %swap3A_778, %swap3A_779], %swap3A_782 {strides = array<i32>} : memref<64x16x1536xf32, #tpu.memory_space<vmem>>, vector<1x16x1536xf32>,
      %slice3A_783 = vector.extract_strided_slice %get3A_30 {offsets = [37, 0], sizes = [1, 16], strides = [1, 1]} : vector<64x16xf32> to vector<1x16xf32>
      %slice3A_784 = vector.extract_strided_slice %mul3A_34 {offsets = [37, 0], sizes = [1, 1536], strides = [1, 1]} : vector<64x1536xf32> to vector<1x1536xf32>
      %dot_general3A_785 = arith.constant dense<0.000000e+00> : vector<16x1536xf32>
      %dot_general3A_786 = tpu.matmul %slice3A_783, %slice3A_784, %dot_general3A_785 {dimension_numbers = #tpu.dot_dimension_numbers<[0], [0], [1], [1], [0, 1, 1, 1], [], []>, transpose_lhs_hint = false} : vector<1x16xf32>, vector<1x1536xf32>, vector<16x1536xf32> -> vector<16x1536xf32>
      %swap3A_787 = arith.constant 37 : index
      %swap3A_788 = arith.constant 0 : index
      %swap3A_789 = arith.constant 0 : index
      %swap3A_790 = vector.load %arg10[%swap3A_787, %swap3A_788, %swap3A_789] : memref<64x16x1536xf32, #tpu.memory_space<vmem>>, vector<1x16x1536xf32>
      %swap3A_791 = vector.shape_cast %swap3A_790 : vector<1x16x1536xf32> to vector<16x1536xf32>
      %swap3A_792 = vector.shape_cast %dot_general3A_786 : vector<16x1536xf32> to vector<1x16x1536xf32>
      tpu.vector_store %arg10[%swap3A_787, %swap3A_788, %swap3A_789], %swap3A_792 {strides = array<i32>} : memref<64x16x1536xf32, #tpu.memory_space<vmem>>, vector<1x16x1536xf32>,
      %slice3A_793 = vector.extract_strided_slice %get3A_24 {offsets = [38, 0], sizes = [1, 1536], strides = [1, 1]} : vector<64x1536xf32> to vector<1x1536xf32>
      %mul3A_794 = vector.broadcast %slice3A_793 : vector<1x1536xf32> to vector<16x1536xf32>
      %mul3A_795 = arith.mulf %mul3A_794, %neg3A_5 : vector<16x1536xf32>
      %exp3A_796 = math.exp %mul3A_795 : vector<16x1536xf32>
      %swap3A_797 = arith.constant 38 : index
      %swap3A_798 = arith.constant 0 : index
      %swap3A_799 = arith.constant 0 : index
      %swap3A_800 = vector.load %arg9[%swap3A_797, %swap3A_798, %swap3A_799] : memref<64x16x1536xf32, #tpu.memory_space<vmem>>, vector<1x16x1536xf32>
      %swap3A_801 = vector.shape_cast %swap3A_800 : vector<1x16x1536xf32> to vector<16x1536xf32>
      %swap3A_802 = vector.shape_cast %exp3A_796 : vector<16x1536xf32> to vector<1x16x1536xf32>
      tpu.vector_store %arg9[%swap3A_797, %swap3A_798, %swap3A_799], %swap3A_802 {strides = array<i32>} : memref<64x16x1536xf32, #tpu.memory_space<vmem>>, vector<1x16x1536xf32>,
      %slice3A_803 = vector.extract_strided_slice %get3A_30 {offsets = [38, 0], sizes = [1, 16], strides = [1, 1]} : vector<64x16xf32> to vector<1x16xf32>
      %slice3A_804 = vector.extract_strided_slice %mul3A_34 {offsets = [38, 0], sizes = [1, 1536], strides = [1, 1]} : vector<64x1536xf32> to vector<1x1536xf32>
      %dot_general3A_805 = arith.constant dense<0.000000e+00> : vector<16x1536xf32>
      %dot_general3A_806 = tpu.matmul %slice3A_803, %slice3A_804, %dot_general3A_805 {dimension_numbers = #tpu.dot_dimension_numbers<[0], [0], [1], [1], [0, 1, 1, 1], [], []>, transpose_lhs_hint = false} : vector<1x16xf32>, vector<1x1536xf32>, vector<16x1536xf32> -> vector<16x1536xf32>
      %swap3A_807 = arith.constant 38 : index
      %swap3A_808 = arith.constant 0 : index
      %swap3A_809 = arith.constant 0 : index
      %swap3A_810 = vector.load %arg10[%swap3A_807, %swap3A_808, %swap3A_809] : memref<64x16x1536xf32, #tpu.memory_space<vmem>>, vector<1x16x1536xf32>
      %swap3A_811 = vector.shape_cast %swap3A_810 : vector<1x16x1536xf32> to vector<16x1536xf32>
      %swap3A_812 = vector.shape_cast %dot_general3A_806 : vector<16x1536xf32> to vector<1x16x1536xf32>
      tpu.vector_store %arg10[%swap3A_807, %swap3A_808, %swap3A_809], %swap3A_812 {strides = array<i32>} : memref<64x16x1536xf32, #tpu.memory_space<vmem>>, vector<1x16x1536xf32>,
      %slice3A_813 = vector.extract_strided_slice %get3A_24 {offsets = [39, 0], sizes = [1, 1536], strides = [1, 1]} : vector<64x1536xf32> to vector<1x1536xf32>
      %mul3A_814 = vector.broadcast %slice3A_813 : vector<1x1536xf32> to vector<16x1536xf32>
      %mul3A_815 = arith.mulf %mul3A_814, %neg3A_5 : vector<16x1536xf32>
      %exp3A_816 = math.exp %mul3A_815 : vector<16x1536xf32>
      %swap3A_817 = arith.constant 39 : index
      %swap3A_818 = arith.constant 0 : index
      %swap3A_819 = arith.constant 0 : index
      %swap3A_820 = vector.load %arg9[%swap3A_817, %swap3A_818, %swap3A_819] : memref<64x16x1536xf32, #tpu.memory_space<vmem>>, vector<1x16x1536xf32>
      %swap3A_821 = vector.shape_cast %swap3A_820 : vector<1x16x1536xf32> to vector<16x1536xf32>
      %swap3A_822 = vector.shape_cast %exp3A_816 : vector<16x1536xf32> to vector<1x16x1536xf32>
      tpu.vector_store %arg9[%swap3A_817, %swap3A_818, %swap3A_819], %swap3A_822 {strides = array<i32>} : memref<64x16x1536xf32, #tpu.memory_space<vmem>>, vector<1x16x1536xf32>,
      %slice3A_823 = vector.extract_strided_slice %get3A_30 {offsets = [39, 0], sizes = [1, 16], strides = [1, 1]} : vector<64x16xf32> to vector<1x16xf32>
      %slice3A_824 = vector.extract_strided_slice %mul3A_34 {offsets = [39, 0], sizes = [1, 1536], strides = [1, 1]} : vector<64x1536xf32> to vector<1x1536xf32>
      %dot_general3A_825 = arith.constant dense<0.000000e+00> : vector<16x1536xf32>
      %dot_general3A_826 = tpu.matmul %slice3A_823, %slice3A_824, %dot_general3A_825 {dimension_numbers = #tpu.dot_dimension_numbers<[0], [0], [1], [1], [0, 1, 1, 1], [], []>, transpose_lhs_hint = false} : vector<1x16xf32>, vector<1x1536xf32>, vector<16x1536xf32> -> vector<16x1536xf32>
      %swap3A_827 = arith.constant 39 : index
      %swap3A_828 = arith.constant 0 : index
      %swap3A_829 = arith.constant 0 : index
      %swap3A_830 = vector.load %arg10[%swap3A_827, %swap3A_828, %swap3A_829] : memref<64x16x1536xf32, #tpu.memory_space<vmem>>, vector<1x16x1536xf32>
      %swap3A_831 = vector.shape_cast %swap3A_830 : vector<1x16x1536xf32> to vector<16x1536xf32>
      %swap3A_832 = vector.shape_cast %dot_general3A_826 : vector<16x1536xf32> to vector<1x16x1536xf32>
      tpu.vector_store %arg10[%swap3A_827, %swap3A_828, %swap3A_829], %swap3A_832 {strides = array<i32>} : memref<64x16x1536xf32, #tpu.memory_space<vmem>>, vector<1x16x1536xf32>,
      %slice3A_833 = vector.extract_strided_slice %get3A_24 {offsets = [40, 0], sizes = [1, 1536], strides = [1, 1]} : vector<64x1536xf32> to vector<1x1536xf32>
      %mul3A_834 = vector.broadcast %slice3A_833 : vector<1x1536xf32> to vector<16x1536xf32>
      %mul3A_835 = arith.mulf %mul3A_834, %neg3A_5 : vector<16x1536xf32>
      %exp3A_836 = math.exp %mul3A_835 : vector<16x1536xf32>
      %swap3A_837 = arith.constant 40 : index
      %swap3A_838 = arith.constant 0 : index
      %swap3A_839 = arith.constant 0 : index
      %swap3A_840 = vector.load %arg9[%swap3A_837, %swap3A_838, %swap3A_839] : memref<64x16x1536xf32, #tpu.memory_space<vmem>>, vector<1x16x1536xf32>
      %swap3A_841 = vector.shape_cast %swap3A_840 : vector<1x16x1536xf32> to vector<16x1536xf32>
      %swap3A_842 = vector.shape_cast %exp3A_836 : vector<16x1536xf32> to vector<1x16x1536xf32>
      tpu.vector_store %arg9[%swap3A_837, %swap3A_838, %swap3A_839], %swap3A_842 {strides = array<i32>} : memref<64x16x1536xf32, #tpu.memory_space<vmem>>, vector<1x16x1536xf32>,
      %slice3A_843 = vector.extract_strided_slice %get3A_30 {offsets = [40, 0], sizes = [1, 16], strides = [1, 1]} : vector<64x16xf32> to vector<1x16xf32>
      %slice3A_844 = vector.extract_strided_slice %mul3A_34 {offsets = [40, 0], sizes = [1, 1536], strides = [1, 1]} : vector<64x1536xf32> to vector<1x1536xf32>
      %dot_general3A_845 = arith.constant dense<0.000000e+00> : vector<16x1536xf32>
      %dot_general3A_846 = tpu.matmul %slice3A_843, %slice3A_844, %dot_general3A_845 {dimension_numbers = #tpu.dot_dimension_numbers<[0], [0], [1], [1], [0, 1, 1, 1], [], []>, transpose_lhs_hint = false} : vector<1x16xf32>, vector<1x1536xf32>, vector<16x1536xf32> -> vector<16x1536xf32>
      %swap3A_847 = arith.constant 40 : index
      %swap3A_848 = arith.constant 0 : index
      %swap3A_849 = arith.constant 0 : index
      %swap3A_850 = vector.load %arg10[%swap3A_847, %swap3A_848, %swap3A_849] : memref<64x16x1536xf32, #tpu.memory_space<vmem>>, vector<1x16x1536xf32>
      %swap3A_851 = vector.shape_cast %swap3A_850 : vector<1x16x1536xf32> to vector<16x1536xf32>
      %swap3A_852 = vector.shape_cast %dot_general3A_846 : vector<16x1536xf32> to vector<1x16x1536xf32>
      tpu.vector_store %arg10[%swap3A_847, %swap3A_848, %swap3A_849], %swap3A_852 {strides = array<i32>} : memref<64x16x1536xf32, #tpu.memory_space<vmem>>, vector<1x16x1536xf32>,
      %slice3A_853 = vector.extract_strided_slice %get3A_24 {offsets = [41, 0], sizes = [1, 1536], strides = [1, 1]} : vector<64x1536xf32> to vector<1x1536xf32>
      %mul3A_854 = vector.broadcast %slice3A_853 : vector<1x1536xf32> to vector<16x1536xf32>
      %mul3A_855 = arith.mulf %mul3A_854, %neg3A_5 : vector<16x1536xf32>
      %exp3A_856 = math.exp %mul3A_855 : vector<16x1536xf32>
      %swap3A_857 = arith.constant 41 : index
      %swap3A_858 = arith.constant 0 : index
      %swap3A_859 = arith.constant 0 : index
      %swap3A_860 = vector.load %arg9[%swap3A_857, %swap3A_858, %swap3A_859] : memref<64x16x1536xf32, #tpu.memory_space<vmem>>, vector<1x16x1536xf32>
      %swap3A_861 = vector.shape_cast %swap3A_860 : vector<1x16x1536xf32> to vector<16x1536xf32>
      %swap3A_862 = vector.shape_cast %exp3A_856 : vector<16x1536xf32> to vector<1x16x1536xf32>
      tpu.vector_store %arg9[%swap3A_857, %swap3A_858, %swap3A_859], %swap3A_862 {strides = array<i32>} : memref<64x16x1536xf32, #tpu.memory_space<vmem>>, vector<1x16x1536xf32>,
      %slice3A_863 = vector.extract_strided_slice %get3A_30 {offsets = [41, 0], sizes = [1, 16], strides = [1, 1]} : vector<64x16xf32> to vector<1x16xf32>
      %slice3A_864 = vector.extract_strided_slice %mul3A_34 {offsets = [41, 0], sizes = [1, 1536], strides = [1, 1]} : vector<64x1536xf32> to vector<1x1536xf32>
      %dot_general3A_865 = arith.constant dense<0.000000e+00> : vector<16x1536xf32>
      %dot_general3A_866 = tpu.matmul %slice3A_863, %slice3A_864, %dot_general3A_865 {dimension_numbers = #tpu.dot_dimension_numbers<[0], [0], [1], [1], [0, 1, 1, 1], [], []>, transpose_lhs_hint = false} : vector<1x16xf32>, vector<1x1536xf32>, vector<16x1536xf32> -> vector<16x1536xf32>
      %swap3A_867 = arith.constant 41 : index
      %swap3A_868 = arith.constant 0 : index
      %swap3A_869 = arith.constant 0 : index
      %swap3A_870 = vector.load %arg10[%swap3A_867, %swap3A_868, %swap3A_869] : memref<64x16x1536xf32, #tpu.memory_space<vmem>>, vector<1x16x1536xf32>
      %swap3A_871 = vector.shape_cast %swap3A_870 : vector<1x16x1536xf32> to vector<16x1536xf32>
      %swap3A_872 = vector.shape_cast %dot_general3A_866 : vector<16x1536xf32> to vector<1x16x1536xf32>
      tpu.vector_store %arg10[%swap3A_867, %swap3A_868, %swap3A_869], %swap3A_872 {strides = array<i32>} : memref<64x16x1536xf32, #tpu.memory_space<vmem>>, vector<1x16x1536xf32>,
      %slice3A_873 = vector.extract_strided_slice %get3A_24 {offsets = [42, 0], sizes = [1, 1536], strides = [1, 1]} : vector<64x1536xf32> to vector<1x1536xf32>
      %mul3A_874 = vector.broadcast %slice3A_873 : vector<1x1536xf32> to vector<16x1536xf32>
      %mul3A_875 = arith.mulf %mul3A_874, %neg3A_5 : vector<16x1536xf32>
      %exp3A_876 = math.exp %mul3A_875 : vector<16x1536xf32>
      %swap3A_877 = arith.constant 42 : index
      %swap3A_878 = arith.constant 0 : index
      %swap3A_879 = arith.constant 0 : index
      %swap3A_880 = vector.load %arg9[%swap3A_877, %swap3A_878, %swap3A_879] : memref<64x16x1536xf32, #tpu.memory_space<vmem>>, vector<1x16x1536xf32>
      %swap3A_881 = vector.shape_cast %swap3A_880 : vector<1x16x1536xf32> to vector<16x1536xf32>
      %swap3A_882 = vector.shape_cast %exp3A_876 : vector<16x1536xf32> to vector<1x16x1536xf32>
      tpu.vector_store %arg9[%swap3A_877, %swap3A_878, %swap3A_879], %swap3A_882 {strides = array<i32>} : memref<64x16x1536xf32, #tpu.memory_space<vmem>>, vector<1x16x1536xf32>,
      %slice3A_883 = vector.extract_strided_slice %get3A_30 {offsets = [42, 0], sizes = [1, 16], strides = [1, 1]} : vector<64x16xf32> to vector<1x16xf32>
      %slice3A_884 = vector.extract_strided_slice %mul3A_34 {offsets = [42, 0], sizes = [1, 1536], strides = [1, 1]} : vector<64x1536xf32> to vector<1x1536xf32>
      %dot_general3A_885 = arith.constant dense<0.000000e+00> : vector<16x1536xf32>
      %dot_general3A_886 = tpu.matmul %slice3A_883, %slice3A_884, %dot_general3A_885 {dimension_numbers = #tpu.dot_dimension_numbers<[0], [0], [1], [1], [0, 1, 1, 1], [], []>, transpose_lhs_hint = false} : vector<1x16xf32>, vector<1x1536xf32>, vector<16x1536xf32> -> vector<16x1536xf32>
      %swap3A_887 = arith.constant 42 : index
      %swap3A_888 = arith.constant 0 : index
      %swap3A_889 = arith.constant 0 : index
      %swap3A_890 = vector.load %arg10[%swap3A_887, %swap3A_888, %swap3A_889] : memref<64x16x1536xf32, #tpu.memory_space<vmem>>, vector<1x16x1536xf32>
      %swap3A_891 = vector.shape_cast %swap3A_890 : vector<1x16x1536xf32> to vector<16x1536xf32>
      %swap3A_892 = vector.shape_cast %dot_general3A_886 : vector<16x1536xf32> to vector<1x16x1536xf32>
      tpu.vector_store %arg10[%swap3A_887, %swap3A_888, %swap3A_889], %swap3A_892 {strides = array<i32>} : memref<64x16x1536xf32, #tpu.memory_space<vmem>>, vector<1x16x1536xf32>,
      %slice3A_893 = vector.extract_strided_slice %get3A_24 {offsets = [43, 0], sizes = [1, 1536], strides = [1, 1]} : vector<64x1536xf32> to vector<1x1536xf32>
      %mul3A_894 = vector.broadcast %slice3A_893 : vector<1x1536xf32> to vector<16x1536xf32>
      %mul3A_895 = arith.mulf %mul3A_894, %neg3A_5 : vector<16x1536xf32>
      %exp3A_896 = math.exp %mul3A_895 : vector<16x1536xf32>
      %swap3A_897 = arith.constant 43 : index
      %swap3A_898 = arith.constant 0 : index
      %swap3A_899 = arith.constant 0 : index
      %swap3A_900 = vector.load %arg9[%swap3A_897, %swap3A_898, %swap3A_899] : memref<64x16x1536xf32, #tpu.memory_space<vmem>>, vector<1x16x1536xf32>
      %swap3A_901 = vector.shape_cast %swap3A_900 : vector<1x16x1536xf32> to vector<16x1536xf32>
      %swap3A_902 = vector.shape_cast %exp3A_896 : vector<16x1536xf32> to vector<1x16x1536xf32>
      tpu.vector_store %arg9[%swap3A_897, %swap3A_898, %swap3A_899], %swap3A_902 {strides = array<i32>} : memref<64x16x1536xf32, #tpu.memory_space<vmem>>, vector<1x16x1536xf32>,
      %slice3A_903 = vector.extract_strided_slice %get3A_30 {offsets = [43, 0], sizes = [1, 16], strides = [1, 1]} : vector<64x16xf32> to vector<1x16xf32>
      %slice3A_904 = vector.extract_strided_slice %mul3A_34 {offsets = [43, 0], sizes = [1, 1536], strides = [1, 1]} : vector<64x1536xf32> to vector<1x1536xf32>
      %dot_general3A_905 = arith.constant dense<0.000000e+00> : vector<16x1536xf32>
      %dot_general3A_906 = tpu.matmul %slice3A_903, %slice3A_904, %dot_general3A_905 {dimension_numbers = #tpu.dot_dimension_numbers<[0], [0], [1], [1], [0, 1, 1, 1], [], []>, transpose_lhs_hint = false} : vector<1x16xf32>, vector<1x1536xf32>, vector<16x1536xf32> -> vector<16x1536xf32>
      %swap3A_907 = arith.constant 43 : index
      %swap3A_908 = arith.constant 0 : index
      %swap3A_909 = arith.constant 0 : index
      %swap3A_910 = vector.load %arg10[%swap3A_907, %swap3A_908, %swap3A_909] : memref<64x16x1536xf32, #tpu.memory_space<vmem>>, vector<1x16x1536xf32>
      %swap3A_911 = vector.shape_cast %swap3A_910 : vector<1x16x1536xf32> to vector<16x1536xf32>
      %swap3A_912 = vector.shape_cast %dot_general3A_906 : vector<16x1536xf32> to vector<1x16x1536xf32>
      tpu.vector_store %arg10[%swap3A_907, %swap3A_908, %swap3A_909], %swap3A_912 {strides = array<i32>} : memref<64x16x1536xf32, #tpu.memory_space<vmem>>, vector<1x16x1536xf32>,
      %slice3A_913 = vector.extract_strided_slice %get3A_24 {offsets = [44, 0], sizes = [1, 1536], strides = [1, 1]} : vector<64x1536xf32> to vector<1x1536xf32>
      %mul3A_914 = vector.broadcast %slice3A_913 : vector<1x1536xf32> to vector<16x1536xf32>
      %mul3A_915 = arith.mulf %mul3A_914, %neg3A_5 : vector<16x1536xf32>
      %exp3A_916 = math.exp %mul3A_915 : vector<16x1536xf32>
      %swap3A_917 = arith.constant 44 : index
      %swap3A_918 = arith.constant 0 : index
      %swap3A_919 = arith.constant 0 : index
      %swap3A_920 = vector.load %arg9[%swap3A_917, %swap3A_918, %swap3A_919] : memref<64x16x1536xf32, #tpu.memory_space<vmem>>, vector<1x16x1536xf32>
      %swap3A_921 = vector.shape_cast %swap3A_920 : vector<1x16x1536xf32> to vector<16x1536xf32>
      %swap3A_922 = vector.shape_cast %exp3A_916 : vector<16x1536xf32> to vector<1x16x1536xf32>
      tpu.vector_store %arg9[%swap3A_917, %swap3A_918, %swap3A_919], %swap3A_922 {strides = array<i32>} : memref<64x16x1536xf32, #tpu.memory_space<vmem>>, vector<1x16x1536xf32>,
      %slice3A_923 = vector.extract_strided_slice %get3A_30 {offsets = [44, 0], sizes = [1, 16], strides = [1, 1]} : vector<64x16xf32> to vector<1x16xf32>
      %slice3A_924 = vector.extract_strided_slice %mul3A_34 {offsets = [44, 0], sizes = [1, 1536], strides = [1, 1]} : vector<64x1536xf32> to vector<1x1536xf32>
      %dot_general3A_925 = arith.constant dense<0.000000e+00> : vector<16x1536xf32>
      %dot_general3A_926 = tpu.matmul %slice3A_923, %slice3A_924, %dot_general3A_925 {dimension_numbers = #tpu.dot_dimension_numbers<[0], [0], [1], [1], [0, 1, 1, 1], [], []>, transpose_lhs_hint = false} : vector<1x16xf32>, vector<1x1536xf32>, vector<16x1536xf32> -> vector<16x1536xf32>
      %swap3A_927 = arith.constant 44 : index
      %swap3A_928 = arith.constant 0 : index
      %swap3A_929 = arith.constant 0 : index
      %swap3A_930 = vector.load %arg10[%swap3A_927, %swap3A_928, %swap3A_929] : memref<64x16x1536xf32, #tpu.memory_space<vmem>>, vector<1x16x1536xf32>
      %swap3A_931 = vector.shape_cast %swap3A_930 : vector<1x16x1536xf32> to vector<16x1536xf32>
      %swap3A_932 = vector.shape_cast %dot_general3A_926 : vector<16x1536xf32> to vector<1x16x1536xf32>
      tpu.vector_store %arg10[%swap3A_927, %swap3A_928, %swap3A_929], %swap3A_932 {strides = array<i32>} : memref<64x16x1536xf32, #tpu.memory_space<vmem>>, vector<1x16x1536xf32>,
      %slice3A_933 = vector.extract_strided_slice %get3A_24 {offsets = [45, 0], sizes = [1, 1536], strides = [1, 1]} : vector<64x1536xf32> to vector<1x1536xf32>
      %mul3A_934 = vector.broadcast %slice3A_933 : vector<1x1536xf32> to vector<16x1536xf32>
      %mul3A_935 = arith.mulf %mul3A_934, %neg3A_5 : vector<16x1536xf32>
      %exp3A_936 = math.exp %mul3A_935 : vector<16x1536xf32>
      %swap3A_937 = arith.constant 45 : index
      %swap3A_938 = arith.constant 0 : index
      %swap3A_939 = arith.constant 0 : index
      %swap3A_940 = vector.load %arg9[%swap3A_937, %swap3A_938, %swap3A_939] : memref<64x16x1536xf32, #tpu.memory_space<vmem>>, vector<1x16x1536xf32>
      %swap3A_941 = vector.shape_cast %swap3A_940 : vector<1x16x1536xf32> to vector<16x1536xf32>
      %swap3A_942 = vector.shape_cast %exp3A_936 : vector<16x1536xf32> to vector<1x16x1536xf32>
      tpu.vector_store %arg9[%swap3A_937, %swap3A_938, %swap3A_939], %swap3A_942 {strides = array<i32>} : memref<64x16x1536xf32, #tpu.memory_space<vmem>>, vector<1x16x1536xf32>,
      %slice3A_943 = vector.extract_strided_slice %get3A_30 {offsets = [45, 0], sizes = [1, 16], strides = [1, 1]} : vector<64x16xf32> to vector<1x16xf32>
      %slice3A_944 = vector.extract_strided_slice %mul3A_34 {offsets = [45, 0], sizes = [1, 1536], strides = [1, 1]} : vector<64x1536xf32> to vector<1x1536xf32>
      %dot_general3A_945 = arith.constant dense<0.000000e+00> : vector<16x1536xf32>
      %dot_general3A_946 = tpu.matmul %slice3A_943, %slice3A_944, %dot_general3A_945 {dimension_numbers = #tpu.dot_dimension_numbers<[0], [0], [1], [1], [0, 1, 1, 1], [], []>, transpose_lhs_hint = false} : vector<1x16xf32>, vector<1x1536xf32>, vector<16x1536xf32> -> vector<16x1536xf32>
      %swap3A_947 = arith.constant 45 : index
      %swap3A_948 = arith.constant 0 : index
      %swap3A_949 = arith.constant 0 : index
      %swap3A_950 = vector.load %arg10[%swap3A_947, %swap3A_948, %swap3A_949] : memref<64x16x1536xf32, #tpu.memory_space<vmem>>, vector<1x16x1536xf32>
      %swap3A_951 = vector.shape_cast %swap3A_950 : vector<1x16x1536xf32> to vector<16x1536xf32>
      %swap3A_952 = vector.shape_cast %dot_general3A_946 : vector<16x1536xf32> to vector<1x16x1536xf32>
      tpu.vector_store %arg10[%swap3A_947, %swap3A_948, %swap3A_949], %swap3A_952 {strides = array<i32>} : memref<64x16x1536xf32, #tpu.memory_space<vmem>>, vector<1x16x1536xf32>,
      %slice3A_953 = vector.extract_strided_slice %get3A_24 {offsets = [46, 0], sizes = [1, 1536], strides = [1, 1]} : vector<64x1536xf32> to vector<1x1536xf32>
      %mul3A_954 = vector.broadcast %slice3A_953 : vector<1x1536xf32> to vector<16x1536xf32>
      %mul3A_955 = arith.mulf %mul3A_954, %neg3A_5 : vector<16x1536xf32>
      %exp3A_956 = math.exp %mul3A_955 : vector<16x1536xf32>
      %swap3A_957 = arith.constant 46 : index
      %swap3A_958 = arith.constant 0 : index
      %swap3A_959 = arith.constant 0 : index
      %swap3A_960 = vector.load %arg9[%swap3A_957, %swap3A_958, %swap3A_959] : memref<64x16x1536xf32, #tpu.memory_space<vmem>>, vector<1x16x1536xf32>
      %swap3A_961 = vector.shape_cast %swap3A_960 : vector<1x16x1536xf32> to vector<16x1536xf32>
      %swap3A_962 = vector.shape_cast %exp3A_956 : vector<16x1536xf32> to vector<1x16x1536xf32>
      tpu.vector_store %arg9[%swap3A_957, %swap3A_958, %swap3A_959], %swap3A_962 {strides = array<i32>} : memref<64x16x1536xf32, #tpu.memory_space<vmem>>, vector<1x16x1536xf32>,
      %slice3A_963 = vector.extract_strided_slice %get3A_30 {offsets = [46, 0], sizes = [1, 16], strides = [1, 1]} : vector<64x16xf32> to vector<1x16xf32>
      %slice3A_964 = vector.extract_strided_slice %mul3A_34 {offsets = [46, 0], sizes = [1, 1536], strides = [1, 1]} : vector<64x1536xf32> to vector<1x1536xf32>
      %dot_general3A_965 = arith.constant dense<0.000000e+00> : vector<16x1536xf32>
      %dot_general3A_966 = tpu.matmul %slice3A_963, %slice3A_964, %dot_general3A_965 {dimension_numbers = #tpu.dot_dimension_numbers<[0], [0], [1], [1], [0, 1, 1, 1], [], []>, transpose_lhs_hint = false} : vector<1x16xf32>, vector<1x1536xf32>, vector<16x1536xf32> -> vector<16x1536xf32>
      %swap3A_967 = arith.constant 46 : index
      %swap3A_968 = arith.constant 0 : index
      %swap3A_969 = arith.constant 0 : index
      %swap3A_970 = vector.load %arg10[%swap3A_967, %swap3A_968, %swap3A_969] : memref<64x16x1536xf32, #tpu.memory_space<vmem>>, vector<1x16x1536xf32>
      %swap3A_971 = vector.shape_cast %swap3A_970 : vector<1x16x1536xf32> to vector<16x1536xf32>
      %swap3A_972 = vector.shape_cast %dot_general3A_966 : vector<16x1536xf32> to vector<1x16x1536xf32>
      tpu.vector_store %arg10[%swap3A_967, %swap3A_968, %swap3A_969], %swap3A_972 {strides = array<i32>} : memref<64x16x1536xf32, #tpu.memory_space<vmem>>, vector<1x16x1536xf32>,
      %slice3A_973 = vector.extract_strided_slice %get3A_24 {offsets = [47, 0], sizes = [1, 1536], strides = [1, 1]} : vector<64x1536xf32> to vector<1x1536xf32>
      %mul3A_974 = vector.broadcast %slice3A_973 : vector<1x1536xf32> to vector<16x1536xf32>
      %mul3A_975 = arith.mulf %mul3A_974, %neg3A_5 : vector<16x1536xf32>
      %exp3A_976 = math.exp %mul3A_975 : vector<16x1536xf32>
      %swap3A_977 = arith.constant 47 : index
      %swap3A_978 = arith.constant 0 : index
      %swap3A_979 = arith.constant 0 : index
      %swap3A_980 = vector.load %arg9[%swap3A_977, %swap3A_978, %swap3A_979] : memref<64x16x1536xf32, #tpu.memory_space<vmem>>, vector<1x16x1536xf32>
      %swap3A_981 = vector.shape_cast %swap3A_980 : vector<1x16x1536xf32> to vector<16x1536xf32>
      %swap3A_982 = vector.shape_cast %exp3A_976 : vector<16x1536xf32> to vector<1x16x1536xf32>
      tpu.vector_store %arg9[%swap3A_977, %swap3A_978, %swap3A_979], %swap3A_982 {strides = array<i32>} : memref<64x16x1536xf32, #tpu.memory_space<vmem>>, vector<1x16x1536xf32>,
      %slice3A_983 = vector.extract_strided_slice %get3A_30 {offsets = [47, 0], sizes = [1, 16], strides = [1, 1]} : vector<64x16xf32> to vector<1x16xf32>
      %slice3A_984 = vector.extract_strided_slice %mul3A_34 {offsets = [47, 0], sizes = [1, 1536], strides = [1, 1]} : vector<64x1536xf32> to vector<1x1536xf32>
      %dot_general3A_985 = arith.constant dense<0.000000e+00> : vector<16x1536xf32>
      %dot_general3A_986 = tpu.matmul %slice3A_983, %slice3A_984, %dot_general3A_985 {dimension_numbers = #tpu.dot_dimension_numbers<[0], [0], [1], [1], [0, 1, 1, 1], [], []>, transpose_lhs_hint = false} : vector<1x16xf32>, vector<1x1536xf32>, vector<16x1536xf32> -> vector<16x1536xf32>
      %swap3A_987 = arith.constant 47 : index
      %swap3A_988 = arith.constant 0 : index
      %swap3A_989 = arith.constant 0 : index
      %swap3A_990 = vector.load %arg10[%swap3A_987, %swap3A_988, %swap3A_989] : memref<64x16x1536xf32, #tpu.memory_space<vmem>>, vector<1x16x1536xf32>
      %swap3A_991 = vector.shape_cast %swap3A_990 : vector<1x16x1536xf32> to vector<16x1536xf32>
      %swap3A_992 = vector.shape_cast %dot_general3A_986 : vector<16x1536xf32> to vector<1x16x1536xf32>
      tpu.vector_store %arg10[%swap3A_987, %swap3A_988, %swap3A_989], %swap3A_992 {strides = array<i32>} : memref<64x16x1536xf32, #tpu.memory_space<vmem>>, vector<1x16x1536xf32>,
      %slice3A_993 = vector.extract_strided_slice %get3A_24 {offsets = [48, 0], sizes = [1, 1536], strides = [1, 1]} : vector<64x1536xf32> to vector<1x1536xf32>
      %mul3A_994 = vector.broadcast %slice3A_993 : vector<1x1536xf32> to vector<16x1536xf32>
      %mul3A_995 = arith.mulf %mul3A_994, %neg3A_5 : vector<16x1536xf32>
      %exp3A_996 = math.exp %mul3A_995 : vector<16x1536xf32>
      %swap3A_997 = arith.constant 48 : index
      %swap3A_998 = arith.constant 0 : index
      %swap3A_999 = arith.constant 0 : index
      %swap3A_1000 = vector.load %arg9[%swap3A_997, %swap3A_998, %swap3A_999] : memref<64x16x1536xf32, #tpu.memory_space<vmem>>, vector<1x16x1536xf32>
      %swap3A_1001 = vector.shape_cast %swap3A_1000 : vector<1x16x1536xf32> to vector<16x1536xf32>
      %swap3A_1002 = vector.shape_cast %exp3A_996 : vector<16x1536xf32> to vector<1x16x1536xf32>
      tpu.vector_store %arg9[%swap3A_997, %swap3A_998, %swap3A_999], %swap3A_1002 {strides = array<i32>} : memref<64x16x1536xf32, #tpu.memory_space<vmem>>, vector<1x16x1536xf32>,
      %slice3A_1003 = vector.extract_strided_slice %get3A_30 {offsets = [48, 0], sizes = [1, 16], strides = [1, 1]} : vector<64x16xf32> to vector<1x16xf32>
      %slice3A_1004 = vector.extract_strided_slice %mul3A_34 {offsets = [48, 0], sizes = [1, 1536], strides = [1, 1]} : vector<64x1536xf32> to vector<1x1536xf32>
      %dot_general3A_1005 = arith.constant dense<0.000000e+00> : vector<16x1536xf32>
      %dot_general3A_1006 = tpu.matmul %slice3A_1003, %slice3A_1004, %dot_general3A_1005 {dimension_numbers = #tpu.dot_dimension_numbers<[0], [0], [1], [1], [0, 1, 1, 1], [], []>, transpose_lhs_hint = false} : vector<1x16xf32>, vector<1x1536xf32>, vector<16x1536xf32> -> vector<16x1536xf32>
      %swap3A_1007 = arith.constant 48 : index
      %swap3A_1008 = arith.constant 0 : index
      %swap3A_1009 = arith.constant 0 : index
      %swap3A_1010 = vector.load %arg10[%swap3A_1007, %swap3A_1008, %swap3A_1009] : memref<64x16x1536xf32, #tpu.memory_space<vmem>>, vector<1x16x1536xf32>
      %swap3A_1011 = vector.shape_cast %swap3A_1010 : vector<1x16x1536xf32> to vector<16x1536xf32>
      %swap3A_1012 = vector.shape_cast %dot_general3A_1006 : vector<16x1536xf32> to vector<1x16x1536xf32>
      tpu.vector_store %arg10[%swap3A_1007, %swap3A_1008, %swap3A_1009], %swap3A_1012 {strides = array<i32>} : memref<64x16x1536xf32, #tpu.memory_space<vmem>>, vector<1x16x1536xf32>,
      %slice3A_1013 = vector.extract_strided_slice %get3A_24 {offsets = [49, 0], sizes = [1, 1536], strides = [1, 1]} : vector<64x1536xf32> to vector<1x1536xf32>
      %mul3A_1014 = vector.broadcast %slice3A_1013 : vector<1x1536xf32> to vector<16x1536xf32>
      %mul3A_1015 = arith.mulf %mul3A_1014, %neg3A_5 : vector<16x1536xf32>
      %exp3A_1016 = math.exp %mul3A_1015 : vector<16x1536xf32>
      %swap3A_1017 = arith.constant 49 : index
      %swap3A_1018 = arith.constant 0 : index
      %swap3A_1019 = arith.constant 0 : index
      %swap3A_1020 = vector.load %arg9[%swap3A_1017, %swap3A_1018, %swap3A_1019] : memref<64x16x1536xf32, #tpu.memory_space<vmem>>, vector<1x16x1536xf32>
      %swap3A_1021 = vector.shape_cast %swap3A_1020 : vector<1x16x1536xf32> to vector<16x1536xf32>
      %swap3A_1022 = vector.shape_cast %exp3A_1016 : vector<16x1536xf32> to vector<1x16x1536xf32>
      tpu.vector_store %arg9[%swap3A_1017, %swap3A_1018, %swap3A_1019], %swap3A_1022 {strides = array<i32>} : memref<64x16x1536xf32, #tpu.memory_space<vmem>>, vector<1x16x1536xf32>,
      %slice3A_1023 = vector.extract_strided_slice %get3A_30 {offsets = [49, 0], sizes = [1, 16], strides = [1, 1]} : vector<64x16xf32> to vector<1x16xf32>
      %slice3A_1024 = vector.extract_strided_slice %mul3A_34 {offsets = [49, 0], sizes = [1, 1536], strides = [1, 1]} : vector<64x1536xf32> to vector<1x1536xf32>
      %dot_general3A_1025 = arith.constant dense<0.000000e+00> : vector<16x1536xf32>
      %dot_general3A_1026 = tpu.matmul %slice3A_1023, %slice3A_1024, %dot_general3A_1025 {dimension_numbers = #tpu.dot_dimension_numbers<[0], [0], [1], [1], [0, 1, 1, 1], [], []>, transpose_lhs_hint = false} : vector<1x16xf32>, vector<1x1536xf32>, vector<16x1536xf32> -> vector<16x1536xf32>
      %swap3A_1027 = arith.constant 49 : index
      %swap3A_1028 = arith.constant 0 : index
      %swap3A_1029 = arith.constant 0 : index
      %swap3A_1030 = vector.load %arg10[%swap3A_1027, %swap3A_1028, %swap3A_1029] : memref<64x16x1536xf32, #tpu.memory_space<vmem>>, vector<1x16x1536xf32>
      %swap3A_1031 = vector.shape_cast %swap3A_1030 : vector<1x16x1536xf32> to vector<16x1536xf32>
      %swap3A_1032 = vector.shape_cast %dot_general3A_1026 : vector<16x1536xf32> to vector<1x16x1536xf32>
      tpu.vector_store %arg10[%swap3A_1027, %swap3A_1028, %swap3A_1029], %swap3A_1032 {strides = array<i32>} : memref<64x16x1536xf32, #tpu.memory_space<vmem>>, vector<1x16x1536xf32>,
      %slice3A_1033 = vector.extract_strided_slice %get3A_24 {offsets = [50, 0], sizes = [1, 1536], strides = [1, 1]} : vector<64x1536xf32> to vector<1x1536xf32>
      %mul3A_1034 = vector.broadcast %slice3A_1033 : vector<1x1536xf32> to vector<16x1536xf32>
      %mul3A_1035 = arith.mulf %mul3A_1034, %neg3A_5 : vector<16x1536xf32>
      %exp3A_1036 = math.exp %mul3A_1035 : vector<16x1536xf32>
      %swap3A_1037 = arith.constant 50 : index
      %swap3A_1038 = arith.constant 0 : index
      %swap3A_1039 = arith.constant 0 : index
      %swap3A_1040 = vector.load %arg9[%swap3A_1037, %swap3A_1038, %swap3A_1039] : memref<64x16x1536xf32, #tpu.memory_space<vmem>>, vector<1x16x1536xf32>
      %swap3A_1041 = vector.shape_cast %swap3A_1040 : vector<1x16x1536xf32> to vector<16x1536xf32>
      %swap3A_1042 = vector.shape_cast %exp3A_1036 : vector<16x1536xf32> to vector<1x16x1536xf32>
      tpu.vector_store %arg9[%swap3A_1037, %swap3A_1038, %swap3A_1039], %swap3A_1042 {strides = array<i32>} : memref<64x16x1536xf32, #tpu.memory_space<vmem>>, vector<1x16x1536xf32>,
      %slice3A_1043 = vector.extract_strided_slice %get3A_30 {offsets = [50, 0], sizes = [1, 16], strides = [1, 1]} : vector<64x16xf32> to vector<1x16xf32>
      %slice3A_1044 = vector.extract_strided_slice %mul3A_34 {offsets = [50, 0], sizes = [1, 1536], strides = [1, 1]} : vector<64x1536xf32> to vector<1x1536xf32>
      %dot_general3A_1045 = arith.constant dense<0.000000e+00> : vector<16x1536xf32>
      %dot_general3A_1046 = tpu.matmul %slice3A_1043, %slice3A_1044, %dot_general3A_1045 {dimension_numbers = #tpu.dot_dimension_numbers<[0], [0], [1], [1], [0, 1, 1, 1], [], []>, transpose_lhs_hint = false} : vector<1x16xf32>, vector<1x1536xf32>, vector<16x1536xf32> -> vector<16x1536xf32>
      %swap3A_1047 = arith.constant 50 : index
      %swap3A_1048 = arith.constant 0 : index
      %swap3A_1049 = arith.constant 0 : index
      %swap3A_1050 = vector.load %arg10[%swap3A_1047, %swap3A_1048, %swap3A_1049] : memref<64x16x1536xf32, #tpu.memory_space<vmem>>, vector<1x16x1536xf32>
      %swap3A_1051 = vector.shape_cast %swap3A_1050 : vector<1x16x1536xf32> to vector<16x1536xf32>
      %swap3A_1052 = vector.shape_cast %dot_general3A_1046 : vector<16x1536xf32> to vector<1x16x1536xf32>
      tpu.vector_store %arg10[%swap3A_1047, %swap3A_1048, %swap3A_1049], %swap3A_1052 {strides = array<i32>} : memref<64x16x1536xf32, #tpu.memory_space<vmem>>, vector<1x16x1536xf32>,
      %slice3A_1053 = vector.extract_strided_slice %get3A_24 {offsets = [51, 0], sizes = [1, 1536], strides = [1, 1]} : vector<64x1536xf32> to vector<1x1536xf32>
      %mul3A_1054 = vector.broadcast %slice3A_1053 : vector<1x1536xf32> to vector<16x1536xf32>
      %mul3A_1055 = arith.mulf %mul3A_1054, %neg3A_5 : vector<16x1536xf32>
      %exp3A_1056 = math.exp %mul3A_1055 : vector<16x1536xf32>
      %swap3A_1057 = arith.constant 51 : index
      %swap3A_1058 = arith.constant 0 : index
      %swap3A_1059 = arith.constant 0 : index
      %swap3A_1060 = vector.load %arg9[%swap3A_1057, %swap3A_1058, %swap3A_1059] : memref<64x16x1536xf32, #tpu.memory_space<vmem>>, vector<1x16x1536xf32>
      %swap3A_1061 = vector.shape_cast %swap3A_1060 : vector<1x16x1536xf32> to vector<16x1536xf32>
      %swap3A_1062 = vector.shape_cast %exp3A_1056 : vector<16x1536xf32> to vector<1x16x1536xf32>
      tpu.vector_store %arg9[%swap3A_1057, %swap3A_1058, %swap3A_1059], %swap3A_1062 {strides = array<i32>} : memref<64x16x1536xf32, #tpu.memory_space<vmem>>, vector<1x16x1536xf32>,
      %slice3A_1063 = vector.extract_strided_slice %get3A_30 {offsets = [51, 0], sizes = [1, 16], strides = [1, 1]} : vector<64x16xf32> to vector<1x16xf32>
      %slice3A_1064 = vector.extract_strided_slice %mul3A_34 {offsets = [51, 0], sizes = [1, 1536], strides = [1, 1]} : vector<64x1536xf32> to vector<1x1536xf32>
      %dot_general3A_1065 = arith.constant dense<0.000000e+00> : vector<16x1536xf32>
      %dot_general3A_1066 = tpu.matmul %slice3A_1063, %slice3A_1064, %dot_general3A_1065 {dimension_numbers = #tpu.dot_dimension_numbers<[0], [0], [1], [1], [0, 1, 1, 1], [], []>, transpose_lhs_hint = false} : vector<1x16xf32>, vector<1x1536xf32>, vector<16x1536xf32> -> vector<16x1536xf32>
      %swap3A_1067 = arith.constant 51 : index
      %swap3A_1068 = arith.constant 0 : index
      %swap3A_1069 = arith.constant 0 : index
      %swap3A_1070 = vector.load %arg10[%swap3A_1067, %swap3A_1068, %swap3A_1069] : memref<64x16x1536xf32, #tpu.memory_space<vmem>>, vector<1x16x1536xf32>
      %swap3A_1071 = vector.shape_cast %swap3A_1070 : vector<1x16x1536xf32> to vector<16x1536xf32>
      %swap3A_1072 = vector.shape_cast %dot_general3A_1066 : vector<16x1536xf32> to vector<1x16x1536xf32>
      tpu.vector_store %arg10[%swap3A_1067, %swap3A_1068, %swap3A_1069], %swap3A_1072 {strides = array<i32>} : memref<64x16x1536xf32, #tpu.memory_space<vmem>>, vector<1x16x1536xf32>,
      %slice3A_1073 = vector.extract_strided_slice %get3A_24 {offsets = [52, 0], sizes = [1, 1536], strides = [1, 1]} : vector<64x1536xf32> to vector<1x1536xf32>
      %mul3A_1074 = vector.broadcast %slice3A_1073 : vector<1x1536xf32> to vector<16x1536xf32>
      %mul3A_1075 = arith.mulf %mul3A_1074, %neg3A_5 : vector<16x1536xf32>
      %exp3A_1076 = math.exp %mul3A_1075 : vector<16x1536xf32>
      %swap3A_1077 = arith.constant 52 : index
      %swap3A_1078 = arith.constant 0 : index
      %swap3A_1079 = arith.constant 0 : index
      %swap3A_1080 = vector.load %arg9[%swap3A_1077, %swap3A_1078, %swap3A_1079] : memref<64x16x1536xf32, #tpu.memory_space<vmem>>, vector<1x16x1536xf32>
      %swap3A_1081 = vector.shape_cast %swap3A_1080 : vector<1x16x1536xf32> to vector<16x1536xf32>
      %swap3A_1082 = vector.shape_cast %exp3A_1076 : vector<16x1536xf32> to vector<1x16x1536xf32>
      tpu.vector_store %arg9[%swap3A_1077, %swap3A_1078, %swap3A_1079], %swap3A_1082 {strides = array<i32>} : memref<64x16x1536xf32, #tpu.memory_space<vmem>>, vector<1x16x1536xf32>,
      %slice3A_1083 = vector.extract_strided_slice %get3A_30 {offsets = [52, 0], sizes = [1, 16], strides = [1, 1]} : vector<64x16xf32> to vector<1x16xf32>
      %slice3A_1084 = vector.extract_strided_slice %mul3A_34 {offsets = [52, 0], sizes = [1, 1536], strides = [1, 1]} : vector<64x1536xf32> to vector<1x1536xf32>
      %dot_general3A_1085 = arith.constant dense<0.000000e+00> : vector<16x1536xf32>
      %dot_general3A_1086 = tpu.matmul %slice3A_1083, %slice3A_1084, %dot_general3A_1085 {dimension_numbers = #tpu.dot_dimension_numbers<[0], [0], [1], [1], [0, 1, 1, 1], [], []>, transpose_lhs_hint = false} : vector<1x16xf32>, vector<1x1536xf32>, vector<16x1536xf32> -> vector<16x1536xf32>
      %swap3A_1087 = arith.constant 52 : index
      %swap3A_1088 = arith.constant 0 : index
      %swap3A_1089 = arith.constant 0 : index
      %swap3A_1090 = vector.load %arg10[%swap3A_1087, %swap3A_1088, %swap3A_1089] : memref<64x16x1536xf32, #tpu.memory_space<vmem>>, vector<1x16x1536xf32>
      %swap3A_1091 = vector.shape_cast %swap3A_1090 : vector<1x16x1536xf32> to vector<16x1536xf32>
      %swap3A_1092 = vector.shape_cast %dot_general3A_1086 : vector<16x1536xf32> to vector<1x16x1536xf32>
      tpu.vector_store %arg10[%swap3A_1087, %swap3A_1088, %swap3A_1089], %swap3A_1092 {strides = array<i32>} : memref<64x16x1536xf32, #tpu.memory_space<vmem>>, vector<1x16x1536xf32>,
      %slice3A_1093 = vector.extract_strided_slice %get3A_24 {offsets = [53, 0], sizes = [1, 1536], strides = [1, 1]} : vector<64x1536xf32> to vector<1x1536xf32>
      %mul3A_1094 = vector.broadcast %slice3A_1093 : vector<1x1536xf32> to vector<16x1536xf32>
      %mul3A_1095 = arith.mulf %mul3A_1094, %neg3A_5 : vector<16x1536xf32>
      %exp3A_1096 = math.exp %mul3A_1095 : vector<16x1536xf32>
      %swap3A_1097 = arith.constant 53 : index
      %swap3A_1098 = arith.constant 0 : index
      %swap3A_1099 = arith.constant 0 : index
      %swap3A_1100 = vector.load %arg9[%swap3A_1097, %swap3A_1098, %swap3A_1099] : memref<64x16x1536xf32, #tpu.memory_space<vmem>>, vector<1x16x1536xf32>
      %swap3A_1101 = vector.shape_cast %swap3A_1100 : vector<1x16x1536xf32> to vector<16x1536xf32>
      %swap3A_1102 = vector.shape_cast %exp3A_1096 : vector<16x1536xf32> to vector<1x16x1536xf32>
      tpu.vector_store %arg9[%swap3A_1097, %swap3A_1098, %swap3A_1099], %swap3A_1102 {strides = array<i32>} : memref<64x16x1536xf32, #tpu.memory_space<vmem>>, vector<1x16x1536xf32>,
      %slice3A_1103 = vector.extract_strided_slice %get3A_30 {offsets = [53, 0], sizes = [1, 16], strides = [1, 1]} : vector<64x16xf32> to vector<1x16xf32>
      %slice3A_1104 = vector.extract_strided_slice %mul3A_34 {offsets = [53, 0], sizes = [1, 1536], strides = [1, 1]} : vector<64x1536xf32> to vector<1x1536xf32>
      %dot_general3A_1105 = arith.constant dense<0.000000e+00> : vector<16x1536xf32>
      %dot_general3A_1106 = tpu.matmul %slice3A_1103, %slice3A_1104, %dot_general3A_1105 {dimension_numbers = #tpu.dot_dimension_numbers<[0], [0], [1], [1], [0, 1, 1, 1], [], []>, transpose_lhs_hint = false} : vector<1x16xf32>, vector<1x1536xf32>, vector<16x1536xf32> -> vector<16x1536xf32>
      %swap3A_1107 = arith.constant 53 : index
      %swap3A_1108 = arith.constant 0 : index
      %swap3A_1109 = arith.constant 0 : index
      %swap3A_1110 = vector.load %arg10[%swap3A_1107, %swap3A_1108, %swap3A_1109] : memref<64x16x1536xf32, #tpu.memory_space<vmem>>, vector<1x16x1536xf32>
      %swap3A_1111 = vector.shape_cast %swap3A_1110 : vector<1x16x1536xf32> to vector<16x1536xf32>
      %swap3A_1112 = vector.shape_cast %dot_general3A_1106 : vector<16x1536xf32> to vector<1x16x1536xf32>
      tpu.vector_store %arg10[%swap3A_1107, %swap3A_1108, %swap3A_1109], %swap3A_1112 {strides = array<i32>} : memref<64x16x1536xf32, #tpu.memory_space<vmem>>, vector<1x16x1536xf32>,
      %slice3A_1113 = vector.extract_strided_slice %get3A_24 {offsets = [54, 0], sizes = [1, 1536], strides = [1, 1]} : vector<64x1536xf32> to vector<1x1536xf32>
      %mul3A_1114 = vector.broadcast %slice3A_1113 : vector<1x1536xf32> to vector<16x1536xf32>
      %mul3A_1115 = arith.mulf %mul3A_1114, %neg3A_5 : vector<16x1536xf32>
      %exp3A_1116 = math.exp %mul3A_1115 : vector<16x1536xf32>
      %swap3A_1117 = arith.constant 54 : index
      %swap3A_1118 = arith.constant 0 : index
      %swap3A_1119 = arith.constant 0 : index
      %swap3A_1120 = vector.load %arg9[%swap3A_1117, %swap3A_1118, %swap3A_1119] : memref<64x16x1536xf32, #tpu.memory_space<vmem>>, vector<1x16x1536xf32>
      %swap3A_1121 = vector.shape_cast %swap3A_1120 : vector<1x16x1536xf32> to vector<16x1536xf32>
      %swap3A_1122 = vector.shape_cast %exp3A_1116 : vector<16x1536xf32> to vector<1x16x1536xf32>
      tpu.vector_store %arg9[%swap3A_1117, %swap3A_1118, %swap3A_1119], %swap3A_1122 {strides = array<i32>} : memref<64x16x1536xf32, #tpu.memory_space<vmem>>, vector<1x16x1536xf32>,
      %slice3A_1123 = vector.extract_strided_slice %get3A_30 {offsets = [54, 0], sizes = [1, 16], strides = [1, 1]} : vector<64x16xf32> to vector<1x16xf32>
      %slice3A_1124 = vector.extract_strided_slice %mul3A_34 {offsets = [54, 0], sizes = [1, 1536], strides = [1, 1]} : vector<64x1536xf32> to vector<1x1536xf32>
      %dot_general3A_1125 = arith.constant dense<0.000000e+00> : vector<16x1536xf32>
      %dot_general3A_1126 = tpu.matmul %slice3A_1123, %slice3A_1124, %dot_general3A_1125 {dimension_numbers = #tpu.dot_dimension_numbers<[0], [0], [1], [1], [0, 1, 1, 1], [], []>, transpose_lhs_hint = false} : vector<1x16xf32>, vector<1x1536xf32>, vector<16x1536xf32> -> vector<16x1536xf32>
      %swap3A_1127 = arith.constant 54 : index
      %swap3A_1128 = arith.constant 0 : index
      %swap3A_1129 = arith.constant 0 : index
      %swap3A_1130 = vector.load %arg10[%swap3A_1127, %swap3A_1128, %swap3A_1129] : memref<64x16x1536xf32, #tpu.memory_space<vmem>>, vector<1x16x1536xf32>
      %swap3A_1131 = vector.shape_cast %swap3A_1130 : vector<1x16x1536xf32> to vector<16x1536xf32>
      %swap3A_1132 = vector.shape_cast %dot_general3A_1126 : vector<16x1536xf32> to vector<1x16x1536xf32>
      tpu.vector_store %arg10[%swap3A_1127, %swap3A_1128, %swap3A_1129], %swap3A_1132 {strides = array<i32>} : memref<64x16x1536xf32, #tpu.memory_space<vmem>>, vector<1x16x1536xf32>,
      %slice3A_1133 = vector.extract_strided_slice %get3A_24 {offsets = [55, 0], sizes = [1, 1536], strides = [1, 1]} : vector<64x1536xf32> to vector<1x1536xf32>
      %mul3A_1134 = vector.broadcast %slice3A_1133 : vector<1x1536xf32> to vector<16x1536xf32>
      %mul3A_1135 = arith.mulf %mul3A_1134, %neg3A_5 : vector<16x1536xf32>
      %exp3A_1136 = math.exp %mul3A_1135 : vector<16x1536xf32>
      %swap3A_1137 = arith.constant 55 : index
      %swap3A_1138 = arith.constant 0 : index
      %swap3A_1139 = arith.constant 0 : index
      %swap3A_1140 = vector.load %arg9[%swap3A_1137, %swap3A_1138, %swap3A_1139] : memref<64x16x1536xf32, #tpu.memory_space<vmem>>, vector<1x16x1536xf32>
      %swap3A_1141 = vector.shape_cast %swap3A_1140 : vector<1x16x1536xf32> to vector<16x1536xf32>
      %swap3A_1142 = vector.shape_cast %exp3A_1136 : vector<16x1536xf32> to vector<1x16x1536xf32>
      tpu.vector_store %arg9[%swap3A_1137, %swap3A_1138, %swap3A_1139], %swap3A_1142 {strides = array<i32>} : memref<64x16x1536xf32, #tpu.memory_space<vmem>>, vector<1x16x1536xf32>,
      %slice3A_1143 = vector.extract_strided_slice %get3A_30 {offsets = [55, 0], sizes = [1, 16], strides = [1, 1]} : vector<64x16xf32> to vector<1x16xf32>
      %slice3A_1144 = vector.extract_strided_slice %mul3A_34 {offsets = [55, 0], sizes = [1, 1536], strides = [1, 1]} : vector<64x1536xf32> to vector<1x1536xf32>
      %dot_general3A_1145 = arith.constant dense<0.000000e+00> : vector<16x1536xf32>
      %dot_general3A_1146 = tpu.matmul %slice3A_1143, %slice3A_1144, %dot_general3A_1145 {dimension_numbers = #tpu.dot_dimension_numbers<[0], [0], [1], [1], [0, 1, 1, 1], [], []>, transpose_lhs_hint = false} : vector<1x16xf32>, vector<1x1536xf32>, vector<16x1536xf32> -> vector<16x1536xf32>
      %swap3A_1147 = arith.constant 55 : index
      %swap3A_1148 = arith.constant 0 : index
      %swap3A_1149 = arith.constant 0 : index
      %swap3A_1150 = vector.load %arg10[%swap3A_1147, %swap3A_1148, %swap3A_1149] : memref<64x16x1536xf32, #tpu.memory_space<vmem>>, vector<1x16x1536xf32>
      %swap3A_1151 = vector.shape_cast %swap3A_1150 : vector<1x16x1536xf32> to vector<16x1536xf32>
      %swap3A_1152 = vector.shape_cast %dot_general3A_1146 : vector<16x1536xf32> to vector<1x16x1536xf32>
      tpu.vector_store %arg10[%swap3A_1147, %swap3A_1148, %swap3A_1149], %swap3A_1152 {strides = array<i32>} : memref<64x16x1536xf32, #tpu.memory_space<vmem>>, vector<1x16x1536xf32>,
      %slice3A_1153 = vector.extract_strided_slice %get3A_24 {offsets = [56, 0], sizes = [1, 1536], strides = [1, 1]} : vector<64x1536xf32> to vector<1x1536xf32>
      %mul3A_1154 = vector.broadcast %slice3A_1153 : vector<1x1536xf32> to vector<16x1536xf32>
      %mul3A_1155 = arith.mulf %mul3A_1154, %neg3A_5 : vector<16x1536xf32>
      %exp3A_1156 = math.exp %mul3A_1155 : vector<16x1536xf32>
      %swap3A_1157 = arith.constant 56 : index
      %swap3A_1158 = arith.constant 0 : index
      %swap3A_1159 = arith.constant 0 : index
      %swap3A_1160 = vector.load %arg9[%swap3A_1157, %swap3A_1158, %swap3A_1159] : memref<64x16x1536xf32, #tpu.memory_space<vmem>>, vector<1x16x1536xf32>
      %swap3A_1161 = vector.shape_cast %swap3A_1160 : vector<1x16x1536xf32> to vector<16x1536xf32>
      %swap3A_1162 = vector.shape_cast %exp3A_1156 : vector<16x1536xf32> to vector<1x16x1536xf32>
      tpu.vector_store %arg9[%swap3A_1157, %swap3A_1158, %swap3A_1159], %swap3A_1162 {strides = array<i32>} : memref<64x16x1536xf32, #tpu.memory_space<vmem>>, vector<1x16x1536xf32>,
      %slice3A_1163 = vector.extract_strided_slice %get3A_30 {offsets = [56, 0], sizes = [1, 16], strides = [1, 1]} : vector<64x16xf32> to vector<1x16xf32>
      %slice3A_1164 = vector.extract_strided_slice %mul3A_34 {offsets = [56, 0], sizes = [1, 1536], strides = [1, 1]} : vector<64x1536xf32> to vector<1x1536xf32>
      %dot_general3A_1165 = arith.constant dense<0.000000e+00> : vector<16x1536xf32>
      %dot_general3A_1166 = tpu.matmul %slice3A_1163, %slice3A_1164, %dot_general3A_1165 {dimension_numbers = #tpu.dot_dimension_numbers<[0], [0], [1], [1], [0, 1, 1, 1], [], []>, transpose_lhs_hint = false} : vector<1x16xf32>, vector<1x1536xf32>, vector<16x1536xf32> -> vector<16x1536xf32>
      %swap3A_1167 = arith.constant 56 : index
      %swap3A_1168 = arith.constant 0 : index
      %swap3A_1169 = arith.constant 0 : index
      %swap3A_1170 = vector.load %arg10[%swap3A_1167, %swap3A_1168, %swap3A_1169] : memref<64x16x1536xf32, #tpu.memory_space<vmem>>, vector<1x16x1536xf32>
      %swap3A_1171 = vector.shape_cast %swap3A_1170 : vector<1x16x1536xf32> to vector<16x1536xf32>
      %swap3A_1172 = vector.shape_cast %dot_general3A_1166 : vector<16x1536xf32> to vector<1x16x1536xf32>
      tpu.vector_store %arg10[%swap3A_1167, %swap3A_1168, %swap3A_1169], %swap3A_1172 {strides = array<i32>} : memref<64x16x1536xf32, #tpu.memory_space<vmem>>, vector<1x16x1536xf32>,
      %slice3A_1173 = vector.extract_strided_slice %get3A_24 {offsets = [57, 0], sizes = [1, 1536], strides = [1, 1]} : vector<64x1536xf32> to vector<1x1536xf32>
      %mul3A_1174 = vector.broadcast %slice3A_1173 : vector<1x1536xf32> to vector<16x1536xf32>
      %mul3A_1175 = arith.mulf %mul3A_1174, %neg3A_5 : vector<16x1536xf32>
      %exp3A_1176 = math.exp %mul3A_1175 : vector<16x1536xf32>
      %swap3A_1177 = arith.constant 57 : index
      %swap3A_1178 = arith.constant 0 : index
      %swap3A_1179 = arith.constant 0 : index
      %swap3A_1180 = vector.load %arg9[%swap3A_1177, %swap3A_1178, %swap3A_1179] : memref<64x16x1536xf32, #tpu.memory_space<vmem>>, vector<1x16x1536xf32>
      %swap3A_1181 = vector.shape_cast %swap3A_1180 : vector<1x16x1536xf32> to vector<16x1536xf32>
      %swap3A_1182 = vector.shape_cast %exp3A_1176 : vector<16x1536xf32> to vector<1x16x1536xf32>
      tpu.vector_store %arg9[%swap3A_1177, %swap3A_1178, %swap3A_1179], %swap3A_1182 {strides = array<i32>} : memref<64x16x1536xf32, #tpu.memory_space<vmem>>, vector<1x16x1536xf32>,
      %slice3A_1183 = vector.extract_strided_slice %get3A_30 {offsets = [57, 0], sizes = [1, 16], strides = [1, 1]} : vector<64x16xf32> to vector<1x16xf32>
      %slice3A_1184 = vector.extract_strided_slice %mul3A_34 {offsets = [57, 0], sizes = [1, 1536], strides = [1, 1]} : vector<64x1536xf32> to vector<1x1536xf32>
      %dot_general3A_1185 = arith.constant dense<0.000000e+00> : vector<16x1536xf32>
      %dot_general3A_1186 = tpu.matmul %slice3A_1183, %slice3A_1184, %dot_general3A_1185 {dimension_numbers = #tpu.dot_dimension_numbers<[0], [0], [1], [1], [0, 1, 1, 1], [], []>, transpose_lhs_hint = false} : vector<1x16xf32>, vector<1x1536xf32>, vector<16x1536xf32> -> vector<16x1536xf32>
      %swap3A_1187 = arith.constant 57 : index
      %swap3A_1188 = arith.constant 0 : index
      %swap3A_1189 = arith.constant 0 : index
      %swap3A_1190 = vector.load %arg10[%swap3A_1187, %swap3A_1188, %swap3A_1189] : memref<64x16x1536xf32, #tpu.memory_space<vmem>>, vector<1x16x1536xf32>
      %swap3A_1191 = vector.shape_cast %swap3A_1190 : vector<1x16x1536xf32> to vector<16x1536xf32>
      %swap3A_1192 = vector.shape_cast %dot_general3A_1186 : vector<16x1536xf32> to vector<1x16x1536xf32>
      tpu.vector_store %arg10[%swap3A_1187, %swap3A_1188, %swap3A_1189], %swap3A_1192 {strides = array<i32>} : memref<64x16x1536xf32, #tpu.memory_space<vmem>>, vector<1x16x1536xf32>,
      %slice3A_1193 = vector.extract_strided_slice %get3A_24 {offsets = [58, 0], sizes = [1, 1536], strides = [1, 1]} : vector<64x1536xf32> to vector<1x1536xf32>
      %mul3A_1194 = vector.broadcast %slice3A_1193 : vector<1x1536xf32> to vector<16x1536xf32>
      %mul3A_1195 = arith.mulf %mul3A_1194, %neg3A_5 : vector<16x1536xf32>
      %exp3A_1196 = math.exp %mul3A_1195 : vector<16x1536xf32>
      %swap3A_1197 = arith.constant 58 : index
      %swap3A_1198 = arith.constant 0 : index
      %swap3A_1199 = arith.constant 0 : index
      %swap3A_1200 = vector.load %arg9[%swap3A_1197, %swap3A_1198, %swap3A_1199] : memref<64x16x1536xf32, #tpu.memory_space<vmem>>, vector<1x16x1536xf32>
      %swap3A_1201 = vector.shape_cast %swap3A_1200 : vector<1x16x1536xf32> to vector<16x1536xf32>
      %swap3A_1202 = vector.shape_cast %exp3A_1196 : vector<16x1536xf32> to vector<1x16x1536xf32>
      tpu.vector_store %arg9[%swap3A_1197, %swap3A_1198, %swap3A_1199], %swap3A_1202 {strides = array<i32>} : memref<64x16x1536xf32, #tpu.memory_space<vmem>>, vector<1x16x1536xf32>,
      %slice3A_1203 = vector.extract_strided_slice %get3A_30 {offsets = [58, 0], sizes = [1, 16], strides = [1, 1]} : vector<64x16xf32> to vector<1x16xf32>
      %slice3A_1204 = vector.extract_strided_slice %mul3A_34 {offsets = [58, 0], sizes = [1, 1536], strides = [1, 1]} : vector<64x1536xf32> to vector<1x1536xf32>
      %dot_general3A_1205 = arith.constant dense<0.000000e+00> : vector<16x1536xf32>
      %dot_general3A_1206 = tpu.matmul %slice3A_1203, %slice3A_1204, %dot_general3A_1205 {dimension_numbers = #tpu.dot_dimension_numbers<[0], [0], [1], [1], [0, 1, 1, 1], [], []>, transpose_lhs_hint = false} : vector<1x16xf32>, vector<1x1536xf32>, vector<16x1536xf32> -> vector<16x1536xf32>
      %swap3A_1207 = arith.constant 58 : index
      %swap3A_1208 = arith.constant 0 : index
      %swap3A_1209 = arith.constant 0 : index
      %swap3A_1210 = vector.load %arg10[%swap3A_1207, %swap3A_1208, %swap3A_1209] : memref<64x16x1536xf32, #tpu.memory_space<vmem>>, vector<1x16x1536xf32>
      %swap3A_1211 = vector.shape_cast %swap3A_1210 : vector<1x16x1536xf32> to vector<16x1536xf32>
      %swap3A_1212 = vector.shape_cast %dot_general3A_1206 : vector<16x1536xf32> to vector<1x16x1536xf32>
      tpu.vector_store %arg10[%swap3A_1207, %swap3A_1208, %swap3A_1209], %swap3A_1212 {strides = array<i32>} : memref<64x16x1536xf32, #tpu.memory_space<vmem>>, vector<1x16x1536xf32>,
      %slice3A_1213 = vector.extract_strided_slice %get3A_24 {offsets = [59, 0], sizes = [1, 1536], strides = [1, 1]} : vector<64x1536xf32> to vector<1x1536xf32>
      %mul3A_1214 = vector.broadcast %slice3A_1213 : vector<1x1536xf32> to vector<16x1536xf32>
      %mul3A_1215 = arith.mulf %mul3A_1214, %neg3A_5 : vector<16x1536xf32>
      %exp3A_1216 = math.exp %mul3A_1215 : vector<16x1536xf32>
      %swap3A_1217 = arith.constant 59 : index
      %swap3A_1218 = arith.constant 0 : index
      %swap3A_1219 = arith.constant 0 : index
      %swap3A_1220 = vector.load %arg9[%swap3A_1217, %swap3A_1218, %swap3A_1219] : memref<64x16x1536xf32, #tpu.memory_space<vmem>>, vector<1x16x1536xf32>
      %swap3A_1221 = vector.shape_cast %swap3A_1220 : vector<1x16x1536xf32> to vector<16x1536xf32>
      %swap3A_1222 = vector.shape_cast %exp3A_1216 : vector<16x1536xf32> to vector<1x16x1536xf32>
      tpu.vector_store %arg9[%swap3A_1217, %swap3A_1218, %swap3A_1219], %swap3A_1222 {strides = array<i32>} : memref<64x16x1536xf32, #tpu.memory_space<vmem>>, vector<1x16x1536xf32>,
      %slice3A_1223 = vector.extract_strided_slice %get3A_30 {offsets = [59, 0], sizes = [1, 16], strides = [1, 1]} : vector<64x16xf32> to vector<1x16xf32>
      %slice3A_1224 = vector.extract_strided_slice %mul3A_34 {offsets = [59, 0], sizes = [1, 1536], strides = [1, 1]} : vector<64x1536xf32> to vector<1x1536xf32>
      %dot_general3A_1225 = arith.constant dense<0.000000e+00> : vector<16x1536xf32>
      %dot_general3A_1226 = tpu.matmul %slice3A_1223, %slice3A_1224, %dot_general3A_1225 {dimension_numbers = #tpu.dot_dimension_numbers<[0], [0], [1], [1], [0, 1, 1, 1], [], []>, transpose_lhs_hint = false} : vector<1x16xf32>, vector<1x1536xf32>, vector<16x1536xf32> -> vector<16x1536xf32>
      %swap3A_1227 = arith.constant 59 : index
      %swap3A_1228 = arith.constant 0 : index
      %swap3A_1229 = arith.constant 0 : index
      %swap3A_1230 = vector.load %arg10[%swap3A_1227, %swap3A_1228, %swap3A_1229] : memref<64x16x1536xf32, #tpu.memory_space<vmem>>, vector<1x16x1536xf32>
      %swap3A_1231 = vector.shape_cast %swap3A_1230 : vector<1x16x1536xf32> to vector<16x1536xf32>
      %swap3A_1232 = vector.shape_cast %dot_general3A_1226 : vector<16x1536xf32> to vector<1x16x1536xf32>
      tpu.vector_store %arg10[%swap3A_1227, %swap3A_1228, %swap3A_1229], %swap3A_1232 {strides = array<i32>} : memref<64x16x1536xf32, #tpu.memory_space<vmem>>, vector<1x16x1536xf32>,
      %slice3A_1233 = vector.extract_strided_slice %get3A_24 {offsets = [60, 0], sizes = [1, 1536], strides = [1, 1]} : vector<64x1536xf32> to vector<1x1536xf32>
      %mul3A_1234 = vector.broadcast %slice3A_1233 : vector<1x1536xf32> to vector<16x1536xf32>
      %mul3A_1235 = arith.mulf %mul3A_1234, %neg3A_5 : vector<16x1536xf32>
      %exp3A_1236 = math.exp %mul3A_1235 : vector<16x1536xf32>
      %swap3A_1237 = arith.constant 60 : index
      %swap3A_1238 = arith.constant 0 : index
      %swap3A_1239 = arith.constant 0 : index
      %swap3A_1240 = vector.load %arg9[%swap3A_1237, %swap3A_1238, %swap3A_1239] : memref<64x16x1536xf32, #tpu.memory_space<vmem>>, vector<1x16x1536xf32>
      %swap3A_1241 = vector.shape_cast %swap3A_1240 : vector<1x16x1536xf32> to vector<16x1536xf32>
      %swap3A_1242 = vector.shape_cast %exp3A_1236 : vector<16x1536xf32> to vector<1x16x1536xf32>
      tpu.vector_store %arg9[%swap3A_1237, %swap3A_1238, %swap3A_1239], %swap3A_1242 {strides = array<i32>} : memref<64x16x1536xf32, #tpu.memory_space<vmem>>, vector<1x16x1536xf32>,
      %slice3A_1243 = vector.extract_strided_slice %get3A_30 {offsets = [60, 0], sizes = [1, 16], strides = [1, 1]} : vector<64x16xf32> to vector<1x16xf32>
      %slice3A_1244 = vector.extract_strided_slice %mul3A_34 {offsets = [60, 0], sizes = [1, 1536], strides = [1, 1]} : vector<64x1536xf32> to vector<1x1536xf32>
      %dot_general3A_1245 = arith.constant dense<0.000000e+00> : vector<16x1536xf32>
      %dot_general3A_1246 = tpu.matmul %slice3A_1243, %slice3A_1244, %dot_general3A_1245 {dimension_numbers = #tpu.dot_dimension_numbers<[0], [0], [1], [1], [0, 1, 1, 1], [], []>, transpose_lhs_hint = false} : vector<1x16xf32>, vector<1x1536xf32>, vector<16x1536xf32> -> vector<16x1536xf32>
      %swap3A_1247 = arith.constant 60 : index
      %swap3A_1248 = arith.constant 0 : index
      %swap3A_1249 = arith.constant 0 : index
      %swap3A_1250 = vector.load %arg10[%swap3A_1247, %swap3A_1248, %swap3A_1249] : memref<64x16x1536xf32, #tpu.memory_space<vmem>>, vector<1x16x1536xf32>
      %swap3A_1251 = vector.shape_cast %swap3A_1250 : vector<1x16x1536xf32> to vector<16x1536xf32>
      %swap3A_1252 = vector.shape_cast %dot_general3A_1246 : vector<16x1536xf32> to vector<1x16x1536xf32>
      tpu.vector_store %arg10[%swap3A_1247, %swap3A_1248, %swap3A_1249], %swap3A_1252 {strides = array<i32>} : memref<64x16x1536xf32, #tpu.memory_space<vmem>>, vector<1x16x1536xf32>,
      %slice3A_1253 = vector.extract_strided_slice %get3A_24 {offsets = [61, 0], sizes = [1, 1536], strides = [1, 1]} : vector<64x1536xf32> to vector<1x1536xf32>
      %mul3A_1254 = vector.broadcast %slice3A_1253 : vector<1x1536xf32> to vector<16x1536xf32>
      %mul3A_1255 = arith.mulf %mul3A_1254, %neg3A_5 : vector<16x1536xf32>
      %exp3A_1256 = math.exp %mul3A_1255 : vector<16x1536xf32>
      %swap3A_1257 = arith.constant 61 : index
      %swap3A_1258 = arith.constant 0 : index
      %swap3A_1259 = arith.constant 0 : index
      %swap3A_1260 = vector.load %arg9[%swap3A_1257, %swap3A_1258, %swap3A_1259] : memref<64x16x1536xf32, #tpu.memory_space<vmem>>, vector<1x16x1536xf32>
      %swap3A_1261 = vector.shape_cast %swap3A_1260 : vector<1x16x1536xf32> to vector<16x1536xf32>
      %swap3A_1262 = vector.shape_cast %exp3A_1256 : vector<16x1536xf32> to vector<1x16x1536xf32>
      tpu.vector_store %arg9[%swap3A_1257, %swap3A_1258, %swap3A_1259], %swap3A_1262 {strides = array<i32>} : memref<64x16x1536xf32, #tpu.memory_space<vmem>>, vector<1x16x1536xf32>,
      %slice3A_1263 = vector.extract_strided_slice %get3A_30 {offsets = [61, 0], sizes = [1, 16], strides = [1, 1]} : vector<64x16xf32> to vector<1x16xf32>
      %slice3A_1264 = vector.extract_strided_slice %mul3A_34 {offsets = [61, 0], sizes = [1, 1536], strides = [1, 1]} : vector<64x1536xf32> to vector<1x1536xf32>
      %dot_general3A_1265 = arith.constant dense<0.000000e+00> : vector<16x1536xf32>
      %dot_general3A_1266 = tpu.matmul %slice3A_1263, %slice3A_1264, %dot_general3A_1265 {dimension_numbers = #tpu.dot_dimension_numbers<[0], [0], [1], [1], [0, 1, 1, 1], [], []>, transpose_lhs_hint = false} : vector<1x16xf32>, vector<1x1536xf32>, vector<16x1536xf32> -> vector<16x1536xf32>
      %swap3A_1267 = arith.constant 61 : index
      %swap3A_1268 = arith.constant 0 : index
      %swap3A_1269 = arith.constant 0 : index
      %swap3A_1270 = vector.load %arg10[%swap3A_1267, %swap3A_1268, %swap3A_1269] : memref<64x16x1536xf32, #tpu.memory_space<vmem>>, vector<1x16x1536xf32>
      %swap3A_1271 = vector.shape_cast %swap3A_1270 : vector<1x16x1536xf32> to vector<16x1536xf32>
      %swap3A_1272 = vector.shape_cast %dot_general3A_1266 : vector<16x1536xf32> to vector<1x16x1536xf32>
      tpu.vector_store %arg10[%swap3A_1267, %swap3A_1268, %swap3A_1269], %swap3A_1272 {strides = array<i32>} : memref<64x16x1536xf32, #tpu.memory_space<vmem>>, vector<1x16x1536xf32>,
      %slice3A_1273 = vector.extract_strided_slice %get3A_24 {offsets = [62, 0], sizes = [1, 1536], strides = [1, 1]} : vector<64x1536xf32> to vector<1x1536xf32>
      %mul3A_1274 = vector.broadcast %slice3A_1273 : vector<1x1536xf32> to vector<16x1536xf32>
      %mul3A_1275 = arith.mulf %mul3A_1274, %neg3A_5 : vector<16x1536xf32>
      %exp3A_1276 = math.exp %mul3A_1275 : vector<16x1536xf32>
      %swap3A_1277 = arith.constant 62 : index
      %swap3A_1278 = arith.constant 0 : index
      %swap3A_1279 = arith.constant 0 : index
      %swap3A_1280 = vector.load %arg9[%swap3A_1277, %swap3A_1278, %swap3A_1279] : memref<64x16x1536xf32, #tpu.memory_space<vmem>>, vector<1x16x1536xf32>
      %swap3A_1281 = vector.shape_cast %swap3A_1280 : vector<1x16x1536xf32> to vector<16x1536xf32>
      %swap3A_1282 = vector.shape_cast %exp3A_1276 : vector<16x1536xf32> to vector<1x16x1536xf32>
      tpu.vector_store %arg9[%swap3A_1277, %swap3A_1278, %swap3A_1279], %swap3A_1282 {strides = array<i32>} : memref<64x16x1536xf32, #tpu.memory_space<vmem>>, vector<1x16x1536xf32>,
      %slice3A_1283 = vector.extract_strided_slice %get3A_30 {offsets = [62, 0], sizes = [1, 16], strides = [1, 1]} : vector<64x16xf32> to vector<1x16xf32>
      %slice3A_1284 = vector.extract_strided_slice %mul3A_34 {offsets = [62, 0], sizes = [1, 1536], strides = [1, 1]} : vector<64x1536xf32> to vector<1x1536xf32>
      %dot_general3A_1285 = arith.constant dense<0.000000e+00> : vector<16x1536xf32>
      %dot_general3A_1286 = tpu.matmul %slice3A_1283, %slice3A_1284, %dot_general3A_1285 {dimension_numbers = #tpu.dot_dimension_numbers<[0], [0], [1], [1], [0, 1, 1, 1], [], []>, transpose_lhs_hint = false} : vector<1x16xf32>, vector<1x1536xf32>, vector<16x1536xf32> -> vector<16x1536xf32>
      %swap3A_1287 = arith.constant 62 : index
      %swap3A_1288 = arith.constant 0 : index
      %swap3A_1289 = arith.constant 0 : index
      %swap3A_1290 = vector.load %arg10[%swap3A_1287, %swap3A_1288, %swap3A_1289] : memref<64x16x1536xf32, #tpu.memory_space<vmem>>, vector<1x16x1536xf32>
      %swap3A_1291 = vector.shape_cast %swap3A_1290 : vector<1x16x1536xf32> to vector<16x1536xf32>
      %swap3A_1292 = vector.shape_cast %dot_general3A_1286 : vector<16x1536xf32> to vector<1x16x1536xf32>
      tpu.vector_store %arg10[%swap3A_1287, %swap3A_1288, %swap3A_1289], %swap3A_1292 {strides = array<i32>} : memref<64x16x1536xf32, #tpu.memory_space<vmem>>, vector<1x16x1536xf32>,
      %slice3A_1293 = vector.extract_strided_slice %get3A_24 {offsets = [63, 0], sizes = [1, 1536], strides = [1, 1]} : vector<64x1536xf32> to vector<1x1536xf32>
      %mul3A_1294 = vector.broadcast %slice3A_1293 : vector<1x1536xf32> to vector<16x1536xf32>
      %mul3A_1295 = arith.mulf %mul3A_1294, %neg3A_5 : vector<16x1536xf32>
      %exp3A_1296 = math.exp %mul3A_1295 : vector<16x1536xf32>
      %swap3A_1297 = arith.constant 63 : index
      %swap3A_1298 = arith.constant 0 : index
      %swap3A_1299 = arith.constant 0 : index
      %swap3A_1300 = vector.load %arg9[%swap3A_1297, %swap3A_1298, %swap3A_1299] : memref<64x16x1536xf32, #tpu.memory_space<vmem>>, vector<1x16x1536xf32>
      %swap3A_1301 = vector.shape_cast %swap3A_1300 : vector<1x16x1536xf32> to vector<16x1536xf32>
      %swap3A_1302 = vector.shape_cast %exp3A_1296 : vector<16x1536xf32> to vector<1x16x1536xf32>
      tpu.vector_store %arg9[%swap3A_1297, %swap3A_1298, %swap3A_1299], %swap3A_1302 {strides = array<i32>} : memref<64x16x1536xf32, #tpu.memory_space<vmem>>, vector<1x16x1536xf32>,
      %slice3A_1303 = vector.extract_strided_slice %get3A_30 {offsets = [63, 0], sizes = [1, 16], strides = [1, 1]} : vector<64x16xf32> to vector<1x16xf32>
      %slice3A_1304 = vector.extract_strided_slice %mul3A_34 {offsets = [63, 0], sizes = [1, 1536], strides = [1, 1]} : vector<64x1536xf32> to vector<1x1536xf32>
      %dot_general3A_1305 = arith.constant dense<0.000000e+00> : vector<16x1536xf32>
      %dot_general3A_1306 = tpu.matmul %slice3A_1303, %slice3A_1304, %dot_general3A_1305 {dimension_numbers = #tpu.dot_dimension_numbers<[0], [0], [1], [1], [0, 1, 1, 1], [], []>, transpose_lhs_hint = false} : vector<1x16xf32>, vector<1x1536xf32>, vector<16x1536xf32> -> vector<16x1536xf32>
      %swap3A_1307 = arith.constant 63 : index
      %swap3A_1308 = arith.constant 0 : index
      %swap3A_1309 = arith.constant 0 : index
      %swap3A_1310 = vector.load %arg10[%swap3A_1307, %swap3A_1308, %swap3A_1309] : memref<64x16x1536xf32, #tpu.memory_space<vmem>>, vector<1x16x1536xf32>
      %swap3A_1311 = vector.shape_cast %swap3A_1310 : vector<1x16x1536xf32> to vector<16x1536xf32>
      %swap3A_1312 = vector.shape_cast %dot_general3A_1306 : vector<16x1536xf32> to vector<1x16x1536xf32>
      tpu.vector_store %arg10[%swap3A_1307, %swap3A_1308, %swap3A_1309], %swap3A_1312 {strides = array<i32>} : memref<64x16x1536xf32, #tpu.memory_space<vmem>>, vector<1x16x1536xf32>,
      %get3A_1313 = arith.constant 0 : index
      %get3A_1314 = arith.constant 0 : index
      %get3A_1315 = arith.constant 0 : index
      %get3A_1316 = vector.load %arg9[%get3A_1313, %get3A_1314, %get3A_1315] : memref<64x16x1536xf32, #tpu.memory_space<vmem>>, vector<1x16x1536xf32>
      %get3A_1317 = vector.shape_cast %get3A_1316 : vector<1x16x1536xf32> to vector<16x1536xf32>
      %mul3A_1318 = arith.mulf %get3A_1317, %scan3A_20 : vector<16x1536xf32>
      %get3A_1319 = arith.constant 0 : index
      %get3A_1320 = arith.constant 0 : index
      %get3A_1321 = arith.constant 0 : index
      %get3A_1322 = vector.load %arg10[%get3A_1319, %get3A_1320, %get3A_1321] : memref<64x16x1536xf32, #tpu.memory_space<vmem>>, vector<1x16x1536xf32>
      %get3A_1323 = vector.shape_cast %get3A_1322 : vector<1x16x1536xf32> to vector<16x1536xf32>
      %add3A = arith.addf %mul3A_1318, %get3A_1323 : vector<16x1536xf32>
      %slice3A_1324 = vector.extract_strided_slice %get3A_33 {offsets = [0, 0], sizes = [1, 16], strides = [1, 1]} : vector<64x16xf32> to vector<1x16xf32>
      %dot_general3A_1325 = arith.constant dense<0.000000e+00> : vector<1x1536xf32>
      %dot_general3A_1326 = tpu.matmul %slice3A_1324, %add3A, %dot_general3A_1325 {dimension_numbers = #tpu.dot_dimension_numbers<[1], [0], [0], [1], [0, 0, 1, 1], [], []>, transpose_lhs_hint = false} : vector<1x16xf32>, vector<16x1536xf32>, vector<1x1536xf32> -> vector<1x1536xf32>
      %get3A_1327 = arith.constant 1 : index
      %get3A_1328 = arith.constant 0 : index
      %get3A_1329 = arith.constant 0 : index
      %get3A_1330 = vector.load %arg9[%get3A_1327, %get3A_1328, %get3A_1329] : memref<64x16x1536xf32, #tpu.memory_space<vmem>>, vector<1x16x1536xf32>
      %get3A_1331 = vector.shape_cast %get3A_1330 : vector<1x16x1536xf32> to vector<16x1536xf32>
      %mul3A_1332 = arith.mulf %get3A_1331, %add3A : vector<16x1536xf32>
      %get3A_1333 = arith.constant 1 : index
      %get3A_1334 = arith.constant 0 : index
      %get3A_1335 = arith.constant 0 : index
      %get3A_1336 = vector.load %arg10[%get3A_1333, %get3A_1334, %get3A_1335] : memref<64x16x1536xf32, #tpu.memory_space<vmem>>, vector<1x16x1536xf32>
      %get3A_1337 = vector.shape_cast %get3A_1336 : vector<1x16x1536xf32> to vector<16x1536xf32>
      %add3A_1338 = arith.addf %mul3A_1332, %get3A_1337 : vector<16x1536xf32>
      %slice3A_1339 = vector.extract_strided_slice %get3A_33 {offsets = [1, 0], sizes = [1, 16], strides = [1, 1]} : vector<64x16xf32> to vector<1x16xf32>
      %dot_general3A_1340 = arith.constant dense<0.000000e+00> : vector<1x1536xf32>
      %dot_general3A_1341 = tpu.matmul %slice3A_1339, %add3A_1338, %dot_general3A_1340 {dimension_numbers = #tpu.dot_dimension_numbers<[1], [0], [0], [1], [0, 0, 1, 1], [], []>, transpose_lhs_hint = false} : vector<1x16xf32>, vector<16x1536xf32>, vector<1x1536xf32> -> vector<1x1536xf32>
      %get3A_1342 = arith.constant 2 : index
      %get3A_1343 = arith.constant 0 : index
      %get3A_1344 = arith.constant 0 : index
      %get3A_1345 = vector.load %arg9[%get3A_1342, %get3A_1343, %get3A_1344] : memref<64x16x1536xf32, #tpu.memory_space<vmem>>, vector<1x16x1536xf32>
      %get3A_1346 = vector.shape_cast %get3A_1345 : vector<1x16x1536xf32> to vector<16x1536xf32>
      %mul3A_1347 = arith.mulf %get3A_1346, %add3A_1338 : vector<16x1536xf32>
      %get3A_1348 = arith.constant 2 : index
      %get3A_1349 = arith.constant 0 : index
      %get3A_1350 = arith.constant 0 : index
      %get3A_1351 = vector.load %arg10[%get3A_1348, %get3A_1349, %get3A_1350] : memref<64x16x1536xf32, #tpu.memory_space<vmem>>, vector<1x16x1536xf32>
      %get3A_1352 = vector.shape_cast %get3A_1351 : vector<1x16x1536xf32> to vector<16x1536xf32>
      %add3A_1353 = arith.addf %mul3A_1347, %get3A_1352 : vector<16x1536xf32>
      %slice3A_1354 = vector.extract_strided_slice %get3A_33 {offsets = [2, 0], sizes = [1, 16], strides = [1, 1]} : vector<64x16xf32> to vector<1x16xf32>
      %dot_general3A_1355 = arith.constant dense<0.000000e+00> : vector<1x1536xf32>
      %dot_general3A_1356 = tpu.matmul %slice3A_1354, %add3A_1353, %dot_general3A_1355 {dimension_numbers = #tpu.dot_dimension_numbers<[1], [0], [0], [1], [0, 0, 1, 1], [], []>, transpose_lhs_hint = false} : vector<1x16xf32>, vector<16x1536xf32>, vector<1x1536xf32> -> vector<1x1536xf32>
      %get3A_1357 = arith.constant 3 : index
      %get3A_1358 = arith.constant 0 : index
      %get3A_1359 = arith.constant 0 : index
      %get3A_1360 = vector.load %arg9[%get3A_1357, %get3A_1358, %get3A_1359] : memref<64x16x1536xf32, #tpu.memory_space<vmem>>, vector<1x16x1536xf32>
      %get3A_1361 = vector.shape_cast %get3A_1360 : vector<1x16x1536xf32> to vector<16x1536xf32>
      %mul3A_1362 = arith.mulf %get3A_1361, %add3A_1353 : vector<16x1536xf32>
      %get3A_1363 = arith.constant 3 : index
      %get3A_1364 = arith.constant 0 : index
      %get3A_1365 = arith.constant 0 : index
      %get3A_1366 = vector.load %arg10[%get3A_1363, %get3A_1364, %get3A_1365] : memref<64x16x1536xf32, #tpu.memory_space<vmem>>, vector<1x16x1536xf32>
      %get3A_1367 = vector.shape_cast %get3A_1366 : vector<1x16x1536xf32> to vector<16x1536xf32>
      %add3A_1368 = arith.addf %mul3A_1362, %get3A_1367 : vector<16x1536xf32>
      %slice3A_1369 = vector.extract_strided_slice %get3A_33 {offsets = [3, 0], sizes = [1, 16], strides = [1, 1]} : vector<64x16xf32> to vector<1x16xf32>
      %dot_general3A_1370 = arith.constant dense<0.000000e+00> : vector<1x1536xf32>
      %dot_general3A_1371 = tpu.matmul %slice3A_1369, %add3A_1368, %dot_general3A_1370 {dimension_numbers = #tpu.dot_dimension_numbers<[1], [0], [0], [1], [0, 0, 1, 1], [], []>, transpose_lhs_hint = false} : vector<1x16xf32>, vector<16x1536xf32>, vector<1x1536xf32> -> vector<1x1536xf32>
      %get3A_1372 = arith.constant 4 : index
      %get3A_1373 = arith.constant 0 : index
      %get3A_1374 = arith.constant 0 : index
      %get3A_1375 = vector.load %arg9[%get3A_1372, %get3A_1373, %get3A_1374] : memref<64x16x1536xf32, #tpu.memory_space<vmem>>, vector<1x16x1536xf32>
      %get3A_1376 = vector.shape_cast %get3A_1375 : vector<1x16x1536xf32> to vector<16x1536xf32>
      %mul3A_1377 = arith.mulf %get3A_1376, %add3A_1368 : vector<16x1536xf32>
      %get3A_1378 = arith.constant 4 : index
      %get3A_1379 = arith.constant 0 : index
      %get3A_1380 = arith.constant 0 : index
      %get3A_1381 = vector.load %arg10[%get3A_1378, %get3A_1379, %get3A_1380] : memref<64x16x1536xf32, #tpu.memory_space<vmem>>, vector<1x16x1536xf32>
      %get3A_1382 = vector.shape_cast %get3A_1381 : vector<1x16x1536xf32> to vector<16x1536xf32>
      %add3A_1383 = arith.addf %mul3A_1377, %get3A_1382 : vector<16x1536xf32>
      %slice3A_1384 = vector.extract_strided_slice %get3A_33 {offsets = [4, 0], sizes = [1, 16], strides = [1, 1]} : vector<64x16xf32> to vector<1x16xf32>
      %dot_general3A_1385 = arith.constant dense<0.000000e+00> : vector<1x1536xf32>
      %dot_general3A_1386 = tpu.matmul %slice3A_1384, %add3A_1383, %dot_general3A_1385 {dimension_numbers = #tpu.dot_dimension_numbers<[1], [0], [0], [1], [0, 0, 1, 1], [], []>, transpose_lhs_hint = false} : vector<1x16xf32>, vector<16x1536xf32>, vector<1x1536xf32> -> vector<1x1536xf32>
      %get3A_1387 = arith.constant 5 : index
      %get3A_1388 = arith.constant 0 : index
      %get3A_1389 = arith.constant 0 : index
      %get3A_1390 = vector.load %arg9[%get3A_1387, %get3A_1388, %get3A_1389] : memref<64x16x1536xf32, #tpu.memory_space<vmem>>, vector<1x16x1536xf32>
      %get3A_1391 = vector.shape_cast %get3A_1390 : vector<1x16x1536xf32> to vector<16x1536xf32>
      %mul3A_1392 = arith.mulf %get3A_1391, %add3A_1383 : vector<16x1536xf32>
      %get3A_1393 = arith.constant 5 : index
      %get3A_1394 = arith.constant 0 : index
      %get3A_1395 = arith.constant 0 : index
      %get3A_1396 = vector.load %arg10[%get3A_1393, %get3A_1394, %get3A_1395] : memref<64x16x1536xf32, #tpu.memory_space<vmem>>, vector<1x16x1536xf32>
      %get3A_1397 = vector.shape_cast %get3A_1396 : vector<1x16x1536xf32> to vector<16x1536xf32>
      %add3A_1398 = arith.addf %mul3A_1392, %get3A_1397 : vector<16x1536xf32>
      %slice3A_1399 = vector.extract_strided_slice %get3A_33 {offsets = [5, 0], sizes = [1, 16], strides = [1, 1]} : vector<64x16xf32> to vector<1x16xf32>
      %dot_general3A_1400 = arith.constant dense<0.000000e+00> : vector<1x1536xf32>
      %dot_general3A_1401 = tpu.matmul %slice3A_1399, %add3A_1398, %dot_general3A_1400 {dimension_numbers = #tpu.dot_dimension_numbers<[1], [0], [0], [1], [0, 0, 1, 1], [], []>, transpose_lhs_hint = false} : vector<1x16xf32>, vector<16x1536xf32>, vector<1x1536xf32> -> vector<1x1536xf32>
      %get3A_1402 = arith.constant 6 : index
      %get3A_1403 = arith.constant 0 : index
      %get3A_1404 = arith.constant 0 : index
      %get3A_1405 = vector.load %arg9[%get3A_1402, %get3A_1403, %get3A_1404] : memref<64x16x1536xf32, #tpu.memory_space<vmem>>, vector<1x16x1536xf32>
      %get3A_1406 = vector.shape_cast %get3A_1405 : vector<1x16x1536xf32> to vector<16x1536xf32>
      %mul3A_1407 = arith.mulf %get3A_1406, %add3A_1398 : vector<16x1536xf32>
      %get3A_1408 = arith.constant 6 : index
      %get3A_1409 = arith.constant 0 : index
      %get3A_1410 = arith.constant 0 : index
      %get3A_1411 = vector.load %arg10[%get3A_1408, %get3A_1409, %get3A_1410] : memref<64x16x1536xf32, #tpu.memory_space<vmem>>, vector<1x16x1536xf32>
      %get3A_1412 = vector.shape_cast %get3A_1411 : vector<1x16x1536xf32> to vector<16x1536xf32>
      %add3A_1413 = arith.addf %mul3A_1407, %get3A_1412 : vector<16x1536xf32>
      %slice3A_1414 = vector.extract_strided_slice %get3A_33 {offsets = [6, 0], sizes = [1, 16], strides = [1, 1]} : vector<64x16xf32> to vector<1x16xf32>
      %dot_general3A_1415 = arith.constant dense<0.000000e+00> : vector<1x1536xf32>
      %dot_general3A_1416 = tpu.matmul %slice3A_1414, %add3A_1413, %dot_general3A_1415 {dimension_numbers = #tpu.dot_dimension_numbers<[1], [0], [0], [1], [0, 0, 1, 1], [], []>, transpose_lhs_hint = false} : vector<1x16xf32>, vector<16x1536xf32>, vector<1x1536xf32> -> vector<1x1536xf32>
      %get3A_1417 = arith.constant 7 : index
      %get3A_1418 = arith.constant 0 : index
      %get3A_1419 = arith.constant 0 : index
      %get3A_1420 = vector.load %arg9[%get3A_1417, %get3A_1418, %get3A_1419] : memref<64x16x1536xf32, #tpu.memory_space<vmem>>, vector<1x16x1536xf32>
      %get3A_1421 = vector.shape_cast %get3A_1420 : vector<1x16x1536xf32> to vector<16x1536xf32>
      %mul3A_1422 = arith.mulf %get3A_1421, %add3A_1413 : vector<16x1536xf32>
      %get3A_1423 = arith.constant 7 : index
      %get3A_1424 = arith.constant 0 : index
      %get3A_1425 = arith.constant 0 : index
      %get3A_1426 = vector.load %arg10[%get3A_1423, %get3A_1424, %get3A_1425] : memref<64x16x1536xf32, #tpu.memory_space<vmem>>, vector<1x16x1536xf32>
      %get3A_1427 = vector.shape_cast %get3A_1426 : vector<1x16x1536xf32> to vector<16x1536xf32>
      %add3A_1428 = arith.addf %mul3A_1422, %get3A_1427 : vector<16x1536xf32>
      %slice3A_1429 = vector.extract_strided_slice %get3A_33 {offsets = [7, 0], sizes = [1, 16], strides = [1, 1]} : vector<64x16xf32> to vector<1x16xf32>
      %dot_general3A_1430 = arith.constant dense<0.000000e+00> : vector<1x1536xf32>
      %dot_general3A_1431 = tpu.matmul %slice3A_1429, %add3A_1428, %dot_general3A_1430 {dimension_numbers = #tpu.dot_dimension_numbers<[1], [0], [0], [1], [0, 0, 1, 1], [], []>, transpose_lhs_hint = false} : vector<1x16xf32>, vector<16x1536xf32>, vector<1x1536xf32> -> vector<1x1536xf32>
      %get3A_1432 = arith.constant 8 : index
      %get3A_1433 = arith.constant 0 : index
      %get3A_1434 = arith.constant 0 : index
      %get3A_1435 = vector.load %arg9[%get3A_1432, %get3A_1433, %get3A_1434] : memref<64x16x1536xf32, #tpu.memory_space<vmem>>, vector<1x16x1536xf32>
      %get3A_1436 = vector.shape_cast %get3A_1435 : vector<1x16x1536xf32> to vector<16x1536xf32>
      %mul3A_1437 = arith.mulf %get3A_1436, %add3A_1428 : vector<16x1536xf32>
      %get3A_1438 = arith.constant 8 : index
      %get3A_1439 = arith.constant 0 : index
      %get3A_1440 = arith.constant 0 : index
      %get3A_1441 = vector.load %arg10[%get3A_1438, %get3A_1439, %get3A_1440] : memref<64x16x1536xf32, #tpu.memory_space<vmem>>, vector<1x16x1536xf32>
      %get3A_1442 = vector.shape_cast %get3A_1441 : vector<1x16x1536xf32> to vector<16x1536xf32>
      %add3A_1443 = arith.addf %mul3A_1437, %get3A_1442 : vector<16x1536xf32>
      %slice3A_1444 = vector.extract_strided_slice %get3A_33 {offsets = [8, 0], sizes = [1, 16], strides = [1, 1]} : vector<64x16xf32> to vector<1x16xf32>
      %dot_general3A_1445 = arith.constant dense<0.000000e+00> : vector<1x1536xf32>
      %dot_general3A_1446 = tpu.matmul %slice3A_1444, %add3A_1443, %dot_general3A_1445 {dimension_numbers = #tpu.dot_dimension_numbers<[1], [0], [0], [1], [0, 0, 1, 1], [], []>, transpose_lhs_hint = false} : vector<1x16xf32>, vector<16x1536xf32>, vector<1x1536xf32> -> vector<1x1536xf32>
      %get3A_1447 = arith.constant 9 : index
      %get3A_1448 = arith.constant 0 : index
      %get3A_1449 = arith.constant 0 : index
      %get3A_1450 = vector.load %arg9[%get3A_1447, %get3A_1448, %get3A_1449] : memref<64x16x1536xf32, #tpu.memory_space<vmem>>, vector<1x16x1536xf32>
      %get3A_1451 = vector.shape_cast %get3A_1450 : vector<1x16x1536xf32> to vector<16x1536xf32>
      %mul3A_1452 = arith.mulf %get3A_1451, %add3A_1443 : vector<16x1536xf32>
      %get3A_1453 = arith.constant 9 : index
      %get3A_1454 = arith.constant 0 : index
      %get3A_1455 = arith.constant 0 : index
      %get3A_1456 = vector.load %arg10[%get3A_1453, %get3A_1454, %get3A_1455] : memref<64x16x1536xf32, #tpu.memory_space<vmem>>, vector<1x16x1536xf32>
      %get3A_1457 = vector.shape_cast %get3A_1456 : vector<1x16x1536xf32> to vector<16x1536xf32>
      %add3A_1458 = arith.addf %mul3A_1452, %get3A_1457 : vector<16x1536xf32>
      %slice3A_1459 = vector.extract_strided_slice %get3A_33 {offsets = [9, 0], sizes = [1, 16], strides = [1, 1]} : vector<64x16xf32> to vector<1x16xf32>
      %dot_general3A_1460 = arith.constant dense<0.000000e+00> : vector<1x1536xf32>
      %dot_general3A_1461 = tpu.matmul %slice3A_1459, %add3A_1458, %dot_general3A_1460 {dimension_numbers = #tpu.dot_dimension_numbers<[1], [0], [0], [1], [0, 0, 1, 1], [], []>, transpose_lhs_hint = false} : vector<1x16xf32>, vector<16x1536xf32>, vector<1x1536xf32> -> vector<1x1536xf32>
      %get3A_1462 = arith.constant 10 : index
      %get3A_1463 = arith.constant 0 : index
      %get3A_1464 = arith.constant 0 : index
      %get3A_1465 = vector.load %arg9[%get3A_1462, %get3A_1463, %get3A_1464] : memref<64x16x1536xf32, #tpu.memory_space<vmem>>, vector<1x16x1536xf32>
      %get3A_1466 = vector.shape_cast %get3A_1465 : vector<1x16x1536xf32> to vector<16x1536xf32>
      %mul3A_1467 = arith.mulf %get3A_1466, %add3A_1458 : vector<16x1536xf32>
      %get3A_1468 = arith.constant 10 : index
      %get3A_1469 = arith.constant 0 : index
      %get3A_1470 = arith.constant 0 : index
      %get3A_1471 = vector.load %arg10[%get3A_1468, %get3A_1469, %get3A_1470] : memref<64x16x1536xf32, #tpu.memory_space<vmem>>, vector<1x16x1536xf32>
      %get3A_1472 = vector.shape_cast %get3A_1471 : vector<1x16x1536xf32> to vector<16x1536xf32>
      %add3A_1473 = arith.addf %mul3A_1467, %get3A_1472 : vector<16x1536xf32>
      %slice3A_1474 = vector.extract_strided_slice %get3A_33 {offsets = [10, 0], sizes = [1, 16], strides = [1, 1]} : vector<64x16xf32> to vector<1x16xf32>
      %dot_general3A_1475 = arith.constant dense<0.000000e+00> : vector<1x1536xf32>
      %dot_general3A_1476 = tpu.matmul %slice3A_1474, %add3A_1473, %dot_general3A_1475 {dimension_numbers = #tpu.dot_dimension_numbers<[1], [0], [0], [1], [0, 0, 1, 1], [], []>, transpose_lhs_hint = false} : vector<1x16xf32>, vector<16x1536xf32>, vector<1x1536xf32> -> vector<1x1536xf32>
      %get3A_1477 = arith.constant 11 : index
      %get3A_1478 = arith.constant 0 : index
      %get3A_1479 = arith.constant 0 : index
      %get3A_1480 = vector.load %arg9[%get3A_1477, %get3A_1478, %get3A_1479] : memref<64x16x1536xf32, #tpu.memory_space<vmem>>, vector<1x16x1536xf32>
      %get3A_1481 = vector.shape_cast %get3A_1480 : vector<1x16x1536xf32> to vector<16x1536xf32>
      %mul3A_1482 = arith.mulf %get3A_1481, %add3A_1473 : vector<16x1536xf32>
      %get3A_1483 = arith.constant 11 : index
      %get3A_1484 = arith.constant 0 : index
      %get3A_1485 = arith.constant 0 : index
      %get3A_1486 = vector.load %arg10[%get3A_1483, %get3A_1484, %get3A_1485] : memref<64x16x1536xf32, #tpu.memory_space<vmem>>, vector<1x16x1536xf32>
      %get3A_1487 = vector.shape_cast %get3A_1486 : vector<1x16x1536xf32> to vector<16x1536xf32>
      %add3A_1488 = arith.addf %mul3A_1482, %get3A_1487 : vector<16x1536xf32>
      %slice3A_1489 = vector.extract_strided_slice %get3A_33 {offsets = [11, 0], sizes = [1, 16], strides = [1, 1]} : vector<64x16xf32> to vector<1x16xf32>
      %dot_general3A_1490 = arith.constant dense<0.000000e+00> : vector<1x1536xf32>
      %dot_general3A_1491 = tpu.matmul %slice3A_1489, %add3A_1488, %dot_general3A_1490 {dimension_numbers = #tpu.dot_dimension_numbers<[1], [0], [0], [1], [0, 0, 1, 1], [], []>, transpose_lhs_hint = false} : vector<1x16xf32>, vector<16x1536xf32>, vector<1x1536xf32> -> vector<1x1536xf32>
      %get3A_1492 = arith.constant 12 : index
      %get3A_1493 = arith.constant 0 : index
      %get3A_1494 = arith.constant 0 : index
      %get3A_1495 = vector.load %arg9[%get3A_1492, %get3A_1493, %get3A_1494] : memref<64x16x1536xf32, #tpu.memory_space<vmem>>, vector<1x16x1536xf32>
      %get3A_1496 = vector.shape_cast %get3A_1495 : vector<1x16x1536xf32> to vector<16x1536xf32>
      %mul3A_1497 = arith.mulf %get3A_1496, %add3A_1488 : vector<16x1536xf32>
      %get3A_1498 = arith.constant 12 : index
      %get3A_1499 = arith.constant 0 : index
      %get3A_1500 = arith.constant 0 : index
      %get3A_1501 = vector.load %arg10[%get3A_1498, %get3A_1499, %get3A_1500] : memref<64x16x1536xf32, #tpu.memory_space<vmem>>, vector<1x16x1536xf32>
      %get3A_1502 = vector.shape_cast %get3A_1501 : vector<1x16x1536xf32> to vector<16x1536xf32>
      %add3A_1503 = arith.addf %mul3A_1497, %get3A_1502 : vector<16x1536xf32>
      %slice3A_1504 = vector.extract_strided_slice %get3A_33 {offsets = [12, 0], sizes = [1, 16], strides = [1, 1]} : vector<64x16xf32> to vector<1x16xf32>
      %dot_general3A_1505 = arith.constant dense<0.000000e+00> : vector<1x1536xf32>
      %dot_general3A_1506 = tpu.matmul %slice3A_1504, %add3A_1503, %dot_general3A_1505 {dimension_numbers = #tpu.dot_dimension_numbers<[1], [0], [0], [1], [0, 0, 1, 1], [], []>, transpose_lhs_hint = false} : vector<1x16xf32>, vector<16x1536xf32>, vector<1x1536xf32> -> vector<1x1536xf32>
      %get3A_1507 = arith.constant 13 : index
      %get3A_1508 = arith.constant 0 : index
      %get3A_1509 = arith.constant 0 : index
      %get3A_1510 = vector.load %arg9[%get3A_1507, %get3A_1508, %get3A_1509] : memref<64x16x1536xf32, #tpu.memory_space<vmem>>, vector<1x16x1536xf32>
      %get3A_1511 = vector.shape_cast %get3A_1510 : vector<1x16x1536xf32> to vector<16x1536xf32>
      %mul3A_1512 = arith.mulf %get3A_1511, %add3A_1503 : vector<16x1536xf32>
      %get3A_1513 = arith.constant 13 : index
      %get3A_1514 = arith.constant 0 : index
      %get3A_1515 = arith.constant 0 : index
      %get3A_1516 = vector.load %arg10[%get3A_1513, %get3A_1514, %get3A_1515] : memref<64x16x1536xf32, #tpu.memory_space<vmem>>, vector<1x16x1536xf32>
      %get3A_1517 = vector.shape_cast %get3A_1516 : vector<1x16x1536xf32> to vector<16x1536xf32>
      %add3A_1518 = arith.addf %mul3A_1512, %get3A_1517 : vector<16x1536xf32>
      %slice3A_1519 = vector.extract_strided_slice %get3A_33 {offsets = [13, 0], sizes = [1, 16], strides = [1, 1]} : vector<64x16xf32> to vector<1x16xf32>
      %dot_general3A_1520 = arith.constant dense<0.000000e+00> : vector<1x1536xf32>
      %dot_general3A_1521 = tpu.matmul %slice3A_1519, %add3A_1518, %dot_general3A_1520 {dimension_numbers = #tpu.dot_dimension_numbers<[1], [0], [0], [1], [0, 0, 1, 1], [], []>, transpose_lhs_hint = false} : vector<1x16xf32>, vector<16x1536xf32>, vector<1x1536xf32> -> vector<1x1536xf32>
      %get3A_1522 = arith.constant 14 : index
      %get3A_1523 = arith.constant 0 : index
      %get3A_1524 = arith.constant 0 : index
      %get3A_1525 = vector.load %arg9[%get3A_1522, %get3A_1523, %get3A_1524] : memref<64x16x1536xf32, #tpu.memory_space<vmem>>, vector<1x16x1536xf32>
      %get3A_1526 = vector.shape_cast %get3A_1525 : vector<1x16x1536xf32> to vector<16x1536xf32>
      %mul3A_1527 = arith.mulf %get3A_1526, %add3A_1518 : vector<16x1536xf32>
      %get3A_1528 = arith.constant 14 : index
      %get3A_1529 = arith.constant 0 : index
      %get3A_1530 = arith.constant 0 : index
      %get3A_1531 = vector.load %arg10[%get3A_1528, %get3A_1529, %get3A_1530] : memref<64x16x1536xf32, #tpu.memory_space<vmem>>, vector<1x16x1536xf32>
      %get3A_1532 = vector.shape_cast %get3A_1531 : vector<1x16x1536xf32> to vector<16x1536xf32>
      %add3A_1533 = arith.addf %mul3A_1527, %get3A_1532 : vector<16x1536xf32>
      %slice3A_1534 = vector.extract_strided_slice %get3A_33 {offsets = [14, 0], sizes = [1, 16], strides = [1, 1]} : vector<64x16xf32> to vector<1x16xf32>
      %dot_general3A_1535 = arith.constant dense<0.000000e+00> : vector<1x1536xf32>
      %dot_general3A_1536 = tpu.matmul %slice3A_1534, %add3A_1533, %dot_general3A_1535 {dimension_numbers = #tpu.dot_dimension_numbers<[1], [0], [0], [1], [0, 0, 1, 1], [], []>, transpose_lhs_hint = false} : vector<1x16xf32>, vector<16x1536xf32>, vector<1x1536xf32> -> vector<1x1536xf32>
      %get3A_1537 = arith.constant 15 : index
      %get3A_1538 = arith.constant 0 : index
      %get3A_1539 = arith.constant 0 : index
      %get3A_1540 = vector.load %arg9[%get3A_1537, %get3A_1538, %get3A_1539] : memref<64x16x1536xf32, #tpu.memory_space<vmem>>, vector<1x16x1536xf32>
      %get3A_1541 = vector.shape_cast %get3A_1540 : vector<1x16x1536xf32> to vector<16x1536xf32>
      %mul3A_1542 = arith.mulf %get3A_1541, %add3A_1533 : vector<16x1536xf32>
      %get3A_1543 = arith.constant 15 : index
      %get3A_1544 = arith.constant 0 : index
      %get3A_1545 = arith.constant 0 : index
      %get3A_1546 = vector.load %arg10[%get3A_1543, %get3A_1544, %get3A_1545] : memref<64x16x1536xf32, #tpu.memory_space<vmem>>, vector<1x16x1536xf32>
      %get3A_1547 = vector.shape_cast %get3A_1546 : vector<1x16x1536xf32> to vector<16x1536xf32>
      %add3A_1548 = arith.addf %mul3A_1542, %get3A_1547 : vector<16x1536xf32>
      %slice3A_1549 = vector.extract_strided_slice %get3A_33 {offsets = [15, 0], sizes = [1, 16], strides = [1, 1]} : vector<64x16xf32> to vector<1x16xf32>
      %dot_general3A_1550 = arith.constant dense<0.000000e+00> : vector<1x1536xf32>
      %dot_general3A_1551 = tpu.matmul %slice3A_1549, %add3A_1548, %dot_general3A_1550 {dimension_numbers = #tpu.dot_dimension_numbers<[1], [0], [0], [1], [0, 0, 1, 1], [], []>, transpose_lhs_hint = false} : vector<1x16xf32>, vector<16x1536xf32>, vector<1x1536xf32> -> vector<1x1536xf32>
      %get3A_1552 = arith.constant 16 : index
      %get3A_1553 = arith.constant 0 : index
      %get3A_1554 = arith.constant 0 : index
      %get3A_1555 = vector.load %arg9[%get3A_1552, %get3A_1553, %get3A_1554] : memref<64x16x1536xf32, #tpu.memory_space<vmem>>, vector<1x16x1536xf32>
      %get3A_1556 = vector.shape_cast %get3A_1555 : vector<1x16x1536xf32> to vector<16x1536xf32>
      %mul3A_1557 = arith.mulf %get3A_1556, %add3A_1548 : vector<16x1536xf32>
      %get3A_1558 = arith.constant 16 : index
      %get3A_1559 = arith.constant 0 : index
      %get3A_1560 = arith.constant 0 : index
      %get3A_1561 = vector.load %arg10[%get3A_1558, %get3A_1559, %get3A_1560] : memref<64x16x1536xf32, #tpu.memory_space<vmem>>, vector<1x16x1536xf32>
      %get3A_1562 = vector.shape_cast %get3A_1561 : vector<1x16x1536xf32> to vector<16x1536xf32>
      %add3A_1563 = arith.addf %mul3A_1557, %get3A_1562 : vector<16x1536xf32>
      %slice3A_1564 = vector.extract_strided_slice %get3A_33 {offsets = [16, 0], sizes = [1, 16], strides = [1, 1]} : vector<64x16xf32> to vector<1x16xf32>
      %dot_general3A_1565 = arith.constant dense<0.000000e+00> : vector<1x1536xf32>
      %dot_general3A_1566 = tpu.matmul %slice3A_1564, %add3A_1563, %dot_general3A_1565 {dimension_numbers = #tpu.dot_dimension_numbers<[1], [0], [0], [1], [0, 0, 1, 1], [], []>, transpose_lhs_hint = false} : vector<1x16xf32>, vector<16x1536xf32>, vector<1x1536xf32> -> vector<1x1536xf32>
      %get3A_1567 = arith.constant 17 : index
      %get3A_1568 = arith.constant 0 : index
      %get3A_1569 = arith.constant 0 : index
      %get3A_1570 = vector.load %arg9[%get3A_1567, %get3A_1568, %get3A_1569] : memref<64x16x1536xf32, #tpu.memory_space<vmem>>, vector<1x16x1536xf32>
      %get3A_1571 = vector.shape_cast %get3A_1570 : vector<1x16x1536xf32> to vector<16x1536xf32>
      %mul3A_1572 = arith.mulf %get3A_1571, %add3A_1563 : vector<16x1536xf32>
      %get3A_1573 = arith.constant 17 : index
      %get3A_1574 = arith.constant 0 : index
      %get3A_1575 = arith.constant 0 : index
      %get3A_1576 = vector.load %arg10[%get3A_1573, %get3A_1574, %get3A_1575] : memref<64x16x1536xf32, #tpu.memory_space<vmem>>, vector<1x16x1536xf32>
      %get3A_1577 = vector.shape_cast %get3A_1576 : vector<1x16x1536xf32> to vector<16x1536xf32>
      %add3A_1578 = arith.addf %mul3A_1572, %get3A_1577 : vector<16x1536xf32>
      %slice3A_1579 = vector.extract_strided_slice %get3A_33 {offsets = [17, 0], sizes = [1, 16], strides = [1, 1]} : vector<64x16xf32> to vector<1x16xf32>
      %dot_general3A_1580 = arith.constant dense<0.000000e+00> : vector<1x1536xf32>
      %dot_general3A_1581 = tpu.matmul %slice3A_1579, %add3A_1578, %dot_general3A_1580 {dimension_numbers = #tpu.dot_dimension_numbers<[1], [0], [0], [1], [0, 0, 1, 1], [], []>, transpose_lhs_hint = false} : vector<1x16xf32>, vector<16x1536xf32>, vector<1x1536xf32> -> vector<1x1536xf32>
      %get3A_1582 = arith.constant 18 : index
      %get3A_1583 = arith.constant 0 : index
      %get3A_1584 = arith.constant 0 : index
      %get3A_1585 = vector.load %arg9[%get3A_1582, %get3A_1583, %get3A_1584] : memref<64x16x1536xf32, #tpu.memory_space<vmem>>, vector<1x16x1536xf32>
      %get3A_1586 = vector.shape_cast %get3A_1585 : vector<1x16x1536xf32> to vector<16x1536xf32>
      %mul3A_1587 = arith.mulf %get3A_1586, %add3A_1578 : vector<16x1536xf32>
      %get3A_1588 = arith.constant 18 : index
      %get3A_1589 = arith.constant 0 : index
      %get3A_1590 = arith.constant 0 : index
      %get3A_1591 = vector.load %arg10[%get3A_1588, %get3A_1589, %get3A_1590] : memref<64x16x1536xf32, #tpu.memory_space<vmem>>, vector<1x16x1536xf32>
      %get3A_1592 = vector.shape_cast %get3A_1591 : vector<1x16x1536xf32> to vector<16x1536xf32>
      %add3A_1593 = arith.addf %mul3A_1587, %get3A_1592 : vector<16x1536xf32>
      %slice3A_1594 = vector.extract_strided_slice %get3A_33 {offsets = [18, 0], sizes = [1, 16], strides = [1, 1]} : vector<64x16xf32> to vector<1x16xf32>
      %dot_general3A_1595 = arith.constant dense<0.000000e+00> : vector<1x1536xf32>
      %dot_general3A_1596 = tpu.matmul %slice3A_1594, %add3A_1593, %dot_general3A_1595 {dimension_numbers = #tpu.dot_dimension_numbers<[1], [0], [0], [1], [0, 0, 1, 1], [], []>, transpose_lhs_hint = false} : vector<1x16xf32>, vector<16x1536xf32>, vector<1x1536xf32> -> vector<1x1536xf32>
      %get3A_1597 = arith.constant 19 : index
      %get3A_1598 = arith.constant 0 : index
      %get3A_1599 = arith.constant 0 : index
      %get3A_1600 = vector.load %arg9[%get3A_1597, %get3A_1598, %get3A_1599] : memref<64x16x1536xf32, #tpu.memory_space<vmem>>, vector<1x16x1536xf32>
      %get3A_1601 = vector.shape_cast %get3A_1600 : vector<1x16x1536xf32> to vector<16x1536xf32>
      %mul3A_1602 = arith.mulf %get3A_1601, %add3A_1593 : vector<16x1536xf32>
      %get3A_1603 = arith.constant 19 : index
      %get3A_1604 = arith.constant 0 : index
      %get3A_1605 = arith.constant 0 : index
      %get3A_1606 = vector.load %arg10[%get3A_1603, %get3A_1604, %get3A_1605] : memref<64x16x1536xf32, #tpu.memory_space<vmem>>, vector<1x16x1536xf32>
      %get3A_1607 = vector.shape_cast %get3A_1606 : vector<1x16x1536xf32> to vector<16x1536xf32>
      %add3A_1608 = arith.addf %mul3A_1602, %get3A_1607 : vector<16x1536xf32>
      %slice3A_1609 = vector.extract_strided_slice %get3A_33 {offsets = [19, 0], sizes = [1, 16], strides = [1, 1]} : vector<64x16xf32> to vector<1x16xf32>
      %dot_general3A_1610 = arith.constant dense<0.000000e+00> : vector<1x1536xf32>
      %dot_general3A_1611 = tpu.matmul %slice3A_1609, %add3A_1608, %dot_general3A_1610 {dimension_numbers = #tpu.dot_dimension_numbers<[1], [0], [0], [1], [0, 0, 1, 1], [], []>, transpose_lhs_hint = false} : vector<1x16xf32>, vector<16x1536xf32>, vector<1x1536xf32> -> vector<1x1536xf32>
      %get3A_1612 = arith.constant 20 : index
      %get3A_1613 = arith.constant 0 : index
      %get3A_1614 = arith.constant 0 : index
      %get3A_1615 = vector.load %arg9[%get3A_1612, %get3A_1613, %get3A_1614] : memref<64x16x1536xf32, #tpu.memory_space<vmem>>, vector<1x16x1536xf32>
      %get3A_1616 = vector.shape_cast %get3A_1615 : vector<1x16x1536xf32> to vector<16x1536xf32>
      %mul3A_1617 = arith.mulf %get3A_1616, %add3A_1608 : vector<16x1536xf32>
      %get3A_1618 = arith.constant 20 : index
      %get3A_1619 = arith.constant 0 : index
      %get3A_1620 = arith.constant 0 : index
      %get3A_1621 = vector.load %arg10[%get3A_1618, %get3A_1619, %get3A_1620] : memref<64x16x1536xf32, #tpu.memory_space<vmem>>, vector<1x16x1536xf32>
      %get3A_1622 = vector.shape_cast %get3A_1621 : vector<1x16x1536xf32> to vector<16x1536xf32>
      %add3A_1623 = arith.addf %mul3A_1617, %get3A_1622 : vector<16x1536xf32>
      %slice3A_1624 = vector.extract_strided_slice %get3A_33 {offsets = [20, 0], sizes = [1, 16], strides = [1, 1]} : vector<64x16xf32> to vector<1x16xf32>
      %dot_general3A_1625 = arith.constant dense<0.000000e+00> : vector<1x1536xf32>
      %dot_general3A_1626 = tpu.matmul %slice3A_1624, %add3A_1623, %dot_general3A_1625 {dimension_numbers = #tpu.dot_dimension_numbers<[1], [0], [0], [1], [0, 0, 1, 1], [], []>, transpose_lhs_hint = false} : vector<1x16xf32>, vector<16x1536xf32>, vector<1x1536xf32> -> vector<1x1536xf32>
      %get3A_1627 = arith.constant 21 : index
      %get3A_1628 = arith.constant 0 : index
      %get3A_1629 = arith.constant 0 : index
      %get3A_1630 = vector.load %arg9[%get3A_1627, %get3A_1628, %get3A_1629] : memref<64x16x1536xf32, #tpu.memory_space<vmem>>, vector<1x16x1536xf32>
      %get3A_1631 = vector.shape_cast %get3A_1630 : vector<1x16x1536xf32> to vector<16x1536xf32>
      %mul3A_1632 = arith.mulf %get3A_1631, %add3A_1623 : vector<16x1536xf32>
      %get3A_1633 = arith.constant 21 : index
      %get3A_1634 = arith.constant 0 : index
      %get3A_1635 = arith.constant 0 : index
      %get3A_1636 = vector.load %arg10[%get3A_1633, %get3A_1634, %get3A_1635] : memref<64x16x1536xf32, #tpu.memory_space<vmem>>, vector<1x16x1536xf32>
      %get3A_1637 = vector.shape_cast %get3A_1636 : vector<1x16x1536xf32> to vector<16x1536xf32>
      %add3A_1638 = arith.addf %mul3A_1632, %get3A_1637 : vector<16x1536xf32>
      %slice3A_1639 = vector.extract_strided_slice %get3A_33 {offsets = [21, 0], sizes = [1, 16], strides = [1, 1]} : vector<64x16xf32> to vector<1x16xf32>
      %dot_general3A_1640 = arith.constant dense<0.000000e+00> : vector<1x1536xf32>
      %dot_general3A_1641 = tpu.matmul %slice3A_1639, %add3A_1638, %dot_general3A_1640 {dimension_numbers = #tpu.dot_dimension_numbers<[1], [0], [0], [1], [0, 0, 1, 1], [], []>, transpose_lhs_hint = false} : vector<1x16xf32>, vector<16x1536xf32>, vector<1x1536xf32> -> vector<1x1536xf32>
      %get3A_1642 = arith.constant 22 : index
      %get3A_1643 = arith.constant 0 : index
      %get3A_1644 = arith.constant 0 : index
      %get3A_1645 = vector.load %arg9[%get3A_1642, %get3A_1643, %get3A_1644] : memref<64x16x1536xf32, #tpu.memory_space<vmem>>, vector<1x16x1536xf32>
      %get3A_1646 = vector.shape_cast %get3A_1645 : vector<1x16x1536xf32> to vector<16x1536xf32>
      %mul3A_1647 = arith.mulf %get3A_1646, %add3A_1638 : vector<16x1536xf32>
      %get3A_1648 = arith.constant 22 : index
      %get3A_1649 = arith.constant 0 : index
      %get3A_1650 = arith.constant 0 : index
      %get3A_1651 = vector.load %arg10[%get3A_1648, %get3A_1649, %get3A_1650] : memref<64x16x1536xf32, #tpu.memory_space<vmem>>, vector<1x16x1536xf32>
      %get3A_1652 = vector.shape_cast %get3A_1651 : vector<1x16x1536xf32> to vector<16x1536xf32>
      %add3A_1653 = arith.addf %mul3A_1647, %get3A_1652 : vector<16x1536xf32>
      %slice3A_1654 = vector.extract_strided_slice %get3A_33 {offsets = [22, 0], sizes = [1, 16], strides = [1, 1]} : vector<64x16xf32> to vector<1x16xf32>
      %dot_general3A_1655 = arith.constant dense<0.000000e+00> : vector<1x1536xf32>
      %dot_general3A_1656 = tpu.matmul %slice3A_1654, %add3A_1653, %dot_general3A_1655 {dimension_numbers = #tpu.dot_dimension_numbers<[1], [0], [0], [1], [0, 0, 1, 1], [], []>, transpose_lhs_hint = false} : vector<1x16xf32>, vector<16x1536xf32>, vector<1x1536xf32> -> vector<1x1536xf32>
      %get3A_1657 = arith.constant 23 : index
      %get3A_1658 = arith.constant 0 : index
      %get3A_1659 = arith.constant 0 : index
      %get3A_1660 = vector.load %arg9[%get3A_1657, %get3A_1658, %get3A_1659] : memref<64x16x1536xf32, #tpu.memory_space<vmem>>, vector<1x16x1536xf32>
      %get3A_1661 = vector.shape_cast %get3A_1660 : vector<1x16x1536xf32> to vector<16x1536xf32>
      %mul3A_1662 = arith.mulf %get3A_1661, %add3A_1653 : vector<16x1536xf32>
      %get3A_1663 = arith.constant 23 : index
      %get3A_1664 = arith.constant 0 : index
      %get3A_1665 = arith.constant 0 : index
      %get3A_1666 = vector.load %arg10[%get3A_1663, %get3A_1664, %get3A_1665] : memref<64x16x1536xf32, #tpu.memory_space<vmem>>, vector<1x16x1536xf32>
      %get3A_1667 = vector.shape_cast %get3A_1666 : vector<1x16x1536xf32> to vector<16x1536xf32>
      %add3A_1668 = arith.addf %mul3A_1662, %get3A_1667 : vector<16x1536xf32>
      %slice3A_1669 = vector.extract_strided_slice %get3A_33 {offsets = [23, 0], sizes = [1, 16], strides = [1, 1]} : vector<64x16xf32> to vector<1x16xf32>
      %dot_general3A_1670 = arith.constant dense<0.000000e+00> : vector<1x1536xf32>
      %dot_general3A_1671 = tpu.matmul %slice3A_1669, %add3A_1668, %dot_general3A_1670 {dimension_numbers = #tpu.dot_dimension_numbers<[1], [0], [0], [1], [0, 0, 1, 1], [], []>, transpose_lhs_hint = false} : vector<1x16xf32>, vector<16x1536xf32>, vector<1x1536xf32> -> vector<1x1536xf32>
      %get3A_1672 = arith.constant 24 : index
      %get3A_1673 = arith.constant 0 : index
      %get3A_1674 = arith.constant 0 : index
      %get3A_1675 = vector.load %arg9[%get3A_1672, %get3A_1673, %get3A_1674] : memref<64x16x1536xf32, #tpu.memory_space<vmem>>, vector<1x16x1536xf32>
      %get3A_1676 = vector.shape_cast %get3A_1675 : vector<1x16x1536xf32> to vector<16x1536xf32>
      %mul3A_1677 = arith.mulf %get3A_1676, %add3A_1668 : vector<16x1536xf32>
      %get3A_1678 = arith.constant 24 : index
      %get3A_1679 = arith.constant 0 : index
      %get3A_1680 = arith.constant 0 : index
      %get3A_1681 = vector.load %arg10[%get3A_1678, %get3A_1679, %get3A_1680] : memref<64x16x1536xf32, #tpu.memory_space<vmem>>, vector<1x16x1536xf32>
      %get3A_1682 = vector.shape_cast %get3A_1681 : vector<1x16x1536xf32> to vector<16x1536xf32>
      %add3A_1683 = arith.addf %mul3A_1677, %get3A_1682 : vector<16x1536xf32>
      %slice3A_1684 = vector.extract_strided_slice %get3A_33 {offsets = [24, 0], sizes = [1, 16], strides = [1, 1]} : vector<64x16xf32> to vector<1x16xf32>
      %dot_general3A_1685 = arith.constant dense<0.000000e+00> : vector<1x1536xf32>
      %dot_general3A_1686 = tpu.matmul %slice3A_1684, %add3A_1683, %dot_general3A_1685 {dimension_numbers = #tpu.dot_dimension_numbers<[1], [0], [0], [1], [0, 0, 1, 1], [], []>, transpose_lhs_hint = false} : vector<1x16xf32>, vector<16x1536xf32>, vector<1x1536xf32> -> vector<1x1536xf32>
      %get3A_1687 = arith.constant 25 : index
      %get3A_1688 = arith.constant 0 : index
      %get3A_1689 = arith.constant 0 : index
      %get3A_1690 = vector.load %arg9[%get3A_1687, %get3A_1688, %get3A_1689] : memref<64x16x1536xf32, #tpu.memory_space<vmem>>, vector<1x16x1536xf32>
      %get3A_1691 = vector.shape_cast %get3A_1690 : vector<1x16x1536xf32> to vector<16x1536xf32>
      %mul3A_1692 = arith.mulf %get3A_1691, %add3A_1683 : vector<16x1536xf32>
      %get3A_1693 = arith.constant 25 : index
      %get3A_1694 = arith.constant 0 : index
      %get3A_1695 = arith.constant 0 : index
      %get3A_1696 = vector.load %arg10[%get3A_1693, %get3A_1694, %get3A_1695] : memref<64x16x1536xf32, #tpu.memory_space<vmem>>, vector<1x16x1536xf32>
      %get3A_1697 = vector.shape_cast %get3A_1696 : vector<1x16x1536xf32> to vector<16x1536xf32>
      %add3A_1698 = arith.addf %mul3A_1692, %get3A_1697 : vector<16x1536xf32>
      %slice3A_1699 = vector.extract_strided_slice %get3A_33 {offsets = [25, 0], sizes = [1, 16], strides = [1, 1]} : vector<64x16xf32> to vector<1x16xf32>
      %dot_general3A_1700 = arith.constant dense<0.000000e+00> : vector<1x1536xf32>
      %dot_general3A_1701 = tpu.matmul %slice3A_1699, %add3A_1698, %dot_general3A_1700 {dimension_numbers = #tpu.dot_dimension_numbers<[1], [0], [0], [1], [0, 0, 1, 1], [], []>, transpose_lhs_hint = false} : vector<1x16xf32>, vector<16x1536xf32>, vector<1x1536xf32> -> vector<1x1536xf32>
      %get3A_1702 = arith.constant 26 : index
      %get3A_1703 = arith.constant 0 : index
      %get3A_1704 = arith.constant 0 : index
      %get3A_1705 = vector.load %arg9[%get3A_1702, %get3A_1703, %get3A_1704] : memref<64x16x1536xf32, #tpu.memory_space<vmem>>, vector<1x16x1536xf32>
      %get3A_1706 = vector.shape_cast %get3A_1705 : vector<1x16x1536xf32> to vector<16x1536xf32>
      %mul3A_1707 = arith.mulf %get3A_1706, %add3A_1698 : vector<16x1536xf32>
      %get3A_1708 = arith.constant 26 : index
      %get3A_1709 = arith.constant 0 : index
      %get3A_1710 = arith.constant 0 : index
      %get3A_1711 = vector.load %arg10[%get3A_1708, %get3A_1709, %get3A_1710] : memref<64x16x1536xf32, #tpu.memory_space<vmem>>, vector<1x16x1536xf32>
      %get3A_1712 = vector.shape_cast %get3A_1711 : vector<1x16x1536xf32> to vector<16x1536xf32>
      %add3A_1713 = arith.addf %mul3A_1707, %get3A_1712 : vector<16x1536xf32>
      %slice3A_1714 = vector.extract_strided_slice %get3A_33 {offsets = [26, 0], sizes = [1, 16], strides = [1, 1]} : vector<64x16xf32> to vector<1x16xf32>
      %dot_general3A_1715 = arith.constant dense<0.000000e+00> : vector<1x1536xf32>
      %dot_general3A_1716 = tpu.matmul %slice3A_1714, %add3A_1713, %dot_general3A_1715 {dimension_numbers = #tpu.dot_dimension_numbers<[1], [0], [0], [1], [0, 0, 1, 1], [], []>, transpose_lhs_hint = false} : vector<1x16xf32>, vector<16x1536xf32>, vector<1x1536xf32> -> vector<1x1536xf32>
      %get3A_1717 = arith.constant 27 : index
      %get3A_1718 = arith.constant 0 : index
      %get3A_1719 = arith.constant 0 : index
      %get3A_1720 = vector.load %arg9[%get3A_1717, %get3A_1718, %get3A_1719] : memref<64x16x1536xf32, #tpu.memory_space<vmem>>, vector<1x16x1536xf32>
      %get3A_1721 = vector.shape_cast %get3A_1720 : vector<1x16x1536xf32> to vector<16x1536xf32>
      %mul3A_1722 = arith.mulf %get3A_1721, %add3A_1713 : vector<16x1536xf32>
      %get3A_1723 = arith.constant 27 : index
      %get3A_1724 = arith.constant 0 : index
      %get3A_1725 = arith.constant 0 : index
      %get3A_1726 = vector.load %arg10[%get3A_1723, %get3A_1724, %get3A_1725] : memref<64x16x1536xf32, #tpu.memory_space<vmem>>, vector<1x16x1536xf32>
      %get3A_1727 = vector.shape_cast %get3A_1726 : vector<1x16x1536xf32> to vector<16x1536xf32>
      %add3A_1728 = arith.addf %mul3A_1722, %get3A_1727 : vector<16x1536xf32>
      %slice3A_1729 = vector.extract_strided_slice %get3A_33 {offsets = [27, 0], sizes = [1, 16], strides = [1, 1]} : vector<64x16xf32> to vector<1x16xf32>
      %dot_general3A_1730 = arith.constant dense<0.000000e+00> : vector<1x1536xf32>
      %dot_general3A_1731 = tpu.matmul %slice3A_1729, %add3A_1728, %dot_general3A_1730 {dimension_numbers = #tpu.dot_dimension_numbers<[1], [0], [0], [1], [0, 0, 1, 1], [], []>, transpose_lhs_hint = false} : vector<1x16xf32>, vector<16x1536xf32>, vector<1x1536xf32> -> vector<1x1536xf32>
      %get3A_1732 = arith.constant 28 : index
      %get3A_1733 = arith.constant 0 : index
      %get3A_1734 = arith.constant 0 : index
      %get3A_1735 = vector.load %arg9[%get3A_1732, %get3A_1733, %get3A_1734] : memref<64x16x1536xf32, #tpu.memory_space<vmem>>, vector<1x16x1536xf32>
      %get3A_1736 = vector.shape_cast %get3A_1735 : vector<1x16x1536xf32> to vector<16x1536xf32>
      %mul3A_1737 = arith.mulf %get3A_1736, %add3A_1728 : vector<16x1536xf32>
      %get3A_1738 = arith.constant 28 : index
      %get3A_1739 = arith.constant 0 : index
      %get3A_1740 = arith.constant 0 : index
      %get3A_1741 = vector.load %arg10[%get3A_1738, %get3A_1739, %get3A_1740] : memref<64x16x1536xf32, #tpu.memory_space<vmem>>, vector<1x16x1536xf32>
      %get3A_1742 = vector.shape_cast %get3A_1741 : vector<1x16x1536xf32> to vector<16x1536xf32>
      %add3A_1743 = arith.addf %mul3A_1737, %get3A_1742 : vector<16x1536xf32>
      %slice3A_1744 = vector.extract_strided_slice %get3A_33 {offsets = [28, 0], sizes = [1, 16], strides = [1, 1]} : vector<64x16xf32> to vector<1x16xf32>
      %dot_general3A_1745 = arith.constant dense<0.000000e+00> : vector<1x1536xf32>
      %dot_general3A_1746 = tpu.matmul %slice3A_1744, %add3A_1743, %dot_general3A_1745 {dimension_numbers = #tpu.dot_dimension_numbers<[1], [0], [0], [1], [0, 0, 1, 1], [], []>, transpose_lhs_hint = false} : vector<1x16xf32>, vector<16x1536xf32>, vector<1x1536xf32> -> vector<1x1536xf32>
      %get3A_1747 = arith.constant 29 : index
      %get3A_1748 = arith.constant 0 : index
      %get3A_1749 = arith.constant 0 : index
      %get3A_1750 = vector.load %arg9[%get3A_1747, %get3A_1748, %get3A_1749] : memref<64x16x1536xf32, #tpu.memory_space<vmem>>, vector<1x16x1536xf32>
      %get3A_1751 = vector.shape_cast %get3A_1750 : vector<1x16x1536xf32> to vector<16x1536xf32>
      %mul3A_1752 = arith.mulf %get3A_1751, %add3A_1743 : vector<16x1536xf32>
      %get3A_1753 = arith.constant 29 : index
      %get3A_1754 = arith.constant 0 : index
      %get3A_1755 = arith.constant 0 : index
      %get3A_1756 = vector.load %arg10[%get3A_1753, %get3A_1754, %get3A_1755] : memref<64x16x1536xf32, #tpu.memory_space<vmem>>, vector<1x16x1536xf32>
      %get3A_1757 = vector.shape_cast %get3A_1756 : vector<1x16x1536xf32> to vector<16x1536xf32>
      %add3A_1758 = arith.addf %mul3A_1752, %get3A_1757 : vector<16x1536xf32>
      %slice3A_1759 = vector.extract_strided_slice %get3A_33 {offsets = [29, 0], sizes = [1, 16], strides = [1, 1]} : vector<64x16xf32> to vector<1x16xf32>
      %dot_general3A_1760 = arith.constant dense<0.000000e+00> : vector<1x1536xf32>
      %dot_general3A_1761 = tpu.matmul %slice3A_1759, %add3A_1758, %dot_general3A_1760 {dimension_numbers = #tpu.dot_dimension_numbers<[1], [0], [0], [1], [0, 0, 1, 1], [], []>, transpose_lhs_hint = false} : vector<1x16xf32>, vector<16x1536xf32>, vector<1x1536xf32> -> vector<1x1536xf32>
      %get3A_1762 = arith.constant 30 : index
      %get3A_1763 = arith.constant 0 : index
      %get3A_1764 = arith.constant 0 : index
      %get3A_1765 = vector.load %arg9[%get3A_1762, %get3A_1763, %get3A_1764] : memref<64x16x1536xf32, #tpu.memory_space<vmem>>, vector<1x16x1536xf32>
      %get3A_1766 = vector.shape_cast %get3A_1765 : vector<1x16x1536xf32> to vector<16x1536xf32>
      %mul3A_1767 = arith.mulf %get3A_1766, %add3A_1758 : vector<16x1536xf32>
      %get3A_1768 = arith.constant 30 : index
      %get3A_1769 = arith.constant 0 : index
      %get3A_1770 = arith.constant 0 : index
      %get3A_1771 = vector.load %arg10[%get3A_1768, %get3A_1769, %get3A_1770] : memref<64x16x1536xf32, #tpu.memory_space<vmem>>, vector<1x16x1536xf32>
      %get3A_1772 = vector.shape_cast %get3A_1771 : vector<1x16x1536xf32> to vector<16x1536xf32>
      %add3A_1773 = arith.addf %mul3A_1767, %get3A_1772 : vector<16x1536xf32>
      %slice3A_1774 = vector.extract_strided_slice %get3A_33 {offsets = [30, 0], sizes = [1, 16], strides = [1, 1]} : vector<64x16xf32> to vector<1x16xf32>
      %dot_general3A_1775 = arith.constant dense<0.000000e+00> : vector<1x1536xf32>
      %dot_general3A_1776 = tpu.matmul %slice3A_1774, %add3A_1773, %dot_general3A_1775 {dimension_numbers = #tpu.dot_dimension_numbers<[1], [0], [0], [1], [0, 0, 1, 1], [], []>, transpose_lhs_hint = false} : vector<1x16xf32>, vector<16x1536xf32>, vector<1x1536xf32> -> vector<1x1536xf32>
      %get3A_1777 = arith.constant 31 : index
      %get3A_1778 = arith.constant 0 : index
      %get3A_1779 = arith.constant 0 : index
      %get3A_1780 = vector.load %arg9[%get3A_1777, %get3A_1778, %get3A_1779] : memref<64x16x1536xf32, #tpu.memory_space<vmem>>, vector<1x16x1536xf32>
      %get3A_1781 = vector.shape_cast %get3A_1780 : vector<1x16x1536xf32> to vector<16x1536xf32>
      %mul3A_1782 = arith.mulf %get3A_1781, %add3A_1773 : vector<16x1536xf32>
      %get3A_1783 = arith.constant 31 : index
      %get3A_1784 = arith.constant 0 : index
      %get3A_1785 = arith.constant 0 : index
      %get3A_1786 = vector.load %arg10[%get3A_1783, %get3A_1784, %get3A_1785] : memref<64x16x1536xf32, #tpu.memory_space<vmem>>, vector<1x16x1536xf32>
      %get3A_1787 = vector.shape_cast %get3A_1786 : vector<1x16x1536xf32> to vector<16x1536xf32>
      %add3A_1788 = arith.addf %mul3A_1782, %get3A_1787 : vector<16x1536xf32>
      %slice3A_1789 = vector.extract_strided_slice %get3A_33 {offsets = [31, 0], sizes = [1, 16], strides = [1, 1]} : vector<64x16xf32> to vector<1x16xf32>
      %dot_general3A_1790 = arith.constant dense<0.000000e+00> : vector<1x1536xf32>
      %dot_general3A_1791 = tpu.matmul %slice3A_1789, %add3A_1788, %dot_general3A_1790 {dimension_numbers = #tpu.dot_dimension_numbers<[1], [0], [0], [1], [0, 0, 1, 1], [], []>, transpose_lhs_hint = false} : vector<1x16xf32>, vector<16x1536xf32>, vector<1x1536xf32> -> vector<1x1536xf32>
      %get3A_1792 = arith.constant 32 : index
      %get3A_1793 = arith.constant 0 : index
      %get3A_1794 = arith.constant 0 : index
      %get3A_1795 = vector.load %arg9[%get3A_1792, %get3A_1793, %get3A_1794] : memref<64x16x1536xf32, #tpu.memory_space<vmem>>, vector<1x16x1536xf32>
      %get3A_1796 = vector.shape_cast %get3A_1795 : vector<1x16x1536xf32> to vector<16x1536xf32>
      %mul3A_1797 = arith.mulf %get3A_1796, %add3A_1788 : vector<16x1536xf32>
      %get3A_1798 = arith.constant 32 : index
      %get3A_1799 = arith.constant 0 : index
      %get3A_1800 = arith.constant 0 : index
      %get3A_1801 = vector.load %arg10[%get3A_1798, %get3A_1799, %get3A_1800] : memref<64x16x1536xf32, #tpu.memory_space<vmem>>, vector<1x16x1536xf32>
      %get3A_1802 = vector.shape_cast %get3A_1801 : vector<1x16x1536xf32> to vector<16x1536xf32>
      %add3A_1803 = arith.addf %mul3A_1797, %get3A_1802 : vector<16x1536xf32>
      %slice3A_1804 = vector.extract_strided_slice %get3A_33 {offsets = [32, 0], sizes = [1, 16], strides = [1, 1]} : vector<64x16xf32> to vector<1x16xf32>
      %dot_general3A_1805 = arith.constant dense<0.000000e+00> : vector<1x1536xf32>
      %dot_general3A_1806 = tpu.matmul %slice3A_1804, %add3A_1803, %dot_general3A_1805 {dimension_numbers = #tpu.dot_dimension_numbers<[1], [0], [0], [1], [0, 0, 1, 1], [], []>, transpose_lhs_hint = false} : vector<1x16xf32>, vector<16x1536xf32>, vector<1x1536xf32> -> vector<1x1536xf32>
      %get3A_1807 = arith.constant 33 : index
      %get3A_1808 = arith.constant 0 : index
      %get3A_1809 = arith.constant 0 : index
      %get3A_1810 = vector.load %arg9[%get3A_1807, %get3A_1808, %get3A_1809] : memref<64x16x1536xf32, #tpu.memory_space<vmem>>, vector<1x16x1536xf32>
      %get3A_1811 = vector.shape_cast %get3A_1810 : vector<1x16x1536xf32> to vector<16x1536xf32>
      %mul3A_1812 = arith.mulf %get3A_1811, %add3A_1803 : vector<16x1536xf32>
      %get3A_1813 = arith.constant 33 : index
      %get3A_1814 = arith.constant 0 : index
      %get3A_1815 = arith.constant 0 : index
      %get3A_1816 = vector.load %arg10[%get3A_1813, %get3A_1814, %get3A_1815] : memref<64x16x1536xf32, #tpu.memory_space<vmem>>, vector<1x16x1536xf32>
      %get3A_1817 = vector.shape_cast %get3A_1816 : vector<1x16x1536xf32> to vector<16x1536xf32>
      %add3A_1818 = arith.addf %mul3A_1812, %get3A_1817 : vector<16x1536xf32>
      %slice3A_1819 = vector.extract_strided_slice %get3A_33 {offsets = [33, 0], sizes = [1, 16], strides = [1, 1]} : vector<64x16xf32> to vector<1x16xf32>
      %dot_general3A_1820 = arith.constant dense<0.000000e+00> : vector<1x1536xf32>
      %dot_general3A_1821 = tpu.matmul %slice3A_1819, %add3A_1818, %dot_general3A_1820 {dimension_numbers = #tpu.dot_dimension_numbers<[1], [0], [0], [1], [0, 0, 1, 1], [], []>, transpose_lhs_hint = false} : vector<1x16xf32>, vector<16x1536xf32>, vector<1x1536xf32> -> vector<1x1536xf32>
      %get3A_1822 = arith.constant 34 : index
      %get3A_1823 = arith.constant 0 : index
      %get3A_1824 = arith.constant 0 : index
      %get3A_1825 = vector.load %arg9[%get3A_1822, %get3A_1823, %get3A_1824] : memref<64x16x1536xf32, #tpu.memory_space<vmem>>, vector<1x16x1536xf32>
      %get3A_1826 = vector.shape_cast %get3A_1825 : vector<1x16x1536xf32> to vector<16x1536xf32>
      %mul3A_1827 = arith.mulf %get3A_1826, %add3A_1818 : vector<16x1536xf32>
      %get3A_1828 = arith.constant 34 : index
      %get3A_1829 = arith.constant 0 : index
      %get3A_1830 = arith.constant 0 : index
      %get3A_1831 = vector.load %arg10[%get3A_1828, %get3A_1829, %get3A_1830] : memref<64x16x1536xf32, #tpu.memory_space<vmem>>, vector<1x16x1536xf32>
      %get3A_1832 = vector.shape_cast %get3A_1831 : vector<1x16x1536xf32> to vector<16x1536xf32>
      %add3A_1833 = arith.addf %mul3A_1827, %get3A_1832 : vector<16x1536xf32>
      %slice3A_1834 = vector.extract_strided_slice %get3A_33 {offsets = [34, 0], sizes = [1, 16], strides = [1, 1]} : vector<64x16xf32> to vector<1x16xf32>
      %dot_general3A_1835 = arith.constant dense<0.000000e+00> : vector<1x1536xf32>
      %dot_general3A_1836 = tpu.matmul %slice3A_1834, %add3A_1833, %dot_general3A_1835 {dimension_numbers = #tpu.dot_dimension_numbers<[1], [0], [0], [1], [0, 0, 1, 1], [], []>, transpose_lhs_hint = false} : vector<1x16xf32>, vector<16x1536xf32>, vector<1x1536xf32> -> vector<1x1536xf32>
      %get3A_1837 = arith.constant 35 : index
      %get3A_1838 = arith.constant 0 : index
      %get3A_1839 = arith.constant 0 : index
      %get3A_1840 = vector.load %arg9[%get3A_1837, %get3A_1838, %get3A_1839] : memref<64x16x1536xf32, #tpu.memory_space<vmem>>, vector<1x16x1536xf32>
      %get3A_1841 = vector.shape_cast %get3A_1840 : vector<1x16x1536xf32> to vector<16x1536xf32>
      %mul3A_1842 = arith.mulf %get3A_1841, %add3A_1833 : vector<16x1536xf32>
      %get3A_1843 = arith.constant 35 : index
      %get3A_1844 = arith.constant 0 : index
      %get3A_1845 = arith.constant 0 : index
      %get3A_1846 = vector.load %arg10[%get3A_1843, %get3A_1844, %get3A_1845] : memref<64x16x1536xf32, #tpu.memory_space<vmem>>, vector<1x16x1536xf32>
      %get3A_1847 = vector.shape_cast %get3A_1846 : vector<1x16x1536xf32> to vector<16x1536xf32>
      %add3A_1848 = arith.addf %mul3A_1842, %get3A_1847 : vector<16x1536xf32>
      %slice3A_1849 = vector.extract_strided_slice %get3A_33 {offsets = [35, 0], sizes = [1, 16], strides = [1, 1]} : vector<64x16xf32> to vector<1x16xf32>
      %dot_general3A_1850 = arith.constant dense<0.000000e+00> : vector<1x1536xf32>
      %dot_general3A_1851 = tpu.matmul %slice3A_1849, %add3A_1848, %dot_general3A_1850 {dimension_numbers = #tpu.dot_dimension_numbers<[1], [0], [0], [1], [0, 0, 1, 1], [], []>, transpose_lhs_hint = false} : vector<1x16xf32>, vector<16x1536xf32>, vector<1x1536xf32> -> vector<1x1536xf32>
      %get3A_1852 = arith.constant 36 : index
      %get3A_1853 = arith.constant 0 : index
      %get3A_1854 = arith.constant 0 : index
      %get3A_1855 = vector.load %arg9[%get3A_1852, %get3A_1853, %get3A_1854] : memref<64x16x1536xf32, #tpu.memory_space<vmem>>, vector<1x16x1536xf32>
      %get3A_1856 = vector.shape_cast %get3A_1855 : vector<1x16x1536xf32> to vector<16x1536xf32>
      %mul3A_1857 = arith.mulf %get3A_1856, %add3A_1848 : vector<16x1536xf32>
      %get3A_1858 = arith.constant 36 : index
      %get3A_1859 = arith.constant 0 : index
      %get3A_1860 = arith.constant 0 : index
      %get3A_1861 = vector.load %arg10[%get3A_1858, %get3A_1859, %get3A_1860] : memref<64x16x1536xf32, #tpu.memory_space<vmem>>, vector<1x16x1536xf32>
      %get3A_1862 = vector.shape_cast %get3A_1861 : vector<1x16x1536xf32> to vector<16x1536xf32>
      %add3A_1863 = arith.addf %mul3A_1857, %get3A_1862 : vector<16x1536xf32>
      %slice3A_1864 = vector.extract_strided_slice %get3A_33 {offsets = [36, 0], sizes = [1, 16], strides = [1, 1]} : vector<64x16xf32> to vector<1x16xf32>
      %dot_general3A_1865 = arith.constant dense<0.000000e+00> : vector<1x1536xf32>
      %dot_general3A_1866 = tpu.matmul %slice3A_1864, %add3A_1863, %dot_general3A_1865 {dimension_numbers = #tpu.dot_dimension_numbers<[1], [0], [0], [1], [0, 0, 1, 1], [], []>, transpose_lhs_hint = false} : vector<1x16xf32>, vector<16x1536xf32>, vector<1x1536xf32> -> vector<1x1536xf32>
      %get3A_1867 = arith.constant 37 : index
      %get3A_1868 = arith.constant 0 : index
      %get3A_1869 = arith.constant 0 : index
      %get3A_1870 = vector.load %arg9[%get3A_1867, %get3A_1868, %get3A_1869] : memref<64x16x1536xf32, #tpu.memory_space<vmem>>, vector<1x16x1536xf32>
      %get3A_1871 = vector.shape_cast %get3A_1870 : vector<1x16x1536xf32> to vector<16x1536xf32>
      %mul3A_1872 = arith.mulf %get3A_1871, %add3A_1863 : vector<16x1536xf32>
      %get3A_1873 = arith.constant 37 : index
      %get3A_1874 = arith.constant 0 : index
      %get3A_1875 = arith.constant 0 : index
      %get3A_1876 = vector.load %arg10[%get3A_1873, %get3A_1874, %get3A_1875] : memref<64x16x1536xf32, #tpu.memory_space<vmem>>, vector<1x16x1536xf32>
      %get3A_1877 = vector.shape_cast %get3A_1876 : vector<1x16x1536xf32> to vector<16x1536xf32>
      %add3A_1878 = arith.addf %mul3A_1872, %get3A_1877 : vector<16x1536xf32>
      %slice3A_1879 = vector.extract_strided_slice %get3A_33 {offsets = [37, 0], sizes = [1, 16], strides = [1, 1]} : vector<64x16xf32> to vector<1x16xf32>
      %dot_general3A_1880 = arith.constant dense<0.000000e+00> : vector<1x1536xf32>
      %dot_general3A_1881 = tpu.matmul %slice3A_1879, %add3A_1878, %dot_general3A_1880 {dimension_numbers = #tpu.dot_dimension_numbers<[1], [0], [0], [1], [0, 0, 1, 1], [], []>, transpose_lhs_hint = false} : vector<1x16xf32>, vector<16x1536xf32>, vector<1x1536xf32> -> vector<1x1536xf32>
      %get3A_1882 = arith.constant 38 : index
      %get3A_1883 = arith.constant 0 : index
      %get3A_1884 = arith.constant 0 : index
      %get3A_1885 = vector.load %arg9[%get3A_1882, %get3A_1883, %get3A_1884] : memref<64x16x1536xf32, #tpu.memory_space<vmem>>, vector<1x16x1536xf32>
      %get3A_1886 = vector.shape_cast %get3A_1885 : vector<1x16x1536xf32> to vector<16x1536xf32>
      %mul3A_1887 = arith.mulf %get3A_1886, %add3A_1878 : vector<16x1536xf32>
      %get3A_1888 = arith.constant 38 : index
      %get3A_1889 = arith.constant 0 : index
      %get3A_1890 = arith.constant 0 : index
      %get3A_1891 = vector.load %arg10[%get3A_1888, %get3A_1889, %get3A_1890] : memref<64x16x1536xf32, #tpu.memory_space<vmem>>, vector<1x16x1536xf32>
      %get3A_1892 = vector.shape_cast %get3A_1891 : vector<1x16x1536xf32> to vector<16x1536xf32>
      %add3A_1893 = arith.addf %mul3A_1887, %get3A_1892 : vector<16x1536xf32>
      %slice3A_1894 = vector.extract_strided_slice %get3A_33 {offsets = [38, 0], sizes = [1, 16], strides = [1, 1]} : vector<64x16xf32> to vector<1x16xf32>
      %dot_general3A_1895 = arith.constant dense<0.000000e+00> : vector<1x1536xf32>
      %dot_general3A_1896 = tpu.matmul %slice3A_1894, %add3A_1893, %dot_general3A_1895 {dimension_numbers = #tpu.dot_dimension_numbers<[1], [0], [0], [1], [0, 0, 1, 1], [], []>, transpose_lhs_hint = false} : vector<1x16xf32>, vector<16x1536xf32>, vector<1x1536xf32> -> vector<1x1536xf32>
      %get3A_1897 = arith.constant 39 : index
      %get3A_1898 = arith.constant 0 : index
      %get3A_1899 = arith.constant 0 : index
      %get3A_1900 = vector.load %arg9[%get3A_1897, %get3A_1898, %get3A_1899] : memref<64x16x1536xf32, #tpu.memory_space<vmem>>, vector<1x16x1536xf32>
      %get3A_1901 = vector.shape_cast %get3A_1900 : vector<1x16x1536xf32> to vector<16x1536xf32>
      %mul3A_1902 = arith.mulf %get3A_1901, %add3A_1893 : vector<16x1536xf32>
      %get3A_1903 = arith.constant 39 : index
      %get3A_1904 = arith.constant 0 : index
      %get3A_1905 = arith.constant 0 : index
      %get3A_1906 = vector.load %arg10[%get3A_1903, %get3A_1904, %get3A_1905] : memref<64x16x1536xf32, #tpu.memory_space<vmem>>, vector<1x16x1536xf32>
      %get3A_1907 = vector.shape_cast %get3A_1906 : vector<1x16x1536xf32> to vector<16x1536xf32>
      %add3A_1908 = arith.addf %mul3A_1902, %get3A_1907 : vector<16x1536xf32>
      %slice3A_1909 = vector.extract_strided_slice %get3A_33 {offsets = [39, 0], sizes = [1, 16], strides = [1, 1]} : vector<64x16xf32> to vector<1x16xf32>
      %dot_general3A_1910 = arith.constant dense<0.000000e+00> : vector<1x1536xf32>
      %dot_general3A_1911 = tpu.matmul %slice3A_1909, %add3A_1908, %dot_general3A_1910 {dimension_numbers = #tpu.dot_dimension_numbers<[1], [0], [0], [1], [0, 0, 1, 1], [], []>, transpose_lhs_hint = false} : vector<1x16xf32>, vector<16x1536xf32>, vector<1x1536xf32> -> vector<1x1536xf32>
      %get3A_1912 = arith.constant 40 : index
      %get3A_1913 = arith.constant 0 : index
      %get3A_1914 = arith.constant 0 : index
      %get3A_1915 = vector.load %arg9[%get3A_1912, %get3A_1913, %get3A_1914] : memref<64x16x1536xf32, #tpu.memory_space<vmem>>, vector<1x16x1536xf32>
      %get3A_1916 = vector.shape_cast %get3A_1915 : vector<1x16x1536xf32> to vector<16x1536xf32>
      %mul3A_1917 = arith.mulf %get3A_1916, %add3A_1908 : vector<16x1536xf32>
      %get3A_1918 = arith.constant 40 : index
      %get3A_1919 = arith.constant 0 : index
      %get3A_1920 = arith.constant 0 : index
      %get3A_1921 = vector.load %arg10[%get3A_1918, %get3A_1919, %get3A_1920] : memref<64x16x1536xf32, #tpu.memory_space<vmem>>, vector<1x16x1536xf32>
      %get3A_1922 = vector.shape_cast %get3A_1921 : vector<1x16x1536xf32> to vector<16x1536xf32>
      %add3A_1923 = arith.addf %mul3A_1917, %get3A_1922 : vector<16x1536xf32>
      %slice3A_1924 = vector.extract_strided_slice %get3A_33 {offsets = [40, 0], sizes = [1, 16], strides = [1, 1]} : vector<64x16xf32> to vector<1x16xf32>
      %dot_general3A_1925 = arith.constant dense<0.000000e+00> : vector<1x1536xf32>
      %dot_general3A_1926 = tpu.matmul %slice3A_1924, %add3A_1923, %dot_general3A_1925 {dimension_numbers = #tpu.dot_dimension_numbers<[1], [0], [0], [1], [0, 0, 1, 1], [], []>, transpose_lhs_hint = false} : vector<1x16xf32>, vector<16x1536xf32>, vector<1x1536xf32> -> vector<1x1536xf32>
      %get3A_1927 = arith.constant 41 : index
      %get3A_1928 = arith.constant 0 : index
      %get3A_1929 = arith.constant 0 : index
      %get3A_1930 = vector.load %arg9[%get3A_1927, %get3A_1928, %get3A_1929] : memref<64x16x1536xf32, #tpu.memory_space<vmem>>, vector<1x16x1536xf32>
      %get3A_1931 = vector.shape_cast %get3A_1930 : vector<1x16x1536xf32> to vector<16x1536xf32>
      %mul3A_1932 = arith.mulf %get3A_1931, %add3A_1923 : vector<16x1536xf32>
      %get3A_1933 = arith.constant 41 : index
      %get3A_1934 = arith.constant 0 : index
      %get3A_1935 = arith.constant 0 : index
      %get3A_1936 = vector.load %arg10[%get3A_1933, %get3A_1934, %get3A_1935] : memref<64x16x1536xf32, #tpu.memory_space<vmem>>, vector<1x16x1536xf32>
      %get3A_1937 = vector.shape_cast %get3A_1936 : vector<1x16x1536xf32> to vector<16x1536xf32>
      %add3A_1938 = arith.addf %mul3A_1932, %get3A_1937 : vector<16x1536xf32>
      %slice3A_1939 = vector.extract_strided_slice %get3A_33 {offsets = [41, 0], sizes = [1, 16], strides = [1, 1]} : vector<64x16xf32> to vector<1x16xf32>
      %dot_general3A_1940 = arith.constant dense<0.000000e+00> : vector<1x1536xf32>
      %dot_general3A_1941 = tpu.matmul %slice3A_1939, %add3A_1938, %dot_general3A_1940 {dimension_numbers = #tpu.dot_dimension_numbers<[1], [0], [0], [1], [0, 0, 1, 1], [], []>, transpose_lhs_hint = false} : vector<1x16xf32>, vector<16x1536xf32>, vector<1x1536xf32> -> vector<1x1536xf32>
      %get3A_1942 = arith.constant 42 : index
      %get3A_1943 = arith.constant 0 : index
      %get3A_1944 = arith.constant 0 : index
      %get3A_1945 = vector.load %arg9[%get3A_1942, %get3A_1943, %get3A_1944] : memref<64x16x1536xf32, #tpu.memory_space<vmem>>, vector<1x16x1536xf32>
      %get3A_1946 = vector.shape_cast %get3A_1945 : vector<1x16x1536xf32> to vector<16x1536xf32>
      %mul3A_1947 = arith.mulf %get3A_1946, %add3A_1938 : vector<16x1536xf32>
      %get3A_1948 = arith.constant 42 : index
      %get3A_1949 = arith.constant 0 : index
      %get3A_1950 = arith.constant 0 : index
      %get3A_1951 = vector.load %arg10[%get3A_1948, %get3A_1949, %get3A_1950] : memref<64x16x1536xf32, #tpu.memory_space<vmem>>, vector<1x16x1536xf32>
      %get3A_1952 = vector.shape_cast %get3A_1951 : vector<1x16x1536xf32> to vector<16x1536xf32>
      %add3A_1953 = arith.addf %mul3A_1947, %get3A_1952 : vector<16x1536xf32>
      %slice3A_1954 = vector.extract_strided_slice %get3A_33 {offsets = [42, 0], sizes = [1, 16], strides = [1, 1]} : vector<64x16xf32> to vector<1x16xf32>
      %dot_general3A_1955 = arith.constant dense<0.000000e+00> : vector<1x1536xf32>
      %dot_general3A_1956 = tpu.matmul %slice3A_1954, %add3A_1953, %dot_general3A_1955 {dimension_numbers = #tpu.dot_dimension_numbers<[1], [0], [0], [1], [0, 0, 1, 1], [], []>, transpose_lhs_hint = false} : vector<1x16xf32>, vector<16x1536xf32>, vector<1x1536xf32> -> vector<1x1536xf32>
      %get3A_1957 = arith.constant 43 : index
      %get3A_1958 = arith.constant 0 : index
      %get3A_1959 = arith.constant 0 : index
      %get3A_1960 = vector.load %arg9[%get3A_1957, %get3A_1958, %get3A_1959] : memref<64x16x1536xf32, #tpu.memory_space<vmem>>, vector<1x16x1536xf32>
      %get3A_1961 = vector.shape_cast %get3A_1960 : vector<1x16x1536xf32> to vector<16x1536xf32>
      %mul3A_1962 = arith.mulf %get3A_1961, %add3A_1953 : vector<16x1536xf32>
      %get3A_1963 = arith.constant 43 : index
      %get3A_1964 = arith.constant 0 : index
      %get3A_1965 = arith.constant 0 : index
      %get3A_1966 = vector.load %arg10[%get3A_1963, %get3A_1964, %get3A_1965] : memref<64x16x1536xf32, #tpu.memory_space<vmem>>, vector<1x16x1536xf32>
      %get3A_1967 = vector.shape_cast %get3A_1966 : vector<1x16x1536xf32> to vector<16x1536xf32>
      %add3A_1968 = arith.addf %mul3A_1962, %get3A_1967 : vector<16x1536xf32>
      %slice3A_1969 = vector.extract_strided_slice %get3A_33 {offsets = [43, 0], sizes = [1, 16], strides = [1, 1]} : vector<64x16xf32> to vector<1x16xf32>
      %dot_general3A_1970 = arith.constant dense<0.000000e+00> : vector<1x1536xf32>
      %dot_general3A_1971 = tpu.matmul %slice3A_1969, %add3A_1968, %dot_general3A_1970 {dimension_numbers = #tpu.dot_dimension_numbers<[1], [0], [0], [1], [0, 0, 1, 1], [], []>, transpose_lhs_hint = false} : vector<1x16xf32>, vector<16x1536xf32>, vector<1x1536xf32> -> vector<1x1536xf32>
      %get3A_1972 = arith.constant 44 : index
      %get3A_1973 = arith.constant 0 : index
      %get3A_1974 = arith.constant 0 : index
      %get3A_1975 = vector.load %arg9[%get3A_1972, %get3A_1973, %get3A_1974] : memref<64x16x1536xf32, #tpu.memory_space<vmem>>, vector<1x16x1536xf32>
      %get3A_1976 = vector.shape_cast %get3A_1975 : vector<1x16x1536xf32> to vector<16x1536xf32>
      %mul3A_1977 = arith.mulf %get3A_1976, %add3A_1968 : vector<16x1536xf32>
      %get3A_1978 = arith.constant 44 : index
      %get3A_1979 = arith.constant 0 : index
      %get3A_1980 = arith.constant 0 : index
      %get3A_1981 = vector.load %arg10[%get3A_1978, %get3A_1979, %get3A_1980] : memref<64x16x1536xf32, #tpu.memory_space<vmem>>, vector<1x16x1536xf32>
      %get3A_1982 = vector.shape_cast %get3A_1981 : vector<1x16x1536xf32> to vector<16x1536xf32>
      %add3A_1983 = arith.addf %mul3A_1977, %get3A_1982 : vector<16x1536xf32>
      %slice3A_1984 = vector.extract_strided_slice %get3A_33 {offsets = [44, 0], sizes = [1, 16], strides = [1, 1]} : vector<64x16xf32> to vector<1x16xf32>
      %dot_general3A_1985 = arith.constant dense<0.000000e+00> : vector<1x1536xf32>
      %dot_general3A_1986 = tpu.matmul %slice3A_1984, %add3A_1983, %dot_general3A_1985 {dimension_numbers = #tpu.dot_dimension_numbers<[1], [0], [0], [1], [0, 0, 1, 1], [], []>, transpose_lhs_hint = false} : vector<1x16xf32>, vector<16x1536xf32>, vector<1x1536xf32> -> vector<1x1536xf32>
      %get3A_1987 = arith.constant 45 : index
      %get3A_1988 = arith.constant 0 : index
      %get3A_1989 = arith.constant 0 : index
      %get3A_1990 = vector.load %arg9[%get3A_1987, %get3A_1988, %get3A_1989] : memref<64x16x1536xf32, #tpu.memory_space<vmem>>, vector<1x16x1536xf32>
      %get3A_1991 = vector.shape_cast %get3A_1990 : vector<1x16x1536xf32> to vector<16x1536xf32>
      %mul3A_1992 = arith.mulf %get3A_1991, %add3A_1983 : vector<16x1536xf32>
      %get3A_1993 = arith.constant 45 : index
      %get3A_1994 = arith.constant 0 : index
      %get3A_1995 = arith.constant 0 : index
      %get3A_1996 = vector.load %arg10[%get3A_1993, %get3A_1994, %get3A_1995] : memref<64x16x1536xf32, #tpu.memory_space<vmem>>, vector<1x16x1536xf32>
      %get3A_1997 = vector.shape_cast %get3A_1996 : vector<1x16x1536xf32> to vector<16x1536xf32>
      %add3A_1998 = arith.addf %mul3A_1992, %get3A_1997 : vector<16x1536xf32>
      %slice3A_1999 = vector.extract_strided_slice %get3A_33 {offsets = [45, 0], sizes = [1, 16], strides = [1, 1]} : vector<64x16xf32> to vector<1x16xf32>
      %dot_general3A_2000 = arith.constant dense<0.000000e+00> : vector<1x1536xf32>
      %dot_general3A_2001 = tpu.matmul %slice3A_1999, %add3A_1998, %dot_general3A_2000 {dimension_numbers = #tpu.dot_dimension_numbers<[1], [0], [0], [1], [0, 0, 1, 1], [], []>, transpose_lhs_hint = false} : vector<1x16xf32>, vector<16x1536xf32>, vector<1x1536xf32> -> vector<1x1536xf32>
      %get3A_2002 = arith.constant 46 : index
      %get3A_2003 = arith.constant 0 : index
      %get3A_2004 = arith.constant 0 : index
      %get3A_2005 = vector.load %arg9[%get3A_2002, %get3A_2003, %get3A_2004] : memref<64x16x1536xf32, #tpu.memory_space<vmem>>, vector<1x16x1536xf32>
      %get3A_2006 = vector.shape_cast %get3A_2005 : vector<1x16x1536xf32> to vector<16x1536xf32>
      %mul3A_2007 = arith.mulf %get3A_2006, %add3A_1998 : vector<16x1536xf32>
      %get3A_2008 = arith.constant 46 : index
      %get3A_2009 = arith.constant 0 : index
      %get3A_2010 = arith.constant 0 : index
      %get3A_2011 = vector.load %arg10[%get3A_2008, %get3A_2009, %get3A_2010] : memref<64x16x1536xf32, #tpu.memory_space<vmem>>, vector<1x16x1536xf32>
      %get3A_2012 = vector.shape_cast %get3A_2011 : vector<1x16x1536xf32> to vector<16x1536xf32>
      %add3A_2013 = arith.addf %mul3A_2007, %get3A_2012 : vector<16x1536xf32>
      %slice3A_2014 = vector.extract_strided_slice %get3A_33 {offsets = [46, 0], sizes = [1, 16], strides = [1, 1]} : vector<64x16xf32> to vector<1x16xf32>
      %dot_general3A_2015 = arith.constant dense<0.000000e+00> : vector<1x1536xf32>
      %dot_general3A_2016 = tpu.matmul %slice3A_2014, %add3A_2013, %dot_general3A_2015 {dimension_numbers = #tpu.dot_dimension_numbers<[1], [0], [0], [1], [0, 0, 1, 1], [], []>, transpose_lhs_hint = false} : vector<1x16xf32>, vector<16x1536xf32>, vector<1x1536xf32> -> vector<1x1536xf32>
      %get3A_2017 = arith.constant 47 : index
      %get3A_2018 = arith.constant 0 : index
      %get3A_2019 = arith.constant 0 : index
      %get3A_2020 = vector.load %arg9[%get3A_2017, %get3A_2018, %get3A_2019] : memref<64x16x1536xf32, #tpu.memory_space<vmem>>, vector<1x16x1536xf32>
      %get3A_2021 = vector.shape_cast %get3A_2020 : vector<1x16x1536xf32> to vector<16x1536xf32>
      %mul3A_2022 = arith.mulf %get3A_2021, %add3A_2013 : vector<16x1536xf32>
      %get3A_2023 = arith.constant 47 : index
      %get3A_2024 = arith.constant 0 : index
      %get3A_2025 = arith.constant 0 : index
      %get3A_2026 = vector.load %arg10[%get3A_2023, %get3A_2024, %get3A_2025] : memref<64x16x1536xf32, #tpu.memory_space<vmem>>, vector<1x16x1536xf32>
      %get3A_2027 = vector.shape_cast %get3A_2026 : vector<1x16x1536xf32> to vector<16x1536xf32>
      %add3A_2028 = arith.addf %mul3A_2022, %get3A_2027 : vector<16x1536xf32>
      %slice3A_2029 = vector.extract_strided_slice %get3A_33 {offsets = [47, 0], sizes = [1, 16], strides = [1, 1]} : vector<64x16xf32> to vector<1x16xf32>
      %dot_general3A_2030 = arith.constant dense<0.000000e+00> : vector<1x1536xf32>
      %dot_general3A_2031 = tpu.matmul %slice3A_2029, %add3A_2028, %dot_general3A_2030 {dimension_numbers = #tpu.dot_dimension_numbers<[1], [0], [0], [1], [0, 0, 1, 1], [], []>, transpose_lhs_hint = false} : vector<1x16xf32>, vector<16x1536xf32>, vector<1x1536xf32> -> vector<1x1536xf32>
      %get3A_2032 = arith.constant 48 : index
      %get3A_2033 = arith.constant 0 : index
      %get3A_2034 = arith.constant 0 : index
      %get3A_2035 = vector.load %arg9[%get3A_2032, %get3A_2033, %get3A_2034] : memref<64x16x1536xf32, #tpu.memory_space<vmem>>, vector<1x16x1536xf32>
      %get3A_2036 = vector.shape_cast %get3A_2035 : vector<1x16x1536xf32> to vector<16x1536xf32>
      %mul3A_2037 = arith.mulf %get3A_2036, %add3A_2028 : vector<16x1536xf32>
      %get3A_2038 = arith.constant 48 : index
      %get3A_2039 = arith.constant 0 : index
      %get3A_2040 = arith.constant 0 : index
      %get3A_2041 = vector.load %arg10[%get3A_2038, %get3A_2039, %get3A_2040] : memref<64x16x1536xf32, #tpu.memory_space<vmem>>, vector<1x16x1536xf32>
      %get3A_2042 = vector.shape_cast %get3A_2041 : vector<1x16x1536xf32> to vector<16x1536xf32>
      %add3A_2043 = arith.addf %mul3A_2037, %get3A_2042 : vector<16x1536xf32>
      %slice3A_2044 = vector.extract_strided_slice %get3A_33 {offsets = [48, 0], sizes = [1, 16], strides = [1, 1]} : vector<64x16xf32> to vector<1x16xf32>
      %dot_general3A_2045 = arith.constant dense<0.000000e+00> : vector<1x1536xf32>
      %dot_general3A_2046 = tpu.matmul %slice3A_2044, %add3A_2043, %dot_general3A_2045 {dimension_numbers = #tpu.dot_dimension_numbers<[1], [0], [0], [1], [0, 0, 1, 1], [], []>, transpose_lhs_hint = false} : vector<1x16xf32>, vector<16x1536xf32>, vector<1x1536xf32> -> vector<1x1536xf32>
      %get3A_2047 = arith.constant 49 : index
      %get3A_2048 = arith.constant 0 : index
      %get3A_2049 = arith.constant 0 : index
      %get3A_2050 = vector.load %arg9[%get3A_2047, %get3A_2048, %get3A_2049] : memref<64x16x1536xf32, #tpu.memory_space<vmem>>, vector<1x16x1536xf32>
      %get3A_2051 = vector.shape_cast %get3A_2050 : vector<1x16x1536xf32> to vector<16x1536xf32>
      %mul3A_2052 = arith.mulf %get3A_2051, %add3A_2043 : vector<16x1536xf32>
      %get3A_2053 = arith.constant 49 : index
      %get3A_2054 = arith.constant 0 : index
      %get3A_2055 = arith.constant 0 : index
      %get3A_2056 = vector.load %arg10[%get3A_2053, %get3A_2054, %get3A_2055] : memref<64x16x1536xf32, #tpu.memory_space<vmem>>, vector<1x16x1536xf32>
      %get3A_2057 = vector.shape_cast %get3A_2056 : vector<1x16x1536xf32> to vector<16x1536xf32>
      %add3A_2058 = arith.addf %mul3A_2052, %get3A_2057 : vector<16x1536xf32>
      %slice3A_2059 = vector.extract_strided_slice %get3A_33 {offsets = [49, 0], sizes = [1, 16], strides = [1, 1]} : vector<64x16xf32> to vector<1x16xf32>
      %dot_general3A_2060 = arith.constant dense<0.000000e+00> : vector<1x1536xf32>
      %dot_general3A_2061 = tpu.matmul %slice3A_2059, %add3A_2058, %dot_general3A_2060 {dimension_numbers = #tpu.dot_dimension_numbers<[1], [0], [0], [1], [0, 0, 1, 1], [], []>, transpose_lhs_hint = false} : vector<1x16xf32>, vector<16x1536xf32>, vector<1x1536xf32> -> vector<1x1536xf32>
      %get3A_2062 = arith.constant 50 : index
      %get3A_2063 = arith.constant 0 : index
      %get3A_2064 = arith.constant 0 : index
      %get3A_2065 = vector.load %arg9[%get3A_2062, %get3A_2063, %get3A_2064] : memref<64x16x1536xf32, #tpu.memory_space<vmem>>, vector<1x16x1536xf32>
      %get3A_2066 = vector.shape_cast %get3A_2065 : vector<1x16x1536xf32> to vector<16x1536xf32>
      %mul3A_2067 = arith.mulf %get3A_2066, %add3A_2058 : vector<16x1536xf32>
      %get3A_2068 = arith.constant 50 : index
      %get3A_2069 = arith.constant 0 : index
      %get3A_2070 = arith.constant 0 : index
      %get3A_2071 = vector.load %arg10[%get3A_2068, %get3A_2069, %get3A_2070] : memref<64x16x1536xf32, #tpu.memory_space<vmem>>, vector<1x16x1536xf32>
      %get3A_2072 = vector.shape_cast %get3A_2071 : vector<1x16x1536xf32> to vector<16x1536xf32>
      %add3A_2073 = arith.addf %mul3A_2067, %get3A_2072 : vector<16x1536xf32>
      %slice3A_2074 = vector.extract_strided_slice %get3A_33 {offsets = [50, 0], sizes = [1, 16], strides = [1, 1]} : vector<64x16xf32> to vector<1x16xf32>
      %dot_general3A_2075 = arith.constant dense<0.000000e+00> : vector<1x1536xf32>
      %dot_general3A_2076 = tpu.matmul %slice3A_2074, %add3A_2073, %dot_general3A_2075 {dimension_numbers = #tpu.dot_dimension_numbers<[1], [0], [0], [1], [0, 0, 1, 1], [], []>, transpose_lhs_hint = false} : vector<1x16xf32>, vector<16x1536xf32>, vector<1x1536xf32> -> vector<1x1536xf32>
      %get3A_2077 = arith.constant 51 : index
      %get3A_2078 = arith.constant 0 : index
      %get3A_2079 = arith.constant 0 : index
      %get3A_2080 = vector.load %arg9[%get3A_2077, %get3A_2078, %get3A_2079] : memref<64x16x1536xf32, #tpu.memory_space<vmem>>, vector<1x16x1536xf32>
      %get3A_2081 = vector.shape_cast %get3A_2080 : vector<1x16x1536xf32> to vector<16x1536xf32>
      %mul3A_2082 = arith.mulf %get3A_2081, %add3A_2073 : vector<16x1536xf32>
      %get3A_2083 = arith.constant 51 : index
      %get3A_2084 = arith.constant 0 : index
      %get3A_2085 = arith.constant 0 : index
      %get3A_2086 = vector.load %arg10[%get3A_2083, %get3A_2084, %get3A_2085] : memref<64x16x1536xf32, #tpu.memory_space<vmem>>, vector<1x16x1536xf32>
      %get3A_2087 = vector.shape_cast %get3A_2086 : vector<1x16x1536xf32> to vector<16x1536xf32>
      %add3A_2088 = arith.addf %mul3A_2082, %get3A_2087 : vector<16x1536xf32>
      %slice3A_2089 = vector.extract_strided_slice %get3A_33 {offsets = [51, 0], sizes = [1, 16], strides = [1, 1]} : vector<64x16xf32> to vector<1x16xf32>
      %dot_general3A_2090 = arith.constant dense<0.000000e+00> : vector<1x1536xf32>
      %dot_general3A_2091 = tpu.matmul %slice3A_2089, %add3A_2088, %dot_general3A_2090 {dimension_numbers = #tpu.dot_dimension_numbers<[1], [0], [0], [1], [0, 0, 1, 1], [], []>, transpose_lhs_hint = false} : vector<1x16xf32>, vector<16x1536xf32>, vector<1x1536xf32> -> vector<1x1536xf32>
      %get3A_2092 = arith.constant 52 : index
      %get3A_2093 = arith.constant 0 : index
      %get3A_2094 = arith.constant 0 : index
      %get3A_2095 = vector.load %arg9[%get3A_2092, %get3A_2093, %get3A_2094] : memref<64x16x1536xf32, #tpu.memory_space<vmem>>, vector<1x16x1536xf32>
      %get3A_2096 = vector.shape_cast %get3A_2095 : vector<1x16x1536xf32> to vector<16x1536xf32>
      %mul3A_2097 = arith.mulf %get3A_2096, %add3A_2088 : vector<16x1536xf32>
      %get3A_2098 = arith.constant 52 : index
      %get3A_2099 = arith.constant 0 : index
      %get3A_2100 = arith.constant 0 : index
      %get3A_2101 = vector.load %arg10[%get3A_2098, %get3A_2099, %get3A_2100] : memref<64x16x1536xf32, #tpu.memory_space<vmem>>, vector<1x16x1536xf32>
      %get3A_2102 = vector.shape_cast %get3A_2101 : vector<1x16x1536xf32> to vector<16x1536xf32>
      %add3A_2103 = arith.addf %mul3A_2097, %get3A_2102 : vector<16x1536xf32>
      %slice3A_2104 = vector.extract_strided_slice %get3A_33 {offsets = [52, 0], sizes = [1, 16], strides = [1, 1]} : vector<64x16xf32> to vector<1x16xf32>
      %dot_general3A_2105 = arith.constant dense<0.000000e+00> : vector<1x1536xf32>
      %dot_general3A_2106 = tpu.matmul %slice3A_2104, %add3A_2103, %dot_general3A_2105 {dimension_numbers = #tpu.dot_dimension_numbers<[1], [0], [0], [1], [0, 0, 1, 1], [], []>, transpose_lhs_hint = false} : vector<1x16xf32>, vector<16x1536xf32>, vector<1x1536xf32> -> vector<1x1536xf32>
      %get3A_2107 = arith.constant 53 : index
      %get3A_2108 = arith.constant 0 : index
      %get3A_2109 = arith.constant 0 : index
      %get3A_2110 = vector.load %arg9[%get3A_2107, %get3A_2108, %get3A_2109] : memref<64x16x1536xf32, #tpu.memory_space<vmem>>, vector<1x16x1536xf32>
      %get3A_2111 = vector.shape_cast %get3A_2110 : vector<1x16x1536xf32> to vector<16x1536xf32>
      %mul3A_2112 = arith.mulf %get3A_2111, %add3A_2103 : vector<16x1536xf32>
      %get3A_2113 = arith.constant 53 : index
      %get3A_2114 = arith.constant 0 : index
      %get3A_2115 = arith.constant 0 : index
      %get3A_2116 = vector.load %arg10[%get3A_2113, %get3A_2114, %get3A_2115] : memref<64x16x1536xf32, #tpu.memory_space<vmem>>, vector<1x16x1536xf32>
      %get3A_2117 = vector.shape_cast %get3A_2116 : vector<1x16x1536xf32> to vector<16x1536xf32>
      %add3A_2118 = arith.addf %mul3A_2112, %get3A_2117 : vector<16x1536xf32>
      %slice3A_2119 = vector.extract_strided_slice %get3A_33 {offsets = [53, 0], sizes = [1, 16], strides = [1, 1]} : vector<64x16xf32> to vector<1x16xf32>
      %dot_general3A_2120 = arith.constant dense<0.000000e+00> : vector<1x1536xf32>
      %dot_general3A_2121 = tpu.matmul %slice3A_2119, %add3A_2118, %dot_general3A_2120 {dimension_numbers = #tpu.dot_dimension_numbers<[1], [0], [0], [1], [0, 0, 1, 1], [], []>, transpose_lhs_hint = false} : vector<1x16xf32>, vector<16x1536xf32>, vector<1x1536xf32> -> vector<1x1536xf32>
      %get3A_2122 = arith.constant 54 : index
      %get3A_2123 = arith.constant 0 : index
      %get3A_2124 = arith.constant 0 : index
      %get3A_2125 = vector.load %arg9[%get3A_2122, %get3A_2123, %get3A_2124] : memref<64x16x1536xf32, #tpu.memory_space<vmem>>, vector<1x16x1536xf32>
      %get3A_2126 = vector.shape_cast %get3A_2125 : vector<1x16x1536xf32> to vector<16x1536xf32>
      %mul3A_2127 = arith.mulf %get3A_2126, %add3A_2118 : vector<16x1536xf32>
      %get3A_2128 = arith.constant 54 : index
      %get3A_2129 = arith.constant 0 : index
      %get3A_2130 = arith.constant 0 : index
      %get3A_2131 = vector.load %arg10[%get3A_2128, %get3A_2129, %get3A_2130] : memref<64x16x1536xf32, #tpu.memory_space<vmem>>, vector<1x16x1536xf32>
      %get3A_2132 = vector.shape_cast %get3A_2131 : vector<1x16x1536xf32> to vector<16x1536xf32>
      %add3A_2133 = arith.addf %mul3A_2127, %get3A_2132 : vector<16x1536xf32>
      %slice3A_2134 = vector.extract_strided_slice %get3A_33 {offsets = [54, 0], sizes = [1, 16], strides = [1, 1]} : vector<64x16xf32> to vector<1x16xf32>
      %dot_general3A_2135 = arith.constant dense<0.000000e+00> : vector<1x1536xf32>
      %dot_general3A_2136 = tpu.matmul %slice3A_2134, %add3A_2133, %dot_general3A_2135 {dimension_numbers = #tpu.dot_dimension_numbers<[1], [0], [0], [1], [0, 0, 1, 1], [], []>, transpose_lhs_hint = false} : vector<1x16xf32>, vector<16x1536xf32>, vector<1x1536xf32> -> vector<1x1536xf32>
      %get3A_2137 = arith.constant 55 : index
      %get3A_2138 = arith.constant 0 : index
      %get3A_2139 = arith.constant 0 : index
      %get3A_2140 = vector.load %arg9[%get3A_2137, %get3A_2138, %get3A_2139] : memref<64x16x1536xf32, #tpu.memory_space<vmem>>, vector<1x16x1536xf32>
      %get3A_2141 = vector.shape_cast %get3A_2140 : vector<1x16x1536xf32> to vector<16x1536xf32>
      %mul3A_2142 = arith.mulf %get3A_2141, %add3A_2133 : vector<16x1536xf32>
      %get3A_2143 = arith.constant 55 : index
      %get3A_2144 = arith.constant 0 : index
      %get3A_2145 = arith.constant 0 : index
      %get3A_2146 = vector.load %arg10[%get3A_2143, %get3A_2144, %get3A_2145] : memref<64x16x1536xf32, #tpu.memory_space<vmem>>, vector<1x16x1536xf32>
      %get3A_2147 = vector.shape_cast %get3A_2146 : vector<1x16x1536xf32> to vector<16x1536xf32>
      %add3A_2148 = arith.addf %mul3A_2142, %get3A_2147 : vector<16x1536xf32>
      %slice3A_2149 = vector.extract_strided_slice %get3A_33 {offsets = [55, 0], sizes = [1, 16], strides = [1, 1]} : vector<64x16xf32> to vector<1x16xf32>
      %dot_general3A_2150 = arith.constant dense<0.000000e+00> : vector<1x1536xf32>
      %dot_general3A_2151 = tpu.matmul %slice3A_2149, %add3A_2148, %dot_general3A_2150 {dimension_numbers = #tpu.dot_dimension_numbers<[1], [0], [0], [1], [0, 0, 1, 1], [], []>, transpose_lhs_hint = false} : vector<1x16xf32>, vector<16x1536xf32>, vector<1x1536xf32> -> vector<1x1536xf32>
      %get3A_2152 = arith.constant 56 : index
      %get3A_2153 = arith.constant 0 : index
      %get3A_2154 = arith.constant 0 : index
      %get3A_2155 = vector.load %arg9[%get3A_2152, %get3A_2153, %get3A_2154] : memref<64x16x1536xf32, #tpu.memory_space<vmem>>, vector<1x16x1536xf32>
      %get3A_2156 = vector.shape_cast %get3A_2155 : vector<1x16x1536xf32> to vector<16x1536xf32>
      %mul3A_2157 = arith.mulf %get3A_2156, %add3A_2148 : vector<16x1536xf32>
      %get3A_2158 = arith.constant 56 : index
      %get3A_2159 = arith.constant 0 : index
      %get3A_2160 = arith.constant 0 : index
      %get3A_2161 = vector.load %arg10[%get3A_2158, %get3A_2159, %get3A_2160] : memref<64x16x1536xf32, #tpu.memory_space<vmem>>, vector<1x16x1536xf32>
      %get3A_2162 = vector.shape_cast %get3A_2161 : vector<1x16x1536xf32> to vector<16x1536xf32>
      %add3A_2163 = arith.addf %mul3A_2157, %get3A_2162 : vector<16x1536xf32>
      %slice3A_2164 = vector.extract_strided_slice %get3A_33 {offsets = [56, 0], sizes = [1, 16], strides = [1, 1]} : vector<64x16xf32> to vector<1x16xf32>
      %dot_general3A_2165 = arith.constant dense<0.000000e+00> : vector<1x1536xf32>
      %dot_general3A_2166 = tpu.matmul %slice3A_2164, %add3A_2163, %dot_general3A_2165 {dimension_numbers = #tpu.dot_dimension_numbers<[1], [0], [0], [1], [0, 0, 1, 1], [], []>, transpose_lhs_hint = false} : vector<1x16xf32>, vector<16x1536xf32>, vector<1x1536xf32> -> vector<1x1536xf32>
      %get3A_2167 = arith.constant 57 : index
      %get3A_2168 = arith.constant 0 : index
      %get3A_2169 = arith.constant 0 : index
      %get3A_2170 = vector.load %arg9[%get3A_2167, %get3A_2168, %get3A_2169] : memref<64x16x1536xf32, #tpu.memory_space<vmem>>, vector<1x16x1536xf32>
      %get3A_2171 = vector.shape_cast %get3A_2170 : vector<1x16x1536xf32> to vector<16x1536xf32>
      %mul3A_2172 = arith.mulf %get3A_2171, %add3A_2163 : vector<16x1536xf32>
      %get3A_2173 = arith.constant 57 : index
      %get3A_2174 = arith.constant 0 : index
      %get3A_2175 = arith.constant 0 : index
      %get3A_2176 = vector.load %arg10[%get3A_2173, %get3A_2174, %get3A_2175] : memref<64x16x1536xf32, #tpu.memory_space<vmem>>, vector<1x16x1536xf32>
      %get3A_2177 = vector.shape_cast %get3A_2176 : vector<1x16x1536xf32> to vector<16x1536xf32>
      %add3A_2178 = arith.addf %mul3A_2172, %get3A_2177 : vector<16x1536xf32>
      %slice3A_2179 = vector.extract_strided_slice %get3A_33 {offsets = [57, 0], sizes = [1, 16], strides = [1, 1]} : vector<64x16xf32> to vector<1x16xf32>
      %dot_general3A_2180 = arith.constant dense<0.000000e+00> : vector<1x1536xf32>
      %dot_general3A_2181 = tpu.matmul %slice3A_2179, %add3A_2178, %dot_general3A_2180 {dimension_numbers = #tpu.dot_dimension_numbers<[1], [0], [0], [1], [0, 0, 1, 1], [], []>, transpose_lhs_hint = false} : vector<1x16xf32>, vector<16x1536xf32>, vector<1x1536xf32> -> vector<1x1536xf32>
      %get3A_2182 = arith.constant 58 : index
      %get3A_2183 = arith.constant 0 : index
      %get3A_2184 = arith.constant 0 : index
      %get3A_2185 = vector.load %arg9[%get3A_2182, %get3A_2183, %get3A_2184] : memref<64x16x1536xf32, #tpu.memory_space<vmem>>, vector<1x16x1536xf32>
      %get3A_2186 = vector.shape_cast %get3A_2185 : vector<1x16x1536xf32> to vector<16x1536xf32>
      %mul3A_2187 = arith.mulf %get3A_2186, %add3A_2178 : vector<16x1536xf32>
      %get3A_2188 = arith.constant 58 : index
      %get3A_2189 = arith.constant 0 : index
      %get3A_2190 = arith.constant 0 : index
      %get3A_2191 = vector.load %arg10[%get3A_2188, %get3A_2189, %get3A_2190] : memref<64x16x1536xf32, #tpu.memory_space<vmem>>, vector<1x16x1536xf32>
      %get3A_2192 = vector.shape_cast %get3A_2191 : vector<1x16x1536xf32> to vector<16x1536xf32>
      %add3A_2193 = arith.addf %mul3A_2187, %get3A_2192 : vector<16x1536xf32>
      %slice3A_2194 = vector.extract_strided_slice %get3A_33 {offsets = [58, 0], sizes = [1, 16], strides = [1, 1]} : vector<64x16xf32> to vector<1x16xf32>
      %dot_general3A_2195 = arith.constant dense<0.000000e+00> : vector<1x1536xf32>
      %dot_general3A_2196 = tpu.matmul %slice3A_2194, %add3A_2193, %dot_general3A_2195 {dimension_numbers = #tpu.dot_dimension_numbers<[1], [0], [0], [1], [0, 0, 1, 1], [], []>, transpose_lhs_hint = false} : vector<1x16xf32>, vector<16x1536xf32>, vector<1x1536xf32> -> vector<1x1536xf32>
      %get3A_2197 = arith.constant 59 : index
      %get3A_2198 = arith.constant 0 : index
      %get3A_2199 = arith.constant 0 : index
      %get3A_2200 = vector.load %arg9[%get3A_2197, %get3A_2198, %get3A_2199] : memref<64x16x1536xf32, #tpu.memory_space<vmem>>, vector<1x16x1536xf32>
      %get3A_2201 = vector.shape_cast %get3A_2200 : vector<1x16x1536xf32> to vector<16x1536xf32>
      %mul3A_2202 = arith.mulf %get3A_2201, %add3A_2193 : vector<16x1536xf32>
      %get3A_2203 = arith.constant 59 : index
      %get3A_2204 = arith.constant 0 : index
      %get3A_2205 = arith.constant 0 : index
      %get3A_2206 = vector.load %arg10[%get3A_2203, %get3A_2204, %get3A_2205] : memref<64x16x1536xf32, #tpu.memory_space<vmem>>, vector<1x16x1536xf32>
      %get3A_2207 = vector.shape_cast %get3A_2206 : vector<1x16x1536xf32> to vector<16x1536xf32>
      %add3A_2208 = arith.addf %mul3A_2202, %get3A_2207 : vector<16x1536xf32>
      %slice3A_2209 = vector.extract_strided_slice %get3A_33 {offsets = [59, 0], sizes = [1, 16], strides = [1, 1]} : vector<64x16xf32> to vector<1x16xf32>
      %dot_general3A_2210 = arith.constant dense<0.000000e+00> : vector<1x1536xf32>
      %dot_general3A_2211 = tpu.matmul %slice3A_2209, %add3A_2208, %dot_general3A_2210 {dimension_numbers = #tpu.dot_dimension_numbers<[1], [0], [0], [1], [0, 0, 1, 1], [], []>, transpose_lhs_hint = false} : vector<1x16xf32>, vector<16x1536xf32>, vector<1x1536xf32> -> vector<1x1536xf32>
      %get3A_2212 = arith.constant 60 : index
      %get3A_2213 = arith.constant 0 : index
      %get3A_2214 = arith.constant 0 : index
      %get3A_2215 = vector.load %arg9[%get3A_2212, %get3A_2213, %get3A_2214] : memref<64x16x1536xf32, #tpu.memory_space<vmem>>, vector<1x16x1536xf32>
      %get3A_2216 = vector.shape_cast %get3A_2215 : vector<1x16x1536xf32> to vector<16x1536xf32>
      %mul3A_2217 = arith.mulf %get3A_2216, %add3A_2208 : vector<16x1536xf32>
      %get3A_2218 = arith.constant 60 : index
      %get3A_2219 = arith.constant 0 : index
      %get3A_2220 = arith.constant 0 : index
      %get3A_2221 = vector.load %arg10[%get3A_2218, %get3A_2219, %get3A_2220] : memref<64x16x1536xf32, #tpu.memory_space<vmem>>, vector<1x16x1536xf32>
      %get3A_2222 = vector.shape_cast %get3A_2221 : vector<1x16x1536xf32> to vector<16x1536xf32>
      %add3A_2223 = arith.addf %mul3A_2217, %get3A_2222 : vector<16x1536xf32>
      %slice3A_2224 = vector.extract_strided_slice %get3A_33 {offsets = [60, 0], sizes = [1, 16], strides = [1, 1]} : vector<64x16xf32> to vector<1x16xf32>
      %dot_general3A_2225 = arith.constant dense<0.000000e+00> : vector<1x1536xf32>
      %dot_general3A_2226 = tpu.matmul %slice3A_2224, %add3A_2223, %dot_general3A_2225 {dimension_numbers = #tpu.dot_dimension_numbers<[1], [0], [0], [1], [0, 0, 1, 1], [], []>, transpose_lhs_hint = false} : vector<1x16xf32>, vector<16x1536xf32>, vector<1x1536xf32> -> vector<1x1536xf32>
      %get3A_2227 = arith.constant 61 : index
      %get3A_2228 = arith.constant 0 : index
      %get3A_2229 = arith.constant 0 : index
      %get3A_2230 = vector.load %arg9[%get3A_2227, %get3A_2228, %get3A_2229] : memref<64x16x1536xf32, #tpu.memory_space<vmem>>, vector<1x16x1536xf32>
      %get3A_2231 = vector.shape_cast %get3A_2230 : vector<1x16x1536xf32> to vector<16x1536xf32>
      %mul3A_2232 = arith.mulf %get3A_2231, %add3A_2223 : vector<16x1536xf32>
      %get3A_2233 = arith.constant 61 : index
      %get3A_2234 = arith.constant 0 : index
      %get3A_2235 = arith.constant 0 : index
      %get3A_2236 = vector.load %arg10[%get3A_2233, %get3A_2234, %get3A_2235] : memref<64x16x1536xf32, #tpu.memory_space<vmem>>, vector<1x16x1536xf32>
      %get3A_2237 = vector.shape_cast %get3A_2236 : vector<1x16x1536xf32> to vector<16x1536xf32>
      %add3A_2238 = arith.addf %mul3A_2232, %get3A_2237 : vector<16x1536xf32>
      %slice3A_2239 = vector.extract_strided_slice %get3A_33 {offsets = [61, 0], sizes = [1, 16], strides = [1, 1]} : vector<64x16xf32> to vector<1x16xf32>
      %dot_general3A_2240 = arith.constant dense<0.000000e+00> : vector<1x1536xf32>
      %dot_general3A_2241 = tpu.matmul %slice3A_2239, %add3A_2238, %dot_general3A_2240 {dimension_numbers = #tpu.dot_dimension_numbers<[1], [0], [0], [1], [0, 0, 1, 1], [], []>, transpose_lhs_hint = false} : vector<1x16xf32>, vector<16x1536xf32>, vector<1x1536xf32> -> vector<1x1536xf32>
      %get3A_2242 = arith.constant 62 : index
      %get3A_2243 = arith.constant 0 : index
      %get3A_2244 = arith.constant 0 : index
      %get3A_2245 = vector.load %arg9[%get3A_2242, %get3A_2243, %get3A_2244] : memref<64x16x1536xf32, #tpu.memory_space<vmem>>, vector<1x16x1536xf32>
      %get3A_2246 = vector.shape_cast %get3A_2245 : vector<1x16x1536xf32> to vector<16x1536xf32>
      %mul3A_2247 = arith.mulf %get3A_2246, %add3A_2238 : vector<16x1536xf32>
      %get3A_2248 = arith.constant 62 : index
      %get3A_2249 = arith.constant 0 : index
      %get3A_2250 = arith.constant 0 : index
      %get3A_2251 = vector.load %arg10[%get3A_2248, %get3A_2249, %get3A_2250] : memref<64x16x1536xf32, #tpu.memory_space<vmem>>, vector<1x16x1536xf32>
      %get3A_2252 = vector.shape_cast %get3A_2251 : vector<1x16x1536xf32> to vector<16x1536xf32>
      %add3A_2253 = arith.addf %mul3A_2247, %get3A_2252 : vector<16x1536xf32>
      %slice3A_2254 = vector.extract_strided_slice %get3A_33 {offsets = [62, 0], sizes = [1, 16], strides = [1, 1]} : vector<64x16xf32> to vector<1x16xf32>
      %dot_general3A_2255 = arith.constant dense<0.000000e+00> : vector<1x1536xf32>
      %dot_general3A_2256 = tpu.matmul %slice3A_2254, %add3A_2253, %dot_general3A_2255 {dimension_numbers = #tpu.dot_dimension_numbers<[1], [0], [0], [1], [0, 0, 1, 1], [], []>, transpose_lhs_hint = false} : vector<1x16xf32>, vector<16x1536xf32>, vector<1x1536xf32> -> vector<1x1536xf32>
      %get3A_2257 = arith.constant 63 : index
      %get3A_2258 = arith.constant 0 : index
      %get3A_2259 = arith.constant 0 : index
      %get3A_2260 = vector.load %arg9[%get3A_2257, %get3A_2258, %get3A_2259] : memref<64x16x1536xf32, #tpu.memory_space<vmem>>, vector<1x16x1536xf32>
      %get3A_2261 = vector.shape_cast %get3A_2260 : vector<1x16x1536xf32> to vector<16x1536xf32>
      %mul3A_2262 = arith.mulf %get3A_2261, %add3A_2253 : vector<16x1536xf32>
      %get3A_2263 = arith.constant 63 : index
      %get3A_2264 = arith.constant 0 : index
      %get3A_2265 = arith.constant 0 : index
      %get3A_2266 = vector.load %arg10[%get3A_2263, %get3A_2264, %get3A_2265] : memref<64x16x1536xf32, #tpu.memory_space<vmem>>, vector<1x16x1536xf32>
      %get3A_2267 = vector.shape_cast %get3A_2266 : vector<1x16x1536xf32> to vector<16x1536xf32>
      %add3A_2268 = arith.addf %mul3A_2262, %get3A_2267 : vector<16x1536xf32>
      %slice3A_2269 = vector.extract_strided_slice %get3A_33 {offsets = [63, 0], sizes = [1, 16], strides = [1, 1]} : vector<64x16xf32> to vector<1x16xf32>
      %dot_general3A_2270 = arith.constant dense<0.000000e+00> : vector<1x1536xf32>
      %dot_general3A_2271 = tpu.matmul %slice3A_2269, %add3A_2268, %dot_general3A_2270 {dimension_numbers = #tpu.dot_dimension_numbers<[1], [0], [0], [1], [0, 0, 1, 1], [], []>, transpose_lhs_hint = false} : vector<1x16xf32>, vector<16x1536xf32>, vector<1x1536xf32> -> vector<1x1536xf32>
      %concatenate3A = tpu.concatenate %dot_general3A_1326, %dot_general3A_1341, %dot_general3A_1356, %dot_general3A_1371, %dot_general3A_1386, %dot_general3A_1401, %dot_general3A_1416, %dot_general3A_1431, %dot_general3A_1446, %dot_general3A_1461, %dot_general3A_1476, %dot_general3A_1491, %dot_general3A_1506, %dot_general3A_1521, %dot_general3A_1536, %dot_general3A_1551, %dot_general3A_1566, %dot_general3A_1581, %dot_general3A_1596, %dot_general3A_1611, %dot_general3A_1626, %dot_general3A_1641, %dot_general3A_1656, %dot_general3A_1671, %dot_general3A_1686, %dot_general3A_1701, %dot_general3A_1716, %dot_general3A_1731, %dot_general3A_1746, %dot_general3A_1761, %dot_general3A_1776, %dot_general3A_1791, %dot_general3A_1806, %dot_general3A_1821, %dot_general3A_1836, %dot_general3A_1851, %dot_general3A_1866, %dot_general3A_1881, %dot_general3A_1896, %dot_general3A_1911, %dot_general3A_1926, %dot_general3A_1941, %dot_general3A_1956, %dot_general3A_1971, %dot_general3A_1986, %dot_general3A_2001, %dot_general3A_2016, %dot_general3A_2031, %dot_general3A_2046, %dot_general3A_2061, %dot_general3A_2076, %dot_general3A_2091, %dot_general3A_2106, %dot_general3A_2121, %dot_general3A_2136, %dot_general3A_2151, %dot_general3A_2166, %dot_general3A_2181, %dot_general3A_2196, %dot_general3A_2211, %dot_general3A_2226, %dot_general3A_2241, %dot_general3A_2256, %dot_general3A_2271 in 0 : vector<1x1536xf32>, vector<1x1536xf32>, vector<1x1536xf32>, vector<1x1536xf32>, vector<1x1536xf32>, vector<1x1536xf32>, vector<1x1536xf32>, vector<1x1536xf32>, vector<1x1536xf32>, vector<1x1536xf32>, vector<1x1536xf32>, vector<1x1536xf32>, vector<1x1536xf32>, vector<1x1536xf32>, vector<1x1536xf32>, vector<1x1536xf32>, vector<1x1536xf32>, vector<1x1536xf32>, vector<1x1536xf32>, vector<1x1536xf32>, vector<1x1536xf32>, vector<1x1536xf32>, vector<1x1536xf32>, vector<1x1536xf32>, vector<1x1536xf32>, vector<1x1536xf32>, vector<1x1536xf32>, vector<1x1536xf32>, vector<1x1536xf32>, vector<1x1536xf32>, vector<1x1536xf32>, vector<1x1536xf32>, vector<1x1536xf32>, vector<1x1536xf32>, vector<1x1536xf32>, vector<1x1536xf32>, vector<1x1536xf32>, vector<1x1536xf32>, vector<1x1536xf32>, vector<1x1536xf32>, vector<1x1536xf32>, vector<1x1536xf32>, vector<1x1536xf32>, vector<1x1536xf32>, vector<1x1536xf32>, vector<1x1536xf32>, vector<1x1536xf32>, vector<1x1536xf32>, vector<1x1536xf32>, vector<1x1536xf32>, vector<1x1536xf32>, vector<1x1536xf32>, vector<1x1536xf32>, vector<1x1536xf32>, vector<1x1536xf32>, vector<1x1536xf32>, vector<1x1536xf32>, vector<1x1536xf32>, vector<1x1536xf32>, vector<1x1536xf32>, vector<1x1536xf32>, vector<1x1536xf32>, vector<1x1536xf32>, vector<1x1536xf32> -> vector<64x1536xf32>
      %mul3A_2272 = vector.broadcast %get3A_8 : vector<1x1536xf32> to vector<64x1536xf32>
      %mul3A_2273 = arith.mulf %mul3A_2272, %get3A_27 : vector<64x1536xf32>
      %add3A_2274 = arith.addf %concatenate3A, %mul3A_2273 : vector<64x1536xf32>
      %swap3A_2275 = arith.index_cast %multiple_of3A : i32 to index
      %swap3A_2276 = arith.constant 0 : index
      %swap3A_2277 = vector.load %arg7[%swap3A_2275, %swap3A_2276] : memref<256x1536xf32, #tpu.memory_space<vmem>>, vector<64x1536xf32>
      tpu.vector_store %arg7[%swap3A_2275, %swap3A_2276], %add3A_2274 {strides = array<i32>} : memref<256x1536xf32, #tpu.memory_space<vmem>>, vector<64x1536xf32>,
      scf.yield %add3A_2268 : vector<16x1536xf32>
    }
    %scan3A_16 = arith.constant 4 : i32
    %swap3A = arith.constant 0 : index
    %swap3A_17 = arith.constant 0 : index
    %swap3A_18 = vector.load %arg8[%swap3A, %swap3A_17] : memref<16x1536xf32, #tpu.memory_space<vmem>>, vector<16x1536xf32>
    tpu.vector_store %arg8[%swap3A, %swap3A_17], %scan3A_15 {strides = array<i32>} : memref<16x1536xf32, #tpu.memory_space<vmem>>, vector<16x1536xf32>,
    return
  }
  func.func @transform_0(%arg0: i32) -> (i32, i32) {
    %c0_i32 = arith.constant 0 : i32
    %c0_i32_0 = arith.constant 0 : i32
    return %arg0, %c0_i32 : i32, i32
  }
  func.func @transform_1(%arg0: i32) -> (i32, i32) {
    %c0_i32 = arith.constant 0 : i32
    %c0_i32_0 = arith.constant 0 : i32
    return %arg0, %c0_i32 : i32, i32
  }
  func.func @transform_2(%arg0: i32) -> (i32, i32) {
    %c0_i32 = arith.constant 0 : i32
    %c0_i32_0 = arith.constant 0 : i32
    return %arg0, %c0_i32 : i32, i32
  }
  func.func @transform_3(%arg0: i32) -> (i32, i32) {
    %c0_i32 = arith.constant 0 : i32
    %c0_i32_0 = arith.constant 0 : i32
    return %arg0, %c0_i32 : i32, i32
  }
  func.func @transform_4(%arg0: i32) -> (i32, i32) {
    %c0_i32 = arith.constant 0 : i32
    %c0_i32_0 = arith.constant 0 : i32
    %c0_i32_1 = arith.constant 0 : i32
    return %c0_i32, %c0_i32_0 : i32, i32
  }
  func.func @transform_5(%arg0: i32) -> (i32, i32) {
    %c0_i32 = arith.constant 0 : i32
    %c0_i32_0 = arith.constant 0 : i32
    %c0_i32_1 = arith.constant 0 : i32
    return %c0_i32, %c0_i32_0 : i32, i32
  }
  func.func @transform_6(%arg0: i32) -> (i32, i32) {
    %c0_i32 = arith.constant 0 : i32
    %c0_i32_0 = arith.constant 0 : i32
    return %arg0, %c0_i32 : i32, i32
  }
}

module attributes {stable_mosaic.version = 14 : i64} {
  func.func @_post_body(%arg0: i32, %arg1: memref<256x1536xf32, #tpu.memory_space<vmem>>, %arg2: memref<256x1536xf32, #tpu.memory_space<vmem>>, %arg3: memref<1536x768xf32, #tpu.memory_space<vmem>>, %arg4: memref<256x768xf32, #tpu.memory_space<vmem>>, %arg5: memref<1x768xf32, #tpu.memory_space<vmem>>, %arg6: memref<1x768xf32, #tpu.memory_space<vmem>>, %arg7: memref<768x8xf32, #tpu.memory_space<vmem>>, %arg8: memref<256x768xf32, #tpu.memory_space<vmem>>, %arg9: memref<256x768xf32, #tpu.memory_space<vmem>>, %arg10: memref<256x8xf32, #tpu.memory_space<vmem>>, %arg11: memref<256x2xi32, #tpu.memory_space<vmem>>, %arg12: memref<256x2xf32, #tpu.memory_space<vmem>>) attributes {dimension_semantics = [#tpu.dimension_semantics<arbitrary>], iteration_bounds = array<i64: 8>, scalar_prefetch = 0 : i64, scratch_operands = 0 : i64, tpu.core_type = #tpu.core_type<tc>, window_params = [{transform_indices = @transform_0, window_bounds = array<i64: 256, 1536>}, {transform_indices = @transform_1, window_bounds = array<i64: 256, 1536>}, {pipeline_mode = #tpu.pipeline_mode<synchronous>, transform_indices = @transform_2, window_bounds = array<i64: 1536, 768>}, {transform_indices = @transform_3, window_bounds = array<i64: 256, 768>}, {pipeline_mode = #tpu.pipeline_mode<synchronous>, transform_indices = @transform_4, window_bounds = array<i64: 1, 768>}, {pipeline_mode = #tpu.pipeline_mode<synchronous>, transform_indices = @transform_5, window_bounds = array<i64: 1, 768>}, {pipeline_mode = #tpu.pipeline_mode<synchronous>, transform_indices = @transform_6, window_bounds = array<i64: 768, 8>}, {transform_indices = @transform_7, window_bounds = array<i64: 256, 768>}, {transform_indices = @transform_8, window_bounds = array<i64: 256, 768>}, {transform_indices = @transform_9, window_bounds = array<i64: 256, 8>}, {transform_indices = @transform_10, window_bounds = array<i64: 256, 2>}, {transform_indices = @transform_11, window_bounds = array<i64: 256, 2>}]} {
    %get3A = arith.constant 0 : index
    %get3A_0 = arith.constant 0 : index
    %get3A_1 = vector.load %arg1[%get3A, %get3A_0] : memref<256x1536xf32, #tpu.memory_space<vmem>>, vector<256x1536xf32>
    %get3A_2 = arith.constant 0 : index
    %get3A_3 = arith.constant 0 : index
    %get3A_4 = vector.load %arg2[%get3A_2, %get3A_3] : memref<256x1536xf32, #tpu.memory_space<vmem>>, vector<256x1536xf32>
    %logistic3A = arith.negf %get3A_4 : vector<256x1536xf32>
    %logistic3A_5 = math.exp %logistic3A : vector<256x1536xf32>
    %logistic3A_6 = arith.constant 1.000000e+00 : f32
    %logistic3A_7 = vector.broadcast %logistic3A_6 : f32 to vector<256x1536xf32>
    %logistic3A_8 = arith.addf %logistic3A_7, %logistic3A_5 : vector<256x1536xf32>
    %logistic3A_9 = arith.divf %logistic3A_7, %logistic3A_8 : vector<256x1536xf32>
    %mul3A = arith.mulf %get3A_4, %logistic3A_9 : vector<256x1536xf32>
    %mul3A_10 = arith.mulf %get3A_1, %mul3A : vector<256x1536xf32>
    %get3A_11 = arith.constant 0 : index
    %get3A_12 = arith.constant 0 : index
    %get3A_13 = vector.load %arg4[%get3A_11, %get3A_12] : memref<256x768xf32, #tpu.memory_space<vmem>>, vector<256x768xf32>
    %get3A_14 = arith.constant 0 : index
    %get3A_15 = arith.constant 0 : index
    %get3A_16 = vector.load %arg3[%get3A_14, %get3A_15] : memref<1536x768xf32, #tpu.memory_space<vmem>>, vector<1536x768xf32>
    %dot_general3A = arith.constant dense<0.000000e+00> : vector<256x768xf32>
    %dot_general3A_17 = tpu.matmul %mul3A_10, %get3A_16, %dot_general3A {dimension_numbers = #tpu.dot_dimension_numbers<[1], [0], [0], [1], [0, 0, 1, 1], [], []>, transpose_lhs_hint = false} : vector<256x1536xf32>, vector<1536x768xf32>, vector<256x768xf32> -> vector<256x768xf32>
    %add3A = arith.addf %get3A_13, %dot_general3A_17 : vector<256x768xf32>
    %swap3A = arith.constant 0 : index
    %swap3A_18 = arith.constant 0 : index
    %swap3A_19 = vector.load %arg8[%swap3A, %swap3A_18] : memref<256x768xf32, #tpu.memory_space<vmem>>, vector<256x768xf32>
    tpu.vector_store %arg8[%swap3A, %swap3A_18], %add3A {strides = array<i32>} : memref<256x768xf32, #tpu.memory_space<vmem>>, vector<256x768xf32>,
    %get3A_20 = arith.constant 0 : index
    %get3A_21 = arith.constant 0 : index
    %get3A_22 = vector.load %arg5[%get3A_20, %get3A_21] : memref<1x768xf32, #tpu.memory_space<vmem>>, vector<1x768xf32>
    %get3A_23 = arith.constant 0 : index
    %get3A_24 = arith.constant 0 : index
    %get3A_25 = vector.load %arg6[%get3A_23, %get3A_24] : memref<1x768xf32, #tpu.memory_space<vmem>>, vector<1x768xf32>
    %reduce_sum3A = arith.constant dense<0.000000e+00> : vector<256xf32>
    %reduce_sum3A_26 = vector.multi_reduction <add>, %add3A, %reduce_sum3A [1] : vector<256x768xf32> to vector<256xf32>
    %broadcast_in_dim3A = vector.shape_cast %reduce_sum3A_26 : vector<256xf32> to vector<256x1xf32>
    %div3A = arith.constant 7.680000e+02 : f32
    %div3A_27 = vector.broadcast %div3A : f32 to vector<256x1xf32>
    %div3A_28 = arith.divf %broadcast_in_dim3A, %div3A_27 : vector<256x1xf32>
    %sub3A = vector.broadcast %div3A_28 : vector<256x1xf32> to vector<256x768xf32>
    %sub3A_29 = arith.subf %add3A, %sub3A : vector<256x768xf32>
    %integer_pow3A = arith.mulf %sub3A_29, %sub3A_29 : vector<256x768xf32>
    %reduce_sum3A_30 = arith.constant dense<0.000000e+00> : vector<256xf32>
    %reduce_sum3A_31 = vector.multi_reduction <add>, %integer_pow3A, %reduce_sum3A_30 [1] : vector<256x768xf32> to vector<256xf32>
    %broadcast_in_dim3A_32 = vector.shape_cast %reduce_sum3A_31 : vector<256xf32> to vector<256x1xf32>
    %div3A_33 = arith.constant 7.680000e+02 : f32
    %div3A_34 = vector.broadcast %div3A_33 : f32 to vector<256x1xf32>
    %div3A_35 = arith.divf %broadcast_in_dim3A_32, %div3A_34 : vector<256x1xf32>
    %sub3A_36 = vector.broadcast %div3A_28 : vector<256x1xf32> to vector<256x768xf32>
    %sub3A_37 = arith.subf %add3A, %sub3A_36 : vector<256x768xf32>
    %add3A_38 = arith.constant 9.99999974E-6 : f32
    %add3A_39 = vector.broadcast %add3A_38 : f32 to vector<256x1xf32>
    %add3A_40 = arith.addf %div3A_35, %add3A_39 : vector<256x1xf32>
    %rsqrt3A = math.rsqrt %add3A_40 : vector<256x1xf32>
    %mul3A_41 = vector.broadcast %rsqrt3A : vector<256x1xf32> to vector<256x768xf32>
    %mul3A_42 = arith.mulf %sub3A_37, %mul3A_41 : vector<256x768xf32>
    %mul3A_43 = vector.broadcast %get3A_22 : vector<1x768xf32> to vector<256x768xf32>
    %mul3A_44 = arith.mulf %mul3A_42, %mul3A_43 : vector<256x768xf32>
    %add3A_45 = vector.broadcast %get3A_25 : vector<1x768xf32> to vector<256x768xf32>
    %add3A_46 = arith.addf %mul3A_44, %add3A_45 : vector<256x768xf32>
    %swap3A_47 = arith.constant 0 : index
    %swap3A_48 = arith.constant 0 : index
    %swap3A_49 = vector.load %arg9[%swap3A_47, %swap3A_48] : memref<256x768xf32, #tpu.memory_space<vmem>>, vector<256x768xf32>
    tpu.vector_store %arg9[%swap3A_47, %swap3A_48], %add3A_46 {strides = array<i32>} : memref<256x768xf32, #tpu.memory_space<vmem>>, vector<256x768xf32>,
    %get3A_50 = arith.constant 0 : index
    %get3A_51 = arith.constant 0 : index
    %get3A_52 = vector.load %arg7[%get3A_50, %get3A_51] : memref<768x8xf32, #tpu.memory_space<vmem>>, vector<768x8xf32>
    %dot_general3A_53 = arith.constant dense<0.000000e+00> : vector<256x8xf32>
    %dot_general3A_54 = tpu.matmul %add3A_46, %get3A_52, %dot_general3A_53 {dimension_numbers = #tpu.dot_dimension_numbers<[1], [0], [0], [1], [0, 0, 1, 1], [], []>, transpose_lhs_hint = false} : vector<256x768xf32>, vector<768x8xf32>, vector<256x8xf32> -> vector<256x8xf32>
    %reduce_max3A = arith.constant dense<0xFF800000> : vector<256xf32>
    %reduce_max3A_55 = vector.multi_reduction <maximumf>, %dot_general3A_54, %reduce_max3A [1] : vector<256x8xf32> to vector<256xf32>
    %max3A = arith.constant 0xFF800000 : f32
    %max3A_56 = vector.broadcast %max3A : f32 to vector<256xf32>
    %max3A_57 = arith.maximumf %max3A_56, %reduce_max3A_55 : vector<256xf32>
    %broadcast_in_dim3A_58 = vector.shape_cast %max3A_57 : vector<256xf32> to vector<256x1xf32>
    %sub3A_59 = vector.broadcast %broadcast_in_dim3A_58 : vector<256x1xf32> to vector<256x8xf32>
    %sub3A_60 = arith.subf %dot_general3A_54, %sub3A_59 : vector<256x8xf32>
    %exp3A = math.exp %sub3A_60 : vector<256x8xf32>
    %reduce_sum3A_61 = arith.constant dense<0.000000e+00> : vector<256xf32>
    %reduce_sum3A_62 = vector.multi_reduction <add>, %exp3A, %reduce_sum3A_61 [1] : vector<256x8xf32> to vector<256xf32>
    %broadcast_in_dim3A_63 = vector.shape_cast %reduce_sum3A_62 : vector<256xf32> to vector<256x1xf32>
    %div3A_64 = vector.broadcast %broadcast_in_dim3A_63 : vector<256x1xf32> to vector<256x8xf32>
    %div3A_65 = arith.divf %exp3A, %div3A_64 : vector<256x8xf32>
    %iota3A = tpu.iota {dimensions = array<i32: 1>} : vector<256x8xi32>
    %argmax3A = tpu.reduce_index %div3A_65 {axis = 1 : i32, kind = #tpu.reduction_kind<arg_max>} : vector<256x8xf32> -> vector<256xi32>
    %broadcast_in_dim3A_66 = vector.shape_cast %argmax3A : vector<256xi32> to vector<256x1xi32>
    %reduce_max3A_67 = arith.constant dense<0xFF800000> : vector<256xf32>
    %reduce_max3A_68 = vector.multi_reduction <maximumf>, %div3A_65, %reduce_max3A_67 [1] : vector<256x8xf32> to vector<256xf32>
    %broadcast_in_dim3A_69 = vector.shape_cast %reduce_max3A_68 : vector<256xf32> to vector<256x1xf32>
    %eq3A = vector.broadcast %broadcast_in_dim3A_66 : vector<256x1xi32> to vector<256x8xi32>
    %eq3A_70 = arith.cmpi eq, %iota3A, %eq3A : vector<256x8xi32>
    %jit3A = arith.constant 0xFF800000 : f32
    %broadcast_in_dim3A_71 = vector.broadcast %jit3A : f32 to vector<256x8xf32>
    %select_n3A = arith.select %eq3A_70, %broadcast_in_dim3A_71, %div3A_65 : vector<256x8xi1>, vector<256x8xf32>
    %argmax3A_72 = tpu.reduce_index %select_n3A {axis = 1 : i32, kind = #tpu.reduction_kind<arg_max>} : vector<256x8xf32> -> vector<256xi32>
    %broadcast_in_dim3A_73 = vector.shape_cast %argmax3A_72 : vector<256xi32> to vector<256x1xi32>
    %reduce_max3A_74 = arith.constant dense<0xFF800000> : vector<256xf32>
    %reduce_max3A_75 = vector.multi_reduction <maximumf>, %select_n3A, %reduce_max3A_74 [1] : vector<256x8xf32> to vector<256xf32>
    %broadcast_in_dim3A_76 = vector.shape_cast %reduce_max3A_75 : vector<256xf32> to vector<256x1xf32>
    %add3A_77 = arith.addf %broadcast_in_dim3A_69, %broadcast_in_dim3A_76 : vector<256x1xf32>
    %eq3A_78 = vector.broadcast %broadcast_in_dim3A_66 : vector<256x1xi32> to vector<256x8xi32>
    %eq3A_79 = arith.cmpi eq, %iota3A, %eq3A_78 : vector<256x8xi32>
    %div3A_80 = arith.divf %broadcast_in_dim3A_69, %add3A_77 : vector<256x1xf32>
    %eq3A_81 = vector.broadcast %broadcast_in_dim3A_73 : vector<256x1xi32> to vector<256x8xi32>
    %eq3A_82 = arith.cmpi eq, %iota3A, %eq3A_81 : vector<256x8xi32>
    %div3A_83 = arith.divf %broadcast_in_dim3A_76, %add3A_77 : vector<256x1xf32>
    %jit3A_84 = arith.constant 0.000000e+00 : f32
    %broadcast_in_dim3A_85 = vector.shape_cast %div3A_83 : vector<256x1xf32> to vector<256x1xf32>
    %broadcast_in_dim3A_86 = vector.broadcast %broadcast_in_dim3A_85 : vector<256x1xf32> to vector<256x8xf32>
    %broadcast_in_dim3A_87 = vector.broadcast %jit3A_84 : f32 to vector<256x8xf32>
    %select_n3A_88 = arith.select %eq3A_82, %broadcast_in_dim3A_86, %broadcast_in_dim3A_87 : vector<256x8xi1>, vector<256x8xf32>
    %broadcast_in_dim3A_89 = vector.shape_cast %div3A_80 : vector<256x1xf32> to vector<256x1xf32>
    %broadcast_in_dim3A_90 = vector.broadcast %broadcast_in_dim3A_89 : vector<256x1xf32> to vector<256x8xf32>
    %select_n3A_91 = arith.select %eq3A_79, %broadcast_in_dim3A_90, %select_n3A_88 : vector<256x8xi1>, vector<256x8xf32>
    %swap3A_92 = arith.constant 0 : index
    %swap3A_93 = arith.constant 0 : index
    %swap3A_94 = vector.load %arg10[%swap3A_92, %swap3A_93] : memref<256x8xf32, #tpu.memory_space<vmem>>, vector<256x8xf32>
    tpu.vector_store %arg10[%swap3A_92, %swap3A_93], %select_n3A_91 {strides = array<i32>} : memref<256x8xf32, #tpu.memory_space<vmem>>, vector<256x8xf32>,
    %concatenate3A = tpu.concatenate %broadcast_in_dim3A_66, %broadcast_in_dim3A_73 in 1 : vector<256x1xi32>, vector<256x1xi32> -> vector<256x2xi32>
    %swap3A_95 = arith.constant 0 : index
    %swap3A_96 = arith.constant 0 : index
    %swap3A_97 = vector.load %arg11[%swap3A_95, %swap3A_96] : memref<256x2xi32, #tpu.memory_space<vmem>>, vector<256x2xi32>
    tpu.vector_store %arg11[%swap3A_95, %swap3A_96], %concatenate3A {strides = array<i32>} : memref<256x2xi32, #tpu.memory_space<vmem>>, vector<256x2xi32>,
    %div3A_98 = arith.divf %broadcast_in_dim3A_69, %add3A_77 : vector<256x1xf32>
    %div3A_99 = arith.divf %broadcast_in_dim3A_76, %add3A_77 : vector<256x1xf32>
    %concatenate3A_100 = tpu.concatenate %div3A_98, %div3A_99 in 1 : vector<256x1xf32>, vector<256x1xf32> -> vector<256x2xf32>
    %swap3A_101 = arith.constant 0 : index
    %swap3A_102 = arith.constant 0 : index
    %swap3A_103 = vector.load %arg12[%swap3A_101, %swap3A_102] : memref<256x2xf32, #tpu.memory_space<vmem>>, vector<256x2xf32>
    tpu.vector_store %arg12[%swap3A_101, %swap3A_102], %concatenate3A_100 {strides = array<i32>} : memref<256x2xf32, #tpu.memory_space<vmem>>, vector<256x2xf32>,
    return
  }
  func.func @transform_0(%arg0: i32) -> (i32, i32) {
    %c0_i32 = arith.constant 0 : i32
    %c0_i32_0 = arith.constant 0 : i32
    return %arg0, %c0_i32 : i32, i32
  }
  func.func @transform_1(%arg0: i32) -> (i32, i32) {
    %c1_i32 = arith.constant 1 : i32
    %c0_i32 = arith.constant 0 : i32
    return %arg0, %c1_i32 : i32, i32
  }
  func.func @transform_2(%arg0: i32) -> (i32, i32) {
    %c0_i32 = arith.constant 0 : i32
    %c0_i32_0 = arith.constant 0 : i32
    %c0_i32_1 = arith.constant 0 : i32
    return %c0_i32, %c0_i32_0 : i32, i32
  }
  func.func @transform_3(%arg0: i32) -> (i32, i32) {
    %c0_i32 = arith.constant 0 : i32
    %c0_i32_0 = arith.constant 0 : i32
    return %arg0, %c0_i32 : i32, i32
  }
  func.func @transform_4(%arg0: i32) -> (i32, i32) {
    %c0_i32 = arith.constant 0 : i32
    %c0_i32_0 = arith.constant 0 : i32
    %c0_i32_1 = arith.constant 0 : i32
    return %c0_i32, %c0_i32_0 : i32, i32
  }
  func.func @transform_5(%arg0: i32) -> (i32, i32) {
    %c0_i32 = arith.constant 0 : i32
    %c0_i32_0 = arith.constant 0 : i32
    %c0_i32_1 = arith.constant 0 : i32
    return %c0_i32, %c0_i32_0 : i32, i32
  }
  func.func @transform_6(%arg0: i32) -> (i32, i32) {
    %c0_i32 = arith.constant 0 : i32
    %c0_i32_0 = arith.constant 0 : i32
    %c0_i32_1 = arith.constant 0 : i32
    return %c0_i32, %c0_i32_0 : i32, i32
  }
  func.func @transform_7(%arg0: i32) -> (i32, i32) {
    %c0_i32 = arith.constant 0 : i32
    %c0_i32_0 = arith.constant 0 : i32
    return %arg0, %c0_i32 : i32, i32
  }
  func.func @transform_8(%arg0: i32) -> (i32, i32) {
    %c0_i32 = arith.constant 0 : i32
    %c0_i32_0 = arith.constant 0 : i32
    return %arg0, %c0_i32 : i32, i32
  }
  func.func @transform_9(%arg0: i32) -> (i32, i32) {
    %c0_i32 = arith.constant 0 : i32
    %c0_i32_0 = arith.constant 0 : i32
    return %arg0, %c0_i32 : i32, i32
  }
  func.func @transform_10(%arg0: i32) -> (i32, i32) {
    %c0_i32 = arith.constant 0 : i32
    %c0_i32_0 = arith.constant 0 : i32
    return %arg0, %c0_i32 : i32, i32
  }
  func.func @transform_11(%arg0: i32) -> (i32, i32) {
    %c0_i32 = arith.constant 0 : i32
    %c0_i32_0 = arith.constant 0 : i32
    return %arg0, %c0_i32 : i32, i32
  }
}

module attributes {stable_mosaic.version = 14 : i64} {
  func.func @_route_body(%arg0: i32, %arg1: memref<2048x8xf32, #tpu.memory_space<vmem>>, %arg2: memref<2048x2xi32, #tpu.memory_space<vmem>>, %arg3: memref<4096x1xi32, #tpu.memory_space<vmem>>, %arg4: memref<4096x1xf32, #tpu.memory_space<vmem>>, %arg5: memref<128x8xi32, #tpu.memory_space<vmem>>) attributes {dimension_semantics = [#tpu.dimension_semantics<arbitrary>], iteration_bounds = array<i64: 1>, scalar_prefetch = 0 : i64, scratch_operands = 0 : i64, tpu.core_type = #tpu.core_type<tc>, window_params = [{pipeline_mode = #tpu.pipeline_mode<synchronous>, transform_indices = @transform_0, window_bounds = array<i64: 2048, 8>}, {pipeline_mode = #tpu.pipeline_mode<synchronous>, transform_indices = @transform_1, window_bounds = array<i64: 2048, 2>}, {pipeline_mode = #tpu.pipeline_mode<synchronous>, transform_indices = @transform_2, window_bounds = array<i64: 4096, 1>}, {pipeline_mode = #tpu.pipeline_mode<synchronous>, transform_indices = @transform_3, window_bounds = array<i64: 4096, 1>}, {pipeline_mode = #tpu.pipeline_mode<synchronous>, transform_indices = @transform_4, window_bounds = array<i64: 128, 8>}]} {
    %get3A = arith.constant 0 : index
    %get3A_0 = arith.constant 0 : index
    %get3A_1 = vector.load %arg1[%get3A, %get3A_0] : memref<2048x8xf32, #tpu.memory_space<vmem>>, vector<2048x8xf32>
    %ne3A = arith.constant 0.000000e+00 : f32
    %ne3A_2 = vector.broadcast %ne3A : f32 to vector<2048x8xf32>
    %ne3A_3 = arith.cmpf one, %get3A_1, %ne3A_2 : vector<2048x8xf32>
    %convert_element_type3A = arith.extui %ne3A_3 : vector<2048x8xi1> to vector<2048x8xi32>
    %convert_element_type3A_4 = arith.sitofp %convert_element_type3A : vector<2048x8xi32> to vector<2048x8xf32>
    %iota3A = tpu.iota {dimensions = array<i32: 0>} : vector<128x128xi32>
    %iota3A_5 = tpu.iota {dimensions = array<i32: 1>} : vector<128x128xi32>
    %lt3A = arith.cmpi slt, %iota3A_5, %iota3A : vector<128x128xi32>
    %convert_element_type3A_6 = arith.extui %lt3A : vector<128x128xi1> to vector<128x128xi32>
    %convert_element_type3A_7 = arith.sitofp %convert_element_type3A_6 : vector<128x128xi32> to vector<128x128xf32>
    %broadcast_in_dim3A = arith.constant 1.000000e+00 : f32
    %broadcast_in_dim3A_8 = vector.broadcast %broadcast_in_dim3A : f32 to vector<1x128xf32>
    %iota3A_9 = tpu.iota {dimensions = array<i32: 1>} : vector<16x16xi32>
    %iota3A_10 = tpu.iota {dimensions = array<i32: 0>} : vector<16x16xi32>
    %le3A = arith.cmpi sle, %iota3A_9, %iota3A_10 : vector<16x16xi32>
    %convert_element_type3A_11 = arith.extui %le3A : vector<16x16xi1> to vector<16x16xi32>
    %convert_element_type3A_12 = arith.sitofp %convert_element_type3A_11 : vector<16x16xi32> to vector<16x16xf32>
    %iota3A_13 = tpu.iota {dimensions = array<i32: 0>} : vector<8x8xi32>
    %iota3A_14 = tpu.iota {dimensions = array<i32: 1>} : vector<8x8xi32>
    %lt3A_15 = arith.cmpi slt, %iota3A_13, %iota3A_14 : vector<8x8xi32>
    %convert_element_type3A_16 = arith.extui %lt3A_15 : vector<8x8xi1> to vector<8x8xi32>
    %convert_element_type3A_17 = arith.sitofp %convert_element_type3A_16 : vector<8x8xi32> to vector<8x8xf32>
    %slice3A = vector.extract_strided_slice %convert_element_type3A_4 {offsets = [0, 0], sizes = [128, 8], strides = [1, 1]} : vector<2048x8xf32> to vector<128x8xf32>
    %dot_general3A = arith.constant dense<0.000000e+00> : vector<128x8xf32>
    %dot_general3A_18 = tpu.matmul %convert_element_type3A_7, %slice3A, %dot_general3A {dimension_numbers = #tpu.dot_dimension_numbers<[1], [0], [0], [1], [0, 0, 1, 1], [], []>, transpose_lhs_hint = false} : vector<128x128xf32>, vector<128x8xf32>, vector<128x8xf32> -> vector<128x8xf32>
    %dot_general3A_19 = arith.constant dense<0.000000e+00> : vector<1x8xf32>
    %dot_general3A_20 = tpu.matmul %broadcast_in_dim3A_8, %slice3A, %dot_general3A_19 {dimension_numbers = #tpu.dot_dimension_numbers<[1], [0], [0], [1], [0, 0, 1, 1], [], []>, transpose_lhs_hint = false} : vector<1x128xf32>, vector<128x8xf32>, vector<1x8xf32> -> vector<1x8xf32>
    %slice3A_21 = vector.extract_strided_slice %convert_element_type3A_4 {offsets = [128, 0], sizes = [128, 8], strides = [1, 1]} : vector<2048x8xf32> to vector<128x8xf32>
    %dot_general3A_22 = arith.constant dense<0.000000e+00> : vector<128x8xf32>
    %dot_general3A_23 = tpu.matmul %convert_element_type3A_7, %slice3A_21, %dot_general3A_22 {dimension_numbers = #tpu.dot_dimension_numbers<[1], [0], [0], [1], [0, 0, 1, 1], [], []>, transpose_lhs_hint = false} : vector<128x128xf32>, vector<128x8xf32>, vector<128x8xf32> -> vector<128x8xf32>
    %dot_general3A_24 = arith.constant dense<0.000000e+00> : vector<1x8xf32>
    %dot_general3A_25 = tpu.matmul %broadcast_in_dim3A_8, %slice3A_21, %dot_general3A_24 {dimension_numbers = #tpu.dot_dimension_numbers<[1], [0], [0], [1], [0, 0, 1, 1], [], []>, transpose_lhs_hint = false} : vector<1x128xf32>, vector<128x8xf32>, vector<1x8xf32> -> vector<1x8xf32>
    %slice3A_26 = vector.extract_strided_slice %convert_element_type3A_4 {offsets = [256, 0], sizes = [128, 8], strides = [1, 1]} : vector<2048x8xf32> to vector<128x8xf32>
    %dot_general3A_27 = arith.constant dense<0.000000e+00> : vector<128x8xf32>
    %dot_general3A_28 = tpu.matmul %convert_element_type3A_7, %slice3A_26, %dot_general3A_27 {dimension_numbers = #tpu.dot_dimension_numbers<[1], [0], [0], [1], [0, 0, 1, 1], [], []>, transpose_lhs_hint = false} : vector<128x128xf32>, vector<128x8xf32>, vector<128x8xf32> -> vector<128x8xf32>
    %dot_general3A_29 = arith.constant dense<0.000000e+00> : vector<1x8xf32>
    %dot_general3A_30 = tpu.matmul %broadcast_in_dim3A_8, %slice3A_26, %dot_general3A_29 {dimension_numbers = #tpu.dot_dimension_numbers<[1], [0], [0], [1], [0, 0, 1, 1], [], []>, transpose_lhs_hint = false} : vector<1x128xf32>, vector<128x8xf32>, vector<1x8xf32> -> vector<1x8xf32>
    %slice3A_31 = vector.extract_strided_slice %convert_element_type3A_4 {offsets = [384, 0], sizes = [128, 8], strides = [1, 1]} : vector<2048x8xf32> to vector<128x8xf32>
    %dot_general3A_32 = arith.constant dense<0.000000e+00> : vector<128x8xf32>
    %dot_general3A_33 = tpu.matmul %convert_element_type3A_7, %slice3A_31, %dot_general3A_32 {dimension_numbers = #tpu.dot_dimension_numbers<[1], [0], [0], [1], [0, 0, 1, 1], [], []>, transpose_lhs_hint = false} : vector<128x128xf32>, vector<128x8xf32>, vector<128x8xf32> -> vector<128x8xf32>
    %dot_general3A_34 = arith.constant dense<0.000000e+00> : vector<1x8xf32>
    %dot_general3A_35 = tpu.matmul %broadcast_in_dim3A_8, %slice3A_31, %dot_general3A_34 {dimension_numbers = #tpu.dot_dimension_numbers<[1], [0], [0], [1], [0, 0, 1, 1], [], []>, transpose_lhs_hint = false} : vector<1x128xf32>, vector<128x8xf32>, vector<1x8xf32> -> vector<1x8xf32>
    %slice3A_36 = vector.extract_strided_slice %convert_element_type3A_4 {offsets = [512, 0], sizes = [128, 8], strides = [1, 1]} : vector<2048x8xf32> to vector<128x8xf32>
    %dot_general3A_37 = arith.constant dense<0.000000e+00> : vector<128x8xf32>
    %dot_general3A_38 = tpu.matmul %convert_element_type3A_7, %slice3A_36, %dot_general3A_37 {dimension_numbers = #tpu.dot_dimension_numbers<[1], [0], [0], [1], [0, 0, 1, 1], [], []>, transpose_lhs_hint = false} : vector<128x128xf32>, vector<128x8xf32>, vector<128x8xf32> -> vector<128x8xf32>
    %dot_general3A_39 = arith.constant dense<0.000000e+00> : vector<1x8xf32>
    %dot_general3A_40 = tpu.matmul %broadcast_in_dim3A_8, %slice3A_36, %dot_general3A_39 {dimension_numbers = #tpu.dot_dimension_numbers<[1], [0], [0], [1], [0, 0, 1, 1], [], []>, transpose_lhs_hint = false} : vector<1x128xf32>, vector<128x8xf32>, vector<1x8xf32> -> vector<1x8xf32>
    %slice3A_41 = vector.extract_strided_slice %convert_element_type3A_4 {offsets = [640, 0], sizes = [128, 8], strides = [1, 1]} : vector<2048x8xf32> to vector<128x8xf32>
    %dot_general3A_42 = arith.constant dense<0.000000e+00> : vector<128x8xf32>
    %dot_general3A_43 = tpu.matmul %convert_element_type3A_7, %slice3A_41, %dot_general3A_42 {dimension_numbers = #tpu.dot_dimension_numbers<[1], [0], [0], [1], [0, 0, 1, 1], [], []>, transpose_lhs_hint = false} : vector<128x128xf32>, vector<128x8xf32>, vector<128x8xf32> -> vector<128x8xf32>
    %dot_general3A_44 = arith.constant dense<0.000000e+00> : vector<1x8xf32>
    %dot_general3A_45 = tpu.matmul %broadcast_in_dim3A_8, %slice3A_41, %dot_general3A_44 {dimension_numbers = #tpu.dot_dimension_numbers<[1], [0], [0], [1], [0, 0, 1, 1], [], []>, transpose_lhs_hint = false} : vector<1x128xf32>, vector<128x8xf32>, vector<1x8xf32> -> vector<1x8xf32>
    %slice3A_46 = vector.extract_strided_slice %convert_element_type3A_4 {offsets = [768, 0], sizes = [128, 8], strides = [1, 1]} : vector<2048x8xf32> to vector<128x8xf32>
    %dot_general3A_47 = arith.constant dense<0.000000e+00> : vector<128x8xf32>
    %dot_general3A_48 = tpu.matmul %convert_element_type3A_7, %slice3A_46, %dot_general3A_47 {dimension_numbers = #tpu.dot_dimension_numbers<[1], [0], [0], [1], [0, 0, 1, 1], [], []>, transpose_lhs_hint = false} : vector<128x128xf32>, vector<128x8xf32>, vector<128x8xf32> -> vector<128x8xf32>
    %dot_general3A_49 = arith.constant dense<0.000000e+00> : vector<1x8xf32>
    %dot_general3A_50 = tpu.matmul %broadcast_in_dim3A_8, %slice3A_46, %dot_general3A_49 {dimension_numbers = #tpu.dot_dimension_numbers<[1], [0], [0], [1], [0, 0, 1, 1], [], []>, transpose_lhs_hint = false} : vector<1x128xf32>, vector<128x8xf32>, vector<1x8xf32> -> vector<1x8xf32>
    %slice3A_51 = vector.extract_strided_slice %convert_element_type3A_4 {offsets = [896, 0], sizes = [128, 8], strides = [1, 1]} : vector<2048x8xf32> to vector<128x8xf32>
    %dot_general3A_52 = arith.constant dense<0.000000e+00> : vector<128x8xf32>
    %dot_general3A_53 = tpu.matmul %convert_element_type3A_7, %slice3A_51, %dot_general3A_52 {dimension_numbers = #tpu.dot_dimension_numbers<[1], [0], [0], [1], [0, 0, 1, 1], [], []>, transpose_lhs_hint = false} : vector<128x128xf32>, vector<128x8xf32>, vector<128x8xf32> -> vector<128x8xf32>
    %dot_general3A_54 = arith.constant dense<0.000000e+00> : vector<1x8xf32>
    %dot_general3A_55 = tpu.matmul %broadcast_in_dim3A_8, %slice3A_51, %dot_general3A_54 {dimension_numbers = #tpu.dot_dimension_numbers<[1], [0], [0], [1], [0, 0, 1, 1], [], []>, transpose_lhs_hint = false} : vector<1x128xf32>, vector<128x8xf32>, vector<1x8xf32> -> vector<1x8xf32>
    %slice3A_56 = vector.extract_strided_slice %convert_element_type3A_4 {offsets = [1024, 0], sizes = [128, 8], strides = [1, 1]} : vector<2048x8xf32> to vector<128x8xf32>
    %dot_general3A_57 = arith.constant dense<0.000000e+00> : vector<128x8xf32>
    %dot_general3A_58 = tpu.matmul %convert_element_type3A_7, %slice3A_56, %dot_general3A_57 {dimension_numbers = #tpu.dot_dimension_numbers<[1], [0], [0], [1], [0, 0, 1, 1], [], []>, transpose_lhs_hint = false} : vector<128x128xf32>, vector<128x8xf32>, vector<128x8xf32> -> vector<128x8xf32>
    %dot_general3A_59 = arith.constant dense<0.000000e+00> : vector<1x8xf32>
    %dot_general3A_60 = tpu.matmul %broadcast_in_dim3A_8, %slice3A_56, %dot_general3A_59 {dimension_numbers = #tpu.dot_dimension_numbers<[1], [0], [0], [1], [0, 0, 1, 1], [], []>, transpose_lhs_hint = false} : vector<1x128xf32>, vector<128x8xf32>, vector<1x8xf32> -> vector<1x8xf32>
    %slice3A_61 = vector.extract_strided_slice %convert_element_type3A_4 {offsets = [1152, 0], sizes = [128, 8], strides = [1, 1]} : vector<2048x8xf32> to vector<128x8xf32>
    %dot_general3A_62 = arith.constant dense<0.000000e+00> : vector<128x8xf32>
    %dot_general3A_63 = tpu.matmul %convert_element_type3A_7, %slice3A_61, %dot_general3A_62 {dimension_numbers = #tpu.dot_dimension_numbers<[1], [0], [0], [1], [0, 0, 1, 1], [], []>, transpose_lhs_hint = false} : vector<128x128xf32>, vector<128x8xf32>, vector<128x8xf32> -> vector<128x8xf32>
    %dot_general3A_64 = arith.constant dense<0.000000e+00> : vector<1x8xf32>
    %dot_general3A_65 = tpu.matmul %broadcast_in_dim3A_8, %slice3A_61, %dot_general3A_64 {dimension_numbers = #tpu.dot_dimension_numbers<[1], [0], [0], [1], [0, 0, 1, 1], [], []>, transpose_lhs_hint = false} : vector<1x128xf32>, vector<128x8xf32>, vector<1x8xf32> -> vector<1x8xf32>
    %slice3A_66 = vector.extract_strided_slice %convert_element_type3A_4 {offsets = [1280, 0], sizes = [128, 8], strides = [1, 1]} : vector<2048x8xf32> to vector<128x8xf32>
    %dot_general3A_67 = arith.constant dense<0.000000e+00> : vector<128x8xf32>
    %dot_general3A_68 = tpu.matmul %convert_element_type3A_7, %slice3A_66, %dot_general3A_67 {dimension_numbers = #tpu.dot_dimension_numbers<[1], [0], [0], [1], [0, 0, 1, 1], [], []>, transpose_lhs_hint = false} : vector<128x128xf32>, vector<128x8xf32>, vector<128x8xf32> -> vector<128x8xf32>
    %dot_general3A_69 = arith.constant dense<0.000000e+00> : vector<1x8xf32>
    %dot_general3A_70 = tpu.matmul %broadcast_in_dim3A_8, %slice3A_66, %dot_general3A_69 {dimension_numbers = #tpu.dot_dimension_numbers<[1], [0], [0], [1], [0, 0, 1, 1], [], []>, transpose_lhs_hint = false} : vector<1x128xf32>, vector<128x8xf32>, vector<1x8xf32> -> vector<1x8xf32>
    %slice3A_71 = vector.extract_strided_slice %convert_element_type3A_4 {offsets = [1408, 0], sizes = [128, 8], strides = [1, 1]} : vector<2048x8xf32> to vector<128x8xf32>
    %dot_general3A_72 = arith.constant dense<0.000000e+00> : vector<128x8xf32>
    %dot_general3A_73 = tpu.matmul %convert_element_type3A_7, %slice3A_71, %dot_general3A_72 {dimension_numbers = #tpu.dot_dimension_numbers<[1], [0], [0], [1], [0, 0, 1, 1], [], []>, transpose_lhs_hint = false} : vector<128x128xf32>, vector<128x8xf32>, vector<128x8xf32> -> vector<128x8xf32>
    %dot_general3A_74 = arith.constant dense<0.000000e+00> : vector<1x8xf32>
    %dot_general3A_75 = tpu.matmul %broadcast_in_dim3A_8, %slice3A_71, %dot_general3A_74 {dimension_numbers = #tpu.dot_dimension_numbers<[1], [0], [0], [1], [0, 0, 1, 1], [], []>, transpose_lhs_hint = false} : vector<1x128xf32>, vector<128x8xf32>, vector<1x8xf32> -> vector<1x8xf32>
    %slice3A_76 = vector.extract_strided_slice %convert_element_type3A_4 {offsets = [1536, 0], sizes = [128, 8], strides = [1, 1]} : vector<2048x8xf32> to vector<128x8xf32>
    %dot_general3A_77 = arith.constant dense<0.000000e+00> : vector<128x8xf32>
    %dot_general3A_78 = tpu.matmul %convert_element_type3A_7, %slice3A_76, %dot_general3A_77 {dimension_numbers = #tpu.dot_dimension_numbers<[1], [0], [0], [1], [0, 0, 1, 1], [], []>, transpose_lhs_hint = false} : vector<128x128xf32>, vector<128x8xf32>, vector<128x8xf32> -> vector<128x8xf32>
    %dot_general3A_79 = arith.constant dense<0.000000e+00> : vector<1x8xf32>
    %dot_general3A_80 = tpu.matmul %broadcast_in_dim3A_8, %slice3A_76, %dot_general3A_79 {dimension_numbers = #tpu.dot_dimension_numbers<[1], [0], [0], [1], [0, 0, 1, 1], [], []>, transpose_lhs_hint = false} : vector<1x128xf32>, vector<128x8xf32>, vector<1x8xf32> -> vector<1x8xf32>
    %slice3A_81 = vector.extract_strided_slice %convert_element_type3A_4 {offsets = [1664, 0], sizes = [128, 8], strides = [1, 1]} : vector<2048x8xf32> to vector<128x8xf32>
    %dot_general3A_82 = arith.constant dense<0.000000e+00> : vector<128x8xf32>
    %dot_general3A_83 = tpu.matmul %convert_element_type3A_7, %slice3A_81, %dot_general3A_82 {dimension_numbers = #tpu.dot_dimension_numbers<[1], [0], [0], [1], [0, 0, 1, 1], [], []>, transpose_lhs_hint = false} : vector<128x128xf32>, vector<128x8xf32>, vector<128x8xf32> -> vector<128x8xf32>
    %dot_general3A_84 = arith.constant dense<0.000000e+00> : vector<1x8xf32>
    %dot_general3A_85 = tpu.matmul %broadcast_in_dim3A_8, %slice3A_81, %dot_general3A_84 {dimension_numbers = #tpu.dot_dimension_numbers<[1], [0], [0], [1], [0, 0, 1, 1], [], []>, transpose_lhs_hint = false} : vector<1x128xf32>, vector<128x8xf32>, vector<1x8xf32> -> vector<1x8xf32>
    %slice3A_86 = vector.extract_strided_slice %convert_element_type3A_4 {offsets = [1792, 0], sizes = [128, 8], strides = [1, 1]} : vector<2048x8xf32> to vector<128x8xf32>
    %dot_general3A_87 = arith.constant dense<0.000000e+00> : vector<128x8xf32>
    %dot_general3A_88 = tpu.matmul %convert_element_type3A_7, %slice3A_86, %dot_general3A_87 {dimension_numbers = #tpu.dot_dimension_numbers<[1], [0], [0], [1], [0, 0, 1, 1], [], []>, transpose_lhs_hint = false} : vector<128x128xf32>, vector<128x8xf32>, vector<128x8xf32> -> vector<128x8xf32>
    %dot_general3A_89 = arith.constant dense<0.000000e+00> : vector<1x8xf32>
    %dot_general3A_90 = tpu.matmul %broadcast_in_dim3A_8, %slice3A_86, %dot_general3A_89 {dimension_numbers = #tpu.dot_dimension_numbers<[1], [0], [0], [1], [0, 0, 1, 1], [], []>, transpose_lhs_hint = false} : vector<1x128xf32>, vector<128x8xf32>, vector<1x8xf32> -> vector<1x8xf32>
    %slice3A_91 = vector.extract_strided_slice %convert_element_type3A_4 {offsets = [1920, 0], sizes = [128, 8], strides = [1, 1]} : vector<2048x8xf32> to vector<128x8xf32>
    %dot_general3A_92 = arith.constant dense<0.000000e+00> : vector<128x8xf32>
    %dot_general3A_93 = tpu.matmul %convert_element_type3A_7, %slice3A_91, %dot_general3A_92 {dimension_numbers = #tpu.dot_dimension_numbers<[1], [0], [0], [1], [0, 0, 1, 1], [], []>, transpose_lhs_hint = false} : vector<128x128xf32>, vector<128x8xf32>, vector<128x8xf32> -> vector<128x8xf32>
    %dot_general3A_94 = arith.constant dense<0.000000e+00> : vector<1x8xf32>
    %dot_general3A_95 = tpu.matmul %broadcast_in_dim3A_8, %slice3A_91, %dot_general3A_94 {dimension_numbers = #tpu.dot_dimension_numbers<[1], [0], [0], [1], [0, 0, 1, 1], [], []>, transpose_lhs_hint = false} : vector<1x128xf32>, vector<128x8xf32>, vector<1x8xf32> -> vector<1x8xf32>
    %concatenate3A = tpu.concatenate %dot_general3A_20, %dot_general3A_25, %dot_general3A_30, %dot_general3A_35, %dot_general3A_40, %dot_general3A_45, %dot_general3A_50, %dot_general3A_55, %dot_general3A_60, %dot_general3A_65, %dot_general3A_70, %dot_general3A_75, %dot_general3A_80, %dot_general3A_85, %dot_general3A_90, %dot_general3A_95 in 0 : vector<1x8xf32>, vector<1x8xf32>, vector<1x8xf32>, vector<1x8xf32>, vector<1x8xf32>, vector<1x8xf32>, vector<1x8xf32>, vector<1x8xf32>, vector<1x8xf32>, vector<1x8xf32>, vector<1x8xf32>, vector<1x8xf32>, vector<1x8xf32>, vector<1x8xf32>, vector<1x8xf32>, vector<1x8xf32> -> vector<16x8xf32>
    %dot_general3A_96 = arith.constant dense<0.000000e+00> : vector<16x8xf32>
    %dot_general3A_97 = tpu.matmul %convert_element_type3A_12, %concatenate3A, %dot_general3A_96 {dimension_numbers = #tpu.dot_dimension_numbers<[1], [0], [0], [1], [0, 0, 1, 1], [], []>, transpose_lhs_hint = false} : vector<16x16xf32>, vector<16x8xf32>, vector<16x8xf32> -> vector<16x8xf32>
    %slice3A_98 = vector.extract_strided_slice %dot_general3A_97 {offsets = [15, 0], sizes = [1, 8], strides = [1, 1]} : vector<16x8xf32> to vector<1x8xf32>
    %convert_element_type3A_99 = arith.fptosi %slice3A_98 : vector<1x8xf32> to vector<1x8xi32>
    %add3A = arith.constant 127 : i32
    %add3A_100 = vector.broadcast %add3A : i32 to vector<1x8xi32>
    %add3A_101 = arith.addi %convert_element_type3A_99, %add3A_100 : vector<1x8xi32>
    %shift_right_arithmetic3A = arith.constant 7 : i32
    %shift_right_arithmetic3A_102 = vector.broadcast %shift_right_arithmetic3A : i32 to vector<1x8xi32>
    %shift_right_arithmetic3A_103 = arith.shrsi %add3A_101, %shift_right_arithmetic3A_102 : vector<1x8xi32>
    %shift_left3A = arith.constant 7 : i32
    %shift_left3A_104 = vector.broadcast %shift_left3A : i32 to vector<1x8xi32>
    %shift_left3A_105 = arith.shli %shift_right_arithmetic3A_103, %shift_left3A_104 : vector<1x8xi32>
    %convert_element_type3A_106 = arith.sitofp %shift_left3A_105 : vector<1x8xi32> to vector<1x8xf32>
    %dot_general3A_107 = arith.constant dense<0.000000e+00> : vector<1x8xf32>
    %dot_general3A_108 = tpu.matmul %convert_element_type3A_106, %convert_element_type3A_17, %dot_general3A_107 {dimension_numbers = #tpu.dot_dimension_numbers<[1], [0], [0], [1], [0, 0, 1, 1], [], []>, transpose_lhs_hint = false} : vector<1x8xf32>, vector<8x8xf32>, vector<1x8xf32> -> vector<1x8xf32>
    %add3A_109 = vector.broadcast %dot_general3A_108 : vector<1x8xf32> to vector<16x8xf32>
    %add3A_110 = arith.addf %add3A_109, %dot_general3A_97 : vector<16x8xf32>
    %sub3A = arith.subf %add3A_110, %concatenate3A : vector<16x8xf32>
    %iota3A_111 = tpu.iota {dimensions = array<i32: 1>} : vector<128x8xi32>
    %slice3A_112 = vector.extract_strided_slice %sub3A {offsets = [0, 0], sizes = [1, 8], strides = [1, 1]} : vector<16x8xf32> to vector<1x8xf32>
    %add3A_113 = vector.broadcast %slice3A_112 : vector<1x8xf32> to vector<128x8xf32>
    %add3A_114 = arith.addf %dot_general3A_18, %add3A_113 : vector<128x8xf32>
    %get3A_115 = arith.constant 0 : index
    %get3A_116 = arith.constant 0 : index
    %get3A_117 = vector.load %arg1[%get3A_115, %get3A_116] : memref<2048x8xf32, #tpu.memory_space<vmem>>, vector<128x8xf32>
    %get3A_118 = arith.constant 0 : index
    %get3A_119 = arith.constant 0 : index
    %get3A_120 = vector.load %arg2[%get3A_118, %get3A_119] : memref<2048x2xi32, #tpu.memory_space<vmem>>, vector<128x1xi32>
    %get3A_121 = arith.constant 0 : index
    %get3A_122 = arith.constant 1 : index
    %get3A_123 = vector.load %arg2[%get3A_121, %get3A_122] : memref<2048x2xi32, #tpu.memory_space<vmem>>, vector<128x1xi32>
    %eq3A = vector.broadcast %get3A_120 : vector<128x1xi32> to vector<128x8xi32>
    %eq3A_124 = arith.cmpi eq, %iota3A_111, %eq3A : vector<128x8xi32>
    %jit3A = arith.constant 0.000000e+00 : f32
    %broadcast_in_dim3A_125 = vector.broadcast %jit3A : f32 to vector<128x8xf32>
    %select_n3A = arith.select %eq3A_124, %add3A_114, %broadcast_in_dim3A_125 : vector<128x8xi1>, vector<128x8xf32>
    %reduce_sum3A = arith.constant dense<0.000000e+00> : vector<128xf32>
    %reduce_sum3A_126 = vector.multi_reduction <add>, %select_n3A, %reduce_sum3A [1] : vector<128x8xf32> to vector<128xf32>
    %broadcast_in_dim3A_127 = vector.shape_cast %reduce_sum3A_126 : vector<128xf32> to vector<128x1xf32>
    %convert_element_type3A_128 = arith.fptosi %broadcast_in_dim3A_127 : vector<128x1xf32> to vector<128x1xi32>
    %swap3A = arith.constant 0 : index
    %swap3A_129 = arith.constant 0 : index
    %swap3A_130 = vector.load %arg3[%swap3A, %swap3A_129] : memref<4096x1xi32, #tpu.memory_space<vmem>>, vector<128x1xi32>
    tpu.vector_store %arg3[%swap3A, %swap3A_129], %convert_element_type3A_128 {strides = array<i32>} : memref<4096x1xi32, #tpu.memory_space<vmem>>, vector<128x1xi32>,
    %jit3A_131 = arith.constant 0.000000e+00 : f32
    %broadcast_in_dim3A_132 = vector.broadcast %jit3A_131 : f32 to vector<128x8xf32>
    %select_n3A_133 = arith.select %eq3A_124, %get3A_117, %broadcast_in_dim3A_132 : vector<128x8xi1>, vector<128x8xf32>
    %reduce_sum3A_134 = arith.constant dense<0.000000e+00> : vector<128xf32>
    %reduce_sum3A_135 = vector.multi_reduction <add>, %select_n3A_133, %reduce_sum3A_134 [1] : vector<128x8xf32> to vector<128xf32>
    %broadcast_in_dim3A_136 = vector.shape_cast %reduce_sum3A_135 : vector<128xf32> to vector<128x1xf32>
    %swap3A_137 = arith.constant 0 : index
    %swap3A_138 = arith.constant 0 : index
    %swap3A_139 = vector.load %arg4[%swap3A_137, %swap3A_138] : memref<4096x1xf32, #tpu.memory_space<vmem>>, vector<128x1xf32>
    tpu.vector_store %arg4[%swap3A_137, %swap3A_138], %broadcast_in_dim3A_136 {strides = array<i32>} : memref<4096x1xf32, #tpu.memory_space<vmem>>, vector<128x1xf32>,
    %eq3A_140 = vector.broadcast %get3A_123 : vector<128x1xi32> to vector<128x8xi32>
    %eq3A_141 = arith.cmpi eq, %iota3A_111, %eq3A_140 : vector<128x8xi32>
    %jit3A_142 = arith.constant 0.000000e+00 : f32
    %broadcast_in_dim3A_143 = vector.broadcast %jit3A_142 : f32 to vector<128x8xf32>
    %select_n3A_144 = arith.select %eq3A_141, %add3A_114, %broadcast_in_dim3A_143 : vector<128x8xi1>, vector<128x8xf32>
    %reduce_sum3A_145 = arith.constant dense<0.000000e+00> : vector<128xf32>
    %reduce_sum3A_146 = vector.multi_reduction <add>, %select_n3A_144, %reduce_sum3A_145 [1] : vector<128x8xf32> to vector<128xf32>
    %broadcast_in_dim3A_147 = vector.shape_cast %reduce_sum3A_146 : vector<128xf32> to vector<128x1xf32>
    %convert_element_type3A_148 = arith.fptosi %broadcast_in_dim3A_147 : vector<128x1xf32> to vector<128x1xi32>
    %swap3A_149 = arith.constant 2048 : index
    %swap3A_150 = arith.constant 0 : index
    %swap3A_151 = vector.load %arg3[%swap3A_149, %swap3A_150] : memref<4096x1xi32, #tpu.memory_space<vmem>>, vector<128x1xi32>
    tpu.vector_store %arg3[%swap3A_149, %swap3A_150], %convert_element_type3A_148 {strides = array<i32>} : memref<4096x1xi32, #tpu.memory_space<vmem>>, vector<128x1xi32>,
    %jit3A_152 = arith.constant 0.000000e+00 : f32
    %broadcast_in_dim3A_153 = vector.broadcast %jit3A_152 : f32 to vector<128x8xf32>
    %select_n3A_154 = arith.select %eq3A_141, %get3A_117, %broadcast_in_dim3A_153 : vector<128x8xi1>, vector<128x8xf32>
    %reduce_sum3A_155 = arith.constant dense<0.000000e+00> : vector<128xf32>
    %reduce_sum3A_156 = vector.multi_reduction <add>, %select_n3A_154, %reduce_sum3A_155 [1] : vector<128x8xf32> to vector<128xf32>
    %broadcast_in_dim3A_157 = vector.shape_cast %reduce_sum3A_156 : vector<128xf32> to vector<128x1xf32>
    %swap3A_158 = arith.constant 2048 : index
    %swap3A_159 = arith.constant 0 : index
    %swap3A_160 = vector.load %arg4[%swap3A_158, %swap3A_159] : memref<4096x1xf32, #tpu.memory_space<vmem>>, vector<128x1xf32>
    tpu.vector_store %arg4[%swap3A_158, %swap3A_159], %broadcast_in_dim3A_157 {strides = array<i32>} : memref<4096x1xf32, #tpu.memory_space<vmem>>, vector<128x1xf32>,
    %slice3A_161 = vector.extract_strided_slice %sub3A {offsets = [1, 0], sizes = [1, 8], strides = [1, 1]} : vector<16x8xf32> to vector<1x8xf32>
    %add3A_162 = vector.broadcast %slice3A_161 : vector<1x8xf32> to vector<128x8xf32>
    %add3A_163 = arith.addf %dot_general3A_23, %add3A_162 : vector<128x8xf32>
    %get3A_164 = arith.constant 128 : index
    %get3A_165 = arith.constant 0 : index
    %get3A_166 = vector.load %arg1[%get3A_164, %get3A_165] : memref<2048x8xf32, #tpu.memory_space<vmem>>, vector<128x8xf32>
    %get3A_167 = arith.constant 128 : index
    %get3A_168 = arith.constant 0 : index
    %get3A_169 = vector.load %arg2[%get3A_167, %get3A_168] : memref<2048x2xi32, #tpu.memory_space<vmem>>, vector<128x1xi32>
    %get3A_170 = arith.constant 128 : index
    %get3A_171 = arith.constant 1 : index
    %get3A_172 = vector.load %arg2[%get3A_170, %get3A_171] : memref<2048x2xi32, #tpu.memory_space<vmem>>, vector<128x1xi32>
    %eq3A_173 = vector.broadcast %get3A_169 : vector<128x1xi32> to vector<128x8xi32>
    %eq3A_174 = arith.cmpi eq, %iota3A_111, %eq3A_173 : vector<128x8xi32>
    %jit3A_175 = arith.constant 0.000000e+00 : f32
    %broadcast_in_dim3A_176 = vector.broadcast %jit3A_175 : f32 to vector<128x8xf32>
    %select_n3A_177 = arith.select %eq3A_174, %add3A_163, %broadcast_in_dim3A_176 : vector<128x8xi1>, vector<128x8xf32>
    %reduce_sum3A_178 = arith.constant dense<0.000000e+00> : vector<128xf32>
    %reduce_sum3A_179 = vector.multi_reduction <add>, %select_n3A_177, %reduce_sum3A_178 [1] : vector<128x8xf32> to vector<128xf32>
    %broadcast_in_dim3A_180 = vector.shape_cast %reduce_sum3A_179 : vector<128xf32> to vector<128x1xf32>
    %convert_element_type3A_181 = arith.fptosi %broadcast_in_dim3A_180 : vector<128x1xf32> to vector<128x1xi32>
    %swap3A_182 = arith.constant 128 : index
    %swap3A_183 = arith.constant 0 : index
    %swap3A_184 = vector.load %arg3[%swap3A_182, %swap3A_183] : memref<4096x1xi32, #tpu.memory_space<vmem>>, vector<128x1xi32>
    tpu.vector_store %arg3[%swap3A_182, %swap3A_183], %convert_element_type3A_181 {strides = array<i32>} : memref<4096x1xi32, #tpu.memory_space<vmem>>, vector<128x1xi32>,
    %jit3A_185 = arith.constant 0.000000e+00 : f32
    %broadcast_in_dim3A_186 = vector.broadcast %jit3A_185 : f32 to vector<128x8xf32>
    %select_n3A_187 = arith.select %eq3A_174, %get3A_166, %broadcast_in_dim3A_186 : vector<128x8xi1>, vector<128x8xf32>
    %reduce_sum3A_188 = arith.constant dense<0.000000e+00> : vector<128xf32>
    %reduce_sum3A_189 = vector.multi_reduction <add>, %select_n3A_187, %reduce_sum3A_188 [1] : vector<128x8xf32> to vector<128xf32>
    %broadcast_in_dim3A_190 = vector.shape_cast %reduce_sum3A_189 : vector<128xf32> to vector<128x1xf32>
    %swap3A_191 = arith.constant 128 : index
    %swap3A_192 = arith.constant 0 : index
    %swap3A_193 = vector.load %arg4[%swap3A_191, %swap3A_192] : memref<4096x1xf32, #tpu.memory_space<vmem>>, vector<128x1xf32>
    tpu.vector_store %arg4[%swap3A_191, %swap3A_192], %broadcast_in_dim3A_190 {strides = array<i32>} : memref<4096x1xf32, #tpu.memory_space<vmem>>, vector<128x1xf32>,
    %eq3A_194 = vector.broadcast %get3A_172 : vector<128x1xi32> to vector<128x8xi32>
    %eq3A_195 = arith.cmpi eq, %iota3A_111, %eq3A_194 : vector<128x8xi32>
    %jit3A_196 = arith.constant 0.000000e+00 : f32
    %broadcast_in_dim3A_197 = vector.broadcast %jit3A_196 : f32 to vector<128x8xf32>
    %select_n3A_198 = arith.select %eq3A_195, %add3A_163, %broadcast_in_dim3A_197 : vector<128x8xi1>, vector<128x8xf32>
    %reduce_sum3A_199 = arith.constant dense<0.000000e+00> : vector<128xf32>
    %reduce_sum3A_200 = vector.multi_reduction <add>, %select_n3A_198, %reduce_sum3A_199 [1] : vector<128x8xf32> to vector<128xf32>
    %broadcast_in_dim3A_201 = vector.shape_cast %reduce_sum3A_200 : vector<128xf32> to vector<128x1xf32>
    %convert_element_type3A_202 = arith.fptosi %broadcast_in_dim3A_201 : vector<128x1xf32> to vector<128x1xi32>
    %swap3A_203 = arith.constant 2176 : index
    %swap3A_204 = arith.constant 0 : index
    %swap3A_205 = vector.load %arg3[%swap3A_203, %swap3A_204] : memref<4096x1xi32, #tpu.memory_space<vmem>>, vector<128x1xi32>
    tpu.vector_store %arg3[%swap3A_203, %swap3A_204], %convert_element_type3A_202 {strides = array<i32>} : memref<4096x1xi32, #tpu.memory_space<vmem>>, vector<128x1xi32>,
    %jit3A_206 = arith.constant 0.000000e+00 : f32
    %broadcast_in_dim3A_207 = vector.broadcast %jit3A_206 : f32 to vector<128x8xf32>
    %select_n3A_208 = arith.select %eq3A_195, %get3A_166, %broadcast_in_dim3A_207 : vector<128x8xi1>, vector<128x8xf32>
    %reduce_sum3A_209 = arith.constant dense<0.000000e+00> : vector<128xf32>
    %reduce_sum3A_210 = vector.multi_reduction <add>, %select_n3A_208, %reduce_sum3A_209 [1] : vector<128x8xf32> to vector<128xf32>
    %broadcast_in_dim3A_211 = vector.shape_cast %reduce_sum3A_210 : vector<128xf32> to vector<128x1xf32>
    %swap3A_212 = arith.constant 2176 : index
    %swap3A_213 = arith.constant 0 : index
    %swap3A_214 = vector.load %arg4[%swap3A_212, %swap3A_213] : memref<4096x1xf32, #tpu.memory_space<vmem>>, vector<128x1xf32>
    tpu.vector_store %arg4[%swap3A_212, %swap3A_213], %broadcast_in_dim3A_211 {strides = array<i32>} : memref<4096x1xf32, #tpu.memory_space<vmem>>, vector<128x1xf32>,
    %slice3A_215 = vector.extract_strided_slice %sub3A {offsets = [2, 0], sizes = [1, 8], strides = [1, 1]} : vector<16x8xf32> to vector<1x8xf32>
    %add3A_216 = vector.broadcast %slice3A_215 : vector<1x8xf32> to vector<128x8xf32>
    %add3A_217 = arith.addf %dot_general3A_28, %add3A_216 : vector<128x8xf32>
    %get3A_218 = arith.constant 256 : index
    %get3A_219 = arith.constant 0 : index
    %get3A_220 = vector.load %arg1[%get3A_218, %get3A_219] : memref<2048x8xf32, #tpu.memory_space<vmem>>, vector<128x8xf32>
    %get3A_221 = arith.constant 256 : index
    %get3A_222 = arith.constant 0 : index
    %get3A_223 = vector.load %arg2[%get3A_221, %get3A_222] : memref<2048x2xi32, #tpu.memory_space<vmem>>, vector<128x1xi32>
    %get3A_224 = arith.constant 256 : index
    %get3A_225 = arith.constant 1 : index
    %get3A_226 = vector.load %arg2[%get3A_224, %get3A_225] : memref<2048x2xi32, #tpu.memory_space<vmem>>, vector<128x1xi32>
    %eq3A_227 = vector.broadcast %get3A_223 : vector<128x1xi32> to vector<128x8xi32>
    %eq3A_228 = arith.cmpi eq, %iota3A_111, %eq3A_227 : vector<128x8xi32>
    %jit3A_229 = arith.constant 0.000000e+00 : f32
    %broadcast_in_dim3A_230 = vector.broadcast %jit3A_229 : f32 to vector<128x8xf32>
    %select_n3A_231 = arith.select %eq3A_228, %add3A_217, %broadcast_in_dim3A_230 : vector<128x8xi1>, vector<128x8xf32>
    %reduce_sum3A_232 = arith.constant dense<0.000000e+00> : vector<128xf32>
    %reduce_sum3A_233 = vector.multi_reduction <add>, %select_n3A_231, %reduce_sum3A_232 [1] : vector<128x8xf32> to vector<128xf32>
    %broadcast_in_dim3A_234 = vector.shape_cast %reduce_sum3A_233 : vector<128xf32> to vector<128x1xf32>
    %convert_element_type3A_235 = arith.fptosi %broadcast_in_dim3A_234 : vector<128x1xf32> to vector<128x1xi32>
    %swap3A_236 = arith.constant 256 : index
    %swap3A_237 = arith.constant 0 : index
    %swap3A_238 = vector.load %arg3[%swap3A_236, %swap3A_237] : memref<4096x1xi32, #tpu.memory_space<vmem>>, vector<128x1xi32>
    tpu.vector_store %arg3[%swap3A_236, %swap3A_237], %convert_element_type3A_235 {strides = array<i32>} : memref<4096x1xi32, #tpu.memory_space<vmem>>, vector<128x1xi32>,
    %jit3A_239 = arith.constant 0.000000e+00 : f32
    %broadcast_in_dim3A_240 = vector.broadcast %jit3A_239 : f32 to vector<128x8xf32>
    %select_n3A_241 = arith.select %eq3A_228, %get3A_220, %broadcast_in_dim3A_240 : vector<128x8xi1>, vector<128x8xf32>
    %reduce_sum3A_242 = arith.constant dense<0.000000e+00> : vector<128xf32>
    %reduce_sum3A_243 = vector.multi_reduction <add>, %select_n3A_241, %reduce_sum3A_242 [1] : vector<128x8xf32> to vector<128xf32>
    %broadcast_in_dim3A_244 = vector.shape_cast %reduce_sum3A_243 : vector<128xf32> to vector<128x1xf32>
    %swap3A_245 = arith.constant 256 : index
    %swap3A_246 = arith.constant 0 : index
    %swap3A_247 = vector.load %arg4[%swap3A_245, %swap3A_246] : memref<4096x1xf32, #tpu.memory_space<vmem>>, vector<128x1xf32>
    tpu.vector_store %arg4[%swap3A_245, %swap3A_246], %broadcast_in_dim3A_244 {strides = array<i32>} : memref<4096x1xf32, #tpu.memory_space<vmem>>, vector<128x1xf32>,
    %eq3A_248 = vector.broadcast %get3A_226 : vector<128x1xi32> to vector<128x8xi32>
    %eq3A_249 = arith.cmpi eq, %iota3A_111, %eq3A_248 : vector<128x8xi32>
    %jit3A_250 = arith.constant 0.000000e+00 : f32
    %broadcast_in_dim3A_251 = vector.broadcast %jit3A_250 : f32 to vector<128x8xf32>
    %select_n3A_252 = arith.select %eq3A_249, %add3A_217, %broadcast_in_dim3A_251 : vector<128x8xi1>, vector<128x8xf32>
    %reduce_sum3A_253 = arith.constant dense<0.000000e+00> : vector<128xf32>
    %reduce_sum3A_254 = vector.multi_reduction <add>, %select_n3A_252, %reduce_sum3A_253 [1] : vector<128x8xf32> to vector<128xf32>
    %broadcast_in_dim3A_255 = vector.shape_cast %reduce_sum3A_254 : vector<128xf32> to vector<128x1xf32>
    %convert_element_type3A_256 = arith.fptosi %broadcast_in_dim3A_255 : vector<128x1xf32> to vector<128x1xi32>
    %swap3A_257 = arith.constant 2304 : index
    %swap3A_258 = arith.constant 0 : index
    %swap3A_259 = vector.load %arg3[%swap3A_257, %swap3A_258] : memref<4096x1xi32, #tpu.memory_space<vmem>>, vector<128x1xi32>
    tpu.vector_store %arg3[%swap3A_257, %swap3A_258], %convert_element_type3A_256 {strides = array<i32>} : memref<4096x1xi32, #tpu.memory_space<vmem>>, vector<128x1xi32>,
    %jit3A_260 = arith.constant 0.000000e+00 : f32
    %broadcast_in_dim3A_261 = vector.broadcast %jit3A_260 : f32 to vector<128x8xf32>
    %select_n3A_262 = arith.select %eq3A_249, %get3A_220, %broadcast_in_dim3A_261 : vector<128x8xi1>, vector<128x8xf32>
    %reduce_sum3A_263 = arith.constant dense<0.000000e+00> : vector<128xf32>
    %reduce_sum3A_264 = vector.multi_reduction <add>, %select_n3A_262, %reduce_sum3A_263 [1] : vector<128x8xf32> to vector<128xf32>
    %broadcast_in_dim3A_265 = vector.shape_cast %reduce_sum3A_264 : vector<128xf32> to vector<128x1xf32>
    %swap3A_266 = arith.constant 2304 : index
    %swap3A_267 = arith.constant 0 : index
    %swap3A_268 = vector.load %arg4[%swap3A_266, %swap3A_267] : memref<4096x1xf32, #tpu.memory_space<vmem>>, vector<128x1xf32>
    tpu.vector_store %arg4[%swap3A_266, %swap3A_267], %broadcast_in_dim3A_265 {strides = array<i32>} : memref<4096x1xf32, #tpu.memory_space<vmem>>, vector<128x1xf32>,
    %slice3A_269 = vector.extract_strided_slice %sub3A {offsets = [3, 0], sizes = [1, 8], strides = [1, 1]} : vector<16x8xf32> to vector<1x8xf32>
    %add3A_270 = vector.broadcast %slice3A_269 : vector<1x8xf32> to vector<128x8xf32>
    %add3A_271 = arith.addf %dot_general3A_33, %add3A_270 : vector<128x8xf32>
    %get3A_272 = arith.constant 384 : index
    %get3A_273 = arith.constant 0 : index
    %get3A_274 = vector.load %arg1[%get3A_272, %get3A_273] : memref<2048x8xf32, #tpu.memory_space<vmem>>, vector<128x8xf32>
    %get3A_275 = arith.constant 384 : index
    %get3A_276 = arith.constant 0 : index
    %get3A_277 = vector.load %arg2[%get3A_275, %get3A_276] : memref<2048x2xi32, #tpu.memory_space<vmem>>, vector<128x1xi32>
    %get3A_278 = arith.constant 384 : index
    %get3A_279 = arith.constant 1 : index
    %get3A_280 = vector.load %arg2[%get3A_278, %get3A_279] : memref<2048x2xi32, #tpu.memory_space<vmem>>, vector<128x1xi32>
    %eq3A_281 = vector.broadcast %get3A_277 : vector<128x1xi32> to vector<128x8xi32>
    %eq3A_282 = arith.cmpi eq, %iota3A_111, %eq3A_281 : vector<128x8xi32>
    %jit3A_283 = arith.constant 0.000000e+00 : f32
    %broadcast_in_dim3A_284 = vector.broadcast %jit3A_283 : f32 to vector<128x8xf32>
    %select_n3A_285 = arith.select %eq3A_282, %add3A_271, %broadcast_in_dim3A_284 : vector<128x8xi1>, vector<128x8xf32>
    %reduce_sum3A_286 = arith.constant dense<0.000000e+00> : vector<128xf32>
    %reduce_sum3A_287 = vector.multi_reduction <add>, %select_n3A_285, %reduce_sum3A_286 [1] : vector<128x8xf32> to vector<128xf32>
    %broadcast_in_dim3A_288 = vector.shape_cast %reduce_sum3A_287 : vector<128xf32> to vector<128x1xf32>
    %convert_element_type3A_289 = arith.fptosi %broadcast_in_dim3A_288 : vector<128x1xf32> to vector<128x1xi32>
    %swap3A_290 = arith.constant 384 : index
    %swap3A_291 = arith.constant 0 : index
    %swap3A_292 = vector.load %arg3[%swap3A_290, %swap3A_291] : memref<4096x1xi32, #tpu.memory_space<vmem>>, vector<128x1xi32>
    tpu.vector_store %arg3[%swap3A_290, %swap3A_291], %convert_element_type3A_289 {strides = array<i32>} : memref<4096x1xi32, #tpu.memory_space<vmem>>, vector<128x1xi32>,
    %jit3A_293 = arith.constant 0.000000e+00 : f32
    %broadcast_in_dim3A_294 = vector.broadcast %jit3A_293 : f32 to vector<128x8xf32>
    %select_n3A_295 = arith.select %eq3A_282, %get3A_274, %broadcast_in_dim3A_294 : vector<128x8xi1>, vector<128x8xf32>
    %reduce_sum3A_296 = arith.constant dense<0.000000e+00> : vector<128xf32>
    %reduce_sum3A_297 = vector.multi_reduction <add>, %select_n3A_295, %reduce_sum3A_296 [1] : vector<128x8xf32> to vector<128xf32>
    %broadcast_in_dim3A_298 = vector.shape_cast %reduce_sum3A_297 : vector<128xf32> to vector<128x1xf32>
    %swap3A_299 = arith.constant 384 : index
    %swap3A_300 = arith.constant 0 : index
    %swap3A_301 = vector.load %arg4[%swap3A_299, %swap3A_300] : memref<4096x1xf32, #tpu.memory_space<vmem>>, vector<128x1xf32>
    tpu.vector_store %arg4[%swap3A_299, %swap3A_300], %broadcast_in_dim3A_298 {strides = array<i32>} : memref<4096x1xf32, #tpu.memory_space<vmem>>, vector<128x1xf32>,
    %eq3A_302 = vector.broadcast %get3A_280 : vector<128x1xi32> to vector<128x8xi32>
    %eq3A_303 = arith.cmpi eq, %iota3A_111, %eq3A_302 : vector<128x8xi32>
    %jit3A_304 = arith.constant 0.000000e+00 : f32
    %broadcast_in_dim3A_305 = vector.broadcast %jit3A_304 : f32 to vector<128x8xf32>
    %select_n3A_306 = arith.select %eq3A_303, %add3A_271, %broadcast_in_dim3A_305 : vector<128x8xi1>, vector<128x8xf32>
    %reduce_sum3A_307 = arith.constant dense<0.000000e+00> : vector<128xf32>
    %reduce_sum3A_308 = vector.multi_reduction <add>, %select_n3A_306, %reduce_sum3A_307 [1] : vector<128x8xf32> to vector<128xf32>
    %broadcast_in_dim3A_309 = vector.shape_cast %reduce_sum3A_308 : vector<128xf32> to vector<128x1xf32>
    %convert_element_type3A_310 = arith.fptosi %broadcast_in_dim3A_309 : vector<128x1xf32> to vector<128x1xi32>
    %swap3A_311 = arith.constant 2432 : index
    %swap3A_312 = arith.constant 0 : index
    %swap3A_313 = vector.load %arg3[%swap3A_311, %swap3A_312] : memref<4096x1xi32, #tpu.memory_space<vmem>>, vector<128x1xi32>
    tpu.vector_store %arg3[%swap3A_311, %swap3A_312], %convert_element_type3A_310 {strides = array<i32>} : memref<4096x1xi32, #tpu.memory_space<vmem>>, vector<128x1xi32>,
    %jit3A_314 = arith.constant 0.000000e+00 : f32
    %broadcast_in_dim3A_315 = vector.broadcast %jit3A_314 : f32 to vector<128x8xf32>
    %select_n3A_316 = arith.select %eq3A_303, %get3A_274, %broadcast_in_dim3A_315 : vector<128x8xi1>, vector<128x8xf32>
    %reduce_sum3A_317 = arith.constant dense<0.000000e+00> : vector<128xf32>
    %reduce_sum3A_318 = vector.multi_reduction <add>, %select_n3A_316, %reduce_sum3A_317 [1] : vector<128x8xf32> to vector<128xf32>
    %broadcast_in_dim3A_319 = vector.shape_cast %reduce_sum3A_318 : vector<128xf32> to vector<128x1xf32>
    %swap3A_320 = arith.constant 2432 : index
    %swap3A_321 = arith.constant 0 : index
    %swap3A_322 = vector.load %arg4[%swap3A_320, %swap3A_321] : memref<4096x1xf32, #tpu.memory_space<vmem>>, vector<128x1xf32>
    tpu.vector_store %arg4[%swap3A_320, %swap3A_321], %broadcast_in_dim3A_319 {strides = array<i32>} : memref<4096x1xf32, #tpu.memory_space<vmem>>, vector<128x1xf32>,
    %slice3A_323 = vector.extract_strided_slice %sub3A {offsets = [4, 0], sizes = [1, 8], strides = [1, 1]} : vector<16x8xf32> to vector<1x8xf32>
    %add3A_324 = vector.broadcast %slice3A_323 : vector<1x8xf32> to vector<128x8xf32>
    %add3A_325 = arith.addf %dot_general3A_38, %add3A_324 : vector<128x8xf32>
    %get3A_326 = arith.constant 512 : index
    %get3A_327 = arith.constant 0 : index
    %get3A_328 = vector.load %arg1[%get3A_326, %get3A_327] : memref<2048x8xf32, #tpu.memory_space<vmem>>, vector<128x8xf32>
    %get3A_329 = arith.constant 512 : index
    %get3A_330 = arith.constant 0 : index
    %get3A_331 = vector.load %arg2[%get3A_329, %get3A_330] : memref<2048x2xi32, #tpu.memory_space<vmem>>, vector<128x1xi32>
    %get3A_332 = arith.constant 512 : index
    %get3A_333 = arith.constant 1 : index
    %get3A_334 = vector.load %arg2[%get3A_332, %get3A_333] : memref<2048x2xi32, #tpu.memory_space<vmem>>, vector<128x1xi32>
    %eq3A_335 = vector.broadcast %get3A_331 : vector<128x1xi32> to vector<128x8xi32>
    %eq3A_336 = arith.cmpi eq, %iota3A_111, %eq3A_335 : vector<128x8xi32>
    %jit3A_337 = arith.constant 0.000000e+00 : f32
    %broadcast_in_dim3A_338 = vector.broadcast %jit3A_337 : f32 to vector<128x8xf32>
    %select_n3A_339 = arith.select %eq3A_336, %add3A_325, %broadcast_in_dim3A_338 : vector<128x8xi1>, vector<128x8xf32>
    %reduce_sum3A_340 = arith.constant dense<0.000000e+00> : vector<128xf32>
    %reduce_sum3A_341 = vector.multi_reduction <add>, %select_n3A_339, %reduce_sum3A_340 [1] : vector<128x8xf32> to vector<128xf32>
    %broadcast_in_dim3A_342 = vector.shape_cast %reduce_sum3A_341 : vector<128xf32> to vector<128x1xf32>
    %convert_element_type3A_343 = arith.fptosi %broadcast_in_dim3A_342 : vector<128x1xf32> to vector<128x1xi32>
    %swap3A_344 = arith.constant 512 : index
    %swap3A_345 = arith.constant 0 : index
    %swap3A_346 = vector.load %arg3[%swap3A_344, %swap3A_345] : memref<4096x1xi32, #tpu.memory_space<vmem>>, vector<128x1xi32>
    tpu.vector_store %arg3[%swap3A_344, %swap3A_345], %convert_element_type3A_343 {strides = array<i32>} : memref<4096x1xi32, #tpu.memory_space<vmem>>, vector<128x1xi32>,
    %jit3A_347 = arith.constant 0.000000e+00 : f32
    %broadcast_in_dim3A_348 = vector.broadcast %jit3A_347 : f32 to vector<128x8xf32>
    %select_n3A_349 = arith.select %eq3A_336, %get3A_328, %broadcast_in_dim3A_348 : vector<128x8xi1>, vector<128x8xf32>
    %reduce_sum3A_350 = arith.constant dense<0.000000e+00> : vector<128xf32>
    %reduce_sum3A_351 = vector.multi_reduction <add>, %select_n3A_349, %reduce_sum3A_350 [1] : vector<128x8xf32> to vector<128xf32>
    %broadcast_in_dim3A_352 = vector.shape_cast %reduce_sum3A_351 : vector<128xf32> to vector<128x1xf32>
    %swap3A_353 = arith.constant 512 : index
    %swap3A_354 = arith.constant 0 : index
    %swap3A_355 = vector.load %arg4[%swap3A_353, %swap3A_354] : memref<4096x1xf32, #tpu.memory_space<vmem>>, vector<128x1xf32>
    tpu.vector_store %arg4[%swap3A_353, %swap3A_354], %broadcast_in_dim3A_352 {strides = array<i32>} : memref<4096x1xf32, #tpu.memory_space<vmem>>, vector<128x1xf32>,
    %eq3A_356 = vector.broadcast %get3A_334 : vector<128x1xi32> to vector<128x8xi32>
    %eq3A_357 = arith.cmpi eq, %iota3A_111, %eq3A_356 : vector<128x8xi32>
    %jit3A_358 = arith.constant 0.000000e+00 : f32
    %broadcast_in_dim3A_359 = vector.broadcast %jit3A_358 : f32 to vector<128x8xf32>
    %select_n3A_360 = arith.select %eq3A_357, %add3A_325, %broadcast_in_dim3A_359 : vector<128x8xi1>, vector<128x8xf32>
    %reduce_sum3A_361 = arith.constant dense<0.000000e+00> : vector<128xf32>
    %reduce_sum3A_362 = vector.multi_reduction <add>, %select_n3A_360, %reduce_sum3A_361 [1] : vector<128x8xf32> to vector<128xf32>
    %broadcast_in_dim3A_363 = vector.shape_cast %reduce_sum3A_362 : vector<128xf32> to vector<128x1xf32>
    %convert_element_type3A_364 = arith.fptosi %broadcast_in_dim3A_363 : vector<128x1xf32> to vector<128x1xi32>
    %swap3A_365 = arith.constant 2560 : index
    %swap3A_366 = arith.constant 0 : index
    %swap3A_367 = vector.load %arg3[%swap3A_365, %swap3A_366] : memref<4096x1xi32, #tpu.memory_space<vmem>>, vector<128x1xi32>
    tpu.vector_store %arg3[%swap3A_365, %swap3A_366], %convert_element_type3A_364 {strides = array<i32>} : memref<4096x1xi32, #tpu.memory_space<vmem>>, vector<128x1xi32>,
    %jit3A_368 = arith.constant 0.000000e+00 : f32
    %broadcast_in_dim3A_369 = vector.broadcast %jit3A_368 : f32 to vector<128x8xf32>
    %select_n3A_370 = arith.select %eq3A_357, %get3A_328, %broadcast_in_dim3A_369 : vector<128x8xi1>, vector<128x8xf32>
    %reduce_sum3A_371 = arith.constant dense<0.000000e+00> : vector<128xf32>
    %reduce_sum3A_372 = vector.multi_reduction <add>, %select_n3A_370, %reduce_sum3A_371 [1] : vector<128x8xf32> to vector<128xf32>
    %broadcast_in_dim3A_373 = vector.shape_cast %reduce_sum3A_372 : vector<128xf32> to vector<128x1xf32>
    %swap3A_374 = arith.constant 2560 : index
    %swap3A_375 = arith.constant 0 : index
    %swap3A_376 = vector.load %arg4[%swap3A_374, %swap3A_375] : memref<4096x1xf32, #tpu.memory_space<vmem>>, vector<128x1xf32>
    tpu.vector_store %arg4[%swap3A_374, %swap3A_375], %broadcast_in_dim3A_373 {strides = array<i32>} : memref<4096x1xf32, #tpu.memory_space<vmem>>, vector<128x1xf32>,
    %slice3A_377 = vector.extract_strided_slice %sub3A {offsets = [5, 0], sizes = [1, 8], strides = [1, 1]} : vector<16x8xf32> to vector<1x8xf32>
    %add3A_378 = vector.broadcast %slice3A_377 : vector<1x8xf32> to vector<128x8xf32>
    %add3A_379 = arith.addf %dot_general3A_43, %add3A_378 : vector<128x8xf32>
    %get3A_380 = arith.constant 640 : index
    %get3A_381 = arith.constant 0 : index
    %get3A_382 = vector.load %arg1[%get3A_380, %get3A_381] : memref<2048x8xf32, #tpu.memory_space<vmem>>, vector<128x8xf32>
    %get3A_383 = arith.constant 640 : index
    %get3A_384 = arith.constant 0 : index
    %get3A_385 = vector.load %arg2[%get3A_383, %get3A_384] : memref<2048x2xi32, #tpu.memory_space<vmem>>, vector<128x1xi32>
    %get3A_386 = arith.constant 640 : index
    %get3A_387 = arith.constant 1 : index
    %get3A_388 = vector.load %arg2[%get3A_386, %get3A_387] : memref<2048x2xi32, #tpu.memory_space<vmem>>, vector<128x1xi32>
    %eq3A_389 = vector.broadcast %get3A_385 : vector<128x1xi32> to vector<128x8xi32>
    %eq3A_390 = arith.cmpi eq, %iota3A_111, %eq3A_389 : vector<128x8xi32>
    %jit3A_391 = arith.constant 0.000000e+00 : f32
    %broadcast_in_dim3A_392 = vector.broadcast %jit3A_391 : f32 to vector<128x8xf32>
    %select_n3A_393 = arith.select %eq3A_390, %add3A_379, %broadcast_in_dim3A_392 : vector<128x8xi1>, vector<128x8xf32>
    %reduce_sum3A_394 = arith.constant dense<0.000000e+00> : vector<128xf32>
    %reduce_sum3A_395 = vector.multi_reduction <add>, %select_n3A_393, %reduce_sum3A_394 [1] : vector<128x8xf32> to vector<128xf32>
    %broadcast_in_dim3A_396 = vector.shape_cast %reduce_sum3A_395 : vector<128xf32> to vector<128x1xf32>
    %convert_element_type3A_397 = arith.fptosi %broadcast_in_dim3A_396 : vector<128x1xf32> to vector<128x1xi32>
    %swap3A_398 = arith.constant 640 : index
    %swap3A_399 = arith.constant 0 : index
    %swap3A_400 = vector.load %arg3[%swap3A_398, %swap3A_399] : memref<4096x1xi32, #tpu.memory_space<vmem>>, vector<128x1xi32>
    tpu.vector_store %arg3[%swap3A_398, %swap3A_399], %convert_element_type3A_397 {strides = array<i32>} : memref<4096x1xi32, #tpu.memory_space<vmem>>, vector<128x1xi32>,
    %jit3A_401 = arith.constant 0.000000e+00 : f32
    %broadcast_in_dim3A_402 = vector.broadcast %jit3A_401 : f32 to vector<128x8xf32>
    %select_n3A_403 = arith.select %eq3A_390, %get3A_382, %broadcast_in_dim3A_402 : vector<128x8xi1>, vector<128x8xf32>
    %reduce_sum3A_404 = arith.constant dense<0.000000e+00> : vector<128xf32>
    %reduce_sum3A_405 = vector.multi_reduction <add>, %select_n3A_403, %reduce_sum3A_404 [1] : vector<128x8xf32> to vector<128xf32>
    %broadcast_in_dim3A_406 = vector.shape_cast %reduce_sum3A_405 : vector<128xf32> to vector<128x1xf32>
    %swap3A_407 = arith.constant 640 : index
    %swap3A_408 = arith.constant 0 : index
    %swap3A_409 = vector.load %arg4[%swap3A_407, %swap3A_408] : memref<4096x1xf32, #tpu.memory_space<vmem>>, vector<128x1xf32>
    tpu.vector_store %arg4[%swap3A_407, %swap3A_408], %broadcast_in_dim3A_406 {strides = array<i32>} : memref<4096x1xf32, #tpu.memory_space<vmem>>, vector<128x1xf32>,
    %eq3A_410 = vector.broadcast %get3A_388 : vector<128x1xi32> to vector<128x8xi32>
    %eq3A_411 = arith.cmpi eq, %iota3A_111, %eq3A_410 : vector<128x8xi32>
    %jit3A_412 = arith.constant 0.000000e+00 : f32
    %broadcast_in_dim3A_413 = vector.broadcast %jit3A_412 : f32 to vector<128x8xf32>
    %select_n3A_414 = arith.select %eq3A_411, %add3A_379, %broadcast_in_dim3A_413 : vector<128x8xi1>, vector<128x8xf32>
    %reduce_sum3A_415 = arith.constant dense<0.000000e+00> : vector<128xf32>
    %reduce_sum3A_416 = vector.multi_reduction <add>, %select_n3A_414, %reduce_sum3A_415 [1] : vector<128x8xf32> to vector<128xf32>
    %broadcast_in_dim3A_417 = vector.shape_cast %reduce_sum3A_416 : vector<128xf32> to vector<128x1xf32>
    %convert_element_type3A_418 = arith.fptosi %broadcast_in_dim3A_417 : vector<128x1xf32> to vector<128x1xi32>
    %swap3A_419 = arith.constant 2688 : index
    %swap3A_420 = arith.constant 0 : index
    %swap3A_421 = vector.load %arg3[%swap3A_419, %swap3A_420] : memref<4096x1xi32, #tpu.memory_space<vmem>>, vector<128x1xi32>
    tpu.vector_store %arg3[%swap3A_419, %swap3A_420], %convert_element_type3A_418 {strides = array<i32>} : memref<4096x1xi32, #tpu.memory_space<vmem>>, vector<128x1xi32>,
    %jit3A_422 = arith.constant 0.000000e+00 : f32
    %broadcast_in_dim3A_423 = vector.broadcast %jit3A_422 : f32 to vector<128x8xf32>
    %select_n3A_424 = arith.select %eq3A_411, %get3A_382, %broadcast_in_dim3A_423 : vector<128x8xi1>, vector<128x8xf32>
    %reduce_sum3A_425 = arith.constant dense<0.000000e+00> : vector<128xf32>
    %reduce_sum3A_426 = vector.multi_reduction <add>, %select_n3A_424, %reduce_sum3A_425 [1] : vector<128x8xf32> to vector<128xf32>
    %broadcast_in_dim3A_427 = vector.shape_cast %reduce_sum3A_426 : vector<128xf32> to vector<128x1xf32>
    %swap3A_428 = arith.constant 2688 : index
    %swap3A_429 = arith.constant 0 : index
    %swap3A_430 = vector.load %arg4[%swap3A_428, %swap3A_429] : memref<4096x1xf32, #tpu.memory_space<vmem>>, vector<128x1xf32>
    tpu.vector_store %arg4[%swap3A_428, %swap3A_429], %broadcast_in_dim3A_427 {strides = array<i32>} : memref<4096x1xf32, #tpu.memory_space<vmem>>, vector<128x1xf32>,
    %slice3A_431 = vector.extract_strided_slice %sub3A {offsets = [6, 0], sizes = [1, 8], strides = [1, 1]} : vector<16x8xf32> to vector<1x8xf32>
    %add3A_432 = vector.broadcast %slice3A_431 : vector<1x8xf32> to vector<128x8xf32>
    %add3A_433 = arith.addf %dot_general3A_48, %add3A_432 : vector<128x8xf32>
    %get3A_434 = arith.constant 768 : index
    %get3A_435 = arith.constant 0 : index
    %get3A_436 = vector.load %arg1[%get3A_434, %get3A_435] : memref<2048x8xf32, #tpu.memory_space<vmem>>, vector<128x8xf32>
    %get3A_437 = arith.constant 768 : index
    %get3A_438 = arith.constant 0 : index
    %get3A_439 = vector.load %arg2[%get3A_437, %get3A_438] : memref<2048x2xi32, #tpu.memory_space<vmem>>, vector<128x1xi32>
    %get3A_440 = arith.constant 768 : index
    %get3A_441 = arith.constant 1 : index
    %get3A_442 = vector.load %arg2[%get3A_440, %get3A_441] : memref<2048x2xi32, #tpu.memory_space<vmem>>, vector<128x1xi32>
    %eq3A_443 = vector.broadcast %get3A_439 : vector<128x1xi32> to vector<128x8xi32>
    %eq3A_444 = arith.cmpi eq, %iota3A_111, %eq3A_443 : vector<128x8xi32>
    %jit3A_445 = arith.constant 0.000000e+00 : f32
    %broadcast_in_dim3A_446 = vector.broadcast %jit3A_445 : f32 to vector<128x8xf32>
    %select_n3A_447 = arith.select %eq3A_444, %add3A_433, %broadcast_in_dim3A_446 : vector<128x8xi1>, vector<128x8xf32>
    %reduce_sum3A_448 = arith.constant dense<0.000000e+00> : vector<128xf32>
    %reduce_sum3A_449 = vector.multi_reduction <add>, %select_n3A_447, %reduce_sum3A_448 [1] : vector<128x8xf32> to vector<128xf32>
    %broadcast_in_dim3A_450 = vector.shape_cast %reduce_sum3A_449 : vector<128xf32> to vector<128x1xf32>
    %convert_element_type3A_451 = arith.fptosi %broadcast_in_dim3A_450 : vector<128x1xf32> to vector<128x1xi32>
    %swap3A_452 = arith.constant 768 : index
    %swap3A_453 = arith.constant 0 : index
    %swap3A_454 = vector.load %arg3[%swap3A_452, %swap3A_453] : memref<4096x1xi32, #tpu.memory_space<vmem>>, vector<128x1xi32>
    tpu.vector_store %arg3[%swap3A_452, %swap3A_453], %convert_element_type3A_451 {strides = array<i32>} : memref<4096x1xi32, #tpu.memory_space<vmem>>, vector<128x1xi32>,
    %jit3A_455 = arith.constant 0.000000e+00 : f32
    %broadcast_in_dim3A_456 = vector.broadcast %jit3A_455 : f32 to vector<128x8xf32>
    %select_n3A_457 = arith.select %eq3A_444, %get3A_436, %broadcast_in_dim3A_456 : vector<128x8xi1>, vector<128x8xf32>
    %reduce_sum3A_458 = arith.constant dense<0.000000e+00> : vector<128xf32>
    %reduce_sum3A_459 = vector.multi_reduction <add>, %select_n3A_457, %reduce_sum3A_458 [1] : vector<128x8xf32> to vector<128xf32>
    %broadcast_in_dim3A_460 = vector.shape_cast %reduce_sum3A_459 : vector<128xf32> to vector<128x1xf32>
    %swap3A_461 = arith.constant 768 : index
    %swap3A_462 = arith.constant 0 : index
    %swap3A_463 = vector.load %arg4[%swap3A_461, %swap3A_462] : memref<4096x1xf32, #tpu.memory_space<vmem>>, vector<128x1xf32>
    tpu.vector_store %arg4[%swap3A_461, %swap3A_462], %broadcast_in_dim3A_460 {strides = array<i32>} : memref<4096x1xf32, #tpu.memory_space<vmem>>, vector<128x1xf32>,
    %eq3A_464 = vector.broadcast %get3A_442 : vector<128x1xi32> to vector<128x8xi32>
    %eq3A_465 = arith.cmpi eq, %iota3A_111, %eq3A_464 : vector<128x8xi32>
    %jit3A_466 = arith.constant 0.000000e+00 : f32
    %broadcast_in_dim3A_467 = vector.broadcast %jit3A_466 : f32 to vector<128x8xf32>
    %select_n3A_468 = arith.select %eq3A_465, %add3A_433, %broadcast_in_dim3A_467 : vector<128x8xi1>, vector<128x8xf32>
    %reduce_sum3A_469 = arith.constant dense<0.000000e+00> : vector<128xf32>
    %reduce_sum3A_470 = vector.multi_reduction <add>, %select_n3A_468, %reduce_sum3A_469 [1] : vector<128x8xf32> to vector<128xf32>
    %broadcast_in_dim3A_471 = vector.shape_cast %reduce_sum3A_470 : vector<128xf32> to vector<128x1xf32>
    %convert_element_type3A_472 = arith.fptosi %broadcast_in_dim3A_471 : vector<128x1xf32> to vector<128x1xi32>
    %swap3A_473 = arith.constant 2816 : index
    %swap3A_474 = arith.constant 0 : index
    %swap3A_475 = vector.load %arg3[%swap3A_473, %swap3A_474] : memref<4096x1xi32, #tpu.memory_space<vmem>>, vector<128x1xi32>
    tpu.vector_store %arg3[%swap3A_473, %swap3A_474], %convert_element_type3A_472 {strides = array<i32>} : memref<4096x1xi32, #tpu.memory_space<vmem>>, vector<128x1xi32>,
    %jit3A_476 = arith.constant 0.000000e+00 : f32
    %broadcast_in_dim3A_477 = vector.broadcast %jit3A_476 : f32 to vector<128x8xf32>
    %select_n3A_478 = arith.select %eq3A_465, %get3A_436, %broadcast_in_dim3A_477 : vector<128x8xi1>, vector<128x8xf32>
    %reduce_sum3A_479 = arith.constant dense<0.000000e+00> : vector<128xf32>
    %reduce_sum3A_480 = vector.multi_reduction <add>, %select_n3A_478, %reduce_sum3A_479 [1] : vector<128x8xf32> to vector<128xf32>
    %broadcast_in_dim3A_481 = vector.shape_cast %reduce_sum3A_480 : vector<128xf32> to vector<128x1xf32>
    %swap3A_482 = arith.constant 2816 : index
    %swap3A_483 = arith.constant 0 : index
    %swap3A_484 = vector.load %arg4[%swap3A_482, %swap3A_483] : memref<4096x1xf32, #tpu.memory_space<vmem>>, vector<128x1xf32>
    tpu.vector_store %arg4[%swap3A_482, %swap3A_483], %broadcast_in_dim3A_481 {strides = array<i32>} : memref<4096x1xf32, #tpu.memory_space<vmem>>, vector<128x1xf32>,
    %slice3A_485 = vector.extract_strided_slice %sub3A {offsets = [7, 0], sizes = [1, 8], strides = [1, 1]} : vector<16x8xf32> to vector<1x8xf32>
    %add3A_486 = vector.broadcast %slice3A_485 : vector<1x8xf32> to vector<128x8xf32>
    %add3A_487 = arith.addf %dot_general3A_53, %add3A_486 : vector<128x8xf32>
    %get3A_488 = arith.constant 896 : index
    %get3A_489 = arith.constant 0 : index
    %get3A_490 = vector.load %arg1[%get3A_488, %get3A_489] : memref<2048x8xf32, #tpu.memory_space<vmem>>, vector<128x8xf32>
    %get3A_491 = arith.constant 896 : index
    %get3A_492 = arith.constant 0 : index
    %get3A_493 = vector.load %arg2[%get3A_491, %get3A_492] : memref<2048x2xi32, #tpu.memory_space<vmem>>, vector<128x1xi32>
    %get3A_494 = arith.constant 896 : index
    %get3A_495 = arith.constant 1 : index
    %get3A_496 = vector.load %arg2[%get3A_494, %get3A_495] : memref<2048x2xi32, #tpu.memory_space<vmem>>, vector<128x1xi32>
    %eq3A_497 = vector.broadcast %get3A_493 : vector<128x1xi32> to vector<128x8xi32>
    %eq3A_498 = arith.cmpi eq, %iota3A_111, %eq3A_497 : vector<128x8xi32>
    %jit3A_499 = arith.constant 0.000000e+00 : f32
    %broadcast_in_dim3A_500 = vector.broadcast %jit3A_499 : f32 to vector<128x8xf32>
    %select_n3A_501 = arith.select %eq3A_498, %add3A_487, %broadcast_in_dim3A_500 : vector<128x8xi1>, vector<128x8xf32>
    %reduce_sum3A_502 = arith.constant dense<0.000000e+00> : vector<128xf32>
    %reduce_sum3A_503 = vector.multi_reduction <add>, %select_n3A_501, %reduce_sum3A_502 [1] : vector<128x8xf32> to vector<128xf32>
    %broadcast_in_dim3A_504 = vector.shape_cast %reduce_sum3A_503 : vector<128xf32> to vector<128x1xf32>
    %convert_element_type3A_505 = arith.fptosi %broadcast_in_dim3A_504 : vector<128x1xf32> to vector<128x1xi32>
    %swap3A_506 = arith.constant 896 : index
    %swap3A_507 = arith.constant 0 : index
    %swap3A_508 = vector.load %arg3[%swap3A_506, %swap3A_507] : memref<4096x1xi32, #tpu.memory_space<vmem>>, vector<128x1xi32>
    tpu.vector_store %arg3[%swap3A_506, %swap3A_507], %convert_element_type3A_505 {strides = array<i32>} : memref<4096x1xi32, #tpu.memory_space<vmem>>, vector<128x1xi32>,
    %jit3A_509 = arith.constant 0.000000e+00 : f32
    %broadcast_in_dim3A_510 = vector.broadcast %jit3A_509 : f32 to vector<128x8xf32>
    %select_n3A_511 = arith.select %eq3A_498, %get3A_490, %broadcast_in_dim3A_510 : vector<128x8xi1>, vector<128x8xf32>
    %reduce_sum3A_512 = arith.constant dense<0.000000e+00> : vector<128xf32>
    %reduce_sum3A_513 = vector.multi_reduction <add>, %select_n3A_511, %reduce_sum3A_512 [1] : vector<128x8xf32> to vector<128xf32>
    %broadcast_in_dim3A_514 = vector.shape_cast %reduce_sum3A_513 : vector<128xf32> to vector<128x1xf32>
    %swap3A_515 = arith.constant 896 : index
    %swap3A_516 = arith.constant 0 : index
    %swap3A_517 = vector.load %arg4[%swap3A_515, %swap3A_516] : memref<4096x1xf32, #tpu.memory_space<vmem>>, vector<128x1xf32>
    tpu.vector_store %arg4[%swap3A_515, %swap3A_516], %broadcast_in_dim3A_514 {strides = array<i32>} : memref<4096x1xf32, #tpu.memory_space<vmem>>, vector<128x1xf32>,
    %eq3A_518 = vector.broadcast %get3A_496 : vector<128x1xi32> to vector<128x8xi32>
    %eq3A_519 = arith.cmpi eq, %iota3A_111, %eq3A_518 : vector<128x8xi32>
    %jit3A_520 = arith.constant 0.000000e+00 : f32
    %broadcast_in_dim3A_521 = vector.broadcast %jit3A_520 : f32 to vector<128x8xf32>
    %select_n3A_522 = arith.select %eq3A_519, %add3A_487, %broadcast_in_dim3A_521 : vector<128x8xi1>, vector<128x8xf32>
    %reduce_sum3A_523 = arith.constant dense<0.000000e+00> : vector<128xf32>
    %reduce_sum3A_524 = vector.multi_reduction <add>, %select_n3A_522, %reduce_sum3A_523 [1] : vector<128x8xf32> to vector<128xf32>
    %broadcast_in_dim3A_525 = vector.shape_cast %reduce_sum3A_524 : vector<128xf32> to vector<128x1xf32>
    %convert_element_type3A_526 = arith.fptosi %broadcast_in_dim3A_525 : vector<128x1xf32> to vector<128x1xi32>
    %swap3A_527 = arith.constant 2944 : index
    %swap3A_528 = arith.constant 0 : index
    %swap3A_529 = vector.load %arg3[%swap3A_527, %swap3A_528] : memref<4096x1xi32, #tpu.memory_space<vmem>>, vector<128x1xi32>
    tpu.vector_store %arg3[%swap3A_527, %swap3A_528], %convert_element_type3A_526 {strides = array<i32>} : memref<4096x1xi32, #tpu.memory_space<vmem>>, vector<128x1xi32>,
    %jit3A_530 = arith.constant 0.000000e+00 : f32
    %broadcast_in_dim3A_531 = vector.broadcast %jit3A_530 : f32 to vector<128x8xf32>
    %select_n3A_532 = arith.select %eq3A_519, %get3A_490, %broadcast_in_dim3A_531 : vector<128x8xi1>, vector<128x8xf32>
    %reduce_sum3A_533 = arith.constant dense<0.000000e+00> : vector<128xf32>
    %reduce_sum3A_534 = vector.multi_reduction <add>, %select_n3A_532, %reduce_sum3A_533 [1] : vector<128x8xf32> to vector<128xf32>
    %broadcast_in_dim3A_535 = vector.shape_cast %reduce_sum3A_534 : vector<128xf32> to vector<128x1xf32>
    %swap3A_536 = arith.constant 2944 : index
    %swap3A_537 = arith.constant 0 : index
    %swap3A_538 = vector.load %arg4[%swap3A_536, %swap3A_537] : memref<4096x1xf32, #tpu.memory_space<vmem>>, vector<128x1xf32>
    tpu.vector_store %arg4[%swap3A_536, %swap3A_537], %broadcast_in_dim3A_535 {strides = array<i32>} : memref<4096x1xf32, #tpu.memory_space<vmem>>, vector<128x1xf32>,
    %slice3A_539 = vector.extract_strided_slice %sub3A {offsets = [8, 0], sizes = [1, 8], strides = [1, 1]} : vector<16x8xf32> to vector<1x8xf32>
    %add3A_540 = vector.broadcast %slice3A_539 : vector<1x8xf32> to vector<128x8xf32>
    %add3A_541 = arith.addf %dot_general3A_58, %add3A_540 : vector<128x8xf32>
    %get3A_542 = arith.constant 1024 : index
    %get3A_543 = arith.constant 0 : index
    %get3A_544 = vector.load %arg1[%get3A_542, %get3A_543] : memref<2048x8xf32, #tpu.memory_space<vmem>>, vector<128x8xf32>
    %get3A_545 = arith.constant 1024 : index
    %get3A_546 = arith.constant 0 : index
    %get3A_547 = vector.load %arg2[%get3A_545, %get3A_546] : memref<2048x2xi32, #tpu.memory_space<vmem>>, vector<128x1xi32>
    %get3A_548 = arith.constant 1024 : index
    %get3A_549 = arith.constant 1 : index
    %get3A_550 = vector.load %arg2[%get3A_548, %get3A_549] : memref<2048x2xi32, #tpu.memory_space<vmem>>, vector<128x1xi32>
    %eq3A_551 = vector.broadcast %get3A_547 : vector<128x1xi32> to vector<128x8xi32>
    %eq3A_552 = arith.cmpi eq, %iota3A_111, %eq3A_551 : vector<128x8xi32>
    %jit3A_553 = arith.constant 0.000000e+00 : f32
    %broadcast_in_dim3A_554 = vector.broadcast %jit3A_553 : f32 to vector<128x8xf32>
    %select_n3A_555 = arith.select %eq3A_552, %add3A_541, %broadcast_in_dim3A_554 : vector<128x8xi1>, vector<128x8xf32>
    %reduce_sum3A_556 = arith.constant dense<0.000000e+00> : vector<128xf32>
    %reduce_sum3A_557 = vector.multi_reduction <add>, %select_n3A_555, %reduce_sum3A_556 [1] : vector<128x8xf32> to vector<128xf32>
    %broadcast_in_dim3A_558 = vector.shape_cast %reduce_sum3A_557 : vector<128xf32> to vector<128x1xf32>
    %convert_element_type3A_559 = arith.fptosi %broadcast_in_dim3A_558 : vector<128x1xf32> to vector<128x1xi32>
    %swap3A_560 = arith.constant 1024 : index
    %swap3A_561 = arith.constant 0 : index
    %swap3A_562 = vector.load %arg3[%swap3A_560, %swap3A_561] : memref<4096x1xi32, #tpu.memory_space<vmem>>, vector<128x1xi32>
    tpu.vector_store %arg3[%swap3A_560, %swap3A_561], %convert_element_type3A_559 {strides = array<i32>} : memref<4096x1xi32, #tpu.memory_space<vmem>>, vector<128x1xi32>,
    %jit3A_563 = arith.constant 0.000000e+00 : f32
    %broadcast_in_dim3A_564 = vector.broadcast %jit3A_563 : f32 to vector<128x8xf32>
    %select_n3A_565 = arith.select %eq3A_552, %get3A_544, %broadcast_in_dim3A_564 : vector<128x8xi1>, vector<128x8xf32>
    %reduce_sum3A_566 = arith.constant dense<0.000000e+00> : vector<128xf32>
    %reduce_sum3A_567 = vector.multi_reduction <add>, %select_n3A_565, %reduce_sum3A_566 [1] : vector<128x8xf32> to vector<128xf32>
    %broadcast_in_dim3A_568 = vector.shape_cast %reduce_sum3A_567 : vector<128xf32> to vector<128x1xf32>
    %swap3A_569 = arith.constant 1024 : index
    %swap3A_570 = arith.constant 0 : index
    %swap3A_571 = vector.load %arg4[%swap3A_569, %swap3A_570] : memref<4096x1xf32, #tpu.memory_space<vmem>>, vector<128x1xf32>
    tpu.vector_store %arg4[%swap3A_569, %swap3A_570], %broadcast_in_dim3A_568 {strides = array<i32>} : memref<4096x1xf32, #tpu.memory_space<vmem>>, vector<128x1xf32>,
    %eq3A_572 = vector.broadcast %get3A_550 : vector<128x1xi32> to vector<128x8xi32>
    %eq3A_573 = arith.cmpi eq, %iota3A_111, %eq3A_572 : vector<128x8xi32>
    %jit3A_574 = arith.constant 0.000000e+00 : f32
    %broadcast_in_dim3A_575 = vector.broadcast %jit3A_574 : f32 to vector<128x8xf32>
    %select_n3A_576 = arith.select %eq3A_573, %add3A_541, %broadcast_in_dim3A_575 : vector<128x8xi1>, vector<128x8xf32>
    %reduce_sum3A_577 = arith.constant dense<0.000000e+00> : vector<128xf32>
    %reduce_sum3A_578 = vector.multi_reduction <add>, %select_n3A_576, %reduce_sum3A_577 [1] : vector<128x8xf32> to vector<128xf32>
    %broadcast_in_dim3A_579 = vector.shape_cast %reduce_sum3A_578 : vector<128xf32> to vector<128x1xf32>
    %convert_element_type3A_580 = arith.fptosi %broadcast_in_dim3A_579 : vector<128x1xf32> to vector<128x1xi32>
    %swap3A_581 = arith.constant 3072 : index
    %swap3A_582 = arith.constant 0 : index
    %swap3A_583 = vector.load %arg3[%swap3A_581, %swap3A_582] : memref<4096x1xi32, #tpu.memory_space<vmem>>, vector<128x1xi32>
    tpu.vector_store %arg3[%swap3A_581, %swap3A_582], %convert_element_type3A_580 {strides = array<i32>} : memref<4096x1xi32, #tpu.memory_space<vmem>>, vector<128x1xi32>,
    %jit3A_584 = arith.constant 0.000000e+00 : f32
    %broadcast_in_dim3A_585 = vector.broadcast %jit3A_584 : f32 to vector<128x8xf32>
    %select_n3A_586 = arith.select %eq3A_573, %get3A_544, %broadcast_in_dim3A_585 : vector<128x8xi1>, vector<128x8xf32>
    %reduce_sum3A_587 = arith.constant dense<0.000000e+00> : vector<128xf32>
    %reduce_sum3A_588 = vector.multi_reduction <add>, %select_n3A_586, %reduce_sum3A_587 [1] : vector<128x8xf32> to vector<128xf32>
    %broadcast_in_dim3A_589 = vector.shape_cast %reduce_sum3A_588 : vector<128xf32> to vector<128x1xf32>
    %swap3A_590 = arith.constant 3072 : index
    %swap3A_591 = arith.constant 0 : index
    %swap3A_592 = vector.load %arg4[%swap3A_590, %swap3A_591] : memref<4096x1xf32, #tpu.memory_space<vmem>>, vector<128x1xf32>
    tpu.vector_store %arg4[%swap3A_590, %swap3A_591], %broadcast_in_dim3A_589 {strides = array<i32>} : memref<4096x1xf32, #tpu.memory_space<vmem>>, vector<128x1xf32>,
    %slice3A_593 = vector.extract_strided_slice %sub3A {offsets = [9, 0], sizes = [1, 8], strides = [1, 1]} : vector<16x8xf32> to vector<1x8xf32>
    %add3A_594 = vector.broadcast %slice3A_593 : vector<1x8xf32> to vector<128x8xf32>
    %add3A_595 = arith.addf %dot_general3A_63, %add3A_594 : vector<128x8xf32>
    %get3A_596 = arith.constant 1152 : index
    %get3A_597 = arith.constant 0 : index
    %get3A_598 = vector.load %arg1[%get3A_596, %get3A_597] : memref<2048x8xf32, #tpu.memory_space<vmem>>, vector<128x8xf32>
    %get3A_599 = arith.constant 1152 : index
    %get3A_600 = arith.constant 0 : index
    %get3A_601 = vector.load %arg2[%get3A_599, %get3A_600] : memref<2048x2xi32, #tpu.memory_space<vmem>>, vector<128x1xi32>
    %get3A_602 = arith.constant 1152 : index
    %get3A_603 = arith.constant 1 : index
    %get3A_604 = vector.load %arg2[%get3A_602, %get3A_603] : memref<2048x2xi32, #tpu.memory_space<vmem>>, vector<128x1xi32>
    %eq3A_605 = vector.broadcast %get3A_601 : vector<128x1xi32> to vector<128x8xi32>
    %eq3A_606 = arith.cmpi eq, %iota3A_111, %eq3A_605 : vector<128x8xi32>
    %jit3A_607 = arith.constant 0.000000e+00 : f32
    %broadcast_in_dim3A_608 = vector.broadcast %jit3A_607 : f32 to vector<128x8xf32>
    %select_n3A_609 = arith.select %eq3A_606, %add3A_595, %broadcast_in_dim3A_608 : vector<128x8xi1>, vector<128x8xf32>
    %reduce_sum3A_610 = arith.constant dense<0.000000e+00> : vector<128xf32>
    %reduce_sum3A_611 = vector.multi_reduction <add>, %select_n3A_609, %reduce_sum3A_610 [1] : vector<128x8xf32> to vector<128xf32>
    %broadcast_in_dim3A_612 = vector.shape_cast %reduce_sum3A_611 : vector<128xf32> to vector<128x1xf32>
    %convert_element_type3A_613 = arith.fptosi %broadcast_in_dim3A_612 : vector<128x1xf32> to vector<128x1xi32>
    %swap3A_614 = arith.constant 1152 : index
    %swap3A_615 = arith.constant 0 : index
    %swap3A_616 = vector.load %arg3[%swap3A_614, %swap3A_615] : memref<4096x1xi32, #tpu.memory_space<vmem>>, vector<128x1xi32>
    tpu.vector_store %arg3[%swap3A_614, %swap3A_615], %convert_element_type3A_613 {strides = array<i32>} : memref<4096x1xi32, #tpu.memory_space<vmem>>, vector<128x1xi32>,
    %jit3A_617 = arith.constant 0.000000e+00 : f32
    %broadcast_in_dim3A_618 = vector.broadcast %jit3A_617 : f32 to vector<128x8xf32>
    %select_n3A_619 = arith.select %eq3A_606, %get3A_598, %broadcast_in_dim3A_618 : vector<128x8xi1>, vector<128x8xf32>
    %reduce_sum3A_620 = arith.constant dense<0.000000e+00> : vector<128xf32>
    %reduce_sum3A_621 = vector.multi_reduction <add>, %select_n3A_619, %reduce_sum3A_620 [1] : vector<128x8xf32> to vector<128xf32>
    %broadcast_in_dim3A_622 = vector.shape_cast %reduce_sum3A_621 : vector<128xf32> to vector<128x1xf32>
    %swap3A_623 = arith.constant 1152 : index
    %swap3A_624 = arith.constant 0 : index
    %swap3A_625 = vector.load %arg4[%swap3A_623, %swap3A_624] : memref<4096x1xf32, #tpu.memory_space<vmem>>, vector<128x1xf32>
    tpu.vector_store %arg4[%swap3A_623, %swap3A_624], %broadcast_in_dim3A_622 {strides = array<i32>} : memref<4096x1xf32, #tpu.memory_space<vmem>>, vector<128x1xf32>,
    %eq3A_626 = vector.broadcast %get3A_604 : vector<128x1xi32> to vector<128x8xi32>
    %eq3A_627 = arith.cmpi eq, %iota3A_111, %eq3A_626 : vector<128x8xi32>
    %jit3A_628 = arith.constant 0.000000e+00 : f32
    %broadcast_in_dim3A_629 = vector.broadcast %jit3A_628 : f32 to vector<128x8xf32>
    %select_n3A_630 = arith.select %eq3A_627, %add3A_595, %broadcast_in_dim3A_629 : vector<128x8xi1>, vector<128x8xf32>
    %reduce_sum3A_631 = arith.constant dense<0.000000e+00> : vector<128xf32>
    %reduce_sum3A_632 = vector.multi_reduction <add>, %select_n3A_630, %reduce_sum3A_631 [1] : vector<128x8xf32> to vector<128xf32>
    %broadcast_in_dim3A_633 = vector.shape_cast %reduce_sum3A_632 : vector<128xf32> to vector<128x1xf32>
    %convert_element_type3A_634 = arith.fptosi %broadcast_in_dim3A_633 : vector<128x1xf32> to vector<128x1xi32>
    %swap3A_635 = arith.constant 3200 : index
    %swap3A_636 = arith.constant 0 : index
    %swap3A_637 = vector.load %arg3[%swap3A_635, %swap3A_636] : memref<4096x1xi32, #tpu.memory_space<vmem>>, vector<128x1xi32>
    tpu.vector_store %arg3[%swap3A_635, %swap3A_636], %convert_element_type3A_634 {strides = array<i32>} : memref<4096x1xi32, #tpu.memory_space<vmem>>, vector<128x1xi32>,
    %jit3A_638 = arith.constant 0.000000e+00 : f32
    %broadcast_in_dim3A_639 = vector.broadcast %jit3A_638 : f32 to vector<128x8xf32>
    %select_n3A_640 = arith.select %eq3A_627, %get3A_598, %broadcast_in_dim3A_639 : vector<128x8xi1>, vector<128x8xf32>
    %reduce_sum3A_641 = arith.constant dense<0.000000e+00> : vector<128xf32>
    %reduce_sum3A_642 = vector.multi_reduction <add>, %select_n3A_640, %reduce_sum3A_641 [1] : vector<128x8xf32> to vector<128xf32>
    %broadcast_in_dim3A_643 = vector.shape_cast %reduce_sum3A_642 : vector<128xf32> to vector<128x1xf32>
    %swap3A_644 = arith.constant 3200 : index
    %swap3A_645 = arith.constant 0 : index
    %swap3A_646 = vector.load %arg4[%swap3A_644, %swap3A_645] : memref<4096x1xf32, #tpu.memory_space<vmem>>, vector<128x1xf32>
    tpu.vector_store %arg4[%swap3A_644, %swap3A_645], %broadcast_in_dim3A_643 {strides = array<i32>} : memref<4096x1xf32, #tpu.memory_space<vmem>>, vector<128x1xf32>,
    %slice3A_647 = vector.extract_strided_slice %sub3A {offsets = [10, 0], sizes = [1, 8], strides = [1, 1]} : vector<16x8xf32> to vector<1x8xf32>
    %add3A_648 = vector.broadcast %slice3A_647 : vector<1x8xf32> to vector<128x8xf32>
    %add3A_649 = arith.addf %dot_general3A_68, %add3A_648 : vector<128x8xf32>
    %get3A_650 = arith.constant 1280 : index
    %get3A_651 = arith.constant 0 : index
    %get3A_652 = vector.load %arg1[%get3A_650, %get3A_651] : memref<2048x8xf32, #tpu.memory_space<vmem>>, vector<128x8xf32>
    %get3A_653 = arith.constant 1280 : index
    %get3A_654 = arith.constant 0 : index
    %get3A_655 = vector.load %arg2[%get3A_653, %get3A_654] : memref<2048x2xi32, #tpu.memory_space<vmem>>, vector<128x1xi32>
    %get3A_656 = arith.constant 1280 : index
    %get3A_657 = arith.constant 1 : index
    %get3A_658 = vector.load %arg2[%get3A_656, %get3A_657] : memref<2048x2xi32, #tpu.memory_space<vmem>>, vector<128x1xi32>
    %eq3A_659 = vector.broadcast %get3A_655 : vector<128x1xi32> to vector<128x8xi32>
    %eq3A_660 = arith.cmpi eq, %iota3A_111, %eq3A_659 : vector<128x8xi32>
    %jit3A_661 = arith.constant 0.000000e+00 : f32
    %broadcast_in_dim3A_662 = vector.broadcast %jit3A_661 : f32 to vector<128x8xf32>
    %select_n3A_663 = arith.select %eq3A_660, %add3A_649, %broadcast_in_dim3A_662 : vector<128x8xi1>, vector<128x8xf32>
    %reduce_sum3A_664 = arith.constant dense<0.000000e+00> : vector<128xf32>
    %reduce_sum3A_665 = vector.multi_reduction <add>, %select_n3A_663, %reduce_sum3A_664 [1] : vector<128x8xf32> to vector<128xf32>
    %broadcast_in_dim3A_666 = vector.shape_cast %reduce_sum3A_665 : vector<128xf32> to vector<128x1xf32>
    %convert_element_type3A_667 = arith.fptosi %broadcast_in_dim3A_666 : vector<128x1xf32> to vector<128x1xi32>
    %swap3A_668 = arith.constant 1280 : index
    %swap3A_669 = arith.constant 0 : index
    %swap3A_670 = vector.load %arg3[%swap3A_668, %swap3A_669] : memref<4096x1xi32, #tpu.memory_space<vmem>>, vector<128x1xi32>
    tpu.vector_store %arg3[%swap3A_668, %swap3A_669], %convert_element_type3A_667 {strides = array<i32>} : memref<4096x1xi32, #tpu.memory_space<vmem>>, vector<128x1xi32>,
    %jit3A_671 = arith.constant 0.000000e+00 : f32
    %broadcast_in_dim3A_672 = vector.broadcast %jit3A_671 : f32 to vector<128x8xf32>
    %select_n3A_673 = arith.select %eq3A_660, %get3A_652, %broadcast_in_dim3A_672 : vector<128x8xi1>, vector<128x8xf32>
    %reduce_sum3A_674 = arith.constant dense<0.000000e+00> : vector<128xf32>
    %reduce_sum3A_675 = vector.multi_reduction <add>, %select_n3A_673, %reduce_sum3A_674 [1] : vector<128x8xf32> to vector<128xf32>
    %broadcast_in_dim3A_676 = vector.shape_cast %reduce_sum3A_675 : vector<128xf32> to vector<128x1xf32>
    %swap3A_677 = arith.constant 1280 : index
    %swap3A_678 = arith.constant 0 : index
    %swap3A_679 = vector.load %arg4[%swap3A_677, %swap3A_678] : memref<4096x1xf32, #tpu.memory_space<vmem>>, vector<128x1xf32>
    tpu.vector_store %arg4[%swap3A_677, %swap3A_678], %broadcast_in_dim3A_676 {strides = array<i32>} : memref<4096x1xf32, #tpu.memory_space<vmem>>, vector<128x1xf32>,
    %eq3A_680 = vector.broadcast %get3A_658 : vector<128x1xi32> to vector<128x8xi32>
    %eq3A_681 = arith.cmpi eq, %iota3A_111, %eq3A_680 : vector<128x8xi32>
    %jit3A_682 = arith.constant 0.000000e+00 : f32
    %broadcast_in_dim3A_683 = vector.broadcast %jit3A_682 : f32 to vector<128x8xf32>
    %select_n3A_684 = arith.select %eq3A_681, %add3A_649, %broadcast_in_dim3A_683 : vector<128x8xi1>, vector<128x8xf32>
    %reduce_sum3A_685 = arith.constant dense<0.000000e+00> : vector<128xf32>
    %reduce_sum3A_686 = vector.multi_reduction <add>, %select_n3A_684, %reduce_sum3A_685 [1] : vector<128x8xf32> to vector<128xf32>
    %broadcast_in_dim3A_687 = vector.shape_cast %reduce_sum3A_686 : vector<128xf32> to vector<128x1xf32>
    %convert_element_type3A_688 = arith.fptosi %broadcast_in_dim3A_687 : vector<128x1xf32> to vector<128x1xi32>
    %swap3A_689 = arith.constant 3328 : index
    %swap3A_690 = arith.constant 0 : index
    %swap3A_691 = vector.load %arg3[%swap3A_689, %swap3A_690] : memref<4096x1xi32, #tpu.memory_space<vmem>>, vector<128x1xi32>
    tpu.vector_store %arg3[%swap3A_689, %swap3A_690], %convert_element_type3A_688 {strides = array<i32>} : memref<4096x1xi32, #tpu.memory_space<vmem>>, vector<128x1xi32>,
    %jit3A_692 = arith.constant 0.000000e+00 : f32
    %broadcast_in_dim3A_693 = vector.broadcast %jit3A_692 : f32 to vector<128x8xf32>
    %select_n3A_694 = arith.select %eq3A_681, %get3A_652, %broadcast_in_dim3A_693 : vector<128x8xi1>, vector<128x8xf32>
    %reduce_sum3A_695 = arith.constant dense<0.000000e+00> : vector<128xf32>
    %reduce_sum3A_696 = vector.multi_reduction <add>, %select_n3A_694, %reduce_sum3A_695 [1] : vector<128x8xf32> to vector<128xf32>
    %broadcast_in_dim3A_697 = vector.shape_cast %reduce_sum3A_696 : vector<128xf32> to vector<128x1xf32>
    %swap3A_698 = arith.constant 3328 : index
    %swap3A_699 = arith.constant 0 : index
    %swap3A_700 = vector.load %arg4[%swap3A_698, %swap3A_699] : memref<4096x1xf32, #tpu.memory_space<vmem>>, vector<128x1xf32>
    tpu.vector_store %arg4[%swap3A_698, %swap3A_699], %broadcast_in_dim3A_697 {strides = array<i32>} : memref<4096x1xf32, #tpu.memory_space<vmem>>, vector<128x1xf32>,
    %slice3A_701 = vector.extract_strided_slice %sub3A {offsets = [11, 0], sizes = [1, 8], strides = [1, 1]} : vector<16x8xf32> to vector<1x8xf32>
    %add3A_702 = vector.broadcast %slice3A_701 : vector<1x8xf32> to vector<128x8xf32>
    %add3A_703 = arith.addf %dot_general3A_73, %add3A_702 : vector<128x8xf32>
    %get3A_704 = arith.constant 1408 : index
    %get3A_705 = arith.constant 0 : index
    %get3A_706 = vector.load %arg1[%get3A_704, %get3A_705] : memref<2048x8xf32, #tpu.memory_space<vmem>>, vector<128x8xf32>
    %get3A_707 = arith.constant 1408 : index
    %get3A_708 = arith.constant 0 : index
    %get3A_709 = vector.load %arg2[%get3A_707, %get3A_708] : memref<2048x2xi32, #tpu.memory_space<vmem>>, vector<128x1xi32>
    %get3A_710 = arith.constant 1408 : index
    %get3A_711 = arith.constant 1 : index
    %get3A_712 = vector.load %arg2[%get3A_710, %get3A_711] : memref<2048x2xi32, #tpu.memory_space<vmem>>, vector<128x1xi32>
    %eq3A_713 = vector.broadcast %get3A_709 : vector<128x1xi32> to vector<128x8xi32>
    %eq3A_714 = arith.cmpi eq, %iota3A_111, %eq3A_713 : vector<128x8xi32>
    %jit3A_715 = arith.constant 0.000000e+00 : f32
    %broadcast_in_dim3A_716 = vector.broadcast %jit3A_715 : f32 to vector<128x8xf32>
    %select_n3A_717 = arith.select %eq3A_714, %add3A_703, %broadcast_in_dim3A_716 : vector<128x8xi1>, vector<128x8xf32>
    %reduce_sum3A_718 = arith.constant dense<0.000000e+00> : vector<128xf32>
    %reduce_sum3A_719 = vector.multi_reduction <add>, %select_n3A_717, %reduce_sum3A_718 [1] : vector<128x8xf32> to vector<128xf32>
    %broadcast_in_dim3A_720 = vector.shape_cast %reduce_sum3A_719 : vector<128xf32> to vector<128x1xf32>
    %convert_element_type3A_721 = arith.fptosi %broadcast_in_dim3A_720 : vector<128x1xf32> to vector<128x1xi32>
    %swap3A_722 = arith.constant 1408 : index
    %swap3A_723 = arith.constant 0 : index
    %swap3A_724 = vector.load %arg3[%swap3A_722, %swap3A_723] : memref<4096x1xi32, #tpu.memory_space<vmem>>, vector<128x1xi32>
    tpu.vector_store %arg3[%swap3A_722, %swap3A_723], %convert_element_type3A_721 {strides = array<i32>} : memref<4096x1xi32, #tpu.memory_space<vmem>>, vector<128x1xi32>,
    %jit3A_725 = arith.constant 0.000000e+00 : f32
    %broadcast_in_dim3A_726 = vector.broadcast %jit3A_725 : f32 to vector<128x8xf32>
    %select_n3A_727 = arith.select %eq3A_714, %get3A_706, %broadcast_in_dim3A_726 : vector<128x8xi1>, vector<128x8xf32>
    %reduce_sum3A_728 = arith.constant dense<0.000000e+00> : vector<128xf32>
    %reduce_sum3A_729 = vector.multi_reduction <add>, %select_n3A_727, %reduce_sum3A_728 [1] : vector<128x8xf32> to vector<128xf32>
    %broadcast_in_dim3A_730 = vector.shape_cast %reduce_sum3A_729 : vector<128xf32> to vector<128x1xf32>
    %swap3A_731 = arith.constant 1408 : index
    %swap3A_732 = arith.constant 0 : index
    %swap3A_733 = vector.load %arg4[%swap3A_731, %swap3A_732] : memref<4096x1xf32, #tpu.memory_space<vmem>>, vector<128x1xf32>
    tpu.vector_store %arg4[%swap3A_731, %swap3A_732], %broadcast_in_dim3A_730 {strides = array<i32>} : memref<4096x1xf32, #tpu.memory_space<vmem>>, vector<128x1xf32>,
    %eq3A_734 = vector.broadcast %get3A_712 : vector<128x1xi32> to vector<128x8xi32>
    %eq3A_735 = arith.cmpi eq, %iota3A_111, %eq3A_734 : vector<128x8xi32>
    %jit3A_736 = arith.constant 0.000000e+00 : f32
    %broadcast_in_dim3A_737 = vector.broadcast %jit3A_736 : f32 to vector<128x8xf32>
    %select_n3A_738 = arith.select %eq3A_735, %add3A_703, %broadcast_in_dim3A_737 : vector<128x8xi1>, vector<128x8xf32>
    %reduce_sum3A_739 = arith.constant dense<0.000000e+00> : vector<128xf32>
    %reduce_sum3A_740 = vector.multi_reduction <add>, %select_n3A_738, %reduce_sum3A_739 [1] : vector<128x8xf32> to vector<128xf32>
    %broadcast_in_dim3A_741 = vector.shape_cast %reduce_sum3A_740 : vector<128xf32> to vector<128x1xf32>
    %convert_element_type3A_742 = arith.fptosi %broadcast_in_dim3A_741 : vector<128x1xf32> to vector<128x1xi32>
    %swap3A_743 = arith.constant 3456 : index
    %swap3A_744 = arith.constant 0 : index
    %swap3A_745 = vector.load %arg3[%swap3A_743, %swap3A_744] : memref<4096x1xi32, #tpu.memory_space<vmem>>, vector<128x1xi32>
    tpu.vector_store %arg3[%swap3A_743, %swap3A_744], %convert_element_type3A_742 {strides = array<i32>} : memref<4096x1xi32, #tpu.memory_space<vmem>>, vector<128x1xi32>,
    %jit3A_746 = arith.constant 0.000000e+00 : f32
    %broadcast_in_dim3A_747 = vector.broadcast %jit3A_746 : f32 to vector<128x8xf32>
    %select_n3A_748 = arith.select %eq3A_735, %get3A_706, %broadcast_in_dim3A_747 : vector<128x8xi1>, vector<128x8xf32>
    %reduce_sum3A_749 = arith.constant dense<0.000000e+00> : vector<128xf32>
    %reduce_sum3A_750 = vector.multi_reduction <add>, %select_n3A_748, %reduce_sum3A_749 [1] : vector<128x8xf32> to vector<128xf32>
    %broadcast_in_dim3A_751 = vector.shape_cast %reduce_sum3A_750 : vector<128xf32> to vector<128x1xf32>
    %swap3A_752 = arith.constant 3456 : index
    %swap3A_753 = arith.constant 0 : index
    %swap3A_754 = vector.load %arg4[%swap3A_752, %swap3A_753] : memref<4096x1xf32, #tpu.memory_space<vmem>>, vector<128x1xf32>
    tpu.vector_store %arg4[%swap3A_752, %swap3A_753], %broadcast_in_dim3A_751 {strides = array<i32>} : memref<4096x1xf32, #tpu.memory_space<vmem>>, vector<128x1xf32>,
    %slice3A_755 = vector.extract_strided_slice %sub3A {offsets = [12, 0], sizes = [1, 8], strides = [1, 1]} : vector<16x8xf32> to vector<1x8xf32>
    %add3A_756 = vector.broadcast %slice3A_755 : vector<1x8xf32> to vector<128x8xf32>
    %add3A_757 = arith.addf %dot_general3A_78, %add3A_756 : vector<128x8xf32>
    %get3A_758 = arith.constant 1536 : index
    %get3A_759 = arith.constant 0 : index
    %get3A_760 = vector.load %arg1[%get3A_758, %get3A_759] : memref<2048x8xf32, #tpu.memory_space<vmem>>, vector<128x8xf32>
    %get3A_761 = arith.constant 1536 : index
    %get3A_762 = arith.constant 0 : index
    %get3A_763 = vector.load %arg2[%get3A_761, %get3A_762] : memref<2048x2xi32, #tpu.memory_space<vmem>>, vector<128x1xi32>
    %get3A_764 = arith.constant 1536 : index
    %get3A_765 = arith.constant 1 : index
    %get3A_766 = vector.load %arg2[%get3A_764, %get3A_765] : memref<2048x2xi32, #tpu.memory_space<vmem>>, vector<128x1xi32>
    %eq3A_767 = vector.broadcast %get3A_763 : vector<128x1xi32> to vector<128x8xi32>
    %eq3A_768 = arith.cmpi eq, %iota3A_111, %eq3A_767 : vector<128x8xi32>
    %jit3A_769 = arith.constant 0.000000e+00 : f32
    %broadcast_in_dim3A_770 = vector.broadcast %jit3A_769 : f32 to vector<128x8xf32>
    %select_n3A_771 = arith.select %eq3A_768, %add3A_757, %broadcast_in_dim3A_770 : vector<128x8xi1>, vector<128x8xf32>
    %reduce_sum3A_772 = arith.constant dense<0.000000e+00> : vector<128xf32>
    %reduce_sum3A_773 = vector.multi_reduction <add>, %select_n3A_771, %reduce_sum3A_772 [1] : vector<128x8xf32> to vector<128xf32>
    %broadcast_in_dim3A_774 = vector.shape_cast %reduce_sum3A_773 : vector<128xf32> to vector<128x1xf32>
    %convert_element_type3A_775 = arith.fptosi %broadcast_in_dim3A_774 : vector<128x1xf32> to vector<128x1xi32>
    %swap3A_776 = arith.constant 1536 : index
    %swap3A_777 = arith.constant 0 : index
    %swap3A_778 = vector.load %arg3[%swap3A_776, %swap3A_777] : memref<4096x1xi32, #tpu.memory_space<vmem>>, vector<128x1xi32>
    tpu.vector_store %arg3[%swap3A_776, %swap3A_777], %convert_element_type3A_775 {strides = array<i32>} : memref<4096x1xi32, #tpu.memory_space<vmem>>, vector<128x1xi32>,
    %jit3A_779 = arith.constant 0.000000e+00 : f32
    %broadcast_in_dim3A_780 = vector.broadcast %jit3A_779 : f32 to vector<128x8xf32>
    %select_n3A_781 = arith.select %eq3A_768, %get3A_760, %broadcast_in_dim3A_780 : vector<128x8xi1>, vector<128x8xf32>
    %reduce_sum3A_782 = arith.constant dense<0.000000e+00> : vector<128xf32>
    %reduce_sum3A_783 = vector.multi_reduction <add>, %select_n3A_781, %reduce_sum3A_782 [1] : vector<128x8xf32> to vector<128xf32>
    %broadcast_in_dim3A_784 = vector.shape_cast %reduce_sum3A_783 : vector<128xf32> to vector<128x1xf32>
    %swap3A_785 = arith.constant 1536 : index
    %swap3A_786 = arith.constant 0 : index
    %swap3A_787 = vector.load %arg4[%swap3A_785, %swap3A_786] : memref<4096x1xf32, #tpu.memory_space<vmem>>, vector<128x1xf32>
    tpu.vector_store %arg4[%swap3A_785, %swap3A_786], %broadcast_in_dim3A_784 {strides = array<i32>} : memref<4096x1xf32, #tpu.memory_space<vmem>>, vector<128x1xf32>,
    %eq3A_788 = vector.broadcast %get3A_766 : vector<128x1xi32> to vector<128x8xi32>
    %eq3A_789 = arith.cmpi eq, %iota3A_111, %eq3A_788 : vector<128x8xi32>
    %jit3A_790 = arith.constant 0.000000e+00 : f32
    %broadcast_in_dim3A_791 = vector.broadcast %jit3A_790 : f32 to vector<128x8xf32>
    %select_n3A_792 = arith.select %eq3A_789, %add3A_757, %broadcast_in_dim3A_791 : vector<128x8xi1>, vector<128x8xf32>
    %reduce_sum3A_793 = arith.constant dense<0.000000e+00> : vector<128xf32>
    %reduce_sum3A_794 = vector.multi_reduction <add>, %select_n3A_792, %reduce_sum3A_793 [1] : vector<128x8xf32> to vector<128xf32>
    %broadcast_in_dim3A_795 = vector.shape_cast %reduce_sum3A_794 : vector<128xf32> to vector<128x1xf32>
    %convert_element_type3A_796 = arith.fptosi %broadcast_in_dim3A_795 : vector<128x1xf32> to vector<128x1xi32>
    %swap3A_797 = arith.constant 3584 : index
    %swap3A_798 = arith.constant 0 : index
    %swap3A_799 = vector.load %arg3[%swap3A_797, %swap3A_798] : memref<4096x1xi32, #tpu.memory_space<vmem>>, vector<128x1xi32>
    tpu.vector_store %arg3[%swap3A_797, %swap3A_798], %convert_element_type3A_796 {strides = array<i32>} : memref<4096x1xi32, #tpu.memory_space<vmem>>, vector<128x1xi32>,
    %jit3A_800 = arith.constant 0.000000e+00 : f32
    %broadcast_in_dim3A_801 = vector.broadcast %jit3A_800 : f32 to vector<128x8xf32>
    %select_n3A_802 = arith.select %eq3A_789, %get3A_760, %broadcast_in_dim3A_801 : vector<128x8xi1>, vector<128x8xf32>
    %reduce_sum3A_803 = arith.constant dense<0.000000e+00> : vector<128xf32>
    %reduce_sum3A_804 = vector.multi_reduction <add>, %select_n3A_802, %reduce_sum3A_803 [1] : vector<128x8xf32> to vector<128xf32>
    %broadcast_in_dim3A_805 = vector.shape_cast %reduce_sum3A_804 : vector<128xf32> to vector<128x1xf32>
    %swap3A_806 = arith.constant 3584 : index
    %swap3A_807 = arith.constant 0 : index
    %swap3A_808 = vector.load %arg4[%swap3A_806, %swap3A_807] : memref<4096x1xf32, #tpu.memory_space<vmem>>, vector<128x1xf32>
    tpu.vector_store %arg4[%swap3A_806, %swap3A_807], %broadcast_in_dim3A_805 {strides = array<i32>} : memref<4096x1xf32, #tpu.memory_space<vmem>>, vector<128x1xf32>,
    %slice3A_809 = vector.extract_strided_slice %sub3A {offsets = [13, 0], sizes = [1, 8], strides = [1, 1]} : vector<16x8xf32> to vector<1x8xf32>
    %add3A_810 = vector.broadcast %slice3A_809 : vector<1x8xf32> to vector<128x8xf32>
    %add3A_811 = arith.addf %dot_general3A_83, %add3A_810 : vector<128x8xf32>
    %get3A_812 = arith.constant 1664 : index
    %get3A_813 = arith.constant 0 : index
    %get3A_814 = vector.load %arg1[%get3A_812, %get3A_813] : memref<2048x8xf32, #tpu.memory_space<vmem>>, vector<128x8xf32>
    %get3A_815 = arith.constant 1664 : index
    %get3A_816 = arith.constant 0 : index
    %get3A_817 = vector.load %arg2[%get3A_815, %get3A_816] : memref<2048x2xi32, #tpu.memory_space<vmem>>, vector<128x1xi32>
    %get3A_818 = arith.constant 1664 : index
    %get3A_819 = arith.constant 1 : index
    %get3A_820 = vector.load %arg2[%get3A_818, %get3A_819] : memref<2048x2xi32, #tpu.memory_space<vmem>>, vector<128x1xi32>
    %eq3A_821 = vector.broadcast %get3A_817 : vector<128x1xi32> to vector<128x8xi32>
    %eq3A_822 = arith.cmpi eq, %iota3A_111, %eq3A_821 : vector<128x8xi32>
    %jit3A_823 = arith.constant 0.000000e+00 : f32
    %broadcast_in_dim3A_824 = vector.broadcast %jit3A_823 : f32 to vector<128x8xf32>
    %select_n3A_825 = arith.select %eq3A_822, %add3A_811, %broadcast_in_dim3A_824 : vector<128x8xi1>, vector<128x8xf32>
    %reduce_sum3A_826 = arith.constant dense<0.000000e+00> : vector<128xf32>
    %reduce_sum3A_827 = vector.multi_reduction <add>, %select_n3A_825, %reduce_sum3A_826 [1] : vector<128x8xf32> to vector<128xf32>
    %broadcast_in_dim3A_828 = vector.shape_cast %reduce_sum3A_827 : vector<128xf32> to vector<128x1xf32>
    %convert_element_type3A_829 = arith.fptosi %broadcast_in_dim3A_828 : vector<128x1xf32> to vector<128x1xi32>
    %swap3A_830 = arith.constant 1664 : index
    %swap3A_831 = arith.constant 0 : index
    %swap3A_832 = vector.load %arg3[%swap3A_830, %swap3A_831] : memref<4096x1xi32, #tpu.memory_space<vmem>>, vector<128x1xi32>
    tpu.vector_store %arg3[%swap3A_830, %swap3A_831], %convert_element_type3A_829 {strides = array<i32>} : memref<4096x1xi32, #tpu.memory_space<vmem>>, vector<128x1xi32>,
    %jit3A_833 = arith.constant 0.000000e+00 : f32
    %broadcast_in_dim3A_834 = vector.broadcast %jit3A_833 : f32 to vector<128x8xf32>
    %select_n3A_835 = arith.select %eq3A_822, %get3A_814, %broadcast_in_dim3A_834 : vector<128x8xi1>, vector<128x8xf32>
    %reduce_sum3A_836 = arith.constant dense<0.000000e+00> : vector<128xf32>
    %reduce_sum3A_837 = vector.multi_reduction <add>, %select_n3A_835, %reduce_sum3A_836 [1] : vector<128x8xf32> to vector<128xf32>
    %broadcast_in_dim3A_838 = vector.shape_cast %reduce_sum3A_837 : vector<128xf32> to vector<128x1xf32>
    %swap3A_839 = arith.constant 1664 : index
    %swap3A_840 = arith.constant 0 : index
    %swap3A_841 = vector.load %arg4[%swap3A_839, %swap3A_840] : memref<4096x1xf32, #tpu.memory_space<vmem>>, vector<128x1xf32>
    tpu.vector_store %arg4[%swap3A_839, %swap3A_840], %broadcast_in_dim3A_838 {strides = array<i32>} : memref<4096x1xf32, #tpu.memory_space<vmem>>, vector<128x1xf32>,
    %eq3A_842 = vector.broadcast %get3A_820 : vector<128x1xi32> to vector<128x8xi32>
    %eq3A_843 = arith.cmpi eq, %iota3A_111, %eq3A_842 : vector<128x8xi32>
    %jit3A_844 = arith.constant 0.000000e+00 : f32
    %broadcast_in_dim3A_845 = vector.broadcast %jit3A_844 : f32 to vector<128x8xf32>
    %select_n3A_846 = arith.select %eq3A_843, %add3A_811, %broadcast_in_dim3A_845 : vector<128x8xi1>, vector<128x8xf32>
    %reduce_sum3A_847 = arith.constant dense<0.000000e+00> : vector<128xf32>
    %reduce_sum3A_848 = vector.multi_reduction <add>, %select_n3A_846, %reduce_sum3A_847 [1] : vector<128x8xf32> to vector<128xf32>
    %broadcast_in_dim3A_849 = vector.shape_cast %reduce_sum3A_848 : vector<128xf32> to vector<128x1xf32>
    %convert_element_type3A_850 = arith.fptosi %broadcast_in_dim3A_849 : vector<128x1xf32> to vector<128x1xi32>
    %swap3A_851 = arith.constant 3712 : index
    %swap3A_852 = arith.constant 0 : index
    %swap3A_853 = vector.load %arg3[%swap3A_851, %swap3A_852] : memref<4096x1xi32, #tpu.memory_space<vmem>>, vector<128x1xi32>
    tpu.vector_store %arg3[%swap3A_851, %swap3A_852], %convert_element_type3A_850 {strides = array<i32>} : memref<4096x1xi32, #tpu.memory_space<vmem>>, vector<128x1xi32>,
    %jit3A_854 = arith.constant 0.000000e+00 : f32
    %broadcast_in_dim3A_855 = vector.broadcast %jit3A_854 : f32 to vector<128x8xf32>
    %select_n3A_856 = arith.select %eq3A_843, %get3A_814, %broadcast_in_dim3A_855 : vector<128x8xi1>, vector<128x8xf32>
    %reduce_sum3A_857 = arith.constant dense<0.000000e+00> : vector<128xf32>
    %reduce_sum3A_858 = vector.multi_reduction <add>, %select_n3A_856, %reduce_sum3A_857 [1] : vector<128x8xf32> to vector<128xf32>
    %broadcast_in_dim3A_859 = vector.shape_cast %reduce_sum3A_858 : vector<128xf32> to vector<128x1xf32>
    %swap3A_860 = arith.constant 3712 : index
    %swap3A_861 = arith.constant 0 : index
    %swap3A_862 = vector.load %arg4[%swap3A_860, %swap3A_861] : memref<4096x1xf32, #tpu.memory_space<vmem>>, vector<128x1xf32>
    tpu.vector_store %arg4[%swap3A_860, %swap3A_861], %broadcast_in_dim3A_859 {strides = array<i32>} : memref<4096x1xf32, #tpu.memory_space<vmem>>, vector<128x1xf32>,
    %slice3A_863 = vector.extract_strided_slice %sub3A {offsets = [14, 0], sizes = [1, 8], strides = [1, 1]} : vector<16x8xf32> to vector<1x8xf32>
    %add3A_864 = vector.broadcast %slice3A_863 : vector<1x8xf32> to vector<128x8xf32>
    %add3A_865 = arith.addf %dot_general3A_88, %add3A_864 : vector<128x8xf32>
    %get3A_866 = arith.constant 1792 : index
    %get3A_867 = arith.constant 0 : index
    %get3A_868 = vector.load %arg1[%get3A_866, %get3A_867] : memref<2048x8xf32, #tpu.memory_space<vmem>>, vector<128x8xf32>
    %get3A_869 = arith.constant 1792 : index
    %get3A_870 = arith.constant 0 : index
    %get3A_871 = vector.load %arg2[%get3A_869, %get3A_870] : memref<2048x2xi32, #tpu.memory_space<vmem>>, vector<128x1xi32>
    %get3A_872 = arith.constant 1792 : index
    %get3A_873 = arith.constant 1 : index
    %get3A_874 = vector.load %arg2[%get3A_872, %get3A_873] : memref<2048x2xi32, #tpu.memory_space<vmem>>, vector<128x1xi32>
    %eq3A_875 = vector.broadcast %get3A_871 : vector<128x1xi32> to vector<128x8xi32>
    %eq3A_876 = arith.cmpi eq, %iota3A_111, %eq3A_875 : vector<128x8xi32>
    %jit3A_877 = arith.constant 0.000000e+00 : f32
    %broadcast_in_dim3A_878 = vector.broadcast %jit3A_877 : f32 to vector<128x8xf32>
    %select_n3A_879 = arith.select %eq3A_876, %add3A_865, %broadcast_in_dim3A_878 : vector<128x8xi1>, vector<128x8xf32>
    %reduce_sum3A_880 = arith.constant dense<0.000000e+00> : vector<128xf32>
    %reduce_sum3A_881 = vector.multi_reduction <add>, %select_n3A_879, %reduce_sum3A_880 [1] : vector<128x8xf32> to vector<128xf32>
    %broadcast_in_dim3A_882 = vector.shape_cast %reduce_sum3A_881 : vector<128xf32> to vector<128x1xf32>
    %convert_element_type3A_883 = arith.fptosi %broadcast_in_dim3A_882 : vector<128x1xf32> to vector<128x1xi32>
    %swap3A_884 = arith.constant 1792 : index
    %swap3A_885 = arith.constant 0 : index
    %swap3A_886 = vector.load %arg3[%swap3A_884, %swap3A_885] : memref<4096x1xi32, #tpu.memory_space<vmem>>, vector<128x1xi32>
    tpu.vector_store %arg3[%swap3A_884, %swap3A_885], %convert_element_type3A_883 {strides = array<i32>} : memref<4096x1xi32, #tpu.memory_space<vmem>>, vector<128x1xi32>,
    %jit3A_887 = arith.constant 0.000000e+00 : f32
    %broadcast_in_dim3A_888 = vector.broadcast %jit3A_887 : f32 to vector<128x8xf32>
    %select_n3A_889 = arith.select %eq3A_876, %get3A_868, %broadcast_in_dim3A_888 : vector<128x8xi1>, vector<128x8xf32>
    %reduce_sum3A_890 = arith.constant dense<0.000000e+00> : vector<128xf32>
    %reduce_sum3A_891 = vector.multi_reduction <add>, %select_n3A_889, %reduce_sum3A_890 [1] : vector<128x8xf32> to vector<128xf32>
    %broadcast_in_dim3A_892 = vector.shape_cast %reduce_sum3A_891 : vector<128xf32> to vector<128x1xf32>
    %swap3A_893 = arith.constant 1792 : index
    %swap3A_894 = arith.constant 0 : index
    %swap3A_895 = vector.load %arg4[%swap3A_893, %swap3A_894] : memref<4096x1xf32, #tpu.memory_space<vmem>>, vector<128x1xf32>
    tpu.vector_store %arg4[%swap3A_893, %swap3A_894], %broadcast_in_dim3A_892 {strides = array<i32>} : memref<4096x1xf32, #tpu.memory_space<vmem>>, vector<128x1xf32>,
    %eq3A_896 = vector.broadcast %get3A_874 : vector<128x1xi32> to vector<128x8xi32>
    %eq3A_897 = arith.cmpi eq, %iota3A_111, %eq3A_896 : vector<128x8xi32>
    %jit3A_898 = arith.constant 0.000000e+00 : f32
    %broadcast_in_dim3A_899 = vector.broadcast %jit3A_898 : f32 to vector<128x8xf32>
    %select_n3A_900 = arith.select %eq3A_897, %add3A_865, %broadcast_in_dim3A_899 : vector<128x8xi1>, vector<128x8xf32>
    %reduce_sum3A_901 = arith.constant dense<0.000000e+00> : vector<128xf32>
    %reduce_sum3A_902 = vector.multi_reduction <add>, %select_n3A_900, %reduce_sum3A_901 [1] : vector<128x8xf32> to vector<128xf32>
    %broadcast_in_dim3A_903 = vector.shape_cast %reduce_sum3A_902 : vector<128xf32> to vector<128x1xf32>
    %convert_element_type3A_904 = arith.fptosi %broadcast_in_dim3A_903 : vector<128x1xf32> to vector<128x1xi32>
    %swap3A_905 = arith.constant 3840 : index
    %swap3A_906 = arith.constant 0 : index
    %swap3A_907 = vector.load %arg3[%swap3A_905, %swap3A_906] : memref<4096x1xi32, #tpu.memory_space<vmem>>, vector<128x1xi32>
    tpu.vector_store %arg3[%swap3A_905, %swap3A_906], %convert_element_type3A_904 {strides = array<i32>} : memref<4096x1xi32, #tpu.memory_space<vmem>>, vector<128x1xi32>,
    %jit3A_908 = arith.constant 0.000000e+00 : f32
    %broadcast_in_dim3A_909 = vector.broadcast %jit3A_908 : f32 to vector<128x8xf32>
    %select_n3A_910 = arith.select %eq3A_897, %get3A_868, %broadcast_in_dim3A_909 : vector<128x8xi1>, vector<128x8xf32>
    %reduce_sum3A_911 = arith.constant dense<0.000000e+00> : vector<128xf32>
    %reduce_sum3A_912 = vector.multi_reduction <add>, %select_n3A_910, %reduce_sum3A_911 [1] : vector<128x8xf32> to vector<128xf32>
    %broadcast_in_dim3A_913 = vector.shape_cast %reduce_sum3A_912 : vector<128xf32> to vector<128x1xf32>
    %swap3A_914 = arith.constant 3840 : index
    %swap3A_915 = arith.constant 0 : index
    %swap3A_916 = vector.load %arg4[%swap3A_914, %swap3A_915] : memref<4096x1xf32, #tpu.memory_space<vmem>>, vector<128x1xf32>
    tpu.vector_store %arg4[%swap3A_914, %swap3A_915], %broadcast_in_dim3A_913 {strides = array<i32>} : memref<4096x1xf32, #tpu.memory_space<vmem>>, vector<128x1xf32>,
    %slice3A_917 = vector.extract_strided_slice %sub3A {offsets = [15, 0], sizes = [1, 8], strides = [1, 1]} : vector<16x8xf32> to vector<1x8xf32>
    %add3A_918 = vector.broadcast %slice3A_917 : vector<1x8xf32> to vector<128x8xf32>
    %add3A_919 = arith.addf %dot_general3A_93, %add3A_918 : vector<128x8xf32>
    %get3A_920 = arith.constant 1920 : index
    %get3A_921 = arith.constant 0 : index
    %get3A_922 = vector.load %arg1[%get3A_920, %get3A_921] : memref<2048x8xf32, #tpu.memory_space<vmem>>, vector<128x8xf32>
    %get3A_923 = arith.constant 1920 : index
    %get3A_924 = arith.constant 0 : index
    %get3A_925 = vector.load %arg2[%get3A_923, %get3A_924] : memref<2048x2xi32, #tpu.memory_space<vmem>>, vector<128x1xi32>
    %get3A_926 = arith.constant 1920 : index
    %get3A_927 = arith.constant 1 : index
    %get3A_928 = vector.load %arg2[%get3A_926, %get3A_927] : memref<2048x2xi32, #tpu.memory_space<vmem>>, vector<128x1xi32>
    %eq3A_929 = vector.broadcast %get3A_925 : vector<128x1xi32> to vector<128x8xi32>
    %eq3A_930 = arith.cmpi eq, %iota3A_111, %eq3A_929 : vector<128x8xi32>
    %jit3A_931 = arith.constant 0.000000e+00 : f32
    %broadcast_in_dim3A_932 = vector.broadcast %jit3A_931 : f32 to vector<128x8xf32>
    %select_n3A_933 = arith.select %eq3A_930, %add3A_919, %broadcast_in_dim3A_932 : vector<128x8xi1>, vector<128x8xf32>
    %reduce_sum3A_934 = arith.constant dense<0.000000e+00> : vector<128xf32>
    %reduce_sum3A_935 = vector.multi_reduction <add>, %select_n3A_933, %reduce_sum3A_934 [1] : vector<128x8xf32> to vector<128xf32>
    %broadcast_in_dim3A_936 = vector.shape_cast %reduce_sum3A_935 : vector<128xf32> to vector<128x1xf32>
    %convert_element_type3A_937 = arith.fptosi %broadcast_in_dim3A_936 : vector<128x1xf32> to vector<128x1xi32>
    %swap3A_938 = arith.constant 1920 : index
    %swap3A_939 = arith.constant 0 : index
    %swap3A_940 = vector.load %arg3[%swap3A_938, %swap3A_939] : memref<4096x1xi32, #tpu.memory_space<vmem>>, vector<128x1xi32>
    tpu.vector_store %arg3[%swap3A_938, %swap3A_939], %convert_element_type3A_937 {strides = array<i32>} : memref<4096x1xi32, #tpu.memory_space<vmem>>, vector<128x1xi32>,
    %jit3A_941 = arith.constant 0.000000e+00 : f32
    %broadcast_in_dim3A_942 = vector.broadcast %jit3A_941 : f32 to vector<128x8xf32>
    %select_n3A_943 = arith.select %eq3A_930, %get3A_922, %broadcast_in_dim3A_942 : vector<128x8xi1>, vector<128x8xf32>
    %reduce_sum3A_944 = arith.constant dense<0.000000e+00> : vector<128xf32>
    %reduce_sum3A_945 = vector.multi_reduction <add>, %select_n3A_943, %reduce_sum3A_944 [1] : vector<128x8xf32> to vector<128xf32>
    %broadcast_in_dim3A_946 = vector.shape_cast %reduce_sum3A_945 : vector<128xf32> to vector<128x1xf32>
    %swap3A_947 = arith.constant 1920 : index
    %swap3A_948 = arith.constant 0 : index
    %swap3A_949 = vector.load %arg4[%swap3A_947, %swap3A_948] : memref<4096x1xf32, #tpu.memory_space<vmem>>, vector<128x1xf32>
    tpu.vector_store %arg4[%swap3A_947, %swap3A_948], %broadcast_in_dim3A_946 {strides = array<i32>} : memref<4096x1xf32, #tpu.memory_space<vmem>>, vector<128x1xf32>,
    %eq3A_950 = vector.broadcast %get3A_928 : vector<128x1xi32> to vector<128x8xi32>
    %eq3A_951 = arith.cmpi eq, %iota3A_111, %eq3A_950 : vector<128x8xi32>
    %jit3A_952 = arith.constant 0.000000e+00 : f32
    %broadcast_in_dim3A_953 = vector.broadcast %jit3A_952 : f32 to vector<128x8xf32>
    %select_n3A_954 = arith.select %eq3A_951, %add3A_919, %broadcast_in_dim3A_953 : vector<128x8xi1>, vector<128x8xf32>
    %reduce_sum3A_955 = arith.constant dense<0.000000e+00> : vector<128xf32>
    %reduce_sum3A_956 = vector.multi_reduction <add>, %select_n3A_954, %reduce_sum3A_955 [1] : vector<128x8xf32> to vector<128xf32>
    %broadcast_in_dim3A_957 = vector.shape_cast %reduce_sum3A_956 : vector<128xf32> to vector<128x1xf32>
    %convert_element_type3A_958 = arith.fptosi %broadcast_in_dim3A_957 : vector<128x1xf32> to vector<128x1xi32>
    %swap3A_959 = arith.constant 3968 : index
    %swap3A_960 = arith.constant 0 : index
    %swap3A_961 = vector.load %arg3[%swap3A_959, %swap3A_960] : memref<4096x1xi32, #tpu.memory_space<vmem>>, vector<128x1xi32>
    tpu.vector_store %arg3[%swap3A_959, %swap3A_960], %convert_element_type3A_958 {strides = array<i32>} : memref<4096x1xi32, #tpu.memory_space<vmem>>, vector<128x1xi32>,
    %jit3A_962 = arith.constant 0.000000e+00 : f32
    %broadcast_in_dim3A_963 = vector.broadcast %jit3A_962 : f32 to vector<128x8xf32>
    %select_n3A_964 = arith.select %eq3A_951, %get3A_922, %broadcast_in_dim3A_963 : vector<128x8xi1>, vector<128x8xf32>
    %reduce_sum3A_965 = arith.constant dense<0.000000e+00> : vector<128xf32>
    %reduce_sum3A_966 = vector.multi_reduction <add>, %select_n3A_964, %reduce_sum3A_965 [1] : vector<128x8xf32> to vector<128xf32>
    %broadcast_in_dim3A_967 = vector.shape_cast %reduce_sum3A_966 : vector<128xf32> to vector<128x1xf32>
    %swap3A_968 = arith.constant 3968 : index
    %swap3A_969 = arith.constant 0 : index
    %swap3A_970 = vector.load %arg4[%swap3A_968, %swap3A_969] : memref<4096x1xf32, #tpu.memory_space<vmem>>, vector<128x1xf32>
    tpu.vector_store %arg4[%swap3A_968, %swap3A_969], %broadcast_in_dim3A_967 {strides = array<i32>} : memref<4096x1xf32, #tpu.memory_space<vmem>>, vector<128x1xf32>,
    %iota3A_971 = tpu.iota {dimensions = array<i32: 0>} : vector<128x8xi32>
    %convert_element_type3A_972 = arith.sitofp %iota3A_971 : vector<128x8xi32> to vector<128x8xf32>
    %mul3A = arith.constant 1.280000e+02 : f32
    %mul3A_973 = vector.broadcast %mul3A : f32 to vector<128x8xf32>
    %mul3A_974 = arith.mulf %convert_element_type3A_972, %mul3A_973 : vector<128x8xf32>
    %iota3A_975 = tpu.iota {dimensions = array<i32: 1>} : vector<128x8xi32>
    %convert_element_type3A_976 = arith.sitofp %iota3A_975 : vector<128x8xi32> to vector<128x8xf32>
    %ge3A = vector.broadcast %dot_general3A_108 : vector<1x8xf32> to vector<128x8xf32>
    %ge3A_977 = arith.cmpf oge, %mul3A_974, %ge3A : vector<128x8xf32>
    %add3A_978 = arith.addf %dot_general3A_108, %convert_element_type3A_106 : vector<1x8xf32>
    %lt3A_979 = vector.broadcast %add3A_978 : vector<1x8xf32> to vector<128x8xf32>
    %lt3A_980 = arith.cmpf olt, %mul3A_974, %lt3A_979 : vector<128x8xf32>
    %and3A = arith.andi %ge3A_977, %lt3A_980 : vector<128x8xi1>
    %jit3A_981 = arith.constant 0.000000e+00 : f32
    %broadcast_in_dim3A_982 = vector.broadcast %jit3A_981 : f32 to vector<128x8xf32>
    %select_n3A_983 = arith.select %and3A, %convert_element_type3A_976, %broadcast_in_dim3A_982 : vector<128x8xi1>, vector<128x8xf32>
    %reduce_sum3A_984 = arith.constant dense<0.000000e+00> : vector<128xf32>
    %reduce_sum3A_985 = vector.multi_reduction <add>, %select_n3A_983, %reduce_sum3A_984 [1] : vector<128x8xf32> to vector<128xf32>
    %broadcast_in_dim3A_986 = vector.shape_cast %reduce_sum3A_985 : vector<128xf32> to vector<128x1xf32>
    %broadcast_in_dim3A_987 = vector.shape_cast %broadcast_in_dim3A_986 : vector<128x1xf32> to vector<128x1xf32>
    %broadcast_in_dim3A_988 = vector.broadcast %broadcast_in_dim3A_987 : vector<128x1xf32> to vector<128x8xf32>
    %convert_element_type3A_989 = arith.fptosi %broadcast_in_dim3A_988 : vector<128x8xf32> to vector<128x8xi32>
    %swap3A_990 = arith.constant 0 : index
    %swap3A_991 = arith.constant 0 : index
    %swap3A_992 = vector.load %arg5[%swap3A_990, %swap3A_991] : memref<128x8xi32, #tpu.memory_space<vmem>>, vector<128x8xi32>
    tpu.vector_store %arg5[%swap3A_990, %swap3A_991], %convert_element_type3A_989 {strides = array<i32>} : memref<128x8xi32, #tpu.memory_space<vmem>>, vector<128x8xi32>,
    return
  }
  func.func @transform_0(%arg0: i32) -> (i32, i32) {
    %c0_i32 = arith.constant 0 : i32
    %c0_i32_0 = arith.constant 0 : i32
    %c0_i32_1 = arith.constant 0 : i32
    return %c0_i32, %c0_i32_0 : i32, i32
  }
  func.func @transform_1(%arg0: i32) -> (i32, i32) {
    %c0_i32 = arith.constant 0 : i32
    %c0_i32_0 = arith.constant 0 : i32
    %c0_i32_1 = arith.constant 0 : i32
    return %c0_i32, %c0_i32_0 : i32, i32
  }
  func.func @transform_2(%arg0: i32) -> (i32, i32) {
    %c0_i32 = arith.constant 0 : i32
    %c0_i32_0 = arith.constant 0 : i32
    %c0_i32_1 = arith.constant 0 : i32
    return %c0_i32, %c0_i32_0 : i32, i32
  }
  func.func @transform_3(%arg0: i32) -> (i32, i32) {
    %c0_i32 = arith.constant 0 : i32
    %c0_i32_0 = arith.constant 0 : i32
    %c0_i32_1 = arith.constant 0 : i32
    return %c0_i32, %c0_i32_0 : i32, i32
  }
  func.func @transform_4(%arg0: i32) -> (i32, i32) {
    %c0_i32 = arith.constant 0 : i32
    %c0_i32_0 = arith.constant 0 : i32
    %c0_i32_1 = arith.constant 0 : i32
    return %c0_i32, %c0_i32_0 : i32, i32
  }
}

module attributes {stable_mosaic.version = 14 : i64} {
  func.func @_gmm_body(%arg0: i32, %arg1: memref<40xi32, #tpu.memory_space<smem>>, %arg2: memref<128x768xf32, #tpu.memory_space<vmem>>, %arg3: memref<1x1536x768xf32, #tpu.memory_space<vmem>>, %arg4: memref<1x1536x768xf32, #tpu.memory_space<vmem>>, %arg5: memref<1x768x1536xf32, #tpu.memory_space<vmem>>, %arg6: memref<128x768xf32, #tpu.memory_space<vmem>>) attributes {dimension_semantics = [#tpu.dimension_semantics<arbitrary>], iteration_bounds = array<i64: 40>, scalar_prefetch = 1 : i64, scratch_operands = 0 : i64, tpu.core_type = #tpu.core_type<tc>, window_params = [{transform_indices = @transform_0, window_bounds = array<i64: 128, 768>}, {transform_indices = @transform_1, window_bounds = array<i64: 1, 1536, 768>}, {transform_indices = @transform_2, window_bounds = array<i64: 1, 1536, 768>}, {transform_indices = @transform_3, window_bounds = array<i64: 1, 768, 1536>}, {transform_indices = @transform_4, window_bounds = array<i64: 128, 768>}]} {
    %get3A = arith.constant 0 : index
    %get3A_0 = arith.constant 0 : index
    %get3A_1 = vector.load %arg2[%get3A, %get3A_0] : memref<128x768xf32, #tpu.memory_space<vmem>>, vector<128x768xf32>
    %convert_element_type3A = arith.truncf %get3A_1 : vector<128x768xf32> to vector<128x768xbf16>
    %get3A_2 = arith.constant 0 : index
    %get3A_3 = arith.constant 0 : index
    %get3A_4 = arith.constant 0 : index
    %get3A_5 = vector.load %arg3[%get3A_2, %get3A_3, %get3A_4] : memref<1x1536x768xf32, #tpu.memory_space<vmem>>, vector<1x1536x768xf32>
    %get3A_6 = vector.shape_cast %get3A_5 : vector<1x1536x768xf32> to vector<1536x768xf32>
    %convert_element_type3A_7 = arith.truncf %get3A_6 : vector<1536x768xf32> to vector<1536x768xbf16>
    %get3A_8 = arith.constant 0 : index
    %get3A_9 = arith.constant 0 : index
    %get3A_10 = arith.constant 0 : index
    %get3A_11 = vector.load %arg4[%get3A_8, %get3A_9, %get3A_10] : memref<1x1536x768xf32, #tpu.memory_space<vmem>>, vector<1x1536x768xf32>
    %get3A_12 = vector.shape_cast %get3A_11 : vector<1x1536x768xf32> to vector<1536x768xf32>
    %convert_element_type3A_13 = arith.truncf %get3A_12 : vector<1536x768xf32> to vector<1536x768xbf16>
    %get3A_14 = arith.constant 0 : index
    %get3A_15 = arith.constant 0 : index
    %get3A_16 = arith.constant 0 : index
    %get3A_17 = vector.load %arg5[%get3A_14, %get3A_15, %get3A_16] : memref<1x768x1536xf32, #tpu.memory_space<vmem>>, vector<1x768x1536xf32>
    %get3A_18 = vector.shape_cast %get3A_17 : vector<1x768x1536xf32> to vector<768x1536xf32>
    %convert_element_type3A_19 = arith.truncf %get3A_18 : vector<768x1536xf32> to vector<768x1536xbf16>
    %dot_general3A = arith.constant dense<0.000000e+00> : vector<128x1536xf32>
    %dot_general3A_20 = tpu.matmul %convert_element_type3A, %convert_element_type3A_7, %dot_general3A {dimension_numbers = #tpu.dot_dimension_numbers<[1], [1], [0], [0], [0, 0, 1, 0], [], []>, transpose_lhs_hint = false} : vector<128x768xbf16>, vector<1536x768xbf16>, vector<128x1536xf32> -> vector<128x1536xf32>
    %dot_general3A_21 = arith.constant dense<0.000000e+00> : vector<128x1536xf32>
    %dot_general3A_22 = tpu.matmul %convert_element_type3A, %convert_element_type3A_13, %dot_general3A_21 {dimension_numbers = #tpu.dot_dimension_numbers<[1], [1], [0], [0], [0, 0, 1, 0], [], []>, transpose_lhs_hint = false} : vector<128x768xbf16>, vector<1536x768xbf16>, vector<128x1536xf32> -> vector<128x1536xf32>
    %logistic3A = arith.negf %dot_general3A_20 : vector<128x1536xf32>
    %logistic3A_23 = math.exp %logistic3A : vector<128x1536xf32>
    %logistic3A_24 = arith.constant 1.000000e+00 : f32
    %logistic3A_25 = vector.broadcast %logistic3A_24 : f32 to vector<128x1536xf32>
    %logistic3A_26 = arith.addf %logistic3A_25, %logistic3A_23 : vector<128x1536xf32>
    %logistic3A_27 = arith.divf %logistic3A_25, %logistic3A_26 : vector<128x1536xf32>
    %mul3A = arith.mulf %dot_general3A_20, %logistic3A_27 : vector<128x1536xf32>
    %mul3A_28 = arith.mulf %mul3A, %dot_general3A_22 : vector<128x1536xf32>
    %convert_element_type3A_29 = arith.truncf %mul3A_28 : vector<128x1536xf32> to vector<128x1536xbf16>
    %dot_general3A_30 = arith.constant dense<0.000000e+00> : vector<128x768xf32>
    %dot_general3A_31 = tpu.matmul %convert_element_type3A_29, %convert_element_type3A_19, %dot_general3A_30 {dimension_numbers = #tpu.dot_dimension_numbers<[1], [1], [0], [0], [0, 0, 1, 0], [], []>, transpose_lhs_hint = false} : vector<128x1536xbf16>, vector<768x1536xbf16>, vector<128x768xf32> -> vector<128x768xf32>
    %swap3A = arith.constant 0 : index
    %swap3A_32 = arith.constant 0 : index
    %swap3A_33 = vector.load %arg6[%swap3A, %swap3A_32] : memref<128x768xf32, #tpu.memory_space<vmem>>, vector<128x768xf32>
    tpu.vector_store %arg6[%swap3A, %swap3A_32], %dot_general3A_31 {strides = array<i32>} : memref<128x768xf32, #tpu.memory_space<vmem>>, vector<128x768xf32>,
    return
  }
  func.func @transform_0(%arg0: i32, %arg1: memref<40xi32, #tpu.memory_space<smem>>) -> (i32, i32) {
    %c0_i32 = arith.constant 0 : i32
    %c0_i32_0 = arith.constant 0 : i32
    return %arg0, %c0_i32 : i32, i32
  }
  func.func @transform_1(%arg0: i32, %arg1: memref<40xi32, #tpu.memory_space<smem>>) -> (i32, i32, i32) {
    %get3A = arith.index_cast %arg0 : i32 to index
    %get3A_0 = memref.load %arg1[%get3A] : memref<40xi32, #tpu.memory_space<smem>>
    %c0_i32 = arith.constant 0 : i32
    %c0_i32_1 = arith.constant 0 : i32
    %c0_i32_2 = arith.constant 0 : i32
    return %get3A_0, %c0_i32, %c0_i32_1 : i32, i32, i32
  }
  func.func @transform_2(%arg0: i32, %arg1: memref<40xi32, #tpu.memory_space<smem>>) -> (i32, i32, i32) {
    %get3A = arith.index_cast %arg0 : i32 to index
    %get3A_0 = memref.load %arg1[%get3A] : memref<40xi32, #tpu.memory_space<smem>>
    %c0_i32 = arith.constant 0 : i32
    %c0_i32_1 = arith.constant 0 : i32
    %c0_i32_2 = arith.constant 0 : i32
    return %get3A_0, %c0_i32, %c0_i32_1 : i32, i32, i32
  }
  func.func @transform_3(%arg0: i32, %arg1: memref<40xi32, #tpu.memory_space<smem>>) -> (i32, i32, i32) {
    %get3A = arith.index_cast %arg0 : i32 to index
    %get3A_0 = memref.load %arg1[%get3A] : memref<40xi32, #tpu.memory_space<smem>>
    %c0_i32 = arith.constant 0 : i32
    %c0_i32_1 = arith.constant 0 : i32
    %c0_i32_2 = arith.constant 0 : i32
    return %get3A_0, %c0_i32, %c0_i32_1 : i32, i32, i32
  }
  func.func @transform_4(%arg0: i32, %arg1: memref<40xi32, #tpu.memory_space<smem>>) -> (i32, i32) {
    %c0_i32 = arith.constant 0 : i32
    %c0_i32_0 = arith.constant 0 : i32
    return %arg0, %c0_i32 : i32, i32
  }
}

module attributes {stable_mosaic.version = 14 : i64} {
  func.func @_combine_body(%arg0: i32, %arg1: memref<5120x768xf32, #tpu.memory_space<vmem>>, %arg2: memref<128x768xf32, #tpu.memory_space<vmem>>, %arg3: memref<128x1xi32, #tpu.memory_space<vmem>>, %arg4: memref<128x1xi32, #tpu.memory_space<vmem>>, %arg5: memref<128x1xf32, #tpu.memory_space<vmem>>, %arg6: memref<128x1xf32, #tpu.memory_space<vmem>>, %arg7: memref<128x768xf32, #tpu.memory_space<vmem>>) attributes {dimension_semantics = [#tpu.dimension_semantics<arbitrary>], iteration_bounds = array<i64: 16>, scalar_prefetch = 0 : i64, scratch_operands = 0 : i64, tpu.core_type = #tpu.core_type<tc>, window_params = [{pipeline_mode = #tpu.pipeline_mode<synchronous>, transform_indices = @transform_0, window_bounds = array<i64: 5120, 768>}, {transform_indices = @transform_1, window_bounds = array<i64: 128, 768>}, {transform_indices = @transform_2, window_bounds = array<i64: 128, 1>}, {transform_indices = @transform_3, window_bounds = array<i64: 128, 1>}, {transform_indices = @transform_4, window_bounds = array<i64: 128, 1>}, {transform_indices = @transform_5, window_bounds = array<i64: 128, 1>}, {transform_indices = @transform_6, window_bounds = array<i64: 128, 768>}]} {
    %iota3A = tpu.iota {dimensions = array<i32: 1>} : vector<128x5120xi32>
    %get3A = arith.constant 0 : index
    %get3A_0 = arith.constant 0 : index
    %get3A_1 = vector.load %arg3[%get3A, %get3A_0] : memref<128x1xi32, #tpu.memory_space<vmem>>, vector<128x1xi32>
    %eq3A = vector.broadcast %get3A_1 : vector<128x1xi32> to vector<128x5120xi32>
    %eq3A_2 = arith.cmpi eq, %iota3A, %eq3A : vector<128x5120xi32>
    %get3A_3 = arith.constant 0 : index
    %get3A_4 = arith.constant 0 : index
    %get3A_5 = vector.load %arg5[%get3A_3, %get3A_4] : memref<128x1xf32, #tpu.memory_space<vmem>>, vector<128x1xf32>
    %jit3A = arith.constant 0.000000e+00 : f32
    %broadcast_in_dim3A = vector.shape_cast %get3A_5 : vector<128x1xf32> to vector<128x1xf32>
    %broadcast_in_dim3A_6 = vector.broadcast %broadcast_in_dim3A : vector<128x1xf32> to vector<128x5120xf32>
    %broadcast_in_dim3A_7 = vector.broadcast %jit3A : f32 to vector<128x5120xf32>
    %select_n3A = arith.select %eq3A_2, %broadcast_in_dim3A_6, %broadcast_in_dim3A_7 : vector<128x5120xi1>, vector<128x5120xf32>
    %get3A_8 = arith.constant 0 : index
    %get3A_9 = arith.constant 0 : index
    %get3A_10 = vector.load %arg4[%get3A_8, %get3A_9] : memref<128x1xi32, #tpu.memory_space<vmem>>, vector<128x1xi32>
    %eq3A_11 = vector.broadcast %get3A_10 : vector<128x1xi32> to vector<128x5120xi32>
    %eq3A_12 = arith.cmpi eq, %iota3A, %eq3A_11 : vector<128x5120xi32>
    %get3A_13 = arith.constant 0 : index
    %get3A_14 = arith.constant 0 : index
    %get3A_15 = vector.load %arg6[%get3A_13, %get3A_14] : memref<128x1xf32, #tpu.memory_space<vmem>>, vector<128x1xf32>
    %jit3A_16 = arith.constant 0.000000e+00 : f32
    %broadcast_in_dim3A_17 = vector.shape_cast %get3A_15 : vector<128x1xf32> to vector<128x1xf32>
    %broadcast_in_dim3A_18 = vector.broadcast %broadcast_in_dim3A_17 : vector<128x1xf32> to vector<128x5120xf32>
    %broadcast_in_dim3A_19 = vector.broadcast %jit3A_16 : f32 to vector<128x5120xf32>
    %select_n3A_20 = arith.select %eq3A_12, %broadcast_in_dim3A_18, %broadcast_in_dim3A_19 : vector<128x5120xi1>, vector<128x5120xf32>
    %add3A = arith.addf %select_n3A, %select_n3A_20 : vector<128x5120xf32>
    %get3A_21 = arith.constant 0 : index
    %get3A_22 = arith.constant 0 : index
    %get3A_23 = vector.load %arg2[%get3A_21, %get3A_22] : memref<128x768xf32, #tpu.memory_space<vmem>>, vector<128x768xf32>
    %get3A_24 = arith.constant 0 : index
    %get3A_25 = arith.constant 0 : index
    %get3A_26 = vector.load %arg1[%get3A_24, %get3A_25] : memref<5120x768xf32, #tpu.memory_space<vmem>>, vector<5120x768xf32>
    %dot_general3A = arith.constant dense<0.000000e+00> : vector<128x768xf32>
    %dot_general3A_27 = tpu.matmul %add3A, %get3A_26, %dot_general3A {dimension_numbers = #tpu.dot_dimension_numbers<[1], [0], [0], [1], [0, 0, 1, 1], [], []>, transpose_lhs_hint = false} : vector<128x5120xf32>, vector<5120x768xf32>, vector<128x768xf32> -> vector<128x768xf32>
    %add3A_28 = arith.addf %get3A_23, %dot_general3A_27 : vector<128x768xf32>
    %swap3A = arith.constant 0 : index
    %swap3A_29 = arith.constant 0 : index
    %swap3A_30 = vector.load %arg7[%swap3A, %swap3A_29] : memref<128x768xf32, #tpu.memory_space<vmem>>, vector<128x768xf32>
    tpu.vector_store %arg7[%swap3A, %swap3A_29], %add3A_28 {strides = array<i32>} : memref<128x768xf32, #tpu.memory_space<vmem>>, vector<128x768xf32>,
    return
  }
  func.func @transform_0(%arg0: i32) -> (i32, i32) {
    %c0_i32 = arith.constant 0 : i32
    %c0_i32_0 = arith.constant 0 : i32
    %c0_i32_1 = arith.constant 0 : i32
    return %c0_i32, %c0_i32_0 : i32, i32
  }
  func.func @transform_1(%arg0: i32) -> (i32, i32) {
    %c0_i32 = arith.constant 0 : i32
    %c0_i32_0 = arith.constant 0 : i32
    return %arg0, %c0_i32 : i32, i32
  }
  func.func @transform_2(%arg0: i32) -> (i32, i32) {
    %c0_i32 = arith.constant 0 : i32
    %c0_i32_0 = arith.constant 0 : i32
    return %arg0, %c0_i32 : i32, i32
  }
  func.func @transform_3(%arg0: i32) -> (i32, i32) {
    %add3A = arith.constant 16 : i32
    %add3A_0 = arith.addi %arg0, %add3A : i32
    %c0_i32 = arith.constant 0 : i32
    %c0_i32_1 = arith.constant 0 : i32
    return %add3A_0, %c0_i32 : i32, i32
  }
  func.func @transform_4(%arg0: i32) -> (i32, i32) {
    %c0_i32 = arith.constant 0 : i32
    %c0_i32_0 = arith.constant 0 : i32
    return %arg0, %c0_i32 : i32, i32
  }
  func.func @transform_5(%arg0: i32) -> (i32, i32) {
    %add3A = arith.constant 16 : i32
    %add3A_0 = arith.addi %arg0, %add3A : i32
    %c0_i32 = arith.constant 0 : i32
    %c0_i32_1 = arith.constant 0 : i32
    return %add3A_0, %c0_i32 : i32, i32
  }
  func.func @transform_6(%arg0: i32) -> (i32, i32) {
    %c0_i32 = arith.constant 0 : i32
    %c0_i32_0 = arith.constant 0 : i32
    return %arg0, %c0_i32 : i32, i32
  }
}

</mosaic_0001>

<sc_bundles>
// kernel: kernel.10.cloned.1.call-start
scs
__scs_entry_jumppad:
0x0: {  	(pc) =	sbr.rel $0x88, $3  }
0x1: {  	(tag) =	ssettag $0x0;
	lr =	simm.s32 $0x1  }
0x2: {  	[smem:$0x3F8F] =	sst lr;
	_ =	strace $0xD0000000  }
0x3: {  	_ = 	snop  }
0x4: {  	_ = 	snop  }
0x5: {  	_ = 	snop  }
0x6: {  	_ = 	snop  }
0x7: {  	_ = 	snop  }
__scs_overlays_trampoline_lowered:
0x8: {  	[smem:$0x3F9E] =	sst s0  }
0x9: {  	[smem:$0x3F9F] =	sst s1  }
0xa: {  	[smem:$0x3FA0] =	sst s2  }
0xb: {  	[smem:$0x3FA1] =	sst s3  }
0xc: {  	[smem:$0x3FA2] =	sst s4  }
0xd: {  	[smem:$0x3FA3] =	sst s5  }
0xe: {  	[smem:$0x3FA4] =	sst s6  }
0xf: {  	[smem:$0x3FA5] =	sst s7  }
0x10: {  	[smem:$0x3FA6] =	sst s8  }
0x11: {  	[smem:$0x3FA7] =	sst s9;
	s0 =	simm.s32 @!p0 $0x0  }
0x12: {  	s1 =	sld [smem:$0x3F8D];
	s0 =	simm.s32 @p0 $0x1  }
0x13: {  	[smem:$0x3FA8] =	sst s0;
	s0 =	simm.s32 @!p1 $0x0  }
0x14: {  	s2 =	sld [smem:$0x3F8C];
	s0 =	simm.s32 @p1 $0x1  }
0x15: {  	[smem:$0x3FA9] =	sst s0;
	s0 =	simm.s32 @!p2 $0x0  }
0x16: {  	s3 =	sld [smem:$0x3FDB];
	s0 =	simm.s32 @p2 $0x1  }
0x17: {  	s4 =	simm.s32 $0x1BF5;
	[smem:$0x3FAB] =	sst s0  }
0x18: {  	s0 =	sld [smem:$0x3F8E];
	_ =	swait.ge [sflag:s4], $0x0  }
0x19: {  	s7 =	sld [smem:$0x3F8F]  }
0x1a: {  	s8 =	sadd.s32 $0xFFFFE003, lr  }
0x1b: {  	s9 =	sadd.s32 $0xFFFFFEF7, lr;
	s5 =	simm.s32 $0xFFFFFFFF;
	p2 =	slt.u32 s8, $0xFFFFF086  }
0x1c: {  	p1 =	slt.u32 s9, $0xF7A;
	s5 =	simm.s32 @!p2 $0x0  }
0x1d: {  	s5 =	simm.s32 @p1 $0x1;
	p0 =	seq.s32 s7, s2  }
0x1e: {  	s7 =	smul.u32 @!p0 $0xF7A, s2;
	p2 =	seq.s32 @!p0 s5, $0x0  }
0x1f: {  	s9 =	smul.u32 $0xF7A, s1;
	s8 =	simm.s32 @!p0 $0x1BF5;
	p2 =	por !p2, p0  }
0x20: {  	[sflag:s8] =	ssyncset.s32 @!p0 $0xFFFFF086;
	s6 =	sadd.s32 @!p0 s3, s7;
	s7 =	simm.s32 @!p0 $0x108  }
0x21: {  	s3 =	sadd.s32 s3, s9;
	s6 =	sadd.s32 @!p0 $0x88, s6;
	s7 =	simm.s32 @p2 $0x1082  }
0x22: {  	[simem:s7], [sflag:s8] =	dma.local @!p0 [hbm:s6], $0xF7A  }
0x23: {  	s9 =	sor.u32 $0xD0000000, s2;
	s6 =	simm.s32 $0x108;
	_ =	swait.ge @!p0 [sflag:s8], $0x0  }
0x24: {  	s3 =	sadd.s32 $0x88, s3;
	s6 =	simm.s32 @!p1 $0x1082;
	[sflag:s4] =	ssyncset.s32 $0xFFFFF086  }
0x25: {  	[simem:s6], [sflag:s4] =	dma.local [hbm:s3], $0xF7A  }
0x26: {  	[smem:$0x3F8F] =	sst s1;
	(tag) =	ssettag s2;
	_ =	strace s9  }
0x27: {  	s1 =	sld [smem:$0x3F9F]  }
0x28: {  	s2 =	sld [smem:$0x3FA0]  }
0x29: {  	s4 =	sld [smem:$0x3FA2]  }
0x2a: {  	p0 =	seq.s32 s5, $0x0;
	s5 =	sld [smem:$0x3FA3]  }
0x2b: {  	s6 =	sld [smem:$0x3FA4]  }
0x2c: {  	s7 =	sld [smem:$0x3FA5]  }
0x2d: {  	s3 =	simm.s32 $0x108;
	s8 =	sld [smem:$0x3FA6]  }
0x2e: {  	s3 =	simm.s32 @!p0 $0x1082;
	s9 =	sld [smem:$0x3FA7]  }
0x2f: {  	lr =	sadd.s32 s0, s3;
	s0 =	sld [smem:$0x3F9E]  }
0x30: {  	s3 =	sld [smem:$0x3FA1]  }
0x31: {  	[smem:$0x3FAA] =	sst s10  }
0x32: {  	s10 =	sld [smem:$0x3FA8];
	_ =	sdelay $0x3  }
0x33: {  	p0 =	seq.s32 s10, $0x1;
	s10 =	sld [smem:$0x3FAA];
	_ =	sdelay $0x3  }
0x34: {  	[smem:$0x3FAA] =	sst s10  }
0x35: {  	s10 =	sld [smem:$0x3FA9];
	_ =	sdelay $0x3  }
0x36: {  	p1 =	seq.s32 s10, $0x1;
	s10 =	sld [smem:$0x3FAA];
	_ =	sdelay $0x3  }
0x37: {  	[smem:$0x3FAA] =	sst s10  }
0x38: {  	s10 =	sld [smem:$0x3FAB]  }
0x39: {  	_ = 	snop;
	(pc) =	sbr.ind lr, $3  }
0x3a: {  	_ = 	snop  }
0x3b: {  	_ = 	snop  }
0x3c: {  	p2 =	seq.s32 s10, $0x1;
	s10 =	sld [smem:$0x3FAA]  }
0x3d: {  	_ =	shalt  }
0x3e: {  	_ =	shalt  }
0x3f: {  	_ =	shalt  }
0x40: {  	_ =	shalt  }
0x41: {  	_ =	shalt  }
0x42: {  	_ =	shalt  }
0x43: {  	_ =	shalt  }
0x44: {  	_ =	shalt  }
0x45: {  	_ =	shalt  }
0x46: {  	_ =	shalt  }
0x47: {  	_ =	shalt  }
0x48: {  	_ =	shalt  }
0x49: {  	_ =	shalt  }
0x4a: {  	_ =	shalt  }
0x4b: {  	_ =	shalt  }
0x4c: {  	_ =	shalt  }
0x4d: {  	_ =	shalt  }
0x4e: {  	_ =	shalt  }
0x4f: {  	_ =	shalt  }
0x50: {  	_ =	shalt  }
0x51: {  	_ =	shalt  }
0x52: {  	_ =	shalt  }
0x53: {  	_ =	shalt  }
0x54: {  	_ =	shalt  }
0x55: {  	_ =	shalt  }
0x56: {  	_ =	shalt  }
0x57: {  	_ =	shalt  }
0x58: {  	_ =	shalt  }
0x59: {  	_ =	shalt  }
0x5a: {  	_ =	shalt  }
0x5b: {  	_ =	shalt  }
0x5c: {  	_ =	shalt  }
0x5d: {  	_ =	shalt  }
0x5e: {  	_ =	shalt  }
0x5f: {  	_ =	shalt  }
0x60: {  	_ =	shalt  }
0x61: {  	_ =	shalt  }
0x62: {  	_ =	shalt  }
0x63: {  	_ =	shalt  }
0x64: {  	_ =	shalt  }
0x65: {  	_ =	shalt  }
0x66: {  	_ =	shalt  }
0x67: {  	_ =	shalt  }
0x68: {  	_ =	shalt  }
0x69: {  	_ =	shalt  }
0x6a: {  	_ =	shalt  }
0x6b: {  	_ =	shalt  }
0x6c: {  	_ =	shalt  }
0x6d: {  	_ =	shalt  }
0x6e: {  	_ =	shalt  }
0x6f: {  	_ =	shalt  }
0x70: {  	_ =	shalt  }
0x71: {  	_ =	shalt  }
0x72: {  	_ =	shalt  }
0x73: {  	_ =	shalt  }
0x74: {  	_ =	shalt  }
0x75: {  	_ =	shalt  }
0x76: {  	_ =	shalt  }
0x77: {  	_ =	shalt  }
0x78: {  	_ =	shalt  }
0x79: {  	_ =	shalt  }
0x7a: {  	_ =	shalt  }
0x7b: {  	_ =	shalt  }
0x7c: {  	_ =	shalt  }
0x7d: {  	_ =	shalt  }
0x7e: {  	_ =	shalt  }
0x7f: {  	_ =	shalt  }
0x80: {  	_ =	shalt  }
0x81: {  	_ =	shalt  }
0x82: {  	_ =	shalt  }
0x83: {  	_ =	shalt  }
0x84: {  	_ =	shalt  }
0x85: {  	_ =	shalt  }
0x86: {  	_ =	shalt  }
0x87: {  	_ =	shalt  }
.Lfunc_end0:
.L_simem_size_0:
called_computation_lowered:
.L_overlay_start_0:
0x88: {  	s2 =	sld [smem:$0x3FD9]  }
0x89: {  	s3 =	sld [smem:$0x3FFE];
	_ =	sdelay $0x1  }
0x8a: {  	s1 =	srdreg.scid  }
0x8b: {  	s0 =	sand.u32 $0x1, s1  }
0x8c: {  	s17 =	sshll.u32 s0, $0xA;
	s2 =	sadd.s32 s3, s2  }
0x8d: {  	s2 =	sadd.s32 s2, s17  }
0x8e: {  	[smem:$0x3FB6] =	sst s2  }
0x8f: {  	_ = 	snop  }
0x90: {  	s2 =	sld [smem:$0x3FD0];
	(tm) =	ssettm $0x1  }
0x91: {  	s18 =	sld [smem:$0x3FFB];
	_ =	sdelay $0x3  }
0x92: {  	_ =	strace s18  }
0x93: {  	s3 =	sld [smem:$0x3FFC];
	_ =	sdelay $0x3  }
0x94: {  	_ =	strace s3  }
0x95: {  	s3 =	sld [smem:$0x3FFD];
	_ =	sdelay $0x3  }
0x96: {  	_ =	strace s3  }
0x97: {  	_ =	strace $0x8FFFFFFF  }
0x98: {  	s19 =	sld [smem:$0x3FDB];
	_ =	sdelay $0x1  }
0x99: {  	s4 =	simm.s32 $_scs_section_size  }
0x9a: {  	s5 =	simm.s32 $_size__tile_overlayer_lowered;
	s6 =	simm.s32 $_tile_overlayer_lowered  }
0x9b: {  	s22 =	simm.s32 $0x1BFF;
	s21 =	sshll.u32 s6, $0x1;
	s3 =	sadd.s32 s4, s19  }
0x9c: {  	s7 =	simm.s32 $0x0;
	s20 =	sshll.u32 s5, $0x1;
	s5 =	sadd.s32 s21, s3  }
0x9d: {  	[timem:s7], [sflag:s22] =	dma.local [hbm:s5], s20  }
0x9e: {  	_ =	swait.ge [sflag:s22], s20  }
0x9f: {  	s4 =	ssub.s32 $0x0, s20;
	[sflag:s22] =	ssyncset.done $0x0  }
0xa0: {  	[sflag:s22] =	ssyncadd.s32 s4;
	_ =	sdelay $0x1  }
0xa1: {  	s23 =	simm.s32 $0x1B8B  }
0xa2: {  	_ =	swait.ge [sflag:s23], $0x1  }
0xa3: {  	[sflag:s23] =	ssyncset.done $0x0  }
0xa4: {  	s25 =	simm.s32 $0x1B8E;
	s24 =	sld [smem:$0x3FFE];
	[sflag:s23] =	ssyncadd.s32 $0xFFFFFFFF  }
0xa5: {  	s26 =	simm.s32 $execute0_lowered;
	[smem:$0x3FD2] =	sst s25  }
0xa6: {  	s5 =	sshll.u32 s26, $0x1;
	_ =	strace $0x80000046;
	[dreg:$0x1] =	wrdreg $0xFFFFFFFF  }
0xa7: {  	s28 =	simm.s32 $_size_execute0_lowered;
	s3 =	sadd.s32 s3, s5;
	[dreg:$0x0] =	wrdreg $0x0  }
0xa8: {  	s5 =	sshll.u32 s28, $0x1;
	[dreg:$0x2] =	wrdreg s3  }
0xa9: {  	[dreg:$0x3] =	wrdreg s5  }
0xaa: {  	[dreg:$0x4] =	wrdreg $0xC0  }
0xab: {  	_ =	task [dreg:s7], $0x5FFFF  }
0xac: {  	[dreg:$0x1] =	wrdreg $0xFFFFFFFF  }
0xad: {  	[dreg:$0x0] =	wrdreg $0x60  }
0xae: {  	[dreg:$0x2] =	wrdreg s24  }
0xaf: {  	[dreg:$0x3] =	wrdreg s2  }
0xb0: {  	[dreg:$0x4] =	wrdreg $0x9  }
0xb1: {  	_ =	task.clear_ibuf [dreg:s7], $0x5FFFF;
	_ =	strace $0x90000046  }
0xb2: {  	s29 =	simm.s32 $0x9;
	_ =	strace $0x80000048  }
0xb3: {  	_ =	swait.ge [sflag:s29], $0x1  }
0xb4: {  	[sflag:s29] =	ssyncadd.s32 $0xFFFFFFFF  }
0xb5: {  	_ =	strace $0x90000048  }
0xb6: {  	_ =	sfence  }
0xb7: {  	s30 =	sld [smem:$0x0];
	_ =	sdelay $0x2  }
0xb8: {  	s31 =	sshll.u32 s1, $0xD;
	s1 =	sshrl.u32 s1, $0x2  }
0xb9: {  	s3 =	sand.u32 $0x4000, s31;
	s1 =	sadd.s32 s1, s30  }
0xba: {  	s0 =	sor.u32 s3, s0;
	s1 =	sshll.u32 s1, $0x11  }
0xbb: {  	s0 =	sor.u32 s1, s0  }
0xbc: {  	s0 =	sadd.s32 $0x8F2B, s0  }
0xbd: {  	[sflag:s0] =	ssyncadd.remote.s32 $0x1  }
0xbe: {  	_ =	sfence.sel $0xFFFF  }
0xbf: {  	[dreg:$0x0] =	wrdreg $0xFFFFFFFF;
	(pc) =	sbr.abs _section_cstart, $3  }
0xc0: {  	[dreg:$0x1] =	wrdreg $0xFFFFFFFF  }
0xc1: {  	_ =	task.clear_ibuf [dreg:s7], $0x2FFFF;
	_ =	strace $0x9FFFFFFF  }
0xc2: {  	(tm) =	ssettm $0x7FFFFFFF  }
0xc3: {  	_ =	shalt  }
tec
execute0_lowered:
.L_overlay_start_1:
0x0: {  	(tag) =	ssettag $0x1  }
0x1: {  	s1 =	srdreg.scid  }
0x2: {  	s0 =	stileid.u32;
	s1 =	sand.u32 $0x1, s1  }
0x3: {  	s5 =	rddreg [dreg:$0x0];
	s2 =	sshll.u32 s0, $0x5;
	s3 =	sshll.u32 s1, $0x4  }
0x4: {  	s4 =	rddreg [dreg:$0x1];
	s3 =	sor.u32 s3, s2;
	s2 =	simm.s32 $0x0  }
0x5: {  	s25 =	simm.s32 $0x880;
	[smem:$0x7FF] =	sst s2  }
0x6: {  	s26 =	simm.s32 $0x1080;
	_ =	strace $0x80000047;
	[dreg:$0x5] =	wrdreg s25  }
0x7: {  	s0 =	simm.s32 $0x1880;
	[dreg:$0x6] =	wrdreg s26  }
0x8: {  	s7 =	simm.s32 $0x3080;
	[dreg:$0x7] =	wrdreg s0  }
0x9: {  	s8 =	simm.s32 $0x3880;
	[dreg:$0xa] =	wrdreg s7  }
0xa: {  	s9 =	simm.s32 $0x4080;
	[dreg:$0xb] =	wrdreg s8  }
0xb: {  	s10 =	simm.s32 $0x4880;
	[dreg:$0xc] =	wrdreg s9  }
0xc: {  	s11 =	simm.s32 $0x5080;
	s12 =	simm.s32 $0x5880;
	[dreg:$0xd] =	wrdreg s10  }
0xd: {  	s13 =	simm.s32 $0x6080;
	s14 =	simm.s32 $0x6880;
	[dreg:$0xe] =	wrdreg s11  }
0xe: {  	s15 =	simm.s32 $0x7080;
	s16 =	simm.s32 $0x7880;
	[dreg:$0xf] =	wrdreg s12  }
0xf: {  	s17 =	simm.s32 $0x8080;
	s18 =	simm.s32 $0x8880;
	[dreg:$0x10] =	wrdreg s13  }
0x10: {  	s19 =	simm.s32 $0x9080;
	s21 =	simm.s32 $0x9880;
	[dreg:$0x11] =	wrdreg s14  }
0x11: {  	s22 =	simm.s32 $0xA080;
	s23 =	simm.s32 $0xA880;
	[dreg:$0x12] =	wrdreg s15  }
0x12: {  	s28 =	simm.s32 $0x16080;
	s29 =	simm.s32 $0x16880;
	[dreg:$0x13] =	wrdreg s16  }
0x13: {  	s30 =	simm.s32 $0x17080;
	s1 =	ssub.s32 $0x2, s1;
	[dreg:$0x14] =	wrdreg s17  }
0x14: {  	s31 =	simm.s32 $0x17880;
	s20 =	sshrl.u32 s1, $0x1;
	[dreg:$0x15] =	wrdreg s18  }
0x15: {  	s6 =	sand.u32 $0xF0, s3;
	s3 =	sadd.s32 s3, s5;
	[dreg:$0x16] =	wrdreg s19  }
0x16: {  	s1 =	ssub.s32 s1, s20;
	s20 =	simm.s32 $0x12880;
	[dreg:$0x17] =	wrdreg s21  }
0x17: {  	s6 =	smul.u32 $0x300, s6;
	s3 =	sadd.s32 $0x2A00, s3;
	[dreg:$0x18] =	wrdreg s22  }
0x18: {  	[dreg:$0x19] =	wrdreg s23;
	s7 =	simm.s32 $0xB080;
	s25 =	simm.s32 $0xC080  }
0x19: {  	s8 =	simm.s32 $0x80;
	s26 =	simm.s32 $0xC880;
	s10 =	simm.s32 $0xD880  }
0x1a: {  	s11 =	simm.s32 $0xE080;
	s12 =	simm.s32 $0xE880;
	s13 =	simm.s32 $0xF080  }
0x1b: {  	s14 =	simm.s32 $0xF880;
	s15 =	simm.s32 $0x10080;
	s16 =	simm.s32 $0x10880  }
0x1c: {  	s17 =	simm.s32 $0x11080;
	s18 =	simm.s32 $0x11880;
	[dreg:$0x3] =	wrdreg s3  }
0x1d: {  	s19 =	simm.s32 $0x12080;
	s21 =	simm.s32 $0x13080;
	[dreg:$0x1a] =	wrdreg s7  }
0x1e: {  	s22 =	simm.s32 $0x13880;
	s23 =	simm.s32 $0x14080;
	[dreg:$0x1c] =	wrdreg s25  }
0x1f: {  	s3 =	sadd.s32 $0x2C00, s5;
	[dreg:$0x1d] =	wrdreg s26;
	s24 =	sadd.s32 s4, s6  }
0x20: {  	s7 =	simm.s32 $0x2;
	s4 =	simm.s32 $0x2080;
	[dreg:$0x4] =	wrdreg s24  }
0x21: {  	s25 =	simm.s32 $0x15080;
	s6 =	simm.s32 $0x2880;
	[dreg:$0x8] =	wrdreg s4  }
0x22: {  	v2 =	vlaneseq.u32;
	s26 =	simm.s32 $0x15880;
	[dreg:$0x9] =	wrdreg s6;
	s4 =	sadd.s32 $0x2D00, s5  }
0x23: {  	vm0 =	vmmov $0xffff;
	v1 =	vshrl.u32 v2, $0x3;
	s5 =	sadd.s32 $0x2E00, s5;
	s6 =	smax.u32 s1, $0x1;
	s24 =	simm.s32 $0xB880  }
0x24: {  	v0 =	vand.u32 $0x7, v2;
	v2 =	vor.u32 $0x8, v2;
	v1 =	vmul.u32 $0x8, v1;
	s1 =	simm.s32 $0x1;
	[dreg:$0x1b] =	wrdreg s24;
	s24 =	simm.s32 $0x14880  }
.LBB2_1:
0x25: {  	s0 =	rddreg [dreg:$0x3]  }
0x26: {  	[tilespmem:s2], [sflag:$0x2] =	stream.linear.gather [hbm4b:s0+s2], $0x80, $0x38;
	[tilespmem:$0x18080] =	vst v63  }
0x27: {  	_ =	swait.ge [sflag:s7], $0x80  }
0x28: {  	[sflag:s7] =	ssyncset.done $0x0  }
0x29: {  	s9 =	rddreg [dreg:$0x4];
	[sflag:s7] =	ssyncadd.s32 $0xFFFFFF80  }
0x2a: {  	[tilespmem:s8], [sflag:$0x2] =	stream.linear.gather [hbm4b:s9+s2], $0x18000, $0x38;
	[tilespmem:$0x18080] =	vst v63  }
0x2b: {  	_ =	swait.ge [sflag:s7], $0x18000  }
0x2c: {  	[sflag:s7] =	ssyncset.done $0x0  }
0x2d: {  	[sflag:s7] =	ssyncadd.s32 $0xFFFE8000  }
0x2e: {  	v3 =	vld [tilespmem:$0x0];
	_ =	sdelay $0x4  }
0x2f: {  	v4 =	vshrl.u32 v3, $0x3  }
0x30: {  	v4 =	vmul.u32 $0x30, v4  }
0x31: {  	v3 =	vand.u32 $0x7, v3  }
0x32: {  	v3 =	vor.u32 v3, v4  }
0x33: {  	v4 =	vperm.xlane v3, v0;
	_ =	sdelay $0x1  }
0x34: {  	v4 =	vadd.s32 v1, v4;
	_ =	sdelay $0x3  }
0x35: {  	v3 =	vperm.xlane v3, v2  }
0x36: {  	[hbm4b:s3+s2] =	stream.indirect_vreg.scatter [tilespmem:s8], [sflag:$0x1], $0x80, v4, vm0, $0xb8;
	[tilespmem:$0x18080] =	vst v63  }
0x37: {  	s0 =	rddreg [dreg:$0x5];
	v3 =	vadd.s32 v1, v3  }
0x38: {  	[hbm4b:s4+s2] =	stream.indirect_vreg.scatter [tilespmem:s0], [sflag:$0x1], $0x80, v4, vm0, $0xb8;
	[tilespmem:$0x18080] =	vst v63  }
0x39: {  	s9 =	rddreg [dreg:$0x6]  }
0x3a: {  	[hbm4b:s5+s2] =	stream.indirect_vreg.scatter [tilespmem:s9], [sflag:$0x1], $0x80, v4, vm0, $0xb8;
	[tilespmem:$0x18080] =	vst v63  }
0x3b: {  	s0 =	rddreg [dreg:$0x7]  }
0x3c: {  	[hbm4b:s3+s2] =	stream.indirect_vreg.scatter [tilespmem:s0], [sflag:$0x1], $0x80, v3, vm0, $0xb8;
	[tilespmem:$0x18080] =	vst v63  }
0x3d: {  	s9 =	rddreg [dreg:$0x8]  }
0x3e: {  	[hbm4b:s4+s2] =	stream.indirect_vreg.scatter [tilespmem:s9], [sflag:$0x1], $0x80, v3, vm0, $0xb8;
	[tilespmem:$0x18080] =	vst v63  }
0x3f: {  	s0 =	rddreg [dreg:$0x9]  }
0x40: {  	[hbm4b:s5+s2] =	stream.indirect_vreg.scatter [tilespmem:s0], [sflag:$0x1], $0x80, v3, vm0, $0xb8;
	[tilespmem:$0x18080] =	vst v63  }
0x41: {  	v3 =	vld [tilespmem:$0x10];
	_ =	sdelay $0x4  }
0x42: {  	v57 =	vshrl.u32 v3, $0x3  }
0x43: {  	v4 =	vmul.u32 $0x30, v57  }
0x44: {  	v3 =	vand.u32 $0x7, v3  }
0x45: {  	v3 =	vor.u32 v3, v4  }
0x46: {  	v4 =	vperm.xlane v3, v0;
	_ =	sdelay $0x1  }
0x47: {  	v4 =	vadd.s32 v1, v4;
	_ =	sdelay $0x3  }
0x48: {  	s0 =	rddreg [dreg:$0xa];
	v3 =	vperm.xlane v3, v2  }
0x49: {  	[hbm4b:s3+s2] =	stream.indirect_vreg.scatter [tilespmem:s0], [sflag:$0x1], $0x80, v4, vm0, $0xb8;
	[tilespmem:$0x18080] =	vst v63  }
0x4a: {  	s9 =	rddreg [dreg:$0xb];
	v3 =	vadd.s32 v1, v3  }
0x4b: {  	[hbm4b:s4+s2] =	stream.indirect_vreg.scatter [tilespmem:s9], [sflag:$0x1], $0x80, v4, vm0, $0xb8;
	[tilespmem:$0x18080] =	vst v63  }
0x4c: {  	s0 =	rddreg [dreg:$0xc]  }
0x4d: {  	[hbm4b:s5+s2] =	stream.indirect_vreg.scatter [tilespmem:s0], [sflag:$0x1], $0x80, v4, vm0, $0xb8;
	[tilespmem:$0x18080] =	vst v63  }
0x4e: {  	s9 =	rddreg [dreg:$0xd]  }
0x4f: {  	[hbm4b:s3+s2] =	stream.indirect_vreg.scatter [tilespmem:s9], [sflag:$0x1], $0x80, v3, vm0, $0xb8;
	[tilespmem:$0x18080] =	vst v63  }
0x50: {  	s0 =	rddreg [dreg:$0xe]  }
0x51: {  	[hbm4b:s4+s2] =	stream.indirect_vreg.scatter [tilespmem:s0], [sflag:$0x1], $0x80, v3, vm0, $0xb8;
	[tilespmem:$0x18080] =	vst v63  }
0x52: {  	s9 =	rddreg [dreg:$0xf]  }
0x53: {  	[hbm4b:s5+s2] =	stream.indirect_vreg.scatter [tilespmem:s9], [sflag:$0x1], $0x80, v3, vm0, $0xb8;
	[tilespmem:$0x18080] =	vst v63  }
0x54: {  	v3 =	vld [tilespmem:$0x20];
	_ =	sdelay $0x4  }
0x55: {  	v58 =	vshrl.u32 v3, $0x3  }
0x56: {  	v4 =	vmul.u32 $0x30, v58  }
0x57: {  	v3 =	vand.u32 $0x7, v3  }
0x58: {  	v3 =	vor.u32 v3, v4  }
0x59: {  	v4 =	vperm.xlane v3, v0;
	_ =	sdelay $0x1  }
0x5a: {  	v4 =	vadd.s32 v1, v4;
	_ =	sdelay $0x3  }
0x5b: {  	s0 =	rddreg [dreg:$0x10];
	v3 =	vperm.xlane v3, v2  }
0x5c: {  	[hbm4b:s3+s2] =	stream.indirect_vreg.scatter [tilespmem:s0], [sflag:$0x1], $0x80, v4, vm0, $0xb8;
	[tilespmem:$0x18080] =	vst v63  }
0x5d: {  	s9 =	rddreg [dreg:$0x11];
	v3 =	vadd.s32 v1, v3  }
0x5e: {  	[hbm4b:s4+s2] =	stream.indirect_vreg.scatter [tilespmem:s9], [sflag:$0x1], $0x80, v4, vm0, $0xb8;
	[tilespmem:$0x18080] =	vst v63  }
0x5f: {  	s0 =	rddreg [dreg:$0x12]  }
0x60: {  	[hbm4b:s5+s2] =	stream.indirect_vreg.scatter [tilespmem:s0], [sflag:$0x1], $0x80, v4, vm0, $0xb8;
	[tilespmem:$0x18080] =	vst v63  }
0x61: {  	s9 =	rddreg [dreg:$0x13]  }
0x62: {  	[hbm4b:s3+s2] =	stream.indirect_vreg.scatter [tilespmem:s9], [sflag:$0x1], $0x80, v3, vm0, $0xb8;
	[tilespmem:$0x18080] =	vst v63  }
0x63: {  	s0 =	rddreg [dreg:$0x14]  }
0x64: {  	[hbm4b:s4+s2] =	stream.indirect_vreg.scatter [tilespmem:s0], [sflag:$0x1], $0x80, v3, vm0, $0xb8;
	[tilespmem:$0x18080] =	vst v63  }
0x65: {  	s9 =	rddreg [dreg:$0x15]  }
0x66: {  	[hbm4b:s5+s2] =	stream.indirect_vreg.scatter [tilespmem:s9], [sflag:$0x1], $0x80, v3, vm0, $0xb8;
	[tilespmem:$0x18080] =	vst v63  }
0x67: {  	v3 =	vld [tilespmem:$0x30];
	_ =	sdelay $0x4  }
0x68: {  	v59 =	vshrl.u32 v3, $0x3  }
0x69: {  	v4 =	vmul.u32 $0x30, v59  }
0x6a: {  	v3 =	vand.u32 $0x7, v3  }
0x6b: {  	v3 =	vor.u32 v3, v4  }
0x6c: {  	v4 =	vperm.xlane v3, v0;
	_ =	sdelay $0x1  }
0x6d: {  	v4 =	vadd.s32 v1, v4;
	_ =	sdelay $0x3  }
0x6e: {  	s0 =	rddreg [dreg:$0x16];
	v3 =	vperm.xlane v3, v2  }
0x6f: {  	[hbm4b:s3+s2] =	stream.indirect_vreg.scatter [tilespmem:s0], [sflag:$0x1], $0x80, v4, vm0, $0xb8;
	[tilespmem:$0x18080] =	vst v63  }
0x70: {  	s9 =	rddreg [dreg:$0x17];
	v3 =	vadd.s32 v1, v3  }
0x71: {  	[hbm4b:s4+s2] =	stream.indirect_vreg.scatter [tilespmem:s9], [sflag:$0x1], $0x80, v4, vm0, $0xb8;
	[tilespmem:$0x18080] =	vst v63  }
0x72: {  	s0 =	rddreg [dreg:$0x18]  }
0x73: {  	[hbm4b:s5+s2] =	stream.indirect_vreg.scatter [tilespmem:s0], [sflag:$0x1], $0x80, v4, vm0, $0xb8;
	[tilespmem:$0x18080] =	vst v63  }
0x74: {  	s9 =	rddreg [dreg:$0x19]  }
0x75: {  	[hbm4b:s3+s2] =	stream.indirect_vreg.scatter [tilespmem:s9], [sflag:$0x1], $0x80, v3, vm0, $0xb8;
	[tilespmem:$0x18080] =	vst v63  }
0x76: {  	s0 =	rddreg [dreg:$0x1a]  }
0x77: {  	[hbm4b:s4+s2] =	stream.indirect_vreg.scatter [tilespmem:s0], [sflag:$0x1], $0x80, v3, vm0, $0xb8;
	[tilespmem:$0x18080] =	vst v63  }
0x78: {  	s9 =	rddreg [dreg:$0x1b]  }
0x79: {  	[hbm4b:s5+s2] =	stream.indirect_vreg.scatter [tilespmem:s9], [sflag:$0x1], $0x80, v3, vm0, $0xb8;
	[tilespmem:$0x18080] =	vst v63  }
0x7a: {  	v3 =	vld [tilespmem:$0x40];
	_ =	sdelay $0x4  }
0x7b: {  	v60 =	vshrl.u32 v3, $0x3  }
0x7c: {  	v4 =	vmul.u32 $0x30, v60  }
0x7d: {  	v3 =	vand.u32 $0x7, v3  }
0x7e: {  	v3 =	vor.u32 v3, v4  }
0x7f: {  	v4 =	vperm.xlane v3, v0;
	_ =	sdelay $0x1  }
0x80: {  	v4 =	vadd.s32 v1, v4;
	_ =	sdelay $0x3  }
0x81: {  	s0 =	rddreg [dreg:$0x1c];
	v3 =	vperm.xlane v3, v2  }
0x82: {  	[hbm4b:s3+s2] =	stream.indirect_vreg.scatter [tilespmem:s0], [sflag:$0x1], $0x80, v4, vm0, $0xb8;
	[tilespmem:$0x18080] =	vst v63  }
0x83: {  	s9 =	rddreg [dreg:$0x1d];
	v3 =	vadd.s32 v1, v3  }
0x84: {  	[hbm4b:s4+s2] =	stream.indirect_vreg.scatter [tilespmem:s9], [sflag:$0x1], $0x80, v4, vm0, $0xb8;
	[tilespmem:$0x18080] =	vst v63  }
0x85: {  	s9 =	simm.s32 $0xD080  }
0x86: {  	[hbm4b:s5+s2] =	stream.indirect_vreg.scatter [tilespmem:s9], [sflag:$0x1], $0x80, v4, vm0, $0xb8;
	[tilespmem:$0x18080] =	vst v63  }
0x87: {  	_ = 	snop  }
0x88: {  	[hbm4b:s3+s2] =	stream.indirect_vreg.scatter [tilespmem:s10], [sflag:$0x1], $0x80, v3, vm0, $0xb8;
	[tilespmem:$0x18080] =	vst v63  }
0x89: {  	_ = 	snop  }
0x8a: {  	[hbm4b:s4+s2] =	stream.indirect_vreg.scatter [tilespmem:s11], [sflag:$0x1], $0x80, v3, vm0, $0xb8;
	[tilespmem:$0x18080] =	vst v63  }
0x8b: {  	_ = 	snop  }
0x8c: {  	[hbm4b:s5+s2] =	stream.indirect_vreg.scatter [tilespmem:s12], [sflag:$0x1], $0x80, v3, vm0, $0xb8;
	[tilespmem:$0x18080] =	vst v63  }
0x8d: {  	v3 =	vld [tilespmem:$0x50];
	_ =	sdelay $0x4  }
0x8e: {  	v61 =	vshrl.u32 v3, $0x3  }
0x8f: {  	v4 =	vmul.u32 $0x30, v61  }
0x90: {  	v3 =	vand.u32 $0x7, v3  }
0x91: {  	v3 =	vor.u32 v3, v4  }
0x92: {  	v4 =	vperm.xlane v3, v0;
	_ =	sdelay $0x1  }
0x93: {  	v4 =	vadd.s32 v1, v4;
	_ =	sdelay $0x3  }
0x94: {  	v3 =	vperm.xlane v3, v2  }
0x95: {  	[hbm4b:s3+s2] =	stream.indirect_vreg.scatter [tilespmem:s13], [sflag:$0x1], $0x80, v4, vm0, $0xb8;
	[tilespmem:$0x18080] =	vst v63  }
0x96: {  	v3 =	vadd.s32 v1, v3  }
0x97: {  	[hbm4b:s4+s2] =	stream.indirect_vreg.scatter [tilespmem:s14], [sflag:$0x1], $0x80, v4, vm0, $0xb8;
	[tilespmem:$0x18080] =	vst v63  }
0x98: {  	_ = 	snop  }
0x99: {  	[hbm4b:s5+s2] =	stream.indirect_vreg.scatter [tilespmem:s15], [sflag:$0x1], $0x80, v4, vm0, $0xb8;
	[tilespmem:$0x18080] =	vst v63  }
0x9a: {  	_ = 	snop  }
0x9b: {  	[hbm4b:s3+s2] =	stream.indirect_vreg.scatter [tilespmem:s16], [sflag:$0x1], $0x80, v3, vm0, $0xb8;
	[tilespmem:$0x18080] =	vst v63  }
0x9c: {  	_ = 	snop  }
0x9d: {  	[hbm4b:s4+s2] =	stream.indirect_vreg.scatter [tilespmem:s17], [sflag:$0x1], $0x80, v3, vm0, $0xb8;
	[tilespmem:$0x18080] =	vst v63  }
0x9e: {  	_ = 	snop  }
0x9f: {  	[hbm4b:s5+s2] =	stream.indirect_vreg.scatter [tilespmem:s18], [sflag:$0x1], $0x80, v3, vm0, $0xb8;
	[tilespmem:$0x18080] =	vst v63  }
0xa0: {  	v3 =	vld [tilespmem:$0x60];
	_ =	sdelay $0x4  }
0xa1: {  	v62 =	vshrl.u32 v3, $0x3  }
0xa2: {  	v4 =	vmul.u32 $0x30, v62  }
0xa3: {  	v3 =	vand.u32 $0x7, v3  }
0xa4: {  	v3 =	vor.u32 v3, v4  }
0xa5: {  	v4 =	vperm.xlane v3, v0;
	_ =	sdelay $0x1  }
0xa6: {  	v4 =	vadd.s32 v1, v4;
	_ =	sdelay $0x3  }
0xa7: {  	v3 =	vperm.xlane v3, v2  }
0xa8: {  	[hbm4b:s3+s2] =	stream.indirect_vreg.scatter [tilespmem:s19], [sflag:$0x1], $0x80, v4, vm0, $0xb8;
	[tilespmem:$0x18080] =	vst v63  }
0xa9: {  	v3 =	vadd.s32 v1, v3  }
0xaa: {  	[hbm4b:s4+s2] =	stream.indirect_vreg.scatter [tilespmem:s20], [sflag:$0x1], $0x80, v4, vm0, $0xb8;
	[tilespmem:$0x18080] =	vst v63  }
0xab: {  	_ = 	snop  }
0xac: {  	[hbm4b:s5+s2] =	stream.indirect_vreg.scatter [tilespmem:s21], [sflag:$0x1], $0x80, v4, vm0, $0xb8;
	[tilespmem:$0x18080] =	vst v63  }
0xad: {  	_ = 	snop  }
0xae: {  	[hbm4b:s3+s2] =	stream.indirect_vreg.scatter [tilespmem:s22], [sflag:$0x1], $0x80, v3, vm0, $0xb8;
	[tilespmem:$0x18080] =	vst v63  }
0xaf: {  	_ = 	snop  }
0xb0: {  	[hbm4b:s4+s2] =	stream.indirect_vreg.scatter [tilespmem:s23], [sflag:$0x1], $0x80, v3, vm0, $0xb8;
	[tilespmem:$0x18080] =	vst v63  }
0xb1: {  	_ = 	snop  }
0xb2: {  	[hbm4b:s5+s2] =	stream.indirect_vreg.scatter [tilespmem:s24], [sflag:$0x1], $0x80, v3, vm0, $0xb8;
	[tilespmem:$0x18080] =	vst v63  }
0xb3: {  	v3 =	vld [tilespmem:$0x70];
	_ =	sdelay $0x4  }
0xb4: {  	v63 =	vshrl.u32 v3, $0x3  }
0xb5: {  	v4 =	vmul.u32 $0x30, v63  }
0xb6: {  	v3 =	vand.u32 $0x7, v3  }
0xb7: {  	v3 =	vor.u32 v3, v4  }
0xb8: {  	v4 =	vperm.xlane v3, v0;
	_ =	sdelay $0x1  }
0xb9: {  	v4 =	vadd.s32 v1, v4;
	_ =	sdelay $0x3  }
0xba: {  	v3 =	vperm.xlane v3, v2  }
0xbb: {  	[hbm4b:s3+s2] =	stream.indirect_vreg.scatter [tilespmem:s25], [sflag:$0x1], $0x80, v4, vm0, $0xb8;
	[tilespmem:$0x18080] =	vst v63  }
0xbc: {  	v3 =	vadd.s32 v1, v3  }
0xbd: {  	[hbm4b:s4+s2] =	stream.indirect_vreg.scatter [tilespmem:s26], [sflag:$0x1], $0x80, v4, vm0, $0xb8;
	[tilespmem:$0x18080] =	vst v63  }
0xbe: {  	_ = 	snop  }
0xbf: {  	[hbm4b:s5+s2] =	stream.indirect_vreg.scatter [tilespmem:s28], [sflag:$0x1], $0x80, v4, vm0, $0xb8;
	[tilespmem:$0x18080] =	vst v63  }
0xc0: {  	_ = 	snop  }
0xc1: {  	[hbm4b:s3+s2] =	stream.indirect_vreg.scatter [tilespmem:s29], [sflag:$0x1], $0x80, v3, vm0, $0xb8;
	[tilespmem:$0x18080] =	vst v63  }
0xc2: {  	p0 =	sne.s32 s6, $0x1  }
0xc3: {  	[hbm4b:s4+s2] =	stream.indirect_vreg.scatter [tilespmem:s30], [sflag:$0x1], $0x80, v3, vm0, $0xb8;
	[tilespmem:$0x18080] =	vst v63  }
.Ltmp0:
0xc4: {  	_ = 	snop;
	(pc) =	sbr.rel @p0 .LBB2_1-.Ltmp0, $4  }
0xc5: {  	[hbm4b:s5+s2] =	stream.indirect_vreg.scatter [tilespmem:s31], [sflag:$0x1], $0x80, v3, vm0, $0xb8;
	[tilespmem:$0x18080] =	vst v63  }
0xc6: {  	_ =	swait.ge [sflag:s1], $0x18000  }
0xc7: {  	[sflag:s1] =	ssyncset.done $0x0  }
0xc8: {  	s6 =	sadd.s32 $0xFFFFFFFF, s6;
	[sflag:s1] =	ssyncadd.s32 $0xFFFE8000  }
0xc9: {  	_ =	sfence.sel $0x180000  }
0xca: {  	[bflag:$0x0] =	sbarrier.arrive $0xFFFF  }
0xcb: {  	_ =	strace $0x90000047  }
0xcc: {  	s0 =	stileid.u32;
	[bflag:$0x2] =	sbarrier.arrive $0xFFFF  }
0xcd: {  	p0 =	sne.s32 s0, $0x0;
	s0 =	rddreg [dreg:$0x2]  }
0xce: {  	s0 =	sadd.s32 @!p0 $0x100000, s0  }
0xcf: {  	[sflag:s0] =	ssyncadd.tile.s32 @!p0 $0x1;
	_ =	shalt  }
.Lfunc_end2:
_tile_overlayer_lowered:
.L_overlay_start_2:
0xd0: {  	(tag) =	ssettag $0x2  }
0xd1: {  	s0 =	rddreg [dreg:$0x0];
	s2 =	stileid.u32  }
0xd2: {  	s1 =	rddreg [dreg:$0x1];
	p0 =	sne.s32 s2, $0x0  }
0xd3: {  	s3 =	rddreg [dreg:$0x2];
	[bflag:$0x3] =	sbarrier.arrive $0xFFFF;
	s2 =	simm.s32 @!p0 $0x1C02  }
0xd4: {  	[timem:s3], [sflag:s2] =	dma.local @!p0 [hbm:s0], s1  }
0xd5: {  	s0 =	simm.s32 @!p0 $0x2  }
0xd6: {  	_ =	swait.ge @!p0 [sflag:s0], s1  }
0xd7: {  	s1 =	ssub.s32 @!p0 $0x0, s1;
	[sflag:s0] =	ssyncset.done @!p0 $0x0  }
0xd8: {  	[sflag:s0] =	ssyncadd.s32 @!p0 s1  }
0xd9: {  	[bflag:$0x3] =	sbarrier.arrive $0xFFFF  }
0xda: {  	_ =	shalt  }

</sc_bundles>
